<compile_context>
chip_gen: v7x
topology: tpu7x:2x2x1
jax: 0.10.2.dev20260603
libtpu: 0.0.44.dev20260713+nightly
codegen_flags: <defaults>
</compile_context>

<pallas_src>
import functools

import jax
import jax.numpy as jnp
from jax import lax
from jax.experimental import pallas as pl
from jax.experimental.pallas import tpu as pltpu
from jax.experimental.pallas import tpu_sc as plsc

LC, L1, L2, D, B, V = 1024, 512, 512, 128, 256, 21
LTOT = LC + L1 + L2
QL = LTOT // 4
GS = 32
VP = 24


def _tc_logit_body(cx_ref, b1_ref, b2_ref, w_t_ref, out_ref):
    x_all = jnp.concatenate([cx_ref[...], b1_ref[...], b2_ref[...]], axis=0)
    logits_t = lax.dot_general(w_t_ref[...], x_all, (((1,), (1,)), ((), ())),
                               preferred_element_type=jnp.float32)
    col = lax.broadcasted_iota(jnp.int32, (1, LTOT), 1)
    sign = jnp.where(col < LC, -1.0, 1.0)
    t = logits_t * sign
    t = jnp.concatenate([t, jnp.zeros((VP - V, LTOT), jnp.float32)], axis=0)
    out_ref[...] = t.reshape(VP * LTOT // 128, 128)


@functools.cache
def _make_sc_gather():
    mesh = plsc.VectorSubcoreMesh(core_axis_name="c", subcore_axis_name="s")

    @functools.partial(
        pl.kernel,
        mesh=mesh,
        out_type=jax.ShapeDtypeStruct((4, B), jnp.float32),
        compiler_params=pltpu.CompilerParams(needs_layout_passes=False),
        scratch_types=[
            pltpu.VMEM((GS * QL,), jnp.int32),
            pltpu.VMEM((V * QL,), jnp.float32),
            pltpu.VMEM((QL,), jnp.int32),
            pltpu.VMEM((GS,), jnp.float32),
            pltpu.SemaphoreType.DMA,
        ],
    )
    def sc_gather(cm_hbm, b1m_hbm, b2m_hbm, cwt_hbm, b1wt_hbm, b2wt_hbm,
                  lp_hbm, out_hbm, seq_v, lp_v, wt_v, out_v, sem):
        wid = lax.axis_index("s") * 2 + lax.axis_index("c")
        q = wid // 8
        g = wid % 8
        row0 = g * GS

        @pl.when(q == 0)
        def _():
            for k in range(GS):
                pltpu.make_async_copy(
                    cm_hbm.at[row0 + k, pl.ds(0, QL)],
                    seq_v.at[pl.ds(k * QL, QL)], sem).start()
            pltpu.make_async_copy(cwt_hbm.at[pl.ds(0, QL)], wt_v, sem).start()

        @pl.when(q == 1)
        def _():
            for k in range(GS):
                pltpu.make_async_copy(
                    cm_hbm.at[row0 + k, pl.ds(QL, QL)],
                    seq_v.at[pl.ds(k * QL, QL)], sem).start()
            pltpu.make_async_copy(cwt_hbm.at[pl.ds(QL, QL)], wt_v, sem).start()

        @pl.when(q == 2)
        def _():
            for k in range(GS):
                pltpu.make_async_copy(
                    b1m_hbm.at[row0 + k, :],
                    seq_v.at[pl.ds(k * QL, QL)], sem).start()
            pltpu.make_async_copy(b1wt_hbm.at[pl.ds(0, QL)], wt_v, sem).start()

        @pl.when(q == 3)
        def _():
            for k in range(GS):
                pltpu.make_async_copy(
                    b2m_hbm.at[row0 + k, :],
                    seq_v.at[pl.ds(k * QL, QL)], sem).start()
            pltpu.make_async_copy(b2wt_hbm.at[pl.ds(0, QL)], wt_v, sem).start()

        with jax.named_scope("table_dma"):
            for v in range(V):
                pltpu.make_async_copy(
                    lp_hbm.at[pl.ds(v * LTOT + q * QL, QL)],
                    lp_v.at[pl.ds(v * QL, QL)], sem).start()
            for _ in range(GS + 1 + V):
                pltpu.make_async_copy(
                    cm_hbm.at[row0, pl.ds(0, QL)],
                    seq_v.at[pl.ds(0, QL)], sem).wait()

        lane = lax.broadcasted_iota(jnp.int32, (16,), 0)
        row_a = lane * QL
        row_b = row_a + 16 * QL

        def body(l, accs):
            acc_a, acc_b = accs
            pa = (lane + l) & (QL - 1)
            sva = plsc.load_gather(seq_v, [row_a + pa])
            svb = plsc.load_gather(seq_v, [row_b + pa])
            ta = plsc.load_gather(lp_v, [sva * QL + pa])
            tb = plsc.load_gather(lp_v, [svb * QL + pa])
            return acc_a + ta, acc_b + tb

        zero = jnp.zeros((16,), jnp.float32)
        with jax.named_scope("gather_loop"):
            acc_a, acc_b = lax.fori_loop(0, QL, body, (zero, zero), unroll=8)

        def wt_body(j, acc):
            p = j * 16 + lane
            wv = wt_v[pl.ds(j * 16, 16)]
            return acc + plsc.load_gather(lp_v, [wv * QL + p])

        with jax.named_scope("wt_loop"):
            acc_w = lax.fori_loop(0, QL // 16, wt_body, zero, unroll=4)
        c_q = jnp.sum(acc_w)

        out_v[pl.ds(0, 16)] = acc_a - c_q
        out_v[pl.ds(16, 16)] = acc_b - c_q
        pltpu.sync_copy(out_v, out_hbm.at[q, pl.ds(row0, GS)])

    return sc_gather


def kernel(complex_x, binder1_x, binder2_x, W,
           complex_mut_seqs, binder1_mut_seqs, binder2_mut_seqs,
           complex_wt_seq, binder1_wt_seq, binder2_wt_seq):
    lp_t = pl.pallas_call(
        _tc_logit_body,
        out_shape=jax.ShapeDtypeStruct((VP * LTOT // 128, 128), jnp.float32),
    )(complex_x, binder1_x, binder2_x, jnp.swapaxes(W, 0, 1))

    partials = _make_sc_gather()(
        complex_mut_seqs.astype(jnp.int32),
        binder1_mut_seqs.astype(jnp.int32),
        binder2_mut_seqs.astype(jnp.int32),
        complex_wt_seq.astype(jnp.int32),
        binder1_wt_seq.astype(jnp.int32),
        binder2_wt_seq.astype(jnp.int32),
        lp_t.reshape(VP * LTOT),
    )
    return (partials[0] + partials[1]) + (partials[2] + partials[3])

# --- scband reference (transcript-rebuilt; emitter-appended) ---
"""Pipeline reference for scband-energy-mpnn-56384330662386 (READ-ONLY COPY).

The authoritative reference and input builder live on the scoring server;
editing this copy changes nothing except your own understanding.
"""

import jax, jax.numpy as jnp
import numpy as np

LC, L1, L2, D, B, V = 1024, 512, 512, 128, 256, 21


def setup_inputs(seed: int = 0) -> dict:
    key = jax.random.key(seed)
    ks = jax.random.split(key, 10)
    return {
        "complex_x": jax.random.normal(ks[0], (LC, D), dtype=jnp.float32),
        "binder1_x": jax.random.normal(ks[1], (L1, D), dtype=jnp.float32),
        "binder2_x": jax.random.normal(ks[2], (L2, D), dtype=jnp.float32),
        "W": jax.random.normal(ks[3], (D, V), dtype=jnp.float32) * 0.05,
        "complex_mut_seqs": jax.random.randint(ks[4], (B, LC), 0, V, dtype=jnp.int64),
        "binder1_mut_seqs": jax.random.randint(ks[5], (B, L1), 0, V, dtype=jnp.int64),
        "binder2_mut_seqs": jax.random.randint(ks[6], (B, L2), 0, V, dtype=jnp.int64),
        "complex_wt_seq": jax.random.randint(ks[7], (LC,), 0, V, dtype=jnp.int64),
        "binder1_wt_seq": jax.random.randint(ks[8], (L1,), 0, V, dtype=jnp.int64),
        "binder2_wt_seq": jax.random.randint(ks[9], (L2,), 0, V, dtype=jnp.int64),
    }


def _protein_mpnn_log_probs(x_flat, W):
    # Stand-in for the ProteinMPNN network: per-residue logits over 21 AAs
    logits = x_flat @ W
    return jax.nn.log_softmax(logits, axis=-1)


def _folding_dG(x, W, seqs):
    # seqs: [Bq, L]; replicate the domain Bq times (Batch.from_data_list([domain]*B))
    Bq, L = seqs.shape
    x_rep = jnp.tile(x, (Bq, 1))                      # [Bq*L, D]
    log_probs = _protein_mpnn_log_probs(x_rep, W)     # [Bq*L, 21]
    log_probs = log_probs.reshape(Bq, L, 21)
    seq_oh = jax.nn.one_hot(seqs, 21, dtype=jnp.float32)
    dG = jnp.sum(seq_oh * log_probs, axis=(1, 2))     # [Bq]
    return dG


def _folding_ddG(x, W, mut_seqs, wt_seq):
    wt_dG = _folding_dG(x, W, wt_seq[None, :])        # [1]
    mut_dG = _folding_dG(x, W, mut_seqs)              # [B]
    ddG = mut_dG - wt_dG
    return -ddG


def reference(complex_x, binder1_x, binder2_x, W,
              complex_mut_seqs, binder1_mut_seqs, binder2_mut_seqs,
              complex_wt_seq, binder1_wt_seq, binder2_wt_seq):
    complex_ddG_fold = _folding_ddG(complex_x, W, complex_mut_seqs, complex_wt_seq)
    binder1_ddG_fold = _folding_ddG(binder1_x, W, binder1_mut_seqs, binder1_wt_seq)
    binder2_ddG_fold = _folding_ddG(binder2_x, W, binder2_mut_seqs, binder2_wt_seq)
    ddG = complex_ddG_fold - (binder1_ddG_fold + binder2_ddG_fold)
    return ddG

if __name__ == "__main__":
    import jax
    _d = setup_inputs()
    print(jax.jit(kernel)(*tuple(_d.values())))

</pallas_src>

<mosaic_0001>
#map = affine_map<(d0, d1) -> (0, 0)>
#map1 = affine_map<(d0, d1) -> (0)>
module attributes {stable_mosaic.version = 14 : i64} {
  func.func @sc_gather(%arg0: i32, %arg1: i32, %arg2: memref<256x1024xi32, #tpu.memory_space<hbm>>, %arg3: memref<256x512xi32, #tpu.memory_space<hbm>>, %arg4: memref<256x512xi32, #tpu.memory_space<hbm>>, %arg5: memref<1024xi32, #tpu.memory_space<hbm>>, %arg6: memref<512xi32, #tpu.memory_space<hbm>>, %arg7: memref<512xi32, #tpu.memory_space<hbm>>, %arg8: memref<49152xf32, #tpu.memory_space<hbm>>, %arg9: memref<4x256xf32, #tpu.memory_space<hbm>>, %arg10: memref<16384xi32, #tpu.memory_space<vmem>>, %arg11: memref<10752xf32, #tpu.memory_space<vmem>>, %arg12: memref<512xi32, #tpu.memory_space<vmem>>, %arg13: memref<32xf32, #tpu.memory_space<vmem>>, %arg14: memref<!tpu.dma_semaphore, #tpu.memory_space<semaphore_mem>>) attributes {dimension_semantics = [#tpu.dimension_semantics<core_parallel>, #tpu.dimension_semantics<subcore_parallel>], iteration_bounds = array<i64: 2, 16>, scalar_prefetch = 0 : i64, scratch_operands = 5 : i64, tpu.core_type = #tpu.core_type<sc_vector_subcore>, window_params = [{transform_indices = #map}, {transform_indices = #map}, {transform_indices = #map}, {transform_indices = #map1}, {transform_indices = #map1}, {transform_indices = #map1}, {transform_indices = #map1}, {transform_indices = #map}]} {
    %mul3A = arith.constant 2 : i32
    %mul3A_0 = arith.muli %arg1, %mul3A : i32
    %add3A = arith.addi %mul3A_0, %arg0 : i32
    %jit3A = arith.constant 8 : i32
    %div3A = arith.divsi %add3A, %jit3A : i32
    %sign3A = arith.constant 0 : i32
    %sign3A_1 = arith.cmpi sgt, %add3A, %sign3A : i32
    %sign3A_2 = arith.extui %sign3A_1 : i1 to i32
    %sign3A_3 = arith.constant 0 : i32
    %sign3A_4 = arith.cmpi slt, %add3A, %sign3A_3 : i32
    %sign3A_5 = arith.extui %sign3A_4 : i1 to i32
    %sign3A_6 = arith.subi %sign3A_2, %sign3A_5 : i32
    %sign3A_7 = arith.constant 0 : i32
    %sign3A_8 = arith.cmpi sgt, %jit3A, %sign3A_7 : i32
    %sign3A_9 = arith.extui %sign3A_8 : i1 to i32
    %sign3A_10 = arith.constant 0 : i32
    %sign3A_11 = arith.cmpi slt, %jit3A, %sign3A_10 : i32
    %sign3A_12 = arith.extui %sign3A_11 : i1 to i32
    %sign3A_13 = arith.subi %sign3A_9, %sign3A_12 : i32
    %ne3A = arith.cmpi ne, %sign3A_6, %sign3A_13 : i32
    %rem3A = arith.remsi %add3A, %jit3A : i32
    %ne3A_14 = arith.constant 0 : i32
    %ne3A_15 = arith.cmpi ne, %rem3A, %ne3A_14 : i32
    %and3A = arith.andi %ne3A, %ne3A_15 : i1
    %sub3A = arith.constant 1 : i32
    %sub3A_16 = arith.subi %div3A, %sub3A : i32
    %select_n3A = arith.select %and3A, %sub3A_16, %div3A : i32
    %jit3A_17 = arith.constant 8 : i32
    %eq3A = arith.constant 0 : i32
    %eq3A_18 = arith.cmpi eq, %jit3A_17, %eq3A : i32
    %jit3A_19 = arith.constant 1 : i32
    %select_n3A_20 = arith.select %eq3A_18, %jit3A_19, %jit3A_17 : i32
    %rem3A_21 = arith.remsi %add3A, %select_n3A_20 : i32
    %ne3A_22 = arith.constant 0 : i32
    %ne3A_23 = arith.cmpi ne, %rem3A_21, %ne3A_22 : i32
    %lt3A = arith.constant 0 : i32
    %lt3A_24 = arith.cmpi slt, %rem3A_21, %lt3A : i32
    %lt3A_25 = arith.constant 0 : i32
    %lt3A_26 = arith.cmpi slt, %select_n3A_20, %lt3A_25 : i32
    %ne3A_27 = arith.xori %lt3A_24, %lt3A_26 : i1
    %and3A_28 = arith.andi %ne3A_27, %ne3A_23 : i1
    %add3A_29 = arith.addi %rem3A_21, %select_n3A_20 : i32
    %select_n3A_30 = arith.select %and3A_28, %add3A_29, %rem3A_21 : i32
    %mul3A_31 = arith.constant 32 : i32
    %mul3A_32 = arith.muli %select_n3A_30, %mul3A_31 : i32
    %eq3A_33 = arith.constant 0 : i32
    %eq3A_34 = arith.cmpi eq, %select_n3A, %eq3A_33 : i32
    %convert_element_type3A = arith.extui %eq3A_34 : i1 to i32
    %cond3A = arith.constant 0 : i32
    %cond3A_35 = arith.cmpi ne, %convert_element_type3A, %cond3A : i32
    scf.if %cond3A_35 {
      %add3A_827 = arith.constant 0 : i32
      %add3A_828 = arith.addi %mul3A_32, %add3A_827 : i32
      %dma_start3A_829 = arith.constant 0 : i32
      %dma_start3A_830 = tpu.memref_slice %arg10[%dma_start3A_829] : memref<16384xi32, #tpu.memory_space<vmem>> -> memref<512xi32, #tpu.memory_space<vmem>>
      %dma_start3A_831 = arith.constant 0 : i32
      %dma_start3A_832 = tpu.memref_slice %arg2[%add3A_828, %dma_start3A_831] : memref<256x1024xi32, #tpu.memory_space<hbm>> -> memref<1x512xi32, #tpu.memory_space<hbm>>
      %dma_start3A_833 = tpu.memref_squeeze %dma_start3A_832 : memref<1x512xi32, #tpu.memory_space<hbm>> -> memref<512xi32, #tpu.memory_space<hbm>>
      %dma_start3A_834 = arith.constant 0 : i32
      %dma_start3A_835 = tpu.memref_slice %arg10[%dma_start3A_834] : memref<16384xi32, #tpu.memory_space<vmem>> -> memref<512xi32, #tpu.memory_space<vmem>>
      %dma_start3A_836 = arith.constant 0 : i32
      %dma_start3A_837 = tpu.memref_slice %arg2[%add3A_828, %dma_start3A_836] : memref<256x1024xi32, #tpu.memory_space<hbm>> -> memref<1x512xi32, #tpu.memory_space<hbm>>
      %dma_start3A_838 = tpu.memref_squeeze %dma_start3A_837 : memref<1x512xi32, #tpu.memory_space<hbm>> -> memref<512xi32, #tpu.memory_space<hbm>>
      tpu.enqueue_dma source(%dma_start3A_838 : memref<512xi32, #tpu.memory_space<hbm>>) target(%dma_start3A_835 : memref<512xi32, #tpu.memory_space<vmem>>) target_semaphore(%arg14 : memref<!tpu.dma_semaphore, #tpu.memory_space<semaphore_mem>>)
      %add3A_839 = arith.constant 1 : i32
      %add3A_840 = arith.addi %mul3A_32, %add3A_839 : i32
      %dma_start3A_841 = arith.constant 512 : i32
      %dma_start3A_842 = tpu.memref_slice %arg10[%dma_start3A_841] : memref<16384xi32, #tpu.memory_space<vmem>> -> memref<512xi32, #tpu.memory_space<vmem>>
      %dma_start3A_843 = arith.constant 0 : i32
      %dma_start3A_844 = tpu.memref_slice %arg2[%add3A_840, %dma_start3A_843] : memref<256x1024xi32, #tpu.memory_space<hbm>> -> memref<1x512xi32, #tpu.memory_space<hbm>>
      %dma_start3A_845 = tpu.memref_squeeze %dma_start3A_844 : memref<1x512xi32, #tpu.memory_space<hbm>> -> memref<512xi32, #tpu.memory_space<hbm>>
      %dma_start3A_846 = arith.constant 512 : i32
      %dma_start3A_847 = tpu.memref_slice %arg10[%dma_start3A_846] : memref<16384xi32, #tpu.memory_space<vmem>> -> memref<512xi32, #tpu.memory_space<vmem>>
      %dma_start3A_848 = arith.constant 0 : i32
      %dma_start3A_849 = tpu.memref_slice %arg2[%add3A_840, %dma_start3A_848] : memref<256x1024xi32, #tpu.memory_space<hbm>> -> memref<1x512xi32, #tpu.memory_space<hbm>>
      %dma_start3A_850 = tpu.memref_squeeze %dma_start3A_849 : memref<1x512xi32, #tpu.memory_space<hbm>> -> memref<512xi32, #tpu.memory_space<hbm>>
      tpu.enqueue_dma source(%dma_start3A_850 : memref<512xi32, #tpu.memory_space<hbm>>) target(%dma_start3A_847 : memref<512xi32, #tpu.memory_space<vmem>>) target_semaphore(%arg14 : memref<!tpu.dma_semaphore, #tpu.memory_space<semaphore_mem>>)
      %add3A_851 = arith.constant 2 : i32
      %add3A_852 = arith.addi %mul3A_32, %add3A_851 : i32
      %dma_start3A_853 = arith.constant 1024 : i32
      %dma_start3A_854 = tpu.memref_slice %arg10[%dma_start3A_853] : memref<16384xi32, #tpu.memory_space<vmem>> -> memref<512xi32, #tpu.memory_space<vmem>>
      %dma_start3A_855 = arith.constant 0 : i32
      %dma_start3A_856 = tpu.memref_slice %arg2[%add3A_852, %dma_start3A_855] : memref<256x1024xi32, #tpu.memory_space<hbm>> -> memref<1x512xi32, #tpu.memory_space<hbm>>
      %dma_start3A_857 = tpu.memref_squeeze %dma_start3A_856 : memref<1x512xi32, #tpu.memory_space<hbm>> -> memref<512xi32, #tpu.memory_space<hbm>>
      %dma_start3A_858 = arith.constant 1024 : i32
      %dma_start3A_859 = tpu.memref_slice %arg10[%dma_start3A_858] : memref<16384xi32, #tpu.memory_space<vmem>> -> memref<512xi32, #tpu.memory_space<vmem>>
      %dma_start3A_860 = arith.constant 0 : i32
      %dma_start3A_861 = tpu.memref_slice %arg2[%add3A_852, %dma_start3A_860] : memref<256x1024xi32, #tpu.memory_space<hbm>> -> memref<1x512xi32, #tpu.memory_space<hbm>>
      %dma_start3A_862 = tpu.memref_squeeze %dma_start3A_861 : memref<1x512xi32, #tpu.memory_space<hbm>> -> memref<512xi32, #tpu.memory_space<hbm>>
      tpu.enqueue_dma source(%dma_start3A_862 : memref<512xi32, #tpu.memory_space<hbm>>) target(%dma_start3A_859 : memref<512xi32, #tpu.memory_space<vmem>>) target_semaphore(%arg14 : memref<!tpu.dma_semaphore, #tpu.memory_space<semaphore_mem>>)
      %add3A_863 = arith.constant 3 : i32
      %add3A_864 = arith.addi %mul3A_32, %add3A_863 : i32
      %dma_start3A_865 = arith.constant 1536 : i32
      %dma_start3A_866 = tpu.memref_slice %arg10[%dma_start3A_865] : memref<16384xi32, #tpu.memory_space<vmem>> -> memref<512xi32, #tpu.memory_space<vmem>>
      %dma_start3A_867 = arith.constant 0 : i32
      %dma_start3A_868 = tpu.memref_slice %arg2[%add3A_864, %dma_start3A_867] : memref<256x1024xi32, #tpu.memory_space<hbm>> -> memref<1x512xi32, #tpu.memory_space<hbm>>
      %dma_start3A_869 = tpu.memref_squeeze %dma_start3A_868 : memref<1x512xi32, #tpu.memory_space<hbm>> -> memref<512xi32, #tpu.memory_space<hbm>>
      %dma_start3A_870 = arith.constant 1536 : i32
      %dma_start3A_871 = tpu.memref_slice %arg10[%dma_start3A_870] : memref<16384xi32, #tpu.memory_space<vmem>> -> memref<512xi32, #tpu.memory_space<vmem>>
      %dma_start3A_872 = arith.constant 0 : i32
      %dma_start3A_873 = tpu.memref_slice %arg2[%add3A_864, %dma_start3A_872] : memref<256x1024xi32, #tpu.memory_space<hbm>> -> memref<1x512xi32, #tpu.memory_space<hbm>>
      %dma_start3A_874 = tpu.memref_squeeze %dma_start3A_873 : memref<1x512xi32, #tpu.memory_space<hbm>> -> memref<512xi32, #tpu.memory_space<hbm>>
      tpu.enqueue_dma source(%dma_start3A_874 : memref<512xi32, #tpu.memory_space<hbm>>) target(%dma_start3A_871 : memref<512xi32, #tpu.memory_space<vmem>>) target_semaphore(%arg14 : memref<!tpu.dma_semaphore, #tpu.memory_space<semaphore_mem>>)
      %add3A_875 = arith.constant 4 : i32
      %add3A_876 = arith.addi %mul3A_32, %add3A_875 : i32
      %dma_start3A_877 = arith.constant 2048 : i32
      %dma_start3A_878 = tpu.memref_slice %arg10[%dma_start3A_877] : memref<16384xi32, #tpu.memory_space<vmem>> -> memref<512xi32, #tpu.memory_space<vmem>>
      %dma_start3A_879 = arith.constant 0 : i32
      %dma_start3A_880 = tpu.memref_slice %arg2[%add3A_876, %dma_start3A_879] : memref<256x1024xi32, #tpu.memory_space<hbm>> -> memref<1x512xi32, #tpu.memory_space<hbm>>
      %dma_start3A_881 = tpu.memref_squeeze %dma_start3A_880 : memref<1x512xi32, #tpu.memory_space<hbm>> -> memref<512xi32, #tpu.memory_space<hbm>>
      %dma_start3A_882 = arith.constant 2048 : i32
      %dma_start3A_883 = tpu.memref_slice %arg10[%dma_start3A_882] : memref<16384xi32, #tpu.memory_space<vmem>> -> memref<512xi32, #tpu.memory_space<vmem>>
      %dma_start3A_884 = arith.constant 0 : i32
      %dma_start3A_885 = tpu.memref_slice %arg2[%add3A_876, %dma_start3A_884] : memref<256x1024xi32, #tpu.memory_space<hbm>> -> memref<1x512xi32, #tpu.memory_space<hbm>>
      %dma_start3A_886 = tpu.memref_squeeze %dma_start3A_885 : memref<1x512xi32, #tpu.memory_space<hbm>> -> memref<512xi32, #tpu.memory_space<hbm>>
      tpu.enqueue_dma source(%dma_start3A_886 : memref<512xi32, #tpu.memory_space<hbm>>) target(%dma_start3A_883 : memref<512xi32, #tpu.memory_space<vmem>>) target_semaphore(%arg14 : memref<!tpu.dma_semaphore, #tpu.memory_space<semaphore_mem>>)
      %add3A_887 = arith.constant 5 : i32
      %add3A_888 = arith.addi %mul3A_32, %add3A_887 : i32
      %dma_start3A_889 = arith.constant 2560 : i32
      %dma_start3A_890 = tpu.memref_slice %arg10[%dma_start3A_889] : memref<16384xi32, #tpu.memory_space<vmem>> -> memref<512xi32, #tpu.memory_space<vmem>>
      %dma_start3A_891 = arith.constant 0 : i32
      %dma_start3A_892 = tpu.memref_slice %arg2[%add3A_888, %dma_start3A_891] : memref<256x1024xi32, #tpu.memory_space<hbm>> -> memref<1x512xi32, #tpu.memory_space<hbm>>
      %dma_start3A_893 = tpu.memref_squeeze %dma_start3A_892 : memref<1x512xi32, #tpu.memory_space<hbm>> -> memref<512xi32, #tpu.memory_space<hbm>>
      %dma_start3A_894 = arith.constant 2560 : i32
      %dma_start3A_895 = tpu.memref_slice %arg10[%dma_start3A_894] : memref<16384xi32, #tpu.memory_space<vmem>> -> memref<512xi32, #tpu.memory_space<vmem>>
      %dma_start3A_896 = arith.constant 0 : i32
      %dma_start3A_897 = tpu.memref_slice %arg2[%add3A_888, %dma_start3A_896] : memref<256x1024xi32, #tpu.memory_space<hbm>> -> memref<1x512xi32, #tpu.memory_space<hbm>>
      %dma_start3A_898 = tpu.memref_squeeze %dma_start3A_897 : memref<1x512xi32, #tpu.memory_space<hbm>> -> memref<512xi32, #tpu.memory_space<hbm>>
      tpu.enqueue_dma source(%dma_start3A_898 : memref<512xi32, #tpu.memory_space<hbm>>) target(%dma_start3A_895 : memref<512xi32, #tpu.memory_space<vmem>>) target_semaphore(%arg14 : memref<!tpu.dma_semaphore, #tpu.memory_space<semaphore_mem>>)
      %add3A_899 = arith.constant 6 : i32
      %add3A_900 = arith.addi %mul3A_32, %add3A_899 : i32
      %dma_start3A_901 = arith.constant 3072 : i32
      %dma_start3A_902 = tpu.memref_slice %arg10[%dma_start3A_901] : memref<16384xi32, #tpu.memory_space<vmem>> -> memref<512xi32, #tpu.memory_space<vmem>>
      %dma_start3A_903 = arith.constant 0 : i32
      %dma_start3A_904 = tpu.memref_slice %arg2[%add3A_900, %dma_start3A_903] : memref<256x1024xi32, #tpu.memory_space<hbm>> -> memref<1x512xi32, #tpu.memory_space<hbm>>
      %dma_start3A_905 = tpu.memref_squeeze %dma_start3A_904 : memref<1x512xi32, #tpu.memory_space<hbm>> -> memref<512xi32, #tpu.memory_space<hbm>>
      %dma_start3A_906 = arith.constant 3072 : i32
      %dma_start3A_907 = tpu.memref_slice %arg10[%dma_start3A_906] : memref<16384xi32, #tpu.memory_space<vmem>> -> memref<512xi32, #tpu.memory_space<vmem>>
      %dma_start3A_908 = arith.constant 0 : i32
      %dma_start3A_909 = tpu.memref_slice %arg2[%add3A_900, %dma_start3A_908] : memref<256x1024xi32, #tpu.memory_space<hbm>> -> memref<1x512xi32, #tpu.memory_space<hbm>>
      %dma_start3A_910 = tpu.memref_squeeze %dma_start3A_909 : memref<1x512xi32, #tpu.memory_space<hbm>> -> memref<512xi32, #tpu.memory_space<hbm>>
      tpu.enqueue_dma source(%dma_start3A_910 : memref<512xi32, #tpu.memory_space<hbm>>) target(%dma_start3A_907 : memref<512xi32, #tpu.memory_space<vmem>>) target_semaphore(%arg14 : memref<!tpu.dma_semaphore, #tpu.memory_space<semaphore_mem>>)
      %add3A_911 = arith.constant 7 : i32
      %add3A_912 = arith.addi %mul3A_32, %add3A_911 : i32
      %dma_start3A_913 = arith.constant 3584 : i32
      %dma_start3A_914 = tpu.memref_slice %arg10[%dma_start3A_913] : memref<16384xi32, #tpu.memory_space<vmem>> -> memref<512xi32, #tpu.memory_space<vmem>>
      %dma_start3A_915 = arith.constant 0 : i32
      %dma_start3A_916 = tpu.memref_slice %arg2[%add3A_912, %dma_start3A_915] : memref<256x1024xi32, #tpu.memory_space<hbm>> -> memref<1x512xi32, #tpu.memory_space<hbm>>
      %dma_start3A_917 = tpu.memref_squeeze %dma_start3A_916 : memref<1x512xi32, #tpu.memory_space<hbm>> -> memref<512xi32, #tpu.memory_space<hbm>>
      %dma_start3A_918 = arith.constant 3584 : i32
      %dma_start3A_919 = tpu.memref_slice %arg10[%dma_start3A_918] : memref<16384xi32, #tpu.memory_space<vmem>> -> memref<512xi32, #tpu.memory_space<vmem>>
      %dma_start3A_920 = arith.constant 0 : i32
      %dma_start3A_921 = tpu.memref_slice %arg2[%add3A_912, %dma_start3A_920] : memref<256x1024xi32, #tpu.memory_space<hbm>> -> memref<1x512xi32, #tpu.memory_space<hbm>>
      %dma_start3A_922 = tpu.memref_squeeze %dma_start3A_921 : memref<1x512xi32, #tpu.memory_space<hbm>> -> memref<512xi32, #tpu.memory_space<hbm>>
      tpu.enqueue_dma source(%dma_start3A_922 : memref<512xi32, #tpu.memory_space<hbm>>) target(%dma_start3A_919 : memref<512xi32, #tpu.memory_space<vmem>>) target_semaphore(%arg14 : memref<!tpu.dma_semaphore, #tpu.memory_space<semaphore_mem>>)
      %add3A_923 = arith.constant 8 : i32
      %add3A_924 = arith.addi %mul3A_32, %add3A_923 : i32
      %dma_start3A_925 = arith.constant 4096 : i32
      %dma_start3A_926 = tpu.memref_slice %arg10[%dma_start3A_925] : memref<16384xi32, #tpu.memory_space<vmem>> -> memref<512xi32, #tpu.memory_space<vmem>>
      %dma_start3A_927 = arith.constant 0 : i32
      %dma_start3A_928 = tpu.memref_slice %arg2[%add3A_924, %dma_start3A_927] : memref<256x1024xi32, #tpu.memory_space<hbm>> -> memref<1x512xi32, #tpu.memory_space<hbm>>
      %dma_start3A_929 = tpu.memref_squeeze %dma_start3A_928 : memref<1x512xi32, #tpu.memory_space<hbm>> -> memref<512xi32, #tpu.memory_space<hbm>>
      %dma_start3A_930 = arith.constant 4096 : i32
      %dma_start3A_931 = tpu.memref_slice %arg10[%dma_start3A_930] : memref<16384xi32, #tpu.memory_space<vmem>> -> memref<512xi32, #tpu.memory_space<vmem>>
      %dma_start3A_932 = arith.constant 0 : i32
      %dma_start3A_933 = tpu.memref_slice %arg2[%add3A_924, %dma_start3A_932] : memref<256x1024xi32, #tpu.memory_space<hbm>> -> memref<1x512xi32, #tpu.memory_space<hbm>>
      %dma_start3A_934 = tpu.memref_squeeze %dma_start3A_933 : memref<1x512xi32, #tpu.memory_space<hbm>> -> memref<512xi32, #tpu.memory_space<hbm>>
      tpu.enqueue_dma source(%dma_start3A_934 : memref<512xi32, #tpu.memory_space<hbm>>) target(%dma_start3A_931 : memref<512xi32, #tpu.memory_space<vmem>>) target_semaphore(%arg14 : memref<!tpu.dma_semaphore, #tpu.memory_space<semaphore_mem>>)
      %add3A_935 = arith.constant 9 : i32
      %add3A_936 = arith.addi %mul3A_32, %add3A_935 : i32
      %dma_start3A_937 = arith.constant 4608 : i32
      %dma_start3A_938 = tpu.memref_slice %arg10[%dma_start3A_937] : memref<16384xi32, #tpu.memory_space<vmem>> -> memref<512xi32, #tpu.memory_space<vmem>>
      %dma_start3A_939 = arith.constant 0 : i32
      %dma_start3A_940 = tpu.memref_slice %arg2[%add3A_936, %dma_start3A_939] : memref<256x1024xi32, #tpu.memory_space<hbm>> -> memref<1x512xi32, #tpu.memory_space<hbm>>
      %dma_start3A_941 = tpu.memref_squeeze %dma_start3A_940 : memref<1x512xi32, #tpu.memory_space<hbm>> -> memref<512xi32, #tpu.memory_space<hbm>>
      %dma_start3A_942 = arith.constant 4608 : i32
      %dma_start3A_943 = tpu.memref_slice %arg10[%dma_start3A_942] : memref<16384xi32, #tpu.memory_space<vmem>> -> memref<512xi32, #tpu.memory_space<vmem>>
      %dma_start3A_944 = arith.constant 0 : i32
      %dma_start3A_945 = tpu.memref_slice %arg2[%add3A_936, %dma_start3A_944] : memref<256x1024xi32, #tpu.memory_space<hbm>> -> memref<1x512xi32, #tpu.memory_space<hbm>>
      %dma_start3A_946 = tpu.memref_squeeze %dma_start3A_945 : memref<1x512xi32, #tpu.memory_space<hbm>> -> memref<512xi32, #tpu.memory_space<hbm>>
      tpu.enqueue_dma source(%dma_start3A_946 : memref<512xi32, #tpu.memory_space<hbm>>) target(%dma_start3A_943 : memref<512xi32, #tpu.memory_space<vmem>>) target_semaphore(%arg14 : memref<!tpu.dma_semaphore, #tpu.memory_space<semaphore_mem>>)
      %add3A_947 = arith.constant 10 : i32
      %add3A_948 = arith.addi %mul3A_32, %add3A_947 : i32
      %dma_start3A_949 = arith.constant 5120 : i32
      %dma_start3A_950 = tpu.memref_slice %arg10[%dma_start3A_949] : memref<16384xi32, #tpu.memory_space<vmem>> -> memref<512xi32, #tpu.memory_space<vmem>>
      %dma_start3A_951 = arith.constant 0 : i32
      %dma_start3A_952 = tpu.memref_slice %arg2[%add3A_948, %dma_start3A_951] : memref<256x1024xi32, #tpu.memory_space<hbm>> -> memref<1x512xi32, #tpu.memory_space<hbm>>
      %dma_start3A_953 = tpu.memref_squeeze %dma_start3A_952 : memref<1x512xi32, #tpu.memory_space<hbm>> -> memref<512xi32, #tpu.memory_space<hbm>>
      %dma_start3A_954 = arith.constant 5120 : i32
      %dma_start3A_955 = tpu.memref_slice %arg10[%dma_start3A_954] : memref<16384xi32, #tpu.memory_space<vmem>> -> memref<512xi32, #tpu.memory_space<vmem>>
      %dma_start3A_956 = arith.constant 0 : i32
      %dma_start3A_957 = tpu.memref_slice %arg2[%add3A_948, %dma_start3A_956] : memref<256x1024xi32, #tpu.memory_space<hbm>> -> memref<1x512xi32, #tpu.memory_space<hbm>>
      %dma_start3A_958 = tpu.memref_squeeze %dma_start3A_957 : memref<1x512xi32, #tpu.memory_space<hbm>> -> memref<512xi32, #tpu.memory_space<hbm>>
      tpu.enqueue_dma source(%dma_start3A_958 : memref<512xi32, #tpu.memory_space<hbm>>) target(%dma_start3A_955 : memref<512xi32, #tpu.memory_space<vmem>>) target_semaphore(%arg14 : memref<!tpu.dma_semaphore, #tpu.memory_space<semaphore_mem>>)
      %add3A_959 = arith.constant 11 : i32
      %add3A_960 = arith.addi %mul3A_32, %add3A_959 : i32
      %dma_start3A_961 = arith.constant 5632 : i32
      %dma_start3A_962 = tpu.memref_slice %arg10[%dma_start3A_961] : memref<16384xi32, #tpu.memory_space<vmem>> -> memref<512xi32, #tpu.memory_space<vmem>>
      %dma_start3A_963 = arith.constant 0 : i32
      %dma_start3A_964 = tpu.memref_slice %arg2[%add3A_960, %dma_start3A_963] : memref<256x1024xi32, #tpu.memory_space<hbm>> -> memref<1x512xi32, #tpu.memory_space<hbm>>
      %dma_start3A_965 = tpu.memref_squeeze %dma_start3A_964 : memref<1x512xi32, #tpu.memory_space<hbm>> -> memref<512xi32, #tpu.memory_space<hbm>>
      %dma_start3A_966 = arith.constant 5632 : i32
      %dma_start3A_967 = tpu.memref_slice %arg10[%dma_start3A_966] : memref<16384xi32, #tpu.memory_space<vmem>> -> memref<512xi32, #tpu.memory_space<vmem>>
      %dma_start3A_968 = arith.constant 0 : i32
      %dma_start3A_969 = tpu.memref_slice %arg2[%add3A_960, %dma_start3A_968] : memref<256x1024xi32, #tpu.memory_space<hbm>> -> memref<1x512xi32, #tpu.memory_space<hbm>>
      %dma_start3A_970 = tpu.memref_squeeze %dma_start3A_969 : memref<1x512xi32, #tpu.memory_space<hbm>> -> memref<512xi32, #tpu.memory_space<hbm>>
      tpu.enqueue_dma source(%dma_start3A_970 : memref<512xi32, #tpu.memory_space<hbm>>) target(%dma_start3A_967 : memref<512xi32, #tpu.memory_space<vmem>>) target_semaphore(%arg14 : memref<!tpu.dma_semaphore, #tpu.memory_space<semaphore_mem>>)
      %add3A_971 = arith.constant 12 : i32
      %add3A_972 = arith.addi %mul3A_32, %add3A_971 : i32
      %dma_start3A_973 = arith.constant 6144 : i32
      %dma_start3A_974 = tpu.memref_slice %arg10[%dma_start3A_973] : memref<16384xi32, #tpu.memory_space<vmem>> -> memref<512xi32, #tpu.memory_space<vmem>>
      %dma_start3A_975 = arith.constant 0 : i32
      %dma_start3A_976 = tpu.memref_slice %arg2[%add3A_972, %dma_start3A_975] : memref<256x1024xi32, #tpu.memory_space<hbm>> -> memref<1x512xi32, #tpu.memory_space<hbm>>
      %dma_start3A_977 = tpu.memref_squeeze %dma_start3A_976 : memref<1x512xi32, #tpu.memory_space<hbm>> -> memref<512xi32, #tpu.memory_space<hbm>>
      %dma_start3A_978 = arith.constant 6144 : i32
      %dma_start3A_979 = tpu.memref_slice %arg10[%dma_start3A_978] : memref<16384xi32, #tpu.memory_space<vmem>> -> memref<512xi32, #tpu.memory_space<vmem>>
      %dma_start3A_980 = arith.constant 0 : i32
      %dma_start3A_981 = tpu.memref_slice %arg2[%add3A_972, %dma_start3A_980] : memref<256x1024xi32, #tpu.memory_space<hbm>> -> memref<1x512xi32, #tpu.memory_space<hbm>>
      %dma_start3A_982 = tpu.memref_squeeze %dma_start3A_981 : memref<1x512xi32, #tpu.memory_space<hbm>> -> memref<512xi32, #tpu.memory_space<hbm>>
      tpu.enqueue_dma source(%dma_start3A_982 : memref<512xi32, #tpu.memory_space<hbm>>) target(%dma_start3A_979 : memref<512xi32, #tpu.memory_space<vmem>>) target_semaphore(%arg14 : memref<!tpu.dma_semaphore, #tpu.memory_space<semaphore_mem>>)
      %add3A_983 = arith.constant 13 : i32
      %add3A_984 = arith.addi %mul3A_32, %add3A_983 : i32
      %dma_start3A_985 = arith.constant 6656 : i32
      %dma_start3A_986 = tpu.memref_slice %arg10[%dma_start3A_985] : memref<16384xi32, #tpu.memory_space<vmem>> -> memref<512xi32, #tpu.memory_space<vmem>>
      %dma_start3A_987 = arith.constant 0 : i32
      %dma_start3A_988 = tpu.memref_slice %arg2[%add3A_984, %dma_start3A_987] : memref<256x1024xi32, #tpu.memory_space<hbm>> -> memref<1x512xi32, #tpu.memory_space<hbm>>
      %dma_start3A_989 = tpu.memref_squeeze %dma_start3A_988 : memref<1x512xi32, #tpu.memory_space<hbm>> -> memref<512xi32, #tpu.memory_space<hbm>>
      %dma_start3A_990 = arith.constant 6656 : i32
      %dma_start3A_991 = tpu.memref_slice %arg10[%dma_start3A_990] : memref<16384xi32, #tpu.memory_space<vmem>> -> memref<512xi32, #tpu.memory_space<vmem>>
      %dma_start3A_992 = arith.constant 0 : i32
      %dma_start3A_993 = tpu.memref_slice %arg2[%add3A_984, %dma_start3A_992] : memref<256x1024xi32, #tpu.memory_space<hbm>> -> memref<1x512xi32, #tpu.memory_space<hbm>>
      %dma_start3A_994 = tpu.memref_squeeze %dma_start3A_993 : memref<1x512xi32, #tpu.memory_space<hbm>> -> memref<512xi32, #tpu.memory_space<hbm>>
      tpu.enqueue_dma source(%dma_start3A_994 : memref<512xi32, #tpu.memory_space<hbm>>) target(%dma_start3A_991 : memref<512xi32, #tpu.memory_space<vmem>>) target_semaphore(%arg14 : memref<!tpu.dma_semaphore, #tpu.memory_space<semaphore_mem>>)
      %add3A_995 = arith.constant 14 : i32
      %add3A_996 = arith.addi %mul3A_32, %add3A_995 : i32
      %dma_start3A_997 = arith.constant 7168 : i32
      %dma_start3A_998 = tpu.memref_slice %arg10[%dma_start3A_997] : memref<16384xi32, #tpu.memory_space<vmem>> -> memref<512xi32, #tpu.memory_space<vmem>>
      %dma_start3A_999 = arith.constant 0 : i32
      %dma_start3A_1000 = tpu.memref_slice %arg2[%add3A_996, %dma_start3A_999] : memref<256x1024xi32, #tpu.memory_space<hbm>> -> memref<1x512xi32, #tpu.memory_space<hbm>>
      %dma_start3A_1001 = tpu.memref_squeeze %dma_start3A_1000 : memref<1x512xi32, #tpu.memory_space<hbm>> -> memref<512xi32, #tpu.memory_space<hbm>>
      %dma_start3A_1002 = arith.constant 7168 : i32
      %dma_start3A_1003 = tpu.memref_slice %arg10[%dma_start3A_1002] : memref<16384xi32, #tpu.memory_space<vmem>> -> memref<512xi32, #tpu.memory_space<vmem>>
      %dma_start3A_1004 = arith.constant 0 : i32
      %dma_start3A_1005 = tpu.memref_slice %arg2[%add3A_996, %dma_start3A_1004] : memref<256x1024xi32, #tpu.memory_space<hbm>> -> memref<1x512xi32, #tpu.memory_space<hbm>>
      %dma_start3A_1006 = tpu.memref_squeeze %dma_start3A_1005 : memref<1x512xi32, #tpu.memory_space<hbm>> -> memref<512xi32, #tpu.memory_space<hbm>>
      tpu.enqueue_dma source(%dma_start3A_1006 : memref<512xi32, #tpu.memory_space<hbm>>) target(%dma_start3A_1003 : memref<512xi32, #tpu.memory_space<vmem>>) target_semaphore(%arg14 : memref<!tpu.dma_semaphore, #tpu.memory_space<semaphore_mem>>)
      %add3A_1007 = arith.constant 15 : i32
      %add3A_1008 = arith.addi %mul3A_32, %add3A_1007 : i32
      %dma_start3A_1009 = arith.constant 7680 : i32
      %dma_start3A_1010 = tpu.memref_slice %arg10[%dma_start3A_1009] : memref<16384xi32, #tpu.memory_space<vmem>> -> memref<512xi32, #tpu.memory_space<vmem>>
      %dma_start3A_1011 = arith.constant 0 : i32
      %dma_start3A_1012 = tpu.memref_slice %arg2[%add3A_1008, %dma_start3A_1011] : memref<256x1024xi32, #tpu.memory_space<hbm>> -> memref<1x512xi32, #tpu.memory_space<hbm>>
      %dma_start3A_1013 = tpu.memref_squeeze %dma_start3A_1012 : memref<1x512xi32, #tpu.memory_space<hbm>> -> memref<512xi32, #tpu.memory_space<hbm>>
      %dma_start3A_1014 = arith.constant 7680 : i32
      %dma_start3A_1015 = tpu.memref_slice %arg10[%dma_start3A_1014] : memref<16384xi32, #tpu.memory_space<vmem>> -> memref<512xi32, #tpu.memory_space<vmem>>
      %dma_start3A_1016 = arith.constant 0 : i32
      %dma_start3A_1017 = tpu.memref_slice %arg2[%add3A_1008, %dma_start3A_1016] : memref<256x1024xi32, #tpu.memory_space<hbm>> -> memref<1x512xi32, #tpu.memory_space<hbm>>
      %dma_start3A_1018 = tpu.memref_squeeze %dma_start3A_1017 : memref<1x512xi32, #tpu.memory_space<hbm>> -> memref<512xi32, #tpu.memory_space<hbm>>
      tpu.enqueue_dma source(%dma_start3A_1018 : memref<512xi32, #tpu.memory_space<hbm>>) target(%dma_start3A_1015 : memref<512xi32, #tpu.memory_space<vmem>>) target_semaphore(%arg14 : memref<!tpu.dma_semaphore, #tpu.memory_space<semaphore_mem>>)
      %add3A_1019 = arith.constant 16 : i32
      %add3A_1020 = arith.addi %mul3A_32, %add3A_1019 : i32
      %dma_start3A_1021 = arith.constant 8192 : i32
      %dma_start3A_1022 = tpu.memref_slice %arg10[%dma_start3A_1021] : memref<16384xi32, #tpu.memory_space<vmem>> -> memref<512xi32, #tpu.memory_space<vmem>>
      %dma_start3A_1023 = arith.constant 0 : i32
      %dma_start3A_1024 = tpu.memref_slice %arg2[%add3A_1020, %dma_start3A_1023] : memref<256x1024xi32, #tpu.memory_space<hbm>> -> memref<1x512xi32, #tpu.memory_space<hbm>>
      %dma_start3A_1025 = tpu.memref_squeeze %dma_start3A_1024 : memref<1x512xi32, #tpu.memory_space<hbm>> -> memref<512xi32, #tpu.memory_space<hbm>>
      %dma_start3A_1026 = arith.constant 8192 : i32
      %dma_start3A_1027 = tpu.memref_slice %arg10[%dma_start3A_1026] : memref<16384xi32, #tpu.memory_space<vmem>> -> memref<512xi32, #tpu.memory_space<vmem>>
      %dma_start3A_1028 = arith.constant 0 : i32
      %dma_start3A_1029 = tpu.memref_slice %arg2[%add3A_1020, %dma_start3A_1028] : memref<256x1024xi32, #tpu.memory_space<hbm>> -> memref<1x512xi32, #tpu.memory_space<hbm>>
      %dma_start3A_1030 = tpu.memref_squeeze %dma_start3A_1029 : memref<1x512xi32, #tpu.memory_space<hbm>> -> memref<512xi32, #tpu.memory_space<hbm>>
      tpu.enqueue_dma source(%dma_start3A_1030 : memref<512xi32, #tpu.memory_space<hbm>>) target(%dma_start3A_1027 : memref<512xi32, #tpu.memory_space<vmem>>) target_semaphore(%arg14 : memref<!tpu.dma_semaphore, #tpu.memory_space<semaphore_mem>>)
      %add3A_1031 = arith.constant 17 : i32
      %add3A_1032 = arith.addi %mul3A_32, %add3A_1031 : i32
      %dma_start3A_1033 = arith.constant 8704 : i32
      %dma_start3A_1034 = tpu.memref_slice %arg10[%dma_start3A_1033] : memref<16384xi32, #tpu.memory_space<vmem>> -> memref<512xi32, #tpu.memory_space<vmem>>
      %dma_start3A_1035 = arith.constant 0 : i32
      %dma_start3A_1036 = tpu.memref_slice %arg2[%add3A_1032, %dma_start3A_1035] : memref<256x1024xi32, #tpu.memory_space<hbm>> -> memref<1x512xi32, #tpu.memory_space<hbm>>
      %dma_start3A_1037 = tpu.memref_squeeze %dma_start3A_1036 : memref<1x512xi32, #tpu.memory_space<hbm>> -> memref<512xi32, #tpu.memory_space<hbm>>
      %dma_start3A_1038 = arith.constant 8704 : i32
      %dma_start3A_1039 = tpu.memref_slice %arg10[%dma_start3A_1038] : memref<16384xi32, #tpu.memory_space<vmem>> -> memref<512xi32, #tpu.memory_space<vmem>>
      %dma_start3A_1040 = arith.constant 0 : i32
      %dma_start3A_1041 = tpu.memref_slice %arg2[%add3A_1032, %dma_start3A_1040] : memref<256x1024xi32, #tpu.memory_space<hbm>> -> memref<1x512xi32, #tpu.memory_space<hbm>>
      %dma_start3A_1042 = tpu.memref_squeeze %dma_start3A_1041 : memref<1x512xi32, #tpu.memory_space<hbm>> -> memref<512xi32, #tpu.memory_space<hbm>>
      tpu.enqueue_dma source(%dma_start3A_1042 : memref<512xi32, #tpu.memory_space<hbm>>) target(%dma_start3A_1039 : memref<512xi32, #tpu.memory_space<vmem>>) target_semaphore(%arg14 : memref<!tpu.dma_semaphore, #tpu.memory_space<semaphore_mem>>)
      %add3A_1043 = arith.constant 18 : i32
      %add3A_1044 = arith.addi %mul3A_32, %add3A_1043 : i32
      %dma_start3A_1045 = arith.constant 9216 : i32
      %dma_start3A_1046 = tpu.memref_slice %arg10[%dma_start3A_1045] : memref<16384xi32, #tpu.memory_space<vmem>> -> memref<512xi32, #tpu.memory_space<vmem>>
      %dma_start3A_1047 = arith.constant 0 : i32
      %dma_start3A_1048 = tpu.memref_slice %arg2[%add3A_1044, %dma_start3A_1047] : memref<256x1024xi32, #tpu.memory_space<hbm>> -> memref<1x512xi32, #tpu.memory_space<hbm>>
      %dma_start3A_1049 = tpu.memref_squeeze %dma_start3A_1048 : memref<1x512xi32, #tpu.memory_space<hbm>> -> memref<512xi32, #tpu.memory_space<hbm>>
      %dma_start3A_1050 = arith.constant 9216 : i32
      %dma_start3A_1051 = tpu.memref_slice %arg10[%dma_start3A_1050] : memref<16384xi32, #tpu.memory_space<vmem>> -> memref<512xi32, #tpu.memory_space<vmem>>
      %dma_start3A_1052 = arith.constant 0 : i32
      %dma_start3A_1053 = tpu.memref_slice %arg2[%add3A_1044, %dma_start3A_1052] : memref<256x1024xi32, #tpu.memory_space<hbm>> -> memref<1x512xi32, #tpu.memory_space<hbm>>
      %dma_start3A_1054 = tpu.memref_squeeze %dma_start3A_1053 : memref<1x512xi32, #tpu.memory_space<hbm>> -> memref<512xi32, #tpu.memory_space<hbm>>
      tpu.enqueue_dma source(%dma_start3A_1054 : memref<512xi32, #tpu.memory_space<hbm>>) target(%dma_start3A_1051 : memref<512xi32, #tpu.memory_space<vmem>>) target_semaphore(%arg14 : memref<!tpu.dma_semaphore, #tpu.memory_space<semaphore_mem>>)
      %add3A_1055 = arith.constant 19 : i32
      %add3A_1056 = arith.addi %mul3A_32, %add3A_1055 : i32
      %dma_start3A_1057 = arith.constant 9728 : i32
      %dma_start3A_1058 = tpu.memref_slice %arg10[%dma_start3A_1057] : memref<16384xi32, #tpu.memory_space<vmem>> -> memref<512xi32, #tpu.memory_space<vmem>>
      %dma_start3A_1059 = arith.constant 0 : i32
      %dma_start3A_1060 = tpu.memref_slice %arg2[%add3A_1056, %dma_start3A_1059] : memref<256x1024xi32, #tpu.memory_space<hbm>> -> memref<1x512xi32, #tpu.memory_space<hbm>>
      %dma_start3A_1061 = tpu.memref_squeeze %dma_start3A_1060 : memref<1x512xi32, #tpu.memory_space<hbm>> -> memref<512xi32, #tpu.memory_space<hbm>>
      %dma_start3A_1062 = arith.constant 9728 : i32
      %dma_start3A_1063 = tpu.memref_slice %arg10[%dma_start3A_1062] : memref<16384xi32, #tpu.memory_space<vmem>> -> memref<512xi32, #tpu.memory_space<vmem>>
      %dma_start3A_1064 = arith.constant 0 : i32
      %dma_start3A_1065 = tpu.memref_slice %arg2[%add3A_1056, %dma_start3A_1064] : memref<256x1024xi32, #tpu.memory_space<hbm>> -> memref<1x512xi32, #tpu.memory_space<hbm>>
      %dma_start3A_1066 = tpu.memref_squeeze %dma_start3A_1065 : memref<1x512xi32, #tpu.memory_space<hbm>> -> memref<512xi32, #tpu.memory_space<hbm>>
      tpu.enqueue_dma source(%dma_start3A_1066 : memref<512xi32, #tpu.memory_space<hbm>>) target(%dma_start3A_1063 : memref<512xi32, #tpu.memory_space<vmem>>) target_semaphore(%arg14 : memref<!tpu.dma_semaphore, #tpu.memory_space<semaphore_mem>>)
      %add3A_1067 = arith.constant 20 : i32
      %add3A_1068 = arith.addi %mul3A_32, %add3A_1067 : i32
      %dma_start3A_1069 = arith.constant 10240 : i32
      %dma_start3A_1070 = tpu.memref_slice %arg10[%dma_start3A_1069] : memref<16384xi32, #tpu.memory_space<vmem>> -> memref<512xi32, #tpu.memory_space<vmem>>
      %dma_start3A_1071 = arith.constant 0 : i32
      %dma_start3A_1072 = tpu.memref_slice %arg2[%add3A_1068, %dma_start3A_1071] : memref<256x1024xi32, #tpu.memory_space<hbm>> -> memref<1x512xi32, #tpu.memory_space<hbm>>
      %dma_start3A_1073 = tpu.memref_squeeze %dma_start3A_1072 : memref<1x512xi32, #tpu.memory_space<hbm>> -> memref<512xi32, #tpu.memory_space<hbm>>
      %dma_start3A_1074 = arith.constant 10240 : i32
      %dma_start3A_1075 = tpu.memref_slice %arg10[%dma_start3A_1074] : memref<16384xi32, #tpu.memory_space<vmem>> -> memref<512xi32, #tpu.memory_space<vmem>>
      %dma_start3A_1076 = arith.constant 0 : i32
      %dma_start3A_1077 = tpu.memref_slice %arg2[%add3A_1068, %dma_start3A_1076] : memref<256x1024xi32, #tpu.memory_space<hbm>> -> memref<1x512xi32, #tpu.memory_space<hbm>>
      %dma_start3A_1078 = tpu.memref_squeeze %dma_start3A_1077 : memref<1x512xi32, #tpu.memory_space<hbm>> -> memref<512xi32, #tpu.memory_space<hbm>>
      tpu.enqueue_dma source(%dma_start3A_1078 : memref<512xi32, #tpu.memory_space<hbm>>) target(%dma_start3A_1075 : memref<512xi32, #tpu.memory_space<vmem>>) target_semaphore(%arg14 : memref<!tpu.dma_semaphore, #tpu.memory_space<semaphore_mem>>)
      %add3A_1079 = arith.constant 21 : i32
      %add3A_1080 = arith.addi %mul3A_32, %add3A_1079 : i32
      %dma_start3A_1081 = arith.constant 10752 : i32
      %dma_start3A_1082 = tpu.memref_slice %arg10[%dma_start3A_1081] : memref<16384xi32, #tpu.memory_space<vmem>> -> memref<512xi32, #tpu.memory_space<vmem>>
      %dma_start3A_1083 = arith.constant 0 : i32
      %dma_start3A_1084 = tpu.memref_slice %arg2[%add3A_1080, %dma_start3A_1083] : memref<256x1024xi32, #tpu.memory_space<hbm>> -> memref<1x512xi32, #tpu.memory_space<hbm>>
      %dma_start3A_1085 = tpu.memref_squeeze %dma_start3A_1084 : memref<1x512xi32, #tpu.memory_space<hbm>> -> memref<512xi32, #tpu.memory_space<hbm>>
      %dma_start3A_1086 = arith.constant 10752 : i32
      %dma_start3A_1087 = tpu.memref_slice %arg10[%dma_start3A_1086] : memref<16384xi32, #tpu.memory_space<vmem>> -> memref<512xi32, #tpu.memory_space<vmem>>
      %dma_start3A_1088 = arith.constant 0 : i32
      %dma_start3A_1089 = tpu.memref_slice %arg2[%add3A_1080, %dma_start3A_1088] : memref<256x1024xi32, #tpu.memory_space<hbm>> -> memref<1x512xi32, #tpu.memory_space<hbm>>
      %dma_start3A_1090 = tpu.memref_squeeze %dma_start3A_1089 : memref<1x512xi32, #tpu.memory_space<hbm>> -> memref<512xi32, #tpu.memory_space<hbm>>
      tpu.enqueue_dma source(%dma_start3A_1090 : memref<512xi32, #tpu.memory_space<hbm>>) target(%dma_start3A_1087 : memref<512xi32, #tpu.memory_space<vmem>>) target_semaphore(%arg14 : memref<!tpu.dma_semaphore, #tpu.memory_space<semaphore_mem>>)
      %add3A_1091 = arith.constant 22 : i32
      %add3A_1092 = arith.addi %mul3A_32, %add3A_1091 : i32
      %dma_start3A_1093 = arith.constant 11264 : i32
      %dma_start3A_1094 = tpu.memref_slice %arg10[%dma_start3A_1093] : memref<16384xi32, #tpu.memory_space<vmem>> -> memref<512xi32, #tpu.memory_space<vmem>>
      %dma_start3A_1095 = arith.constant 0 : i32
      %dma_start3A_1096 = tpu.memref_slice %arg2[%add3A_1092, %dma_start3A_1095] : memref<256x1024xi32, #tpu.memory_space<hbm>> -> memref<1x512xi32, #tpu.memory_space<hbm>>
      %dma_start3A_1097 = tpu.memref_squeeze %dma_start3A_1096 : memref<1x512xi32, #tpu.memory_space<hbm>> -> memref<512xi32, #tpu.memory_space<hbm>>
      %dma_start3A_1098 = arith.constant 11264 : i32
      %dma_start3A_1099 = tpu.memref_slice %arg10[%dma_start3A_1098] : memref<16384xi32, #tpu.memory_space<vmem>> -> memref<512xi32, #tpu.memory_space<vmem>>
      %dma_start3A_1100 = arith.constant 0 : i32
      %dma_start3A_1101 = tpu.memref_slice %arg2[%add3A_1092, %dma_start3A_1100] : memref<256x1024xi32, #tpu.memory_space<hbm>> -> memref<1x512xi32, #tpu.memory_space<hbm>>
      %dma_start3A_1102 = tpu.memref_squeeze %dma_start3A_1101 : memref<1x512xi32, #tpu.memory_space<hbm>> -> memref<512xi32, #tpu.memory_space<hbm>>
      tpu.enqueue_dma source(%dma_start3A_1102 : memref<512xi32, #tpu.memory_space<hbm>>) target(%dma_start3A_1099 : memref<512xi32, #tpu.memory_space<vmem>>) target_semaphore(%arg14 : memref<!tpu.dma_semaphore, #tpu.memory_space<semaphore_mem>>)
      %add3A_1103 = arith.constant 23 : i32
      %add3A_1104 = arith.addi %mul3A_32, %add3A_1103 : i32
      %dma_start3A_1105 = arith.constant 11776 : i32
      %dma_start3A_1106 = tpu.memref_slice %arg10[%dma_start3A_1105] : memref<16384xi32, #tpu.memory_space<vmem>> -> memref<512xi32, #tpu.memory_space<vmem>>
      %dma_start3A_1107 = arith.constant 0 : i32
      %dma_start3A_1108 = tpu.memref_slice %arg2[%add3A_1104, %dma_start3A_1107] : memref<256x1024xi32, #tpu.memory_space<hbm>> -> memref<1x512xi32, #tpu.memory_space<hbm>>
      %dma_start3A_1109 = tpu.memref_squeeze %dma_start3A_1108 : memref<1x512xi32, #tpu.memory_space<hbm>> -> memref<512xi32, #tpu.memory_space<hbm>>
      %dma_start3A_1110 = arith.constant 11776 : i32
      %dma_start3A_1111 = tpu.memref_slice %arg10[%dma_start3A_1110] : memref<16384xi32, #tpu.memory_space<vmem>> -> memref<512xi32, #tpu.memory_space<vmem>>
      %dma_start3A_1112 = arith.constant 0 : i32
      %dma_start3A_1113 = tpu.memref_slice %arg2[%add3A_1104, %dma_start3A_1112] : memref<256x1024xi32, #tpu.memory_space<hbm>> -> memref<1x512xi32, #tpu.memory_space<hbm>>
      %dma_start3A_1114 = tpu.memref_squeeze %dma_start3A_1113 : memref<1x512xi32, #tpu.memory_space<hbm>> -> memref<512xi32, #tpu.memory_space<hbm>>
      tpu.enqueue_dma source(%dma_start3A_1114 : memref<512xi32, #tpu.memory_space<hbm>>) target(%dma_start3A_1111 : memref<512xi32, #tpu.memory_space<vmem>>) target_semaphore(%arg14 : memref<!tpu.dma_semaphore, #tpu.memory_space<semaphore_mem>>)
      %add3A_1115 = arith.constant 24 : i32
      %add3A_1116 = arith.addi %mul3A_32, %add3A_1115 : i32
      %dma_start3A_1117 = arith.constant 12288 : i32
      %dma_start3A_1118 = tpu.memref_slice %arg10[%dma_start3A_1117] : memref<16384xi32, #tpu.memory_space<vmem>> -> memref<512xi32, #tpu.memory_space<vmem>>
      %dma_start3A_1119 = arith.constant 0 : i32
      %dma_start3A_1120 = tpu.memref_slice %arg2[%add3A_1116, %dma_start3A_1119] : memref<256x1024xi32, #tpu.memory_space<hbm>> -> memref<1x512xi32, #tpu.memory_space<hbm>>
      %dma_start3A_1121 = tpu.memref_squeeze %dma_start3A_1120 : memref<1x512xi32, #tpu.memory_space<hbm>> -> memref<512xi32, #tpu.memory_space<hbm>>
      %dma_start3A_1122 = arith.constant 12288 : i32
      %dma_start3A_1123 = tpu.memref_slice %arg10[%dma_start3A_1122] : memref<16384xi32, #tpu.memory_space<vmem>> -> memref<512xi32, #tpu.memory_space<vmem>>
      %dma_start3A_1124 = arith.constant 0 : i32
      %dma_start3A_1125 = tpu.memref_slice %arg2[%add3A_1116, %dma_start3A_1124] : memref<256x1024xi32, #tpu.memory_space<hbm>> -> memref<1x512xi32, #tpu.memory_space<hbm>>
      %dma_start3A_1126 = tpu.memref_squeeze %dma_start3A_1125 : memref<1x512xi32, #tpu.memory_space<hbm>> -> memref<512xi32, #tpu.memory_space<hbm>>
      tpu.enqueue_dma source(%dma_start3A_1126 : memref<512xi32, #tpu.memory_space<hbm>>) target(%dma_start3A_1123 : memref<512xi32, #tpu.memory_space<vmem>>) target_semaphore(%arg14 : memref<!tpu.dma_semaphore, #tpu.memory_space<semaphore_mem>>)
      %add3A_1127 = arith.constant 25 : i32
      %add3A_1128 = arith.addi %mul3A_32, %add3A_1127 : i32
      %dma_start3A_1129 = arith.constant 12800 : i32
      %dma_start3A_1130 = tpu.memref_slice %arg10[%dma_start3A_1129] : memref<16384xi32, #tpu.memory_space<vmem>> -> memref<512xi32, #tpu.memory_space<vmem>>
      %dma_start3A_1131 = arith.constant 0 : i32
      %dma_start3A_1132 = tpu.memref_slice %arg2[%add3A_1128, %dma_start3A_1131] : memref<256x1024xi32, #tpu.memory_space<hbm>> -> memref<1x512xi32, #tpu.memory_space<hbm>>
      %dma_start3A_1133 = tpu.memref_squeeze %dma_start3A_1132 : memref<1x512xi32, #tpu.memory_space<hbm>> -> memref<512xi32, #tpu.memory_space<hbm>>
      %dma_start3A_1134 = arith.constant 12800 : i32
      %dma_start3A_1135 = tpu.memref_slice %arg10[%dma_start3A_1134] : memref<16384xi32, #tpu.memory_space<vmem>> -> memref<512xi32, #tpu.memory_space<vmem>>
      %dma_start3A_1136 = arith.constant 0 : i32
      %dma_start3A_1137 = tpu.memref_slice %arg2[%add3A_1128, %dma_start3A_1136] : memref<256x1024xi32, #tpu.memory_space<hbm>> -> memref<1x512xi32, #tpu.memory_space<hbm>>
      %dma_start3A_1138 = tpu.memref_squeeze %dma_start3A_1137 : memref<1x512xi32, #tpu.memory_space<hbm>> -> memref<512xi32, #tpu.memory_space<hbm>>
      tpu.enqueue_dma source(%dma_start3A_1138 : memref<512xi32, #tpu.memory_space<hbm>>) target(%dma_start3A_1135 : memref<512xi32, #tpu.memory_space<vmem>>) target_semaphore(%arg14 : memref<!tpu.dma_semaphore, #tpu.memory_space<semaphore_mem>>)
      %add3A_1139 = arith.constant 26 : i32
      %add3A_1140 = arith.addi %mul3A_32, %add3A_1139 : i32
      %dma_start3A_1141 = arith.constant 13312 : i32
      %dma_start3A_1142 = tpu.memref_slice %arg10[%dma_start3A_1141] : memref<16384xi32, #tpu.memory_space<vmem>> -> memref<512xi32, #tpu.memory_space<vmem>>
      %dma_start3A_1143 = arith.constant 0 : i32
      %dma_start3A_1144 = tpu.memref_slice %arg2[%add3A_1140, %dma_start3A_1143] : memref<256x1024xi32, #tpu.memory_space<hbm>> -> memref<1x512xi32, #tpu.memory_space<hbm>>
      %dma_start3A_1145 = tpu.memref_squeeze %dma_start3A_1144 : memref<1x512xi32, #tpu.memory_space<hbm>> -> memref<512xi32, #tpu.memory_space<hbm>>
      %dma_start3A_1146 = arith.constant 13312 : i32
      %dma_start3A_1147 = tpu.memref_slice %arg10[%dma_start3A_1146] : memref<16384xi32, #tpu.memory_space<vmem>> -> memref<512xi32, #tpu.memory_space<vmem>>
      %dma_start3A_1148 = arith.constant 0 : i32
      %dma_start3A_1149 = tpu.memref_slice %arg2[%add3A_1140, %dma_start3A_1148] : memref<256x1024xi32, #tpu.memory_space<hbm>> -> memref<1x512xi32, #tpu.memory_space<hbm>>
      %dma_start3A_1150 = tpu.memref_squeeze %dma_start3A_1149 : memref<1x512xi32, #tpu.memory_space<hbm>> -> memref<512xi32, #tpu.memory_space<hbm>>
      tpu.enqueue_dma source(%dma_start3A_1150 : memref<512xi32, #tpu.memory_space<hbm>>) target(%dma_start3A_1147 : memref<512xi32, #tpu.memory_space<vmem>>) target_semaphore(%arg14 : memref<!tpu.dma_semaphore, #tpu.memory_space<semaphore_mem>>)
      %add3A_1151 = arith.constant 27 : i32
      %add3A_1152 = arith.addi %mul3A_32, %add3A_1151 : i32
      %dma_start3A_1153 = arith.constant 13824 : i32
      %dma_start3A_1154 = tpu.memref_slice %arg10[%dma_start3A_1153] : memref<16384xi32, #tpu.memory_space<vmem>> -> memref<512xi32, #tpu.memory_space<vmem>>
      %dma_start3A_1155 = arith.constant 0 : i32
      %dma_start3A_1156 = tpu.memref_slice %arg2[%add3A_1152, %dma_start3A_1155] : memref<256x1024xi32, #tpu.memory_space<hbm>> -> memref<1x512xi32, #tpu.memory_space<hbm>>
      %dma_start3A_1157 = tpu.memref_squeeze %dma_start3A_1156 : memref<1x512xi32, #tpu.memory_space<hbm>> -> memref<512xi32, #tpu.memory_space<hbm>>
      %dma_start3A_1158 = arith.constant 13824 : i32
      %dma_start3A_1159 = tpu.memref_slice %arg10[%dma_start3A_1158] : memref<16384xi32, #tpu.memory_space<vmem>> -> memref<512xi32, #tpu.memory_space<vmem>>
      %dma_start3A_1160 = arith.constant 0 : i32
      %dma_start3A_1161 = tpu.memref_slice %arg2[%add3A_1152, %dma_start3A_1160] : memref<256x1024xi32, #tpu.memory_space<hbm>> -> memref<1x512xi32, #tpu.memory_space<hbm>>
      %dma_start3A_1162 = tpu.memref_squeeze %dma_start3A_1161 : memref<1x512xi32, #tpu.memory_space<hbm>> -> memref<512xi32, #tpu.memory_space<hbm>>
      tpu.enqueue_dma source(%dma_start3A_1162 : memref<512xi32, #tpu.memory_space<hbm>>) target(%dma_start3A_1159 : memref<512xi32, #tpu.memory_space<vmem>>) target_semaphore(%arg14 : memref<!tpu.dma_semaphore, #tpu.memory_space<semaphore_mem>>)
      %add3A_1163 = arith.constant 28 : i32
      %add3A_1164 = arith.addi %mul3A_32, %add3A_1163 : i32
      %dma_start3A_1165 = arith.constant 14336 : i32
      %dma_start3A_1166 = tpu.memref_slice %arg10[%dma_start3A_1165] : memref<16384xi32, #tpu.memory_space<vmem>> -> memref<512xi32, #tpu.memory_space<vmem>>
      %dma_start3A_1167 = arith.constant 0 : i32
      %dma_start3A_1168 = tpu.memref_slice %arg2[%add3A_1164, %dma_start3A_1167] : memref<256x1024xi32, #tpu.memory_space<hbm>> -> memref<1x512xi32, #tpu.memory_space<hbm>>
      %dma_start3A_1169 = tpu.memref_squeeze %dma_start3A_1168 : memref<1x512xi32, #tpu.memory_space<hbm>> -> memref<512xi32, #tpu.memory_space<hbm>>
      %dma_start3A_1170 = arith.constant 14336 : i32
      %dma_start3A_1171 = tpu.memref_slice %arg10[%dma_start3A_1170] : memref<16384xi32, #tpu.memory_space<vmem>> -> memref<512xi32, #tpu.memory_space<vmem>>
      %dma_start3A_1172 = arith.constant 0 : i32
      %dma_start3A_1173 = tpu.memref_slice %arg2[%add3A_1164, %dma_start3A_1172] : memref<256x1024xi32, #tpu.memory_space<hbm>> -> memref<1x512xi32, #tpu.memory_space<hbm>>
      %dma_start3A_1174 = tpu.memref_squeeze %dma_start3A_1173 : memref<1x512xi32, #tpu.memory_space<hbm>> -> memref<512xi32, #tpu.memory_space<hbm>>
      tpu.enqueue_dma source(%dma_start3A_1174 : memref<512xi32, #tpu.memory_space<hbm>>) target(%dma_start3A_1171 : memref<512xi32, #tpu.memory_space<vmem>>) target_semaphore(%arg14 : memref<!tpu.dma_semaphore, #tpu.memory_space<semaphore_mem>>)
      %add3A_1175 = arith.constant 29 : i32
      %add3A_1176 = arith.addi %mul3A_32, %add3A_1175 : i32
      %dma_start3A_1177 = arith.constant 14848 : i32
      %dma_start3A_1178 = tpu.memref_slice %arg10[%dma_start3A_1177] : memref<16384xi32, #tpu.memory_space<vmem>> -> memref<512xi32, #tpu.memory_space<vmem>>
      %dma_start3A_1179 = arith.constant 0 : i32
      %dma_start3A_1180 = tpu.memref_slice %arg2[%add3A_1176, %dma_start3A_1179] : memref<256x1024xi32, #tpu.memory_space<hbm>> -> memref<1x512xi32, #tpu.memory_space<hbm>>
      %dma_start3A_1181 = tpu.memref_squeeze %dma_start3A_1180 : memref<1x512xi32, #tpu.memory_space<hbm>> -> memref<512xi32, #tpu.memory_space<hbm>>
      %dma_start3A_1182 = arith.constant 14848 : i32
      %dma_start3A_1183 = tpu.memref_slice %arg10[%dma_start3A_1182] : memref<16384xi32, #tpu.memory_space<vmem>> -> memref<512xi32, #tpu.memory_space<vmem>>
      %dma_start3A_1184 = arith.constant 0 : i32
      %dma_start3A_1185 = tpu.memref_slice %arg2[%add3A_1176, %dma_start3A_1184] : memref<256x1024xi32, #tpu.memory_space<hbm>> -> memref<1x512xi32, #tpu.memory_space<hbm>>
      %dma_start3A_1186 = tpu.memref_squeeze %dma_start3A_1185 : memref<1x512xi32, #tpu.memory_space<hbm>> -> memref<512xi32, #tpu.memory_space<hbm>>
      tpu.enqueue_dma source(%dma_start3A_1186 : memref<512xi32, #tpu.memory_space<hbm>>) target(%dma_start3A_1183 : memref<512xi32, #tpu.memory_space<vmem>>) target_semaphore(%arg14 : memref<!tpu.dma_semaphore, #tpu.memory_space<semaphore_mem>>)
      %add3A_1187 = arith.constant 30 : i32
      %add3A_1188 = arith.addi %mul3A_32, %add3A_1187 : i32
      %dma_start3A_1189 = arith.constant 15360 : i32
      %dma_start3A_1190 = tpu.memref_slice %arg10[%dma_start3A_1189] : memref<16384xi32, #tpu.memory_space<vmem>> -> memref<512xi32, #tpu.memory_space<vmem>>
      %dma_start3A_1191 = arith.constant 0 : i32
      %dma_start3A_1192 = tpu.memref_slice %arg2[%add3A_1188, %dma_start3A_1191] : memref<256x1024xi32, #tpu.memory_space<hbm>> -> memref<1x512xi32, #tpu.memory_space<hbm>>
      %dma_start3A_1193 = tpu.memref_squeeze %dma_start3A_1192 : memref<1x512xi32, #tpu.memory_space<hbm>> -> memref<512xi32, #tpu.memory_space<hbm>>
      %dma_start3A_1194 = arith.constant 15360 : i32
      %dma_start3A_1195 = tpu.memref_slice %arg10[%dma_start3A_1194] : memref<16384xi32, #tpu.memory_space<vmem>> -> memref<512xi32, #tpu.memory_space<vmem>>
      %dma_start3A_1196 = arith.constant 0 : i32
      %dma_start3A_1197 = tpu.memref_slice %arg2[%add3A_1188, %dma_start3A_1196] : memref<256x1024xi32, #tpu.memory_space<hbm>> -> memref<1x512xi32, #tpu.memory_space<hbm>>
      %dma_start3A_1198 = tpu.memref_squeeze %dma_start3A_1197 : memref<1x512xi32, #tpu.memory_space<hbm>> -> memref<512xi32, #tpu.memory_space<hbm>>
      tpu.enqueue_dma source(%dma_start3A_1198 : memref<512xi32, #tpu.memory_space<hbm>>) target(%dma_start3A_1195 : memref<512xi32, #tpu.memory_space<vmem>>) target_semaphore(%arg14 : memref<!tpu.dma_semaphore, #tpu.memory_space<semaphore_mem>>)
      %add3A_1199 = arith.constant 31 : i32
      %add3A_1200 = arith.addi %mul3A_32, %add3A_1199 : i32
      %dma_start3A_1201 = arith.constant 15872 : i32
      %dma_start3A_1202 = tpu.memref_slice %arg10[%dma_start3A_1201] : memref<16384xi32, #tpu.memory_space<vmem>> -> memref<512xi32, #tpu.memory_space<vmem>>
      %dma_start3A_1203 = arith.constant 0 : i32
      %dma_start3A_1204 = tpu.memref_slice %arg2[%add3A_1200, %dma_start3A_1203] : memref<256x1024xi32, #tpu.memory_space<hbm>> -> memref<1x512xi32, #tpu.memory_space<hbm>>
      %dma_start3A_1205 = tpu.memref_squeeze %dma_start3A_1204 : memref<1x512xi32, #tpu.memory_space<hbm>> -> memref<512xi32, #tpu.memory_space<hbm>>
      %dma_start3A_1206 = arith.constant 15872 : i32
      %dma_start3A_1207 = tpu.memref_slice %arg10[%dma_start3A_1206] : memref<16384xi32, #tpu.memory_space<vmem>> -> memref<512xi32, #tpu.memory_space<vmem>>
      %dma_start3A_1208 = arith.constant 0 : i32
      %dma_start3A_1209 = tpu.memref_slice %arg2[%add3A_1200, %dma_start3A_1208] : memref<256x1024xi32, #tpu.memory_space<hbm>> -> memref<1x512xi32, #tpu.memory_space<hbm>>
      %dma_start3A_1210 = tpu.memref_squeeze %dma_start3A_1209 : memref<1x512xi32, #tpu.memory_space<hbm>> -> memref<512xi32, #tpu.memory_space<hbm>>
      tpu.enqueue_dma source(%dma_start3A_1210 : memref<512xi32, #tpu.memory_space<hbm>>) target(%dma_start3A_1207 : memref<512xi32, #tpu.memory_space<vmem>>) target_semaphore(%arg14 : memref<!tpu.dma_semaphore, #tpu.memory_space<semaphore_mem>>)
      %dma_start3A_1211 = arith.constant 0 : i32
      %dma_start3A_1212 = tpu.memref_slice %arg5[%dma_start3A_1211] : memref<1024xi32, #tpu.memory_space<hbm>> -> memref<512xi32, #tpu.memory_space<hbm>>
      %dma_start3A_1213 = arith.constant 0 : i32
      %dma_start3A_1214 = tpu.memref_slice %arg5[%dma_start3A_1213] : memref<1024xi32, #tpu.memory_space<hbm>> -> memref<512xi32, #tpu.memory_space<hbm>>
      tpu.enqueue_dma source(%dma_start3A_1214 : memref<512xi32, #tpu.memory_space<hbm>>) target(%arg12 : memref<512xi32, #tpu.memory_space<vmem>>) target_semaphore(%arg14 : memref<!tpu.dma_semaphore, #tpu.memory_space<semaphore_mem>>)
    } else {
    }
    %eq3A_36 = arith.constant 1 : i32
    %eq3A_37 = arith.cmpi eq, %select_n3A, %eq3A_36 : i32
    %convert_element_type3A_38 = arith.extui %eq3A_37 : i1 to i32
    %cond3A_39 = arith.constant 0 : i32
    %cond3A_40 = arith.cmpi ne, %convert_element_type3A_38, %cond3A_39 : i32
    scf.if %cond3A_40 {
      %add3A_827 = arith.constant 0 : i32
      %add3A_828 = arith.addi %mul3A_32, %add3A_827 : i32
      %dma_start3A_829 = arith.constant 0 : i32
      %dma_start3A_830 = tpu.memref_slice %arg10[%dma_start3A_829] : memref<16384xi32, #tpu.memory_space<vmem>> -> memref<512xi32, #tpu.memory_space<vmem>>
      %dma_start3A_831 = arith.constant 512 : i32
      %dma_start3A_832 = tpu.memref_slice %arg2[%add3A_828, %dma_start3A_831] : memref<256x1024xi32, #tpu.memory_space<hbm>> -> memref<1x512xi32, #tpu.memory_space<hbm>>
      %dma_start3A_833 = tpu.memref_squeeze %dma_start3A_832 : memref<1x512xi32, #tpu.memory_space<hbm>> -> memref<512xi32, #tpu.memory_space<hbm>>
      %dma_start3A_834 = arith.constant 0 : i32
      %dma_start3A_835 = tpu.memref_slice %arg10[%dma_start3A_834] : memref<16384xi32, #tpu.memory_space<vmem>> -> memref<512xi32, #tpu.memory_space<vmem>>
      %dma_start3A_836 = arith.constant 512 : i32
      %dma_start3A_837 = tpu.memref_slice %arg2[%add3A_828, %dma_start3A_836] : memref<256x1024xi32, #tpu.memory_space<hbm>> -> memref<1x512xi32, #tpu.memory_space<hbm>>
      %dma_start3A_838 = tpu.memref_squeeze %dma_start3A_837 : memref<1x512xi32, #tpu.memory_space<hbm>> -> memref<512xi32, #tpu.memory_space<hbm>>
      tpu.enqueue_dma source(%dma_start3A_838 : memref<512xi32, #tpu.memory_space<hbm>>) target(%dma_start3A_835 : memref<512xi32, #tpu.memory_space<vmem>>) target_semaphore(%arg14 : memref<!tpu.dma_semaphore, #tpu.memory_space<semaphore_mem>>)
      %add3A_839 = arith.constant 1 : i32
      %add3A_840 = arith.addi %mul3A_32, %add3A_839 : i32
      %dma_start3A_841 = arith.constant 512 : i32
      %dma_start3A_842 = tpu.memref_slice %arg10[%dma_start3A_841] : memref<16384xi32, #tpu.memory_space<vmem>> -> memref<512xi32, #tpu.memory_space<vmem>>
      %dma_start3A_843 = arith.constant 512 : i32
      %dma_start3A_844 = tpu.memref_slice %arg2[%add3A_840, %dma_start3A_843] : memref<256x1024xi32, #tpu.memory_space<hbm>> -> memref<1x512xi32, #tpu.memory_space<hbm>>
      %dma_start3A_845 = tpu.memref_squeeze %dma_start3A_844 : memref<1x512xi32, #tpu.memory_space<hbm>> -> memref<512xi32, #tpu.memory_space<hbm>>
      %dma_start3A_846 = arith.constant 512 : i32
      %dma_start3A_847 = tpu.memref_slice %arg10[%dma_start3A_846] : memref<16384xi32, #tpu.memory_space<vmem>> -> memref<512xi32, #tpu.memory_space<vmem>>
      %dma_start3A_848 = arith.constant 512 : i32
      %dma_start3A_849 = tpu.memref_slice %arg2[%add3A_840, %dma_start3A_848] : memref<256x1024xi32, #tpu.memory_space<hbm>> -> memref<1x512xi32, #tpu.memory_space<hbm>>
      %dma_start3A_850 = tpu.memref_squeeze %dma_start3A_849 : memref<1x512xi32, #tpu.memory_space<hbm>> -> memref<512xi32, #tpu.memory_space<hbm>>
      tpu.enqueue_dma source(%dma_start3A_850 : memref<512xi32, #tpu.memory_space<hbm>>) target(%dma_start3A_847 : memref<512xi32, #tpu.memory_space<vmem>>) target_semaphore(%arg14 : memref<!tpu.dma_semaphore, #tpu.memory_space<semaphore_mem>>)
      %add3A_851 = arith.constant 2 : i32
      %add3A_852 = arith.addi %mul3A_32, %add3A_851 : i32
      %dma_start3A_853 = arith.constant 1024 : i32
      %dma_start3A_854 = tpu.memref_slice %arg10[%dma_start3A_853] : memref<16384xi32, #tpu.memory_space<vmem>> -> memref<512xi32, #tpu.memory_space<vmem>>
      %dma_start3A_855 = arith.constant 512 : i32
      %dma_start3A_856 = tpu.memref_slice %arg2[%add3A_852, %dma_start3A_855] : memref<256x1024xi32, #tpu.memory_space<hbm>> -> memref<1x512xi32, #tpu.memory_space<hbm>>
      %dma_start3A_857 = tpu.memref_squeeze %dma_start3A_856 : memref<1x512xi32, #tpu.memory_space<hbm>> -> memref<512xi32, #tpu.memory_space<hbm>>
      %dma_start3A_858 = arith.constant 1024 : i32
      %dma_start3A_859 = tpu.memref_slice %arg10[%dma_start3A_858] : memref<16384xi32, #tpu.memory_space<vmem>> -> memref<512xi32, #tpu.memory_space<vmem>>
      %dma_start3A_860 = arith.constant 512 : i32
      %dma_start3A_861 = tpu.memref_slice %arg2[%add3A_852, %dma_start3A_860] : memref<256x1024xi32, #tpu.memory_space<hbm>> -> memref<1x512xi32, #tpu.memory_space<hbm>>
      %dma_start3A_862 = tpu.memref_squeeze %dma_start3A_861 : memref<1x512xi32, #tpu.memory_space<hbm>> -> memref<512xi32, #tpu.memory_space<hbm>>
      tpu.enqueue_dma source(%dma_start3A_862 : memref<512xi32, #tpu.memory_space<hbm>>) target(%dma_start3A_859 : memref<512xi32, #tpu.memory_space<vmem>>) target_semaphore(%arg14 : memref<!tpu.dma_semaphore, #tpu.memory_space<semaphore_mem>>)
      %add3A_863 = arith.constant 3 : i32
      %add3A_864 = arith.addi %mul3A_32, %add3A_863 : i32
      %dma_start3A_865 = arith.constant 1536 : i32
      %dma_start3A_866 = tpu.memref_slice %arg10[%dma_start3A_865] : memref<16384xi32, #tpu.memory_space<vmem>> -> memref<512xi32, #tpu.memory_space<vmem>>
      %dma_start3A_867 = arith.constant 512 : i32
      %dma_start3A_868 = tpu.memref_slice %arg2[%add3A_864, %dma_start3A_867] : memref<256x1024xi32, #tpu.memory_space<hbm>> -> memref<1x512xi32, #tpu.memory_space<hbm>>
      %dma_start3A_869 = tpu.memref_squeeze %dma_start3A_868 : memref<1x512xi32, #tpu.memory_space<hbm>> -> memref<512xi32, #tpu.memory_space<hbm>>
      %dma_start3A_870 = arith.constant 1536 : i32
      %dma_start3A_871 = tpu.memref_slice %arg10[%dma_start3A_870] : memref<16384xi32, #tpu.memory_space<vmem>> -> memref<512xi32, #tpu.memory_space<vmem>>
      %dma_start3A_872 = arith.constant 512 : i32
      %dma_start3A_873 = tpu.memref_slice %arg2[%add3A_864, %dma_start3A_872] : memref<256x1024xi32, #tpu.memory_space<hbm>> -> memref<1x512xi32, #tpu.memory_space<hbm>>
      %dma_start3A_874 = tpu.memref_squeeze %dma_start3A_873 : memref<1x512xi32, #tpu.memory_space<hbm>> -> memref<512xi32, #tpu.memory_space<hbm>>
      tpu.enqueue_dma source(%dma_start3A_874 : memref<512xi32, #tpu.memory_space<hbm>>) target(%dma_start3A_871 : memref<512xi32, #tpu.memory_space<vmem>>) target_semaphore(%arg14 : memref<!tpu.dma_semaphore, #tpu.memory_space<semaphore_mem>>)
      %add3A_875 = arith.constant 4 : i32
      %add3A_876 = arith.addi %mul3A_32, %add3A_875 : i32
      %dma_start3A_877 = arith.constant 2048 : i32
      %dma_start3A_878 = tpu.memref_slice %arg10[%dma_start3A_877] : memref<16384xi32, #tpu.memory_space<vmem>> -> memref<512xi32, #tpu.memory_space<vmem>>
      %dma_start3A_879 = arith.constant 512 : i32
      %dma_start3A_880 = tpu.memref_slice %arg2[%add3A_876, %dma_start3A_879] : memref<256x1024xi32, #tpu.memory_space<hbm>> -> memref<1x512xi32, #tpu.memory_space<hbm>>
      %dma_start3A_881 = tpu.memref_squeeze %dma_start3A_880 : memref<1x512xi32, #tpu.memory_space<hbm>> -> memref<512xi32, #tpu.memory_space<hbm>>
      %dma_start3A_882 = arith.constant 2048 : i32
      %dma_start3A_883 = tpu.memref_slice %arg10[%dma_start3A_882] : memref<16384xi32, #tpu.memory_space<vmem>> -> memref<512xi32, #tpu.memory_space<vmem>>
      %dma_start3A_884 = arith.constant 512 : i32
      %dma_start3A_885 = tpu.memref_slice %arg2[%add3A_876, %dma_start3A_884] : memref<256x1024xi32, #tpu.memory_space<hbm>> -> memref<1x512xi32, #tpu.memory_space<hbm>>
      %dma_start3A_886 = tpu.memref_squeeze %dma_start3A_885 : memref<1x512xi32, #tpu.memory_space<hbm>> -> memref<512xi32, #tpu.memory_space<hbm>>
      tpu.enqueue_dma source(%dma_start3A_886 : memref<512xi32, #tpu.memory_space<hbm>>) target(%dma_start3A_883 : memref<512xi32, #tpu.memory_space<vmem>>) target_semaphore(%arg14 : memref<!tpu.dma_semaphore, #tpu.memory_space<semaphore_mem>>)
      %add3A_887 = arith.constant 5 : i32
      %add3A_888 = arith.addi %mul3A_32, %add3A_887 : i32
      %dma_start3A_889 = arith.constant 2560 : i32
      %dma_start3A_890 = tpu.memref_slice %arg10[%dma_start3A_889] : memref<16384xi32, #tpu.memory_space<vmem>> -> memref<512xi32, #tpu.memory_space<vmem>>
      %dma_start3A_891 = arith.constant 512 : i32
      %dma_start3A_892 = tpu.memref_slice %arg2[%add3A_888, %dma_start3A_891] : memref<256x1024xi32, #tpu.memory_space<hbm>> -> memref<1x512xi32, #tpu.memory_space<hbm>>
      %dma_start3A_893 = tpu.memref_squeeze %dma_start3A_892 : memref<1x512xi32, #tpu.memory_space<hbm>> -> memref<512xi32, #tpu.memory_space<hbm>>
      %dma_start3A_894 = arith.constant 2560 : i32
      %dma_start3A_895 = tpu.memref_slice %arg10[%dma_start3A_894] : memref<16384xi32, #tpu.memory_space<vmem>> -> memref<512xi32, #tpu.memory_space<vmem>>
      %dma_start3A_896 = arith.constant 512 : i32
      %dma_start3A_897 = tpu.memref_slice %arg2[%add3A_888, %dma_start3A_896] : memref<256x1024xi32, #tpu.memory_space<hbm>> -> memref<1x512xi32, #tpu.memory_space<hbm>>
      %dma_start3A_898 = tpu.memref_squeeze %dma_start3A_897 : memref<1x512xi32, #tpu.memory_space<hbm>> -> memref<512xi32, #tpu.memory_space<hbm>>
      tpu.enqueue_dma source(%dma_start3A_898 : memref<512xi32, #tpu.memory_space<hbm>>) target(%dma_start3A_895 : memref<512xi32, #tpu.memory_space<vmem>>) target_semaphore(%arg14 : memref<!tpu.dma_semaphore, #tpu.memory_space<semaphore_mem>>)
      %add3A_899 = arith.constant 6 : i32
      %add3A_900 = arith.addi %mul3A_32, %add3A_899 : i32
      %dma_start3A_901 = arith.constant 3072 : i32
      %dma_start3A_902 = tpu.memref_slice %arg10[%dma_start3A_901] : memref<16384xi32, #tpu.memory_space<vmem>> -> memref<512xi32, #tpu.memory_space<vmem>>
      %dma_start3A_903 = arith.constant 512 : i32
      %dma_start3A_904 = tpu.memref_slice %arg2[%add3A_900, %dma_start3A_903] : memref<256x1024xi32, #tpu.memory_space<hbm>> -> memref<1x512xi32, #tpu.memory_space<hbm>>
      %dma_start3A_905 = tpu.memref_squeeze %dma_start3A_904 : memref<1x512xi32, #tpu.memory_space<hbm>> -> memref<512xi32, #tpu.memory_space<hbm>>
      %dma_start3A_906 = arith.constant 3072 : i32
      %dma_start3A_907 = tpu.memref_slice %arg10[%dma_start3A_906] : memref<16384xi32, #tpu.memory_space<vmem>> -> memref<512xi32, #tpu.memory_space<vmem>>
      %dma_start3A_908 = arith.constant 512 : i32
      %dma_start3A_909 = tpu.memref_slice %arg2[%add3A_900, %dma_start3A_908] : memref<256x1024xi32, #tpu.memory_space<hbm>> -> memref<1x512xi32, #tpu.memory_space<hbm>>
      %dma_start3A_910 = tpu.memref_squeeze %dma_start3A_909 : memref<1x512xi32, #tpu.memory_space<hbm>> -> memref<512xi32, #tpu.memory_space<hbm>>
      tpu.enqueue_dma source(%dma_start3A_910 : memref<512xi32, #tpu.memory_space<hbm>>) target(%dma_start3A_907 : memref<512xi32, #tpu.memory_space<vmem>>) target_semaphore(%arg14 : memref<!tpu.dma_semaphore, #tpu.memory_space<semaphore_mem>>)
      %add3A_911 = arith.constant 7 : i32
      %add3A_912 = arith.addi %mul3A_32, %add3A_911 : i32
      %dma_start3A_913 = arith.constant 3584 : i32
      %dma_start3A_914 = tpu.memref_slice %arg10[%dma_start3A_913] : memref<16384xi32, #tpu.memory_space<vmem>> -> memref<512xi32, #tpu.memory_space<vmem>>
      %dma_start3A_915 = arith.constant 512 : i32
      %dma_start3A_916 = tpu.memref_slice %arg2[%add3A_912, %dma_start3A_915] : memref<256x1024xi32, #tpu.memory_space<hbm>> -> memref<1x512xi32, #tpu.memory_space<hbm>>
      %dma_start3A_917 = tpu.memref_squeeze %dma_start3A_916 : memref<1x512xi32, #tpu.memory_space<hbm>> -> memref<512xi32, #tpu.memory_space<hbm>>
      %dma_start3A_918 = arith.constant 3584 : i32
      %dma_start3A_919 = tpu.memref_slice %arg10[%dma_start3A_918] : memref<16384xi32, #tpu.memory_space<vmem>> -> memref<512xi32, #tpu.memory_space<vmem>>
      %dma_start3A_920 = arith.constant 512 : i32
      %dma_start3A_921 = tpu.memref_slice %arg2[%add3A_912, %dma_start3A_920] : memref<256x1024xi32, #tpu.memory_space<hbm>> -> memref<1x512xi32, #tpu.memory_space<hbm>>
      %dma_start3A_922 = tpu.memref_squeeze %dma_start3A_921 : memref<1x512xi32, #tpu.memory_space<hbm>> -> memref<512xi32, #tpu.memory_space<hbm>>
      tpu.enqueue_dma source(%dma_start3A_922 : memref<512xi32, #tpu.memory_space<hbm>>) target(%dma_start3A_919 : memref<512xi32, #tpu.memory_space<vmem>>) target_semaphore(%arg14 : memref<!tpu.dma_semaphore, #tpu.memory_space<semaphore_mem>>)
      %add3A_923 = arith.constant 8 : i32
      %add3A_924 = arith.addi %mul3A_32, %add3A_923 : i32
      %dma_start3A_925 = arith.constant 4096 : i32
      %dma_start3A_926 = tpu.memref_slice %arg10[%dma_start3A_925] : memref<16384xi32, #tpu.memory_space<vmem>> -> memref<512xi32, #tpu.memory_space<vmem>>
      %dma_start3A_927 = arith.constant 512 : i32
      %dma_start3A_928 = tpu.memref_slice %arg2[%add3A_924, %dma_start3A_927] : memref<256x1024xi32, #tpu.memory_space<hbm>> -> memref<1x512xi32, #tpu.memory_space<hbm>>
      %dma_start3A_929 = tpu.memref_squeeze %dma_start3A_928 : memref<1x512xi32, #tpu.memory_space<hbm>> -> memref<512xi32, #tpu.memory_space<hbm>>
      %dma_start3A_930 = arith.constant 4096 : i32
      %dma_start3A_931 = tpu.memref_slice %arg10[%dma_start3A_930] : memref<16384xi32, #tpu.memory_space<vmem>> -> memref<512xi32, #tpu.memory_space<vmem>>
      %dma_start3A_932 = arith.constant 512 : i32
      %dma_start3A_933 = tpu.memref_slice %arg2[%add3A_924, %dma_start3A_932] : memref<256x1024xi32, #tpu.memory_space<hbm>> -> memref<1x512xi32, #tpu.memory_space<hbm>>
      %dma_start3A_934 = tpu.memref_squeeze %dma_start3A_933 : memref<1x512xi32, #tpu.memory_space<hbm>> -> memref<512xi32, #tpu.memory_space<hbm>>
      tpu.enqueue_dma source(%dma_start3A_934 : memref<512xi32, #tpu.memory_space<hbm>>) target(%dma_start3A_931 : memref<512xi32, #tpu.memory_space<vmem>>) target_semaphore(%arg14 : memref<!tpu.dma_semaphore, #tpu.memory_space<semaphore_mem>>)
      %add3A_935 = arith.constant 9 : i32
      %add3A_936 = arith.addi %mul3A_32, %add3A_935 : i32
      %dma_start3A_937 = arith.constant 4608 : i32
      %dma_start3A_938 = tpu.memref_slice %arg10[%dma_start3A_937] : memref<16384xi32, #tpu.memory_space<vmem>> -> memref<512xi32, #tpu.memory_space<vmem>>
      %dma_start3A_939 = arith.constant 512 : i32
      %dma_start3A_940 = tpu.memref_slice %arg2[%add3A_936, %dma_start3A_939] : memref<256x1024xi32, #tpu.memory_space<hbm>> -> memref<1x512xi32, #tpu.memory_space<hbm>>
      %dma_start3A_941 = tpu.memref_squeeze %dma_start3A_940 : memref<1x512xi32, #tpu.memory_space<hbm>> -> memref<512xi32, #tpu.memory_space<hbm>>
      %dma_start3A_942 = arith.constant 4608 : i32
      %dma_start3A_943 = tpu.memref_slice %arg10[%dma_start3A_942] : memref<16384xi32, #tpu.memory_space<vmem>> -> memref<512xi32, #tpu.memory_space<vmem>>
      %dma_start3A_944 = arith.constant 512 : i32
      %dma_start3A_945 = tpu.memref_slice %arg2[%add3A_936, %dma_start3A_944] : memref<256x1024xi32, #tpu.memory_space<hbm>> -> memref<1x512xi32, #tpu.memory_space<hbm>>
      %dma_start3A_946 = tpu.memref_squeeze %dma_start3A_945 : memref<1x512xi32, #tpu.memory_space<hbm>> -> memref<512xi32, #tpu.memory_space<hbm>>
      tpu.enqueue_dma source(%dma_start3A_946 : memref<512xi32, #tpu.memory_space<hbm>>) target(%dma_start3A_943 : memref<512xi32, #tpu.memory_space<vmem>>) target_semaphore(%arg14 : memref<!tpu.dma_semaphore, #tpu.memory_space<semaphore_mem>>)
      %add3A_947 = arith.constant 10 : i32
      %add3A_948 = arith.addi %mul3A_32, %add3A_947 : i32
      %dma_start3A_949 = arith.constant 5120 : i32
      %dma_start3A_950 = tpu.memref_slice %arg10[%dma_start3A_949] : memref<16384xi32, #tpu.memory_space<vmem>> -> memref<512xi32, #tpu.memory_space<vmem>>
      %dma_start3A_951 = arith.constant 512 : i32
      %dma_start3A_952 = tpu.memref_slice %arg2[%add3A_948, %dma_start3A_951] : memref<256x1024xi32, #tpu.memory_space<hbm>> -> memref<1x512xi32, #tpu.memory_space<hbm>>
      %dma_start3A_953 = tpu.memref_squeeze %dma_start3A_952 : memref<1x512xi32, #tpu.memory_space<hbm>> -> memref<512xi32, #tpu.memory_space<hbm>>
      %dma_start3A_954 = arith.constant 5120 : i32
      %dma_start3A_955 = tpu.memref_slice %arg10[%dma_start3A_954] : memref<16384xi32, #tpu.memory_space<vmem>> -> memref<512xi32, #tpu.memory_space<vmem>>
      %dma_start3A_956 = arith.constant 512 : i32
      %dma_start3A_957 = tpu.memref_slice %arg2[%add3A_948, %dma_start3A_956] : memref<256x1024xi32, #tpu.memory_space<hbm>> -> memref<1x512xi32, #tpu.memory_space<hbm>>
      %dma_start3A_958 = tpu.memref_squeeze %dma_start3A_957 : memref<1x512xi32, #tpu.memory_space<hbm>> -> memref<512xi32, #tpu.memory_space<hbm>>
      tpu.enqueue_dma source(%dma_start3A_958 : memref<512xi32, #tpu.memory_space<hbm>>) target(%dma_start3A_955 : memref<512xi32, #tpu.memory_space<vmem>>) target_semaphore(%arg14 : memref<!tpu.dma_semaphore, #tpu.memory_space<semaphore_mem>>)
      %add3A_959 = arith.constant 11 : i32
      %add3A_960 = arith.addi %mul3A_32, %add3A_959 : i32
      %dma_start3A_961 = arith.constant 5632 : i32
      %dma_start3A_962 = tpu.memref_slice %arg10[%dma_start3A_961] : memref<16384xi32, #tpu.memory_space<vmem>> -> memref<512xi32, #tpu.memory_space<vmem>>
      %dma_start3A_963 = arith.constant 512 : i32
      %dma_start3A_964 = tpu.memref_slice %arg2[%add3A_960, %dma_start3A_963] : memref<256x1024xi32, #tpu.memory_space<hbm>> -> memref<1x512xi32, #tpu.memory_space<hbm>>
      %dma_start3A_965 = tpu.memref_squeeze %dma_start3A_964 : memref<1x512xi32, #tpu.memory_space<hbm>> -> memref<512xi32, #tpu.memory_space<hbm>>
      %dma_start3A_966 = arith.constant 5632 : i32
      %dma_start3A_967 = tpu.memref_slice %arg10[%dma_start3A_966] : memref<16384xi32, #tpu.memory_space<vmem>> -> memref<512xi32, #tpu.memory_space<vmem>>
      %dma_start3A_968 = arith.constant 512 : i32
      %dma_start3A_969 = tpu.memref_slice %arg2[%add3A_960, %dma_start3A_968] : memref<256x1024xi32, #tpu.memory_space<hbm>> -> memref<1x512xi32, #tpu.memory_space<hbm>>
      %dma_start3A_970 = tpu.memref_squeeze %dma_start3A_969 : memref<1x512xi32, #tpu.memory_space<hbm>> -> memref<512xi32, #tpu.memory_space<hbm>>
      tpu.enqueue_dma source(%dma_start3A_970 : memref<512xi32, #tpu.memory_space<hbm>>) target(%dma_start3A_967 : memref<512xi32, #tpu.memory_space<vmem>>) target_semaphore(%arg14 : memref<!tpu.dma_semaphore, #tpu.memory_space<semaphore_mem>>)
      %add3A_971 = arith.constant 12 : i32
      %add3A_972 = arith.addi %mul3A_32, %add3A_971 : i32
      %dma_start3A_973 = arith.constant 6144 : i32
      %dma_start3A_974 = tpu.memref_slice %arg10[%dma_start3A_973] : memref<16384xi32, #tpu.memory_space<vmem>> -> memref<512xi32, #tpu.memory_space<vmem>>
      %dma_start3A_975 = arith.constant 512 : i32
      %dma_start3A_976 = tpu.memref_slice %arg2[%add3A_972, %dma_start3A_975] : memref<256x1024xi32, #tpu.memory_space<hbm>> -> memref<1x512xi32, #tpu.memory_space<hbm>>
      %dma_start3A_977 = tpu.memref_squeeze %dma_start3A_976 : memref<1x512xi32, #tpu.memory_space<hbm>> -> memref<512xi32, #tpu.memory_space<hbm>>
      %dma_start3A_978 = arith.constant 6144 : i32
      %dma_start3A_979 = tpu.memref_slice %arg10[%dma_start3A_978] : memref<16384xi32, #tpu.memory_space<vmem>> -> memref<512xi32, #tpu.memory_space<vmem>>
      %dma_start3A_980 = arith.constant 512 : i32
      %dma_start3A_981 = tpu.memref_slice %arg2[%add3A_972, %dma_start3A_980] : memref<256x1024xi32, #tpu.memory_space<hbm>> -> memref<1x512xi32, #tpu.memory_space<hbm>>
      %dma_start3A_982 = tpu.memref_squeeze %dma_start3A_981 : memref<1x512xi32, #tpu.memory_space<hbm>> -> memref<512xi32, #tpu.memory_space<hbm>>
      tpu.enqueue_dma source(%dma_start3A_982 : memref<512xi32, #tpu.memory_space<hbm>>) target(%dma_start3A_979 : memref<512xi32, #tpu.memory_space<vmem>>) target_semaphore(%arg14 : memref<!tpu.dma_semaphore, #tpu.memory_space<semaphore_mem>>)
      %add3A_983 = arith.constant 13 : i32
      %add3A_984 = arith.addi %mul3A_32, %add3A_983 : i32
      %dma_start3A_985 = arith.constant 6656 : i32
      %dma_start3A_986 = tpu.memref_slice %arg10[%dma_start3A_985] : memref<16384xi32, #tpu.memory_space<vmem>> -> memref<512xi32, #tpu.memory_space<vmem>>
      %dma_start3A_987 = arith.constant 512 : i32
      %dma_start3A_988 = tpu.memref_slice %arg2[%add3A_984, %dma_start3A_987] : memref<256x1024xi32, #tpu.memory_space<hbm>> -> memref<1x512xi32, #tpu.memory_space<hbm>>
      %dma_start3A_989 = tpu.memref_squeeze %dma_start3A_988 : memref<1x512xi32, #tpu.memory_space<hbm>> -> memref<512xi32, #tpu.memory_space<hbm>>
      %dma_start3A_990 = arith.constant 6656 : i32
      %dma_start3A_991 = tpu.memref_slice %arg10[%dma_start3A_990] : memref<16384xi32, #tpu.memory_space<vmem>> -> memref<512xi32, #tpu.memory_space<vmem>>
      %dma_start3A_992 = arith.constant 512 : i32
      %dma_start3A_993 = tpu.memref_slice %arg2[%add3A_984, %dma_start3A_992] : memref<256x1024xi32, #tpu.memory_space<hbm>> -> memref<1x512xi32, #tpu.memory_space<hbm>>
      %dma_start3A_994 = tpu.memref_squeeze %dma_start3A_993 : memref<1x512xi32, #tpu.memory_space<hbm>> -> memref<512xi32, #tpu.memory_space<hbm>>
      tpu.enqueue_dma source(%dma_start3A_994 : memref<512xi32, #tpu.memory_space<hbm>>) target(%dma_start3A_991 : memref<512xi32, #tpu.memory_space<vmem>>) target_semaphore(%arg14 : memref<!tpu.dma_semaphore, #tpu.memory_space<semaphore_mem>>)
      %add3A_995 = arith.constant 14 : i32
      %add3A_996 = arith.addi %mul3A_32, %add3A_995 : i32
      %dma_start3A_997 = arith.constant 7168 : i32
      %dma_start3A_998 = tpu.memref_slice %arg10[%dma_start3A_997] : memref<16384xi32, #tpu.memory_space<vmem>> -> memref<512xi32, #tpu.memory_space<vmem>>
      %dma_start3A_999 = arith.constant 512 : i32
      %dma_start3A_1000 = tpu.memref_slice %arg2[%add3A_996, %dma_start3A_999] : memref<256x1024xi32, #tpu.memory_space<hbm>> -> memref<1x512xi32, #tpu.memory_space<hbm>>
      %dma_start3A_1001 = tpu.memref_squeeze %dma_start3A_1000 : memref<1x512xi32, #tpu.memory_space<hbm>> -> memref<512xi32, #tpu.memory_space<hbm>>
      %dma_start3A_1002 = arith.constant 7168 : i32
      %dma_start3A_1003 = tpu.memref_slice %arg10[%dma_start3A_1002] : memref<16384xi32, #tpu.memory_space<vmem>> -> memref<512xi32, #tpu.memory_space<vmem>>
      %dma_start3A_1004 = arith.constant 512 : i32
      %dma_start3A_1005 = tpu.memref_slice %arg2[%add3A_996, %dma_start3A_1004] : memref<256x1024xi32, #tpu.memory_space<hbm>> -> memref<1x512xi32, #tpu.memory_space<hbm>>
      %dma_start3A_1006 = tpu.memref_squeeze %dma_start3A_1005 : memref<1x512xi32, #tpu.memory_space<hbm>> -> memref<512xi32, #tpu.memory_space<hbm>>
      tpu.enqueue_dma source(%dma_start3A_1006 : memref<512xi32, #tpu.memory_space<hbm>>) target(%dma_start3A_1003 : memref<512xi32, #tpu.memory_space<vmem>>) target_semaphore(%arg14 : memref<!tpu.dma_semaphore, #tpu.memory_space<semaphore_mem>>)
      %add3A_1007 = arith.constant 15 : i32
      %add3A_1008 = arith.addi %mul3A_32, %add3A_1007 : i32
      %dma_start3A_1009 = arith.constant 7680 : i32
      %dma_start3A_1010 = tpu.memref_slice %arg10[%dma_start3A_1009] : memref<16384xi32, #tpu.memory_space<vmem>> -> memref<512xi32, #tpu.memory_space<vmem>>
      %dma_start3A_1011 = arith.constant 512 : i32
      %dma_start3A_1012 = tpu.memref_slice %arg2[%add3A_1008, %dma_start3A_1011] : memref<256x1024xi32, #tpu.memory_space<hbm>> -> memref<1x512xi32, #tpu.memory_space<hbm>>
      %dma_start3A_1013 = tpu.memref_squeeze %dma_start3A_1012 : memref<1x512xi32, #tpu.memory_space<hbm>> -> memref<512xi32, #tpu.memory_space<hbm>>
      %dma_start3A_1014 = arith.constant 7680 : i32
      %dma_start3A_1015 = tpu.memref_slice %arg10[%dma_start3A_1014] : memref<16384xi32, #tpu.memory_space<vmem>> -> memref<512xi32, #tpu.memory_space<vmem>>
      %dma_start3A_1016 = arith.constant 512 : i32
      %dma_start3A_1017 = tpu.memref_slice %arg2[%add3A_1008, %dma_start3A_1016] : memref<256x1024xi32, #tpu.memory_space<hbm>> -> memref<1x512xi32, #tpu.memory_space<hbm>>
      %dma_start3A_1018 = tpu.memref_squeeze %dma_start3A_1017 : memref<1x512xi32, #tpu.memory_space<hbm>> -> memref<512xi32, #tpu.memory_space<hbm>>
      tpu.enqueue_dma source(%dma_start3A_1018 : memref<512xi32, #tpu.memory_space<hbm>>) target(%dma_start3A_1015 : memref<512xi32, #tpu.memory_space<vmem>>) target_semaphore(%arg14 : memref<!tpu.dma_semaphore, #tpu.memory_space<semaphore_mem>>)
      %add3A_1019 = arith.constant 16 : i32
      %add3A_1020 = arith.addi %mul3A_32, %add3A_1019 : i32
      %dma_start3A_1021 = arith.constant 8192 : i32
      %dma_start3A_1022 = tpu.memref_slice %arg10[%dma_start3A_1021] : memref<16384xi32, #tpu.memory_space<vmem>> -> memref<512xi32, #tpu.memory_space<vmem>>
      %dma_start3A_1023 = arith.constant 512 : i32
      %dma_start3A_1024 = tpu.memref_slice %arg2[%add3A_1020, %dma_start3A_1023] : memref<256x1024xi32, #tpu.memory_space<hbm>> -> memref<1x512xi32, #tpu.memory_space<hbm>>
      %dma_start3A_1025 = tpu.memref_squeeze %dma_start3A_1024 : memref<1x512xi32, #tpu.memory_space<hbm>> -> memref<512xi32, #tpu.memory_space<hbm>>
      %dma_start3A_1026 = arith.constant 8192 : i32
      %dma_start3A_1027 = tpu.memref_slice %arg10[%dma_start3A_1026] : memref<16384xi32, #tpu.memory_space<vmem>> -> memref<512xi32, #tpu.memory_space<vmem>>
      %dma_start3A_1028 = arith.constant 512 : i32
      %dma_start3A_1029 = tpu.memref_slice %arg2[%add3A_1020, %dma_start3A_1028] : memref<256x1024xi32, #tpu.memory_space<hbm>> -> memref<1x512xi32, #tpu.memory_space<hbm>>
      %dma_start3A_1030 = tpu.memref_squeeze %dma_start3A_1029 : memref<1x512xi32, #tpu.memory_space<hbm>> -> memref<512xi32, #tpu.memory_space<hbm>>
      tpu.enqueue_dma source(%dma_start3A_1030 : memref<512xi32, #tpu.memory_space<hbm>>) target(%dma_start3A_1027 : memref<512xi32, #tpu.memory_space<vmem>>) target_semaphore(%arg14 : memref<!tpu.dma_semaphore, #tpu.memory_space<semaphore_mem>>)
      %add3A_1031 = arith.constant 17 : i32
      %add3A_1032 = arith.addi %mul3A_32, %add3A_1031 : i32
      %dma_start3A_1033 = arith.constant 8704 : i32
      %dma_start3A_1034 = tpu.memref_slice %arg10[%dma_start3A_1033] : memref<16384xi32, #tpu.memory_space<vmem>> -> memref<512xi32, #tpu.memory_space<vmem>>
      %dma_start3A_1035 = arith.constant 512 : i32
      %dma_start3A_1036 = tpu.memref_slice %arg2[%add3A_1032, %dma_start3A_1035] : memref<256x1024xi32, #tpu.memory_space<hbm>> -> memref<1x512xi32, #tpu.memory_space<hbm>>
      %dma_start3A_1037 = tpu.memref_squeeze %dma_start3A_1036 : memref<1x512xi32, #tpu.memory_space<hbm>> -> memref<512xi32, #tpu.memory_space<hbm>>
      %dma_start3A_1038 = arith.constant 8704 : i32
      %dma_start3A_1039 = tpu.memref_slice %arg10[%dma_start3A_1038] : memref<16384xi32, #tpu.memory_space<vmem>> -> memref<512xi32, #tpu.memory_space<vmem>>
      %dma_start3A_1040 = arith.constant 512 : i32
      %dma_start3A_1041 = tpu.memref_slice %arg2[%add3A_1032, %dma_start3A_1040] : memref<256x1024xi32, #tpu.memory_space<hbm>> -> memref<1x512xi32, #tpu.memory_space<hbm>>
      %dma_start3A_1042 = tpu.memref_squeeze %dma_start3A_1041 : memref<1x512xi32, #tpu.memory_space<hbm>> -> memref<512xi32, #tpu.memory_space<hbm>>
      tpu.enqueue_dma source(%dma_start3A_1042 : memref<512xi32, #tpu.memory_space<hbm>>) target(%dma_start3A_1039 : memref<512xi32, #tpu.memory_space<vmem>>) target_semaphore(%arg14 : memref<!tpu.dma_semaphore, #tpu.memory_space<semaphore_mem>>)
      %add3A_1043 = arith.constant 18 : i32
      %add3A_1044 = arith.addi %mul3A_32, %add3A_1043 : i32
      %dma_start3A_1045 = arith.constant 9216 : i32
      %dma_start3A_1046 = tpu.memref_slice %arg10[%dma_start3A_1045] : memref<16384xi32, #tpu.memory_space<vmem>> -> memref<512xi32, #tpu.memory_space<vmem>>
      %dma_start3A_1047 = arith.constant 512 : i32
      %dma_start3A_1048 = tpu.memref_slice %arg2[%add3A_1044, %dma_start3A_1047] : memref<256x1024xi32, #tpu.memory_space<hbm>> -> memref<1x512xi32, #tpu.memory_space<hbm>>
      %dma_start3A_1049 = tpu.memref_squeeze %dma_start3A_1048 : memref<1x512xi32, #tpu.memory_space<hbm>> -> memref<512xi32, #tpu.memory_space<hbm>>
      %dma_start3A_1050 = arith.constant 9216 : i32
      %dma_start3A_1051 = tpu.memref_slice %arg10[%dma_start3A_1050] : memref<16384xi32, #tpu.memory_space<vmem>> -> memref<512xi32, #tpu.memory_space<vmem>>
      %dma_start3A_1052 = arith.constant 512 : i32
      %dma_start3A_1053 = tpu.memref_slice %arg2[%add3A_1044, %dma_start3A_1052] : memref<256x1024xi32, #tpu.memory_space<hbm>> -> memref<1x512xi32, #tpu.memory_space<hbm>>
      %dma_start3A_1054 = tpu.memref_squeeze %dma_start3A_1053 : memref<1x512xi32, #tpu.memory_space<hbm>> -> memref<512xi32, #tpu.memory_space<hbm>>
      tpu.enqueue_dma source(%dma_start3A_1054 : memref<512xi32, #tpu.memory_space<hbm>>) target(%dma_start3A_1051 : memref<512xi32, #tpu.memory_space<vmem>>) target_semaphore(%arg14 : memref<!tpu.dma_semaphore, #tpu.memory_space<semaphore_mem>>)
      %add3A_1055 = arith.constant 19 : i32
      %add3A_1056 = arith.addi %mul3A_32, %add3A_1055 : i32
      %dma_start3A_1057 = arith.constant 9728 : i32
      %dma_start3A_1058 = tpu.memref_slice %arg10[%dma_start3A_1057] : memref<16384xi32, #tpu.memory_space<vmem>> -> memref<512xi32, #tpu.memory_space<vmem>>
      %dma_start3A_1059 = arith.constant 512 : i32
      %dma_start3A_1060 = tpu.memref_slice %arg2[%add3A_1056, %dma_start3A_1059] : memref<256x1024xi32, #tpu.memory_space<hbm>> -> memref<1x512xi32, #tpu.memory_space<hbm>>
      %dma_start3A_1061 = tpu.memref_squeeze %dma_start3A_1060 : memref<1x512xi32, #tpu.memory_space<hbm>> -> memref<512xi32, #tpu.memory_space<hbm>>
      %dma_start3A_1062 = arith.constant 9728 : i32
      %dma_start3A_1063 = tpu.memref_slice %arg10[%dma_start3A_1062] : memref<16384xi32, #tpu.memory_space<vmem>> -> memref<512xi32, #tpu.memory_space<vmem>>
      %dma_start3A_1064 = arith.constant 512 : i32
      %dma_start3A_1065 = tpu.memref_slice %arg2[%add3A_1056, %dma_start3A_1064] : memref<256x1024xi32, #tpu.memory_space<hbm>> -> memref<1x512xi32, #tpu.memory_space<hbm>>
      %dma_start3A_1066 = tpu.memref_squeeze %dma_start3A_1065 : memref<1x512xi32, #tpu.memory_space<hbm>> -> memref<512xi32, #tpu.memory_space<hbm>>
      tpu.enqueue_dma source(%dma_start3A_1066 : memref<512xi32, #tpu.memory_space<hbm>>) target(%dma_start3A_1063 : memref<512xi32, #tpu.memory_space<vmem>>) target_semaphore(%arg14 : memref<!tpu.dma_semaphore, #tpu.memory_space<semaphore_mem>>)
      %add3A_1067 = arith.constant 20 : i32
      %add3A_1068 = arith.addi %mul3A_32, %add3A_1067 : i32
      %dma_start3A_1069 = arith.constant 10240 : i32
      %dma_start3A_1070 = tpu.memref_slice %arg10[%dma_start3A_1069] : memref<16384xi32, #tpu.memory_space<vmem>> -> memref<512xi32, #tpu.memory_space<vmem>>
      %dma_start3A_1071 = arith.constant 512 : i32
      %dma_start3A_1072 = tpu.memref_slice %arg2[%add3A_1068, %dma_start3A_1071] : memref<256x1024xi32, #tpu.memory_space<hbm>> -> memref<1x512xi32, #tpu.memory_space<hbm>>
      %dma_start3A_1073 = tpu.memref_squeeze %dma_start3A_1072 : memref<1x512xi32, #tpu.memory_space<hbm>> -> memref<512xi32, #tpu.memory_space<hbm>>
      %dma_start3A_1074 = arith.constant 10240 : i32
      %dma_start3A_1075 = tpu.memref_slice %arg10[%dma_start3A_1074] : memref<16384xi32, #tpu.memory_space<vmem>> -> memref<512xi32, #tpu.memory_space<vmem>>
      %dma_start3A_1076 = arith.constant 512 : i32
      %dma_start3A_1077 = tpu.memref_slice %arg2[%add3A_1068, %dma_start3A_1076] : memref<256x1024xi32, #tpu.memory_space<hbm>> -> memref<1x512xi32, #tpu.memory_space<hbm>>
      %dma_start3A_1078 = tpu.memref_squeeze %dma_start3A_1077 : memref<1x512xi32, #tpu.memory_space<hbm>> -> memref<512xi32, #tpu.memory_space<hbm>>
      tpu.enqueue_dma source(%dma_start3A_1078 : memref<512xi32, #tpu.memory_space<hbm>>) target(%dma_start3A_1075 : memref<512xi32, #tpu.memory_space<vmem>>) target_semaphore(%arg14 : memref<!tpu.dma_semaphore, #tpu.memory_space<semaphore_mem>>)
      %add3A_1079 = arith.constant 21 : i32
      %add3A_1080 = arith.addi %mul3A_32, %add3A_1079 : i32
      %dma_start3A_1081 = arith.constant 10752 : i32
      %dma_start3A_1082 = tpu.memref_slice %arg10[%dma_start3A_1081] : memref<16384xi32, #tpu.memory_space<vmem>> -> memref<512xi32, #tpu.memory_space<vmem>>
      %dma_start3A_1083 = arith.constant 512 : i32
      %dma_start3A_1084 = tpu.memref_slice %arg2[%add3A_1080, %dma_start3A_1083] : memref<256x1024xi32, #tpu.memory_space<hbm>> -> memref<1x512xi32, #tpu.memory_space<hbm>>
      %dma_start3A_1085 = tpu.memref_squeeze %dma_start3A_1084 : memref<1x512xi32, #tpu.memory_space<hbm>> -> memref<512xi32, #tpu.memory_space<hbm>>
      %dma_start3A_1086 = arith.constant 10752 : i32
      %dma_start3A_1087 = tpu.memref_slice %arg10[%dma_start3A_1086] : memref<16384xi32, #tpu.memory_space<vmem>> -> memref<512xi32, #tpu.memory_space<vmem>>
      %dma_start3A_1088 = arith.constant 512 : i32
      %dma_start3A_1089 = tpu.memref_slice %arg2[%add3A_1080, %dma_start3A_1088] : memref<256x1024xi32, #tpu.memory_space<hbm>> -> memref<1x512xi32, #tpu.memory_space<hbm>>
      %dma_start3A_1090 = tpu.memref_squeeze %dma_start3A_1089 : memref<1x512xi32, #tpu.memory_space<hbm>> -> memref<512xi32, #tpu.memory_space<hbm>>
      tpu.enqueue_dma source(%dma_start3A_1090 : memref<512xi32, #tpu.memory_space<hbm>>) target(%dma_start3A_1087 : memref<512xi32, #tpu.memory_space<vmem>>) target_semaphore(%arg14 : memref<!tpu.dma_semaphore, #tpu.memory_space<semaphore_mem>>)
      %add3A_1091 = arith.constant 22 : i32
      %add3A_1092 = arith.addi %mul3A_32, %add3A_1091 : i32
      %dma_start3A_1093 = arith.constant 11264 : i32
      %dma_start3A_1094 = tpu.memref_slice %arg10[%dma_start3A_1093] : memref<16384xi32, #tpu.memory_space<vmem>> -> memref<512xi32, #tpu.memory_space<vmem>>
      %dma_start3A_1095 = arith.constant 512 : i32
      %dma_start3A_1096 = tpu.memref_slice %arg2[%add3A_1092, %dma_start3A_1095] : memref<256x1024xi32, #tpu.memory_space<hbm>> -> memref<1x512xi32, #tpu.memory_space<hbm>>
      %dma_start3A_1097 = tpu.memref_squeeze %dma_start3A_1096 : memref<1x512xi32, #tpu.memory_space<hbm>> -> memref<512xi32, #tpu.memory_space<hbm>>
      %dma_start3A_1098 = arith.constant 11264 : i32
      %dma_start3A_1099 = tpu.memref_slice %arg10[%dma_start3A_1098] : memref<16384xi32, #tpu.memory_space<vmem>> -> memref<512xi32, #tpu.memory_space<vmem>>
      %dma_start3A_1100 = arith.constant 512 : i32
      %dma_start3A_1101 = tpu.memref_slice %arg2[%add3A_1092, %dma_start3A_1100] : memref<256x1024xi32, #tpu.memory_space<hbm>> -> memref<1x512xi32, #tpu.memory_space<hbm>>
      %dma_start3A_1102 = tpu.memref_squeeze %dma_start3A_1101 : memref<1x512xi32, #tpu.memory_space<hbm>> -> memref<512xi32, #tpu.memory_space<hbm>>
      tpu.enqueue_dma source(%dma_start3A_1102 : memref<512xi32, #tpu.memory_space<hbm>>) target(%dma_start3A_1099 : memref<512xi32, #tpu.memory_space<vmem>>) target_semaphore(%arg14 : memref<!tpu.dma_semaphore, #tpu.memory_space<semaphore_mem>>)
      %add3A_1103 = arith.constant 23 : i32
      %add3A_1104 = arith.addi %mul3A_32, %add3A_1103 : i32
      %dma_start3A_1105 = arith.constant 11776 : i32
      %dma_start3A_1106 = tpu.memref_slice %arg10[%dma_start3A_1105] : memref<16384xi32, #tpu.memory_space<vmem>> -> memref<512xi32, #tpu.memory_space<vmem>>
      %dma_start3A_1107 = arith.constant 512 : i32
      %dma_start3A_1108 = tpu.memref_slice %arg2[%add3A_1104, %dma_start3A_1107] : memref<256x1024xi32, #tpu.memory_space<hbm>> -> memref<1x512xi32, #tpu.memory_space<hbm>>
      %dma_start3A_1109 = tpu.memref_squeeze %dma_start3A_1108 : memref<1x512xi32, #tpu.memory_space<hbm>> -> memref<512xi32, #tpu.memory_space<hbm>>
      %dma_start3A_1110 = arith.constant 11776 : i32
      %dma_start3A_1111 = tpu.memref_slice %arg10[%dma_start3A_1110] : memref<16384xi32, #tpu.memory_space<vmem>> -> memref<512xi32, #tpu.memory_space<vmem>>
      %dma_start3A_1112 = arith.constant 512 : i32
      %dma_start3A_1113 = tpu.memref_slice %arg2[%add3A_1104, %dma_start3A_1112] : memref<256x1024xi32, #tpu.memory_space<hbm>> -> memref<1x512xi32, #tpu.memory_space<hbm>>
      %dma_start3A_1114 = tpu.memref_squeeze %dma_start3A_1113 : memref<1x512xi32, #tpu.memory_space<hbm>> -> memref<512xi32, #tpu.memory_space<hbm>>
      tpu.enqueue_dma source(%dma_start3A_1114 : memref<512xi32, #tpu.memory_space<hbm>>) target(%dma_start3A_1111 : memref<512xi32, #tpu.memory_space<vmem>>) target_semaphore(%arg14 : memref<!tpu.dma_semaphore, #tpu.memory_space<semaphore_mem>>)
      %add3A_1115 = arith.constant 24 : i32
      %add3A_1116 = arith.addi %mul3A_32, %add3A_1115 : i32
      %dma_start3A_1117 = arith.constant 12288 : i32
      %dma_start3A_1118 = tpu.memref_slice %arg10[%dma_start3A_1117] : memref<16384xi32, #tpu.memory_space<vmem>> -> memref<512xi32, #tpu.memory_space<vmem>>
      %dma_start3A_1119 = arith.constant 512 : i32
      %dma_start3A_1120 = tpu.memref_slice %arg2[%add3A_1116, %dma_start3A_1119] : memref<256x1024xi32, #tpu.memory_space<hbm>> -> memref<1x512xi32, #tpu.memory_space<hbm>>
      %dma_start3A_1121 = tpu.memref_squeeze %dma_start3A_1120 : memref<1x512xi32, #tpu.memory_space<hbm>> -> memref<512xi32, #tpu.memory_space<hbm>>
      %dma_start3A_1122 = arith.constant 12288 : i32
      %dma_start3A_1123 = tpu.memref_slice %arg10[%dma_start3A_1122] : memref<16384xi32, #tpu.memory_space<vmem>> -> memref<512xi32, #tpu.memory_space<vmem>>
      %dma_start3A_1124 = arith.constant 512 : i32
      %dma_start3A_1125 = tpu.memref_slice %arg2[%add3A_1116, %dma_start3A_1124] : memref<256x1024xi32, #tpu.memory_space<hbm>> -> memref<1x512xi32, #tpu.memory_space<hbm>>
      %dma_start3A_1126 = tpu.memref_squeeze %dma_start3A_1125 : memref<1x512xi32, #tpu.memory_space<hbm>> -> memref<512xi32, #tpu.memory_space<hbm>>
      tpu.enqueue_dma source(%dma_start3A_1126 : memref<512xi32, #tpu.memory_space<hbm>>) target(%dma_start3A_1123 : memref<512xi32, #tpu.memory_space<vmem>>) target_semaphore(%arg14 : memref<!tpu.dma_semaphore, #tpu.memory_space<semaphore_mem>>)
      %add3A_1127 = arith.constant 25 : i32
      %add3A_1128 = arith.addi %mul3A_32, %add3A_1127 : i32
      %dma_start3A_1129 = arith.constant 12800 : i32
      %dma_start3A_1130 = tpu.memref_slice %arg10[%dma_start3A_1129] : memref<16384xi32, #tpu.memory_space<vmem>> -> memref<512xi32, #tpu.memory_space<vmem>>
      %dma_start3A_1131 = arith.constant 512 : i32
      %dma_start3A_1132 = tpu.memref_slice %arg2[%add3A_1128, %dma_start3A_1131] : memref<256x1024xi32, #tpu.memory_space<hbm>> -> memref<1x512xi32, #tpu.memory_space<hbm>>
      %dma_start3A_1133 = tpu.memref_squeeze %dma_start3A_1132 : memref<1x512xi32, #tpu.memory_space<hbm>> -> memref<512xi32, #tpu.memory_space<hbm>>
      %dma_start3A_1134 = arith.constant 12800 : i32
      %dma_start3A_1135 = tpu.memref_slice %arg10[%dma_start3A_1134] : memref<16384xi32, #tpu.memory_space<vmem>> -> memref<512xi32, #tpu.memory_space<vmem>>
      %dma_start3A_1136 = arith.constant 512 : i32
      %dma_start3A_1137 = tpu.memref_slice %arg2[%add3A_1128, %dma_start3A_1136] : memref<256x1024xi32, #tpu.memory_space<hbm>> -> memref<1x512xi32, #tpu.memory_space<hbm>>
      %dma_start3A_1138 = tpu.memref_squeeze %dma_start3A_1137 : memref<1x512xi32, #tpu.memory_space<hbm>> -> memref<512xi32, #tpu.memory_space<hbm>>
      tpu.enqueue_dma source(%dma_start3A_1138 : memref<512xi32, #tpu.memory_space<hbm>>) target(%dma_start3A_1135 : memref<512xi32, #tpu.memory_space<vmem>>) target_semaphore(%arg14 : memref<!tpu.dma_semaphore, #tpu.memory_space<semaphore_mem>>)
      %add3A_1139 = arith.constant 26 : i32
      %add3A_1140 = arith.addi %mul3A_32, %add3A_1139 : i32
      %dma_start3A_1141 = arith.constant 13312 : i32
      %dma_start3A_1142 = tpu.memref_slice %arg10[%dma_start3A_1141] : memref<16384xi32, #tpu.memory_space<vmem>> -> memref<512xi32, #tpu.memory_space<vmem>>
      %dma_start3A_1143 = arith.constant 512 : i32
      %dma_start3A_1144 = tpu.memref_slice %arg2[%add3A_1140, %dma_start3A_1143] : memref<256x1024xi32, #tpu.memory_space<hbm>> -> memref<1x512xi32, #tpu.memory_space<hbm>>
      %dma_start3A_1145 = tpu.memref_squeeze %dma_start3A_1144 : memref<1x512xi32, #tpu.memory_space<hbm>> -> memref<512xi32, #tpu.memory_space<hbm>>
      %dma_start3A_1146 = arith.constant 13312 : i32
      %dma_start3A_1147 = tpu.memref_slice %arg10[%dma_start3A_1146] : memref<16384xi32, #tpu.memory_space<vmem>> -> memref<512xi32, #tpu.memory_space<vmem>>
      %dma_start3A_1148 = arith.constant 512 : i32
      %dma_start3A_1149 = tpu.memref_slice %arg2[%add3A_1140, %dma_start3A_1148] : memref<256x1024xi32, #tpu.memory_space<hbm>> -> memref<1x512xi32, #tpu.memory_space<hbm>>
      %dma_start3A_1150 = tpu.memref_squeeze %dma_start3A_1149 : memref<1x512xi32, #tpu.memory_space<hbm>> -> memref<512xi32, #tpu.memory_space<hbm>>
      tpu.enqueue_dma source(%dma_start3A_1150 : memref<512xi32, #tpu.memory_space<hbm>>) target(%dma_start3A_1147 : memref<512xi32, #tpu.memory_space<vmem>>) target_semaphore(%arg14 : memref<!tpu.dma_semaphore, #tpu.memory_space<semaphore_mem>>)
      %add3A_1151 = arith.constant 27 : i32
      %add3A_1152 = arith.addi %mul3A_32, %add3A_1151 : i32
      %dma_start3A_1153 = arith.constant 13824 : i32
      %dma_start3A_1154 = tpu.memref_slice %arg10[%dma_start3A_1153] : memref<16384xi32, #tpu.memory_space<vmem>> -> memref<512xi32, #tpu.memory_space<vmem>>
      %dma_start3A_1155 = arith.constant 512 : i32
      %dma_start3A_1156 = tpu.memref_slice %arg2[%add3A_1152, %dma_start3A_1155] : memref<256x1024xi32, #tpu.memory_space<hbm>> -> memref<1x512xi32, #tpu.memory_space<hbm>>
      %dma_start3A_1157 = tpu.memref_squeeze %dma_start3A_1156 : memref<1x512xi32, #tpu.memory_space<hbm>> -> memref<512xi32, #tpu.memory_space<hbm>>
      %dma_start3A_1158 = arith.constant 13824 : i32
      %dma_start3A_1159 = tpu.memref_slice %arg10[%dma_start3A_1158] : memref<16384xi32, #tpu.memory_space<vmem>> -> memref<512xi32, #tpu.memory_space<vmem>>
      %dma_start3A_1160 = arith.constant 512 : i32
      %dma_start3A_1161 = tpu.memref_slice %arg2[%add3A_1152, %dma_start3A_1160] : memref<256x1024xi32, #tpu.memory_space<hbm>> -> memref<1x512xi32, #tpu.memory_space<hbm>>
      %dma_start3A_1162 = tpu.memref_squeeze %dma_start3A_1161 : memref<1x512xi32, #tpu.memory_space<hbm>> -> memref<512xi32, #tpu.memory_space<hbm>>
      tpu.enqueue_dma source(%dma_start3A_1162 : memref<512xi32, #tpu.memory_space<hbm>>) target(%dma_start3A_1159 : memref<512xi32, #tpu.memory_space<vmem>>) target_semaphore(%arg14 : memref<!tpu.dma_semaphore, #tpu.memory_space<semaphore_mem>>)
      %add3A_1163 = arith.constant 28 : i32
      %add3A_1164 = arith.addi %mul3A_32, %add3A_1163 : i32
      %dma_start3A_1165 = arith.constant 14336 : i32
      %dma_start3A_1166 = tpu.memref_slice %arg10[%dma_start3A_1165] : memref<16384xi32, #tpu.memory_space<vmem>> -> memref<512xi32, #tpu.memory_space<vmem>>
      %dma_start3A_1167 = arith.constant 512 : i32
      %dma_start3A_1168 = tpu.memref_slice %arg2[%add3A_1164, %dma_start3A_1167] : memref<256x1024xi32, #tpu.memory_space<hbm>> -> memref<1x512xi32, #tpu.memory_space<hbm>>
      %dma_start3A_1169 = tpu.memref_squeeze %dma_start3A_1168 : memref<1x512xi32, #tpu.memory_space<hbm>> -> memref<512xi32, #tpu.memory_space<hbm>>
      %dma_start3A_1170 = arith.constant 14336 : i32
      %dma_start3A_1171 = tpu.memref_slice %arg10[%dma_start3A_1170] : memref<16384xi32, #tpu.memory_space<vmem>> -> memref<512xi32, #tpu.memory_space<vmem>>
      %dma_start3A_1172 = arith.constant 512 : i32
      %dma_start3A_1173 = tpu.memref_slice %arg2[%add3A_1164, %dma_start3A_1172] : memref<256x1024xi32, #tpu.memory_space<hbm>> -> memref<1x512xi32, #tpu.memory_space<hbm>>
      %dma_start3A_1174 = tpu.memref_squeeze %dma_start3A_1173 : memref<1x512xi32, #tpu.memory_space<hbm>> -> memref<512xi32, #tpu.memory_space<hbm>>
      tpu.enqueue_dma source(%dma_start3A_1174 : memref<512xi32, #tpu.memory_space<hbm>>) target(%dma_start3A_1171 : memref<512xi32, #tpu.memory_space<vmem>>) target_semaphore(%arg14 : memref<!tpu.dma_semaphore, #tpu.memory_space<semaphore_mem>>)
      %add3A_1175 = arith.constant 29 : i32
      %add3A_1176 = arith.addi %mul3A_32, %add3A_1175 : i32
      %dma_start3A_1177 = arith.constant 14848 : i32
      %dma_start3A_1178 = tpu.memref_slice %arg10[%dma_start3A_1177] : memref<16384xi32, #tpu.memory_space<vmem>> -> memref<512xi32, #tpu.memory_space<vmem>>
      %dma_start3A_1179 = arith.constant 512 : i32
      %dma_start3A_1180 = tpu.memref_slice %arg2[%add3A_1176, %dma_start3A_1179] : memref<256x1024xi32, #tpu.memory_space<hbm>> -> memref<1x512xi32, #tpu.memory_space<hbm>>
      %dma_start3A_1181 = tpu.memref_squeeze %dma_start3A_1180 : memref<1x512xi32, #tpu.memory_space<hbm>> -> memref<512xi32, #tpu.memory_space<hbm>>
      %dma_start3A_1182 = arith.constant 14848 : i32
      %dma_start3A_1183 = tpu.memref_slice %arg10[%dma_start3A_1182] : memref<16384xi32, #tpu.memory_space<vmem>> -> memref<512xi32, #tpu.memory_space<vmem>>
      %dma_start3A_1184 = arith.constant 512 : i32
      %dma_start3A_1185 = tpu.memref_slice %arg2[%add3A_1176, %dma_start3A_1184] : memref<256x1024xi32, #tpu.memory_space<hbm>> -> memref<1x512xi32, #tpu.memory_space<hbm>>
      %dma_start3A_1186 = tpu.memref_squeeze %dma_start3A_1185 : memref<1x512xi32, #tpu.memory_space<hbm>> -> memref<512xi32, #tpu.memory_space<hbm>>
      tpu.enqueue_dma source(%dma_start3A_1186 : memref<512xi32, #tpu.memory_space<hbm>>) target(%dma_start3A_1183 : memref<512xi32, #tpu.memory_space<vmem>>) target_semaphore(%arg14 : memref<!tpu.dma_semaphore, #tpu.memory_space<semaphore_mem>>)
      %add3A_1187 = arith.constant 30 : i32
      %add3A_1188 = arith.addi %mul3A_32, %add3A_1187 : i32
      %dma_start3A_1189 = arith.constant 15360 : i32
      %dma_start3A_1190 = tpu.memref_slice %arg10[%dma_start3A_1189] : memref<16384xi32, #tpu.memory_space<vmem>> -> memref<512xi32, #tpu.memory_space<vmem>>
      %dma_start3A_1191 = arith.constant 512 : i32
      %dma_start3A_1192 = tpu.memref_slice %arg2[%add3A_1188, %dma_start3A_1191] : memref<256x1024xi32, #tpu.memory_space<hbm>> -> memref<1x512xi32, #tpu.memory_space<hbm>>
      %dma_start3A_1193 = tpu.memref_squeeze %dma_start3A_1192 : memref<1x512xi32, #tpu.memory_space<hbm>> -> memref<512xi32, #tpu.memory_space<hbm>>
      %dma_start3A_1194 = arith.constant 15360 : i32
      %dma_start3A_1195 = tpu.memref_slice %arg10[%dma_start3A_1194] : memref<16384xi32, #tpu.memory_space<vmem>> -> memref<512xi32, #tpu.memory_space<vmem>>
      %dma_start3A_1196 = arith.constant 512 : i32
      %dma_start3A_1197 = tpu.memref_slice %arg2[%add3A_1188, %dma_start3A_1196] : memref<256x1024xi32, #tpu.memory_space<hbm>> -> memref<1x512xi32, #tpu.memory_space<hbm>>
      %dma_start3A_1198 = tpu.memref_squeeze %dma_start3A_1197 : memref<1x512xi32, #tpu.memory_space<hbm>> -> memref<512xi32, #tpu.memory_space<hbm>>
      tpu.enqueue_dma source(%dma_start3A_1198 : memref<512xi32, #tpu.memory_space<hbm>>) target(%dma_start3A_1195 : memref<512xi32, #tpu.memory_space<vmem>>) target_semaphore(%arg14 : memref<!tpu.dma_semaphore, #tpu.memory_space<semaphore_mem>>)
      %add3A_1199 = arith.constant 31 : i32
      %add3A_1200 = arith.addi %mul3A_32, %add3A_1199 : i32
      %dma_start3A_1201 = arith.constant 15872 : i32
      %dma_start3A_1202 = tpu.memref_slice %arg10[%dma_start3A_1201] : memref<16384xi32, #tpu.memory_space<vmem>> -> memref<512xi32, #tpu.memory_space<vmem>>
      %dma_start3A_1203 = arith.constant 512 : i32
      %dma_start3A_1204 = tpu.memref_slice %arg2[%add3A_1200, %dma_start3A_1203] : memref<256x1024xi32, #tpu.memory_space<hbm>> -> memref<1x512xi32, #tpu.memory_space<hbm>>
      %dma_start3A_1205 = tpu.memref_squeeze %dma_start3A_1204 : memref<1x512xi32, #tpu.memory_space<hbm>> -> memref<512xi32, #tpu.memory_space<hbm>>
      %dma_start3A_1206 = arith.constant 15872 : i32
      %dma_start3A_1207 = tpu.memref_slice %arg10[%dma_start3A_1206] : memref<16384xi32, #tpu.memory_space<vmem>> -> memref<512xi32, #tpu.memory_space<vmem>>
      %dma_start3A_1208 = arith.constant 512 : i32
      %dma_start3A_1209 = tpu.memref_slice %arg2[%add3A_1200, %dma_start3A_1208] : memref<256x1024xi32, #tpu.memory_space<hbm>> -> memref<1x512xi32, #tpu.memory_space<hbm>>
      %dma_start3A_1210 = tpu.memref_squeeze %dma_start3A_1209 : memref<1x512xi32, #tpu.memory_space<hbm>> -> memref<512xi32, #tpu.memory_space<hbm>>
      tpu.enqueue_dma source(%dma_start3A_1210 : memref<512xi32, #tpu.memory_space<hbm>>) target(%dma_start3A_1207 : memref<512xi32, #tpu.memory_space<vmem>>) target_semaphore(%arg14 : memref<!tpu.dma_semaphore, #tpu.memory_space<semaphore_mem>>)
      %dma_start3A_1211 = arith.constant 512 : i32
      %dma_start3A_1212 = tpu.memref_slice %arg5[%dma_start3A_1211] : memref<1024xi32, #tpu.memory_space<hbm>> -> memref<512xi32, #tpu.memory_space<hbm>>
      %dma_start3A_1213 = arith.constant 512 : i32
      %dma_start3A_1214 = tpu.memref_slice %arg5[%dma_start3A_1213] : memref<1024xi32, #tpu.memory_space<hbm>> -> memref<512xi32, #tpu.memory_space<hbm>>
      tpu.enqueue_dma source(%dma_start3A_1214 : memref<512xi32, #tpu.memory_space<hbm>>) target(%arg12 : memref<512xi32, #tpu.memory_space<vmem>>) target_semaphore(%arg14 : memref<!tpu.dma_semaphore, #tpu.memory_space<semaphore_mem>>)
    } else {
    }
    %eq3A_41 = arith.constant 2 : i32
    %eq3A_42 = arith.cmpi eq, %select_n3A, %eq3A_41 : i32
    %convert_element_type3A_43 = arith.extui %eq3A_42 : i1 to i32
    %cond3A_44 = arith.constant 0 : i32
    %cond3A_45 = arith.cmpi ne, %convert_element_type3A_43, %cond3A_44 : i32
    scf.if %cond3A_45 {
      %add3A_827 = arith.constant 0 : i32
      %add3A_828 = arith.addi %mul3A_32, %add3A_827 : i32
      %dma_start3A_829 = arith.constant 0 : i32
      %dma_start3A_830 = tpu.memref_slice %arg10[%dma_start3A_829] : memref<16384xi32, #tpu.memory_space<vmem>> -> memref<512xi32, #tpu.memory_space<vmem>>
      %dma_start3A_831 = arith.constant 0 : i32
      %dma_start3A_832 = tpu.memref_slice %arg3[%add3A_828, %dma_start3A_831] : memref<256x512xi32, #tpu.memory_space<hbm>> -> memref<1x512xi32, #tpu.memory_space<hbm>>
      %dma_start3A_833 = tpu.memref_squeeze %dma_start3A_832 : memref<1x512xi32, #tpu.memory_space<hbm>> -> memref<512xi32, #tpu.memory_space<hbm>>
      %dma_start3A_834 = arith.constant 0 : i32
      %dma_start3A_835 = tpu.memref_slice %arg10[%dma_start3A_834] : memref<16384xi32, #tpu.memory_space<vmem>> -> memref<512xi32, #tpu.memory_space<vmem>>
      %dma_start3A_836 = arith.constant 0 : i32
      %dma_start3A_837 = tpu.memref_slice %arg3[%add3A_828, %dma_start3A_836] : memref<256x512xi32, #tpu.memory_space<hbm>> -> memref<1x512xi32, #tpu.memory_space<hbm>>
      %dma_start3A_838 = tpu.memref_squeeze %dma_start3A_837 : memref<1x512xi32, #tpu.memory_space<hbm>> -> memref<512xi32, #tpu.memory_space<hbm>>
      tpu.enqueue_dma source(%dma_start3A_838 : memref<512xi32, #tpu.memory_space<hbm>>) target(%dma_start3A_835 : memref<512xi32, #tpu.memory_space<vmem>>) target_semaphore(%arg14 : memref<!tpu.dma_semaphore, #tpu.memory_space<semaphore_mem>>)
      %add3A_839 = arith.constant 1 : i32
      %add3A_840 = arith.addi %mul3A_32, %add3A_839 : i32
      %dma_start3A_841 = arith.constant 512 : i32
      %dma_start3A_842 = tpu.memref_slice %arg10[%dma_start3A_841] : memref<16384xi32, #tpu.memory_space<vmem>> -> memref<512xi32, #tpu.memory_space<vmem>>
      %dma_start3A_843 = arith.constant 0 : i32
      %dma_start3A_844 = tpu.memref_slice %arg3[%add3A_840, %dma_start3A_843] : memref<256x512xi32, #tpu.memory_space<hbm>> -> memref<1x512xi32, #tpu.memory_space<hbm>>
      %dma_start3A_845 = tpu.memref_squeeze %dma_start3A_844 : memref<1x512xi32, #tpu.memory_space<hbm>> -> memref<512xi32, #tpu.memory_space<hbm>>
      %dma_start3A_846 = arith.constant 512 : i32
      %dma_start3A_847 = tpu.memref_slice %arg10[%dma_start3A_846] : memref<16384xi32, #tpu.memory_space<vmem>> -> memref<512xi32, #tpu.memory_space<vmem>>
      %dma_start3A_848 = arith.constant 0 : i32
      %dma_start3A_849 = tpu.memref_slice %arg3[%add3A_840, %dma_start3A_848] : memref<256x512xi32, #tpu.memory_space<hbm>> -> memref<1x512xi32, #tpu.memory_space<hbm>>
      %dma_start3A_850 = tpu.memref_squeeze %dma_start3A_849 : memref<1x512xi32, #tpu.memory_space<hbm>> -> memref<512xi32, #tpu.memory_space<hbm>>
      tpu.enqueue_dma source(%dma_start3A_850 : memref<512xi32, #tpu.memory_space<hbm>>) target(%dma_start3A_847 : memref<512xi32, #tpu.memory_space<vmem>>) target_semaphore(%arg14 : memref<!tpu.dma_semaphore, #tpu.memory_space<semaphore_mem>>)
      %add3A_851 = arith.constant 2 : i32
      %add3A_852 = arith.addi %mul3A_32, %add3A_851 : i32
      %dma_start3A_853 = arith.constant 1024 : i32
      %dma_start3A_854 = tpu.memref_slice %arg10[%dma_start3A_853] : memref<16384xi32, #tpu.memory_space<vmem>> -> memref<512xi32, #tpu.memory_space<vmem>>
      %dma_start3A_855 = arith.constant 0 : i32
      %dma_start3A_856 = tpu.memref_slice %arg3[%add3A_852, %dma_start3A_855] : memref<256x512xi32, #tpu.memory_space<hbm>> -> memref<1x512xi32, #tpu.memory_space<hbm>>
      %dma_start3A_857 = tpu.memref_squeeze %dma_start3A_856 : memref<1x512xi32, #tpu.memory_space<hbm>> -> memref<512xi32, #tpu.memory_space<hbm>>
      %dma_start3A_858 = arith.constant 1024 : i32
      %dma_start3A_859 = tpu.memref_slice %arg10[%dma_start3A_858] : memref<16384xi32, #tpu.memory_space<vmem>> -> memref<512xi32, #tpu.memory_space<vmem>>
      %dma_start3A_860 = arith.constant 0 : i32
      %dma_start3A_861 = tpu.memref_slice %arg3[%add3A_852, %dma_start3A_860] : memref<256x512xi32, #tpu.memory_space<hbm>> -> memref<1x512xi32, #tpu.memory_space<hbm>>
      %dma_start3A_862 = tpu.memref_squeeze %dma_start3A_861 : memref<1x512xi32, #tpu.memory_space<hbm>> -> memref<512xi32, #tpu.memory_space<hbm>>
      tpu.enqueue_dma source(%dma_start3A_862 : memref<512xi32, #tpu.memory_space<hbm>>) target(%dma_start3A_859 : memref<512xi32, #tpu.memory_space<vmem>>) target_semaphore(%arg14 : memref<!tpu.dma_semaphore, #tpu.memory_space<semaphore_mem>>)
      %add3A_863 = arith.constant 3 : i32
      %add3A_864 = arith.addi %mul3A_32, %add3A_863 : i32
      %dma_start3A_865 = arith.constant 1536 : i32
      %dma_start3A_866 = tpu.memref_slice %arg10[%dma_start3A_865] : memref<16384xi32, #tpu.memory_space<vmem>> -> memref<512xi32, #tpu.memory_space<vmem>>
      %dma_start3A_867 = arith.constant 0 : i32
      %dma_start3A_868 = tpu.memref_slice %arg3[%add3A_864, %dma_start3A_867] : memref<256x512xi32, #tpu.memory_space<hbm>> -> memref<1x512xi32, #tpu.memory_space<hbm>>
      %dma_start3A_869 = tpu.memref_squeeze %dma_start3A_868 : memref<1x512xi32, #tpu.memory_space<hbm>> -> memref<512xi32, #tpu.memory_space<hbm>>
      %dma_start3A_870 = arith.constant 1536 : i32
      %dma_start3A_871 = tpu.memref_slice %arg10[%dma_start3A_870] : memref<16384xi32, #tpu.memory_space<vmem>> -> memref<512xi32, #tpu.memory_space<vmem>>
      %dma_start3A_872 = arith.constant 0 : i32
      %dma_start3A_873 = tpu.memref_slice %arg3[%add3A_864, %dma_start3A_872] : memref<256x512xi32, #tpu.memory_space<hbm>> -> memref<1x512xi32, #tpu.memory_space<hbm>>
      %dma_start3A_874 = tpu.memref_squeeze %dma_start3A_873 : memref<1x512xi32, #tpu.memory_space<hbm>> -> memref<512xi32, #tpu.memory_space<hbm>>
      tpu.enqueue_dma source(%dma_start3A_874 : memref<512xi32, #tpu.memory_space<hbm>>) target(%dma_start3A_871 : memref<512xi32, #tpu.memory_space<vmem>>) target_semaphore(%arg14 : memref<!tpu.dma_semaphore, #tpu.memory_space<semaphore_mem>>)
      %add3A_875 = arith.constant 4 : i32
      %add3A_876 = arith.addi %mul3A_32, %add3A_875 : i32
      %dma_start3A_877 = arith.constant 2048 : i32
      %dma_start3A_878 = tpu.memref_slice %arg10[%dma_start3A_877] : memref<16384xi32, #tpu.memory_space<vmem>> -> memref<512xi32, #tpu.memory_space<vmem>>
      %dma_start3A_879 = arith.constant 0 : i32
      %dma_start3A_880 = tpu.memref_slice %arg3[%add3A_876, %dma_start3A_879] : memref<256x512xi32, #tpu.memory_space<hbm>> -> memref<1x512xi32, #tpu.memory_space<hbm>>
      %dma_start3A_881 = tpu.memref_squeeze %dma_start3A_880 : memref<1x512xi32, #tpu.memory_space<hbm>> -> memref<512xi32, #tpu.memory_space<hbm>>
      %dma_start3A_882 = arith.constant 2048 : i32
      %dma_start3A_883 = tpu.memref_slice %arg10[%dma_start3A_882] : memref<16384xi32, #tpu.memory_space<vmem>> -> memref<512xi32, #tpu.memory_space<vmem>>
      %dma_start3A_884 = arith.constant 0 : i32
      %dma_start3A_885 = tpu.memref_slice %arg3[%add3A_876, %dma_start3A_884] : memref<256x512xi32, #tpu.memory_space<hbm>> -> memref<1x512xi32, #tpu.memory_space<hbm>>
      %dma_start3A_886 = tpu.memref_squeeze %dma_start3A_885 : memref<1x512xi32, #tpu.memory_space<hbm>> -> memref<512xi32, #tpu.memory_space<hbm>>
      tpu.enqueue_dma source(%dma_start3A_886 : memref<512xi32, #tpu.memory_space<hbm>>) target(%dma_start3A_883 : memref<512xi32, #tpu.memory_space<vmem>>) target_semaphore(%arg14 : memref<!tpu.dma_semaphore, #tpu.memory_space<semaphore_mem>>)
      %add3A_887 = arith.constant 5 : i32
      %add3A_888 = arith.addi %mul3A_32, %add3A_887 : i32
      %dma_start3A_889 = arith.constant 2560 : i32
      %dma_start3A_890 = tpu.memref_slice %arg10[%dma_start3A_889] : memref<16384xi32, #tpu.memory_space<vmem>> -> memref<512xi32, #tpu.memory_space<vmem>>
      %dma_start3A_891 = arith.constant 0 : i32
      %dma_start3A_892 = tpu.memref_slice %arg3[%add3A_888, %dma_start3A_891] : memref<256x512xi32, #tpu.memory_space<hbm>> -> memref<1x512xi32, #tpu.memory_space<hbm>>
      %dma_start3A_893 = tpu.memref_squeeze %dma_start3A_892 : memref<1x512xi32, #tpu.memory_space<hbm>> -> memref<512xi32, #tpu.memory_space<hbm>>
      %dma_start3A_894 = arith.constant 2560 : i32
      %dma_start3A_895 = tpu.memref_slice %arg10[%dma_start3A_894] : memref<16384xi32, #tpu.memory_space<vmem>> -> memref<512xi32, #tpu.memory_space<vmem>>
      %dma_start3A_896 = arith.constant 0 : i32
      %dma_start3A_897 = tpu.memref_slice %arg3[%add3A_888, %dma_start3A_896] : memref<256x512xi32, #tpu.memory_space<hbm>> -> memref<1x512xi32, #tpu.memory_space<hbm>>
      %dma_start3A_898 = tpu.memref_squeeze %dma_start3A_897 : memref<1x512xi32, #tpu.memory_space<hbm>> -> memref<512xi32, #tpu.memory_space<hbm>>
      tpu.enqueue_dma source(%dma_start3A_898 : memref<512xi32, #tpu.memory_space<hbm>>) target(%dma_start3A_895 : memref<512xi32, #tpu.memory_space<vmem>>) target_semaphore(%arg14 : memref<!tpu.dma_semaphore, #tpu.memory_space<semaphore_mem>>)
      %add3A_899 = arith.constant 6 : i32
      %add3A_900 = arith.addi %mul3A_32, %add3A_899 : i32
      %dma_start3A_901 = arith.constant 3072 : i32
      %dma_start3A_902 = tpu.memref_slice %arg10[%dma_start3A_901] : memref<16384xi32, #tpu.memory_space<vmem>> -> memref<512xi32, #tpu.memory_space<vmem>>
      %dma_start3A_903 = arith.constant 0 : i32
      %dma_start3A_904 = tpu.memref_slice %arg3[%add3A_900, %dma_start3A_903] : memref<256x512xi32, #tpu.memory_space<hbm>> -> memref<1x512xi32, #tpu.memory_space<hbm>>
      %dma_start3A_905 = tpu.memref_squeeze %dma_start3A_904 : memref<1x512xi32, #tpu.memory_space<hbm>> -> memref<512xi32, #tpu.memory_space<hbm>>
      %dma_start3A_906 = arith.constant 3072 : i32
      %dma_start3A_907 = tpu.memref_slice %arg10[%dma_start3A_906] : memref<16384xi32, #tpu.memory_space<vmem>> -> memref<512xi32, #tpu.memory_space<vmem>>
      %dma_start3A_908 = arith.constant 0 : i32
      %dma_start3A_909 = tpu.memref_slice %arg3[%add3A_900, %dma_start3A_908] : memref<256x512xi32, #tpu.memory_space<hbm>> -> memref<1x512xi32, #tpu.memory_space<hbm>>
      %dma_start3A_910 = tpu.memref_squeeze %dma_start3A_909 : memref<1x512xi32, #tpu.memory_space<hbm>> -> memref<512xi32, #tpu.memory_space<hbm>>
      tpu.enqueue_dma source(%dma_start3A_910 : memref<512xi32, #tpu.memory_space<hbm>>) target(%dma_start3A_907 : memref<512xi32, #tpu.memory_space<vmem>>) target_semaphore(%arg14 : memref<!tpu.dma_semaphore, #tpu.memory_space<semaphore_mem>>)
      %add3A_911 = arith.constant 7 : i32
      %add3A_912 = arith.addi %mul3A_32, %add3A_911 : i32
      %dma_start3A_913 = arith.constant 3584 : i32
      %dma_start3A_914 = tpu.memref_slice %arg10[%dma_start3A_913] : memref<16384xi32, #tpu.memory_space<vmem>> -> memref<512xi32, #tpu.memory_space<vmem>>
      %dma_start3A_915 = arith.constant 0 : i32
      %dma_start3A_916 = tpu.memref_slice %arg3[%add3A_912, %dma_start3A_915] : memref<256x512xi32, #tpu.memory_space<hbm>> -> memref<1x512xi32, #tpu.memory_space<hbm>>
      %dma_start3A_917 = tpu.memref_squeeze %dma_start3A_916 : memref<1x512xi32, #tpu.memory_space<hbm>> -> memref<512xi32, #tpu.memory_space<hbm>>
      %dma_start3A_918 = arith.constant 3584 : i32
      %dma_start3A_919 = tpu.memref_slice %arg10[%dma_start3A_918] : memref<16384xi32, #tpu.memory_space<vmem>> -> memref<512xi32, #tpu.memory_space<vmem>>
      %dma_start3A_920 = arith.constant 0 : i32
      %dma_start3A_921 = tpu.memref_slice %arg3[%add3A_912, %dma_start3A_920] : memref<256x512xi32, #tpu.memory_space<hbm>> -> memref<1x512xi32, #tpu.memory_space<hbm>>
      %dma_start3A_922 = tpu.memref_squeeze %dma_start3A_921 : memref<1x512xi32, #tpu.memory_space<hbm>> -> memref<512xi32, #tpu.memory_space<hbm>>
      tpu.enqueue_dma source(%dma_start3A_922 : memref<512xi32, #tpu.memory_space<hbm>>) target(%dma_start3A_919 : memref<512xi32, #tpu.memory_space<vmem>>) target_semaphore(%arg14 : memref<!tpu.dma_semaphore, #tpu.memory_space<semaphore_mem>>)
      %add3A_923 = arith.constant 8 : i32
      %add3A_924 = arith.addi %mul3A_32, %add3A_923 : i32
      %dma_start3A_925 = arith.constant 4096 : i32
      %dma_start3A_926 = tpu.memref_slice %arg10[%dma_start3A_925] : memref<16384xi32, #tpu.memory_space<vmem>> -> memref<512xi32, #tpu.memory_space<vmem>>
      %dma_start3A_927 = arith.constant 0 : i32
      %dma_start3A_928 = tpu.memref_slice %arg3[%add3A_924, %dma_start3A_927] : memref<256x512xi32, #tpu.memory_space<hbm>> -> memref<1x512xi32, #tpu.memory_space<hbm>>
      %dma_start3A_929 = tpu.memref_squeeze %dma_start3A_928 : memref<1x512xi32, #tpu.memory_space<hbm>> -> memref<512xi32, #tpu.memory_space<hbm>>
      %dma_start3A_930 = arith.constant 4096 : i32
      %dma_start3A_931 = tpu.memref_slice %arg10[%dma_start3A_930] : memref<16384xi32, #tpu.memory_space<vmem>> -> memref<512xi32, #tpu.memory_space<vmem>>
      %dma_start3A_932 = arith.constant 0 : i32
      %dma_start3A_933 = tpu.memref_slice %arg3[%add3A_924, %dma_start3A_932] : memref<256x512xi32, #tpu.memory_space<hbm>> -> memref<1x512xi32, #tpu.memory_space<hbm>>
      %dma_start3A_934 = tpu.memref_squeeze %dma_start3A_933 : memref<1x512xi32, #tpu.memory_space<hbm>> -> memref<512xi32, #tpu.memory_space<hbm>>
      tpu.enqueue_dma source(%dma_start3A_934 : memref<512xi32, #tpu.memory_space<hbm>>) target(%dma_start3A_931 : memref<512xi32, #tpu.memory_space<vmem>>) target_semaphore(%arg14 : memref<!tpu.dma_semaphore, #tpu.memory_space<semaphore_mem>>)
      %add3A_935 = arith.constant 9 : i32
      %add3A_936 = arith.addi %mul3A_32, %add3A_935 : i32
      %dma_start3A_937 = arith.constant 4608 : i32
      %dma_start3A_938 = tpu.memref_slice %arg10[%dma_start3A_937] : memref<16384xi32, #tpu.memory_space<vmem>> -> memref<512xi32, #tpu.memory_space<vmem>>
      %dma_start3A_939 = arith.constant 0 : i32
      %dma_start3A_940 = tpu.memref_slice %arg3[%add3A_936, %dma_start3A_939] : memref<256x512xi32, #tpu.memory_space<hbm>> -> memref<1x512xi32, #tpu.memory_space<hbm>>
      %dma_start3A_941 = tpu.memref_squeeze %dma_start3A_940 : memref<1x512xi32, #tpu.memory_space<hbm>> -> memref<512xi32, #tpu.memory_space<hbm>>
      %dma_start3A_942 = arith.constant 4608 : i32
      %dma_start3A_943 = tpu.memref_slice %arg10[%dma_start3A_942] : memref<16384xi32, #tpu.memory_space<vmem>> -> memref<512xi32, #tpu.memory_space<vmem>>
      %dma_start3A_944 = arith.constant 0 : i32
      %dma_start3A_945 = tpu.memref_slice %arg3[%add3A_936, %dma_start3A_944] : memref<256x512xi32, #tpu.memory_space<hbm>> -> memref<1x512xi32, #tpu.memory_space<hbm>>
      %dma_start3A_946 = tpu.memref_squeeze %dma_start3A_945 : memref<1x512xi32, #tpu.memory_space<hbm>> -> memref<512xi32, #tpu.memory_space<hbm>>
      tpu.enqueue_dma source(%dma_start3A_946 : memref<512xi32, #tpu.memory_space<hbm>>) target(%dma_start3A_943 : memref<512xi32, #tpu.memory_space<vmem>>) target_semaphore(%arg14 : memref<!tpu.dma_semaphore, #tpu.memory_space<semaphore_mem>>)
      %add3A_947 = arith.constant 10 : i32
      %add3A_948 = arith.addi %mul3A_32, %add3A_947 : i32
      %dma_start3A_949 = arith.constant 5120 : i32
      %dma_start3A_950 = tpu.memref_slice %arg10[%dma_start3A_949] : memref<16384xi32, #tpu.memory_space<vmem>> -> memref<512xi32, #tpu.memory_space<vmem>>
      %dma_start3A_951 = arith.constant 0 : i32
      %dma_start3A_952 = tpu.memref_slice %arg3[%add3A_948, %dma_start3A_951] : memref<256x512xi32, #tpu.memory_space<hbm>> -> memref<1x512xi32, #tpu.memory_space<hbm>>
      %dma_start3A_953 = tpu.memref_squeeze %dma_start3A_952 : memref<1x512xi32, #tpu.memory_space<hbm>> -> memref<512xi32, #tpu.memory_space<hbm>>
      %dma_start3A_954 = arith.constant 5120 : i32
      %dma_start3A_955 = tpu.memref_slice %arg10[%dma_start3A_954] : memref<16384xi32, #tpu.memory_space<vmem>> -> memref<512xi32, #tpu.memory_space<vmem>>
      %dma_start3A_956 = arith.constant 0 : i32
      %dma_start3A_957 = tpu.memref_slice %arg3[%add3A_948, %dma_start3A_956] : memref<256x512xi32, #tpu.memory_space<hbm>> -> memref<1x512xi32, #tpu.memory_space<hbm>>
      %dma_start3A_958 = tpu.memref_squeeze %dma_start3A_957 : memref<1x512xi32, #tpu.memory_space<hbm>> -> memref<512xi32, #tpu.memory_space<hbm>>
      tpu.enqueue_dma source(%dma_start3A_958 : memref<512xi32, #tpu.memory_space<hbm>>) target(%dma_start3A_955 : memref<512xi32, #tpu.memory_space<vmem>>) target_semaphore(%arg14 : memref<!tpu.dma_semaphore, #tpu.memory_space<semaphore_mem>>)
      %add3A_959 = arith.constant 11 : i32
      %add3A_960 = arith.addi %mul3A_32, %add3A_959 : i32
      %dma_start3A_961 = arith.constant 5632 : i32
      %dma_start3A_962 = tpu.memref_slice %arg10[%dma_start3A_961] : memref<16384xi32, #tpu.memory_space<vmem>> -> memref<512xi32, #tpu.memory_space<vmem>>
      %dma_start3A_963 = arith.constant 0 : i32
      %dma_start3A_964 = tpu.memref_slice %arg3[%add3A_960, %dma_start3A_963] : memref<256x512xi32, #tpu.memory_space<hbm>> -> memref<1x512xi32, #tpu.memory_space<hbm>>
      %dma_start3A_965 = tpu.memref_squeeze %dma_start3A_964 : memref<1x512xi32, #tpu.memory_space<hbm>> -> memref<512xi32, #tpu.memory_space<hbm>>
      %dma_start3A_966 = arith.constant 5632 : i32
      %dma_start3A_967 = tpu.memref_slice %arg10[%dma_start3A_966] : memref<16384xi32, #tpu.memory_space<vmem>> -> memref<512xi32, #tpu.memory_space<vmem>>
      %dma_start3A_968 = arith.constant 0 : i32
      %dma_start3A_969 = tpu.memref_slice %arg3[%add3A_960, %dma_start3A_968] : memref<256x512xi32, #tpu.memory_space<hbm>> -> memref<1x512xi32, #tpu.memory_space<hbm>>
      %dma_start3A_970 = tpu.memref_squeeze %dma_start3A_969 : memref<1x512xi32, #tpu.memory_space<hbm>> -> memref<512xi32, #tpu.memory_space<hbm>>
      tpu.enqueue_dma source(%dma_start3A_970 : memref<512xi32, #tpu.memory_space<hbm>>) target(%dma_start3A_967 : memref<512xi32, #tpu.memory_space<vmem>>) target_semaphore(%arg14 : memref<!tpu.dma_semaphore, #tpu.memory_space<semaphore_mem>>)
      %add3A_971 = arith.constant 12 : i32
      %add3A_972 = arith.addi %mul3A_32, %add3A_971 : i32
      %dma_start3A_973 = arith.constant 6144 : i32
      %dma_start3A_974 = tpu.memref_slice %arg10[%dma_start3A_973] : memref<16384xi32, #tpu.memory_space<vmem>> -> memref<512xi32, #tpu.memory_space<vmem>>
      %dma_start3A_975 = arith.constant 0 : i32
      %dma_start3A_976 = tpu.memref_slice %arg3[%add3A_972, %dma_start3A_975] : memref<256x512xi32, #tpu.memory_space<hbm>> -> memref<1x512xi32, #tpu.memory_space<hbm>>
      %dma_start3A_977 = tpu.memref_squeeze %dma_start3A_976 : memref<1x512xi32, #tpu.memory_space<hbm>> -> memref<512xi32, #tpu.memory_space<hbm>>
      %dma_start3A_978 = arith.constant 6144 : i32
      %dma_start3A_979 = tpu.memref_slice %arg10[%dma_start3A_978] : memref<16384xi32, #tpu.memory_space<vmem>> -> memref<512xi32, #tpu.memory_space<vmem>>
      %dma_start3A_980 = arith.constant 0 : i32
      %dma_start3A_981 = tpu.memref_slice %arg3[%add3A_972, %dma_start3A_980] : memref<256x512xi32, #tpu.memory_space<hbm>> -> memref<1x512xi32, #tpu.memory_space<hbm>>
      %dma_start3A_982 = tpu.memref_squeeze %dma_start3A_981 : memref<1x512xi32, #tpu.memory_space<hbm>> -> memref<512xi32, #tpu.memory_space<hbm>>
      tpu.enqueue_dma source(%dma_start3A_982 : memref<512xi32, #tpu.memory_space<hbm>>) target(%dma_start3A_979 : memref<512xi32, #tpu.memory_space<vmem>>) target_semaphore(%arg14 : memref<!tpu.dma_semaphore, #tpu.memory_space<semaphore_mem>>)
      %add3A_983 = arith.constant 13 : i32
      %add3A_984 = arith.addi %mul3A_32, %add3A_983 : i32
      %dma_start3A_985 = arith.constant 6656 : i32
      %dma_start3A_986 = tpu.memref_slice %arg10[%dma_start3A_985] : memref<16384xi32, #tpu.memory_space<vmem>> -> memref<512xi32, #tpu.memory_space<vmem>>
      %dma_start3A_987 = arith.constant 0 : i32
      %dma_start3A_988 = tpu.memref_slice %arg3[%add3A_984, %dma_start3A_987] : memref<256x512xi32, #tpu.memory_space<hbm>> -> memref<1x512xi32, #tpu.memory_space<hbm>>
      %dma_start3A_989 = tpu.memref_squeeze %dma_start3A_988 : memref<1x512xi32, #tpu.memory_space<hbm>> -> memref<512xi32, #tpu.memory_space<hbm>>
      %dma_start3A_990 = arith.constant 6656 : i32
      %dma_start3A_991 = tpu.memref_slice %arg10[%dma_start3A_990] : memref<16384xi32, #tpu.memory_space<vmem>> -> memref<512xi32, #tpu.memory_space<vmem>>
      %dma_start3A_992 = arith.constant 0 : i32
      %dma_start3A_993 = tpu.memref_slice %arg3[%add3A_984, %dma_start3A_992] : memref<256x512xi32, #tpu.memory_space<hbm>> -> memref<1x512xi32, #tpu.memory_space<hbm>>
      %dma_start3A_994 = tpu.memref_squeeze %dma_start3A_993 : memref<1x512xi32, #tpu.memory_space<hbm>> -> memref<512xi32, #tpu.memory_space<hbm>>
      tpu.enqueue_dma source(%dma_start3A_994 : memref<512xi32, #tpu.memory_space<hbm>>) target(%dma_start3A_991 : memref<512xi32, #tpu.memory_space<vmem>>) target_semaphore(%arg14 : memref<!tpu.dma_semaphore, #tpu.memory_space<semaphore_mem>>)
      %add3A_995 = arith.constant 14 : i32
      %add3A_996 = arith.addi %mul3A_32, %add3A_995 : i32
      %dma_start3A_997 = arith.constant 7168 : i32
      %dma_start3A_998 = tpu.memref_slice %arg10[%dma_start3A_997] : memref<16384xi32, #tpu.memory_space<vmem>> -> memref<512xi32, #tpu.memory_space<vmem>>
      %dma_start3A_999 = arith.constant 0 : i32
      %dma_start3A_1000 = tpu.memref_slice %arg3[%add3A_996, %dma_start3A_999] : memref<256x512xi32, #tpu.memory_space<hbm>> -> memref<1x512xi32, #tpu.memory_space<hbm>>
      %dma_start3A_1001 = tpu.memref_squeeze %dma_start3A_1000 : memref<1x512xi32, #tpu.memory_space<hbm>> -> memref<512xi32, #tpu.memory_space<hbm>>
      %dma_start3A_1002 = arith.constant 7168 : i32
      %dma_start3A_1003 = tpu.memref_slice %arg10[%dma_start3A_1002] : memref<16384xi32, #tpu.memory_space<vmem>> -> memref<512xi32, #tpu.memory_space<vmem>>
      %dma_start3A_1004 = arith.constant 0 : i32
      %dma_start3A_1005 = tpu.memref_slice %arg3[%add3A_996, %dma_start3A_1004] : memref<256x512xi32, #tpu.memory_space<hbm>> -> memref<1x512xi32, #tpu.memory_space<hbm>>
      %dma_start3A_1006 = tpu.memref_squeeze %dma_start3A_1005 : memref<1x512xi32, #tpu.memory_space<hbm>> -> memref<512xi32, #tpu.memory_space<hbm>>
      tpu.enqueue_dma source(%dma_start3A_1006 : memref<512xi32, #tpu.memory_space<hbm>>) target(%dma_start3A_1003 : memref<512xi32, #tpu.memory_space<vmem>>) target_semaphore(%arg14 : memref<!tpu.dma_semaphore, #tpu.memory_space<semaphore_mem>>)
      %add3A_1007 = arith.constant 15 : i32
      %add3A_1008 = arith.addi %mul3A_32, %add3A_1007 : i32
      %dma_start3A_1009 = arith.constant 7680 : i32
      %dma_start3A_1010 = tpu.memref_slice %arg10[%dma_start3A_1009] : memref<16384xi32, #tpu.memory_space<vmem>> -> memref<512xi32, #tpu.memory_space<vmem>>
      %dma_start3A_1011 = arith.constant 0 : i32
      %dma_start3A_1012 = tpu.memref_slice %arg3[%add3A_1008, %dma_start3A_1011] : memref<256x512xi32, #tpu.memory_space<hbm>> -> memref<1x512xi32, #tpu.memory_space<hbm>>
      %dma_start3A_1013 = tpu.memref_squeeze %dma_start3A_1012 : memref<1x512xi32, #tpu.memory_space<hbm>> -> memref<512xi32, #tpu.memory_space<hbm>>
      %dma_start3A_1014 = arith.constant 7680 : i32
      %dma_start3A_1015 = tpu.memref_slice %arg10[%dma_start3A_1014] : memref<16384xi32, #tpu.memory_space<vmem>> -> memref<512xi32, #tpu.memory_space<vmem>>
      %dma_start3A_1016 = arith.constant 0 : i32
      %dma_start3A_1017 = tpu.memref_slice %arg3[%add3A_1008, %dma_start3A_1016] : memref<256x512xi32, #tpu.memory_space<hbm>> -> memref<1x512xi32, #tpu.memory_space<hbm>>
      %dma_start3A_1018 = tpu.memref_squeeze %dma_start3A_1017 : memref<1x512xi32, #tpu.memory_space<hbm>> -> memref<512xi32, #tpu.memory_space<hbm>>
      tpu.enqueue_dma source(%dma_start3A_1018 : memref<512xi32, #tpu.memory_space<hbm>>) target(%dma_start3A_1015 : memref<512xi32, #tpu.memory_space<vmem>>) target_semaphore(%arg14 : memref<!tpu.dma_semaphore, #tpu.memory_space<semaphore_mem>>)
      %add3A_1019 = arith.constant 16 : i32
      %add3A_1020 = arith.addi %mul3A_32, %add3A_1019 : i32
      %dma_start3A_1021 = arith.constant 8192 : i32
      %dma_start3A_1022 = tpu.memref_slice %arg10[%dma_start3A_1021] : memref<16384xi32, #tpu.memory_space<vmem>> -> memref<512xi32, #tpu.memory_space<vmem>>
      %dma_start3A_1023 = arith.constant 0 : i32
      %dma_start3A_1024 = tpu.memref_slice %arg3[%add3A_1020, %dma_start3A_1023] : memref<256x512xi32, #tpu.memory_space<hbm>> -> memref<1x512xi32, #tpu.memory_space<hbm>>
      %dma_start3A_1025 = tpu.memref_squeeze %dma_start3A_1024 : memref<1x512xi32, #tpu.memory_space<hbm>> -> memref<512xi32, #tpu.memory_space<hbm>>
      %dma_start3A_1026 = arith.constant 8192 : i32
      %dma_start3A_1027 = tpu.memref_slice %arg10[%dma_start3A_1026] : memref<16384xi32, #tpu.memory_space<vmem>> -> memref<512xi32, #tpu.memory_space<vmem>>
      %dma_start3A_1028 = arith.constant 0 : i32
      %dma_start3A_1029 = tpu.memref_slice %arg3[%add3A_1020, %dma_start3A_1028] : memref<256x512xi32, #tpu.memory_space<hbm>> -> memref<1x512xi32, #tpu.memory_space<hbm>>
      %dma_start3A_1030 = tpu.memref_squeeze %dma_start3A_1029 : memref<1x512xi32, #tpu.memory_space<hbm>> -> memref<512xi32, #tpu.memory_space<hbm>>
      tpu.enqueue_dma source(%dma_start3A_1030 : memref<512xi32, #tpu.memory_space<hbm>>) target(%dma_start3A_1027 : memref<512xi32, #tpu.memory_space<vmem>>) target_semaphore(%arg14 : memref<!tpu.dma_semaphore, #tpu.memory_space<semaphore_mem>>)
      %add3A_1031 = arith.constant 17 : i32
      %add3A_1032 = arith.addi %mul3A_32, %add3A_1031 : i32
      %dma_start3A_1033 = arith.constant 8704 : i32
      %dma_start3A_1034 = tpu.memref_slice %arg10[%dma_start3A_1033] : memref<16384xi32, #tpu.memory_space<vmem>> -> memref<512xi32, #tpu.memory_space<vmem>>
      %dma_start3A_1035 = arith.constant 0 : i32
      %dma_start3A_1036 = tpu.memref_slice %arg3[%add3A_1032, %dma_start3A_1035] : memref<256x512xi32, #tpu.memory_space<hbm>> -> memref<1x512xi32, #tpu.memory_space<hbm>>
      %dma_start3A_1037 = tpu.memref_squeeze %dma_start3A_1036 : memref<1x512xi32, #tpu.memory_space<hbm>> -> memref<512xi32, #tpu.memory_space<hbm>>
      %dma_start3A_1038 = arith.constant 8704 : i32
      %dma_start3A_1039 = tpu.memref_slice %arg10[%dma_start3A_1038] : memref<16384xi32, #tpu.memory_space<vmem>> -> memref<512xi32, #tpu.memory_space<vmem>>
      %dma_start3A_1040 = arith.constant 0 : i32
      %dma_start3A_1041 = tpu.memref_slice %arg3[%add3A_1032, %dma_start3A_1040] : memref<256x512xi32, #tpu.memory_space<hbm>> -> memref<1x512xi32, #tpu.memory_space<hbm>>
      %dma_start3A_1042 = tpu.memref_squeeze %dma_start3A_1041 : memref<1x512xi32, #tpu.memory_space<hbm>> -> memref<512xi32, #tpu.memory_space<hbm>>
      tpu.enqueue_dma source(%dma_start3A_1042 : memref<512xi32, #tpu.memory_space<hbm>>) target(%dma_start3A_1039 : memref<512xi32, #tpu.memory_space<vmem>>) target_semaphore(%arg14 : memref<!tpu.dma_semaphore, #tpu.memory_space<semaphore_mem>>)
      %add3A_1043 = arith.constant 18 : i32
      %add3A_1044 = arith.addi %mul3A_32, %add3A_1043 : i32
      %dma_start3A_1045 = arith.constant 9216 : i32
      %dma_start3A_1046 = tpu.memref_slice %arg10[%dma_start3A_1045] : memref<16384xi32, #tpu.memory_space<vmem>> -> memref<512xi32, #tpu.memory_space<vmem>>
      %dma_start3A_1047 = arith.constant 0 : i32
      %dma_start3A_1048 = tpu.memref_slice %arg3[%add3A_1044, %dma_start3A_1047] : memref<256x512xi32, #tpu.memory_space<hbm>> -> memref<1x512xi32, #tpu.memory_space<hbm>>
      %dma_start3A_1049 = tpu.memref_squeeze %dma_start3A_1048 : memref<1x512xi32, #tpu.memory_space<hbm>> -> memref<512xi32, #tpu.memory_space<hbm>>
      %dma_start3A_1050 = arith.constant 9216 : i32
      %dma_start3A_1051 = tpu.memref_slice %arg10[%dma_start3A_1050] : memref<16384xi32, #tpu.memory_space<vmem>> -> memref<512xi32, #tpu.memory_space<vmem>>
      %dma_start3A_1052 = arith.constant 0 : i32
      %dma_start3A_1053 = tpu.memref_slice %arg3[%add3A_1044, %dma_start3A_1052] : memref<256x512xi32, #tpu.memory_space<hbm>> -> memref<1x512xi32, #tpu.memory_space<hbm>>
      %dma_start3A_1054 = tpu.memref_squeeze %dma_start3A_1053 : memref<1x512xi32, #tpu.memory_space<hbm>> -> memref<512xi32, #tpu.memory_space<hbm>>
      tpu.enqueue_dma source(%dma_start3A_1054 : memref<512xi32, #tpu.memory_space<hbm>>) target(%dma_start3A_1051 : memref<512xi32, #tpu.memory_space<vmem>>) target_semaphore(%arg14 : memref<!tpu.dma_semaphore, #tpu.memory_space<semaphore_mem>>)
      %add3A_1055 = arith.constant 19 : i32
      %add3A_1056 = arith.addi %mul3A_32, %add3A_1055 : i32
      %dma_start3A_1057 = arith.constant 9728 : i32
      %dma_start3A_1058 = tpu.memref_slice %arg10[%dma_start3A_1057] : memref<16384xi32, #tpu.memory_space<vmem>> -> memref<512xi32, #tpu.memory_space<vmem>>
      %dma_start3A_1059 = arith.constant 0 : i32
      %dma_start3A_1060 = tpu.memref_slice %arg3[%add3A_1056, %dma_start3A_1059] : memref<256x512xi32, #tpu.memory_space<hbm>> -> memref<1x512xi32, #tpu.memory_space<hbm>>
      %dma_start3A_1061 = tpu.memref_squeeze %dma_start3A_1060 : memref<1x512xi32, #tpu.memory_space<hbm>> -> memref<512xi32, #tpu.memory_space<hbm>>
      %dma_start3A_1062 = arith.constant 9728 : i32
      %dma_start3A_1063 = tpu.memref_slice %arg10[%dma_start3A_1062] : memref<16384xi32, #tpu.memory_space<vmem>> -> memref<512xi32, #tpu.memory_space<vmem>>
      %dma_start3A_1064 = arith.constant 0 : i32
      %dma_start3A_1065 = tpu.memref_slice %arg3[%add3A_1056, %dma_start3A_1064] : memref<256x512xi32, #tpu.memory_space<hbm>> -> memref<1x512xi32, #tpu.memory_space<hbm>>
      %dma_start3A_1066 = tpu.memref_squeeze %dma_start3A_1065 : memref<1x512xi32, #tpu.memory_space<hbm>> -> memref<512xi32, #tpu.memory_space<hbm>>
      tpu.enqueue_dma source(%dma_start3A_1066 : memref<512xi32, #tpu.memory_space<hbm>>) target(%dma_start3A_1063 : memref<512xi32, #tpu.memory_space<vmem>>) target_semaphore(%arg14 : memref<!tpu.dma_semaphore, #tpu.memory_space<semaphore_mem>>)
      %add3A_1067 = arith.constant 20 : i32
      %add3A_1068 = arith.addi %mul3A_32, %add3A_1067 : i32
      %dma_start3A_1069 = arith.constant 10240 : i32
      %dma_start3A_1070 = tpu.memref_slice %arg10[%dma_start3A_1069] : memref<16384xi32, #tpu.memory_space<vmem>> -> memref<512xi32, #tpu.memory_space<vmem>>
      %dma_start3A_1071 = arith.constant 0 : i32
      %dma_start3A_1072 = tpu.memref_slice %arg3[%add3A_1068, %dma_start3A_1071] : memref<256x512xi32, #tpu.memory_space<hbm>> -> memref<1x512xi32, #tpu.memory_space<hbm>>
      %dma_start3A_1073 = tpu.memref_squeeze %dma_start3A_1072 : memref<1x512xi32, #tpu.memory_space<hbm>> -> memref<512xi32, #tpu.memory_space<hbm>>
      %dma_start3A_1074 = arith.constant 10240 : i32
      %dma_start3A_1075 = tpu.memref_slice %arg10[%dma_start3A_1074] : memref<16384xi32, #tpu.memory_space<vmem>> -> memref<512xi32, #tpu.memory_space<vmem>>
      %dma_start3A_1076 = arith.constant 0 : i32
      %dma_start3A_1077 = tpu.memref_slice %arg3[%add3A_1068, %dma_start3A_1076] : memref<256x512xi32, #tpu.memory_space<hbm>> -> memref<1x512xi32, #tpu.memory_space<hbm>>
      %dma_start3A_1078 = tpu.memref_squeeze %dma_start3A_1077 : memref<1x512xi32, #tpu.memory_space<hbm>> -> memref<512xi32, #tpu.memory_space<hbm>>
      tpu.enqueue_dma source(%dma_start3A_1078 : memref<512xi32, #tpu.memory_space<hbm>>) target(%dma_start3A_1075 : memref<512xi32, #tpu.memory_space<vmem>>) target_semaphore(%arg14 : memref<!tpu.dma_semaphore, #tpu.memory_space<semaphore_mem>>)
      %add3A_1079 = arith.constant 21 : i32
      %add3A_1080 = arith.addi %mul3A_32, %add3A_1079 : i32
      %dma_start3A_1081 = arith.constant 10752 : i32
      %dma_start3A_1082 = tpu.memref_slice %arg10[%dma_start3A_1081] : memref<16384xi32, #tpu.memory_space<vmem>> -> memref<512xi32, #tpu.memory_space<vmem>>
      %dma_start3A_1083 = arith.constant 0 : i32
      %dma_start3A_1084 = tpu.memref_slice %arg3[%add3A_1080, %dma_start3A_1083] : memref<256x512xi32, #tpu.memory_space<hbm>> -> memref<1x512xi32, #tpu.memory_space<hbm>>
      %dma_start3A_1085 = tpu.memref_squeeze %dma_start3A_1084 : memref<1x512xi32, #tpu.memory_space<hbm>> -> memref<512xi32, #tpu.memory_space<hbm>>
      %dma_start3A_1086 = arith.constant 10752 : i32
      %dma_start3A_1087 = tpu.memref_slice %arg10[%dma_start3A_1086] : memref<16384xi32, #tpu.memory_space<vmem>> -> memref<512xi32, #tpu.memory_space<vmem>>
      %dma_start3A_1088 = arith.constant 0 : i32
      %dma_start3A_1089 = tpu.memref_slice %arg3[%add3A_1080, %dma_start3A_1088] : memref<256x512xi32, #tpu.memory_space<hbm>> -> memref<1x512xi32, #tpu.memory_space<hbm>>
      %dma_start3A_1090 = tpu.memref_squeeze %dma_start3A_1089 : memref<1x512xi32, #tpu.memory_space<hbm>> -> memref<512xi32, #tpu.memory_space<hbm>>
      tpu.enqueue_dma source(%dma_start3A_1090 : memref<512xi32, #tpu.memory_space<hbm>>) target(%dma_start3A_1087 : memref<512xi32, #tpu.memory_space<vmem>>) target_semaphore(%arg14 : memref<!tpu.dma_semaphore, #tpu.memory_space<semaphore_mem>>)
      %add3A_1091 = arith.constant 22 : i32
      %add3A_1092 = arith.addi %mul3A_32, %add3A_1091 : i32
      %dma_start3A_1093 = arith.constant 11264 : i32
      %dma_start3A_1094 = tpu.memref_slice %arg10[%dma_start3A_1093] : memref<16384xi32, #tpu.memory_space<vmem>> -> memref<512xi32, #tpu.memory_space<vmem>>
      %dma_start3A_1095 = arith.constant 0 : i32
      %dma_start3A_1096 = tpu.memref_slice %arg3[%add3A_1092, %dma_start3A_1095] : memref<256x512xi32, #tpu.memory_space<hbm>> -> memref<1x512xi32, #tpu.memory_space<hbm>>
      %dma_start3A_1097 = tpu.memref_squeeze %dma_start3A_1096 : memref<1x512xi32, #tpu.memory_space<hbm>> -> memref<512xi32, #tpu.memory_space<hbm>>
      %dma_start3A_1098 = arith.constant 11264 : i32
      %dma_start3A_1099 = tpu.memref_slice %arg10[%dma_start3A_1098] : memref<16384xi32, #tpu.memory_space<vmem>> -> memref<512xi32, #tpu.memory_space<vmem>>
      %dma_start3A_1100 = arith.constant 0 : i32
      %dma_start3A_1101 = tpu.memref_slice %arg3[%add3A_1092, %dma_start3A_1100] : memref<256x512xi32, #tpu.memory_space<hbm>> -> memref<1x512xi32, #tpu.memory_space<hbm>>
      %dma_start3A_1102 = tpu.memref_squeeze %dma_start3A_1101 : memref<1x512xi32, #tpu.memory_space<hbm>> -> memref<512xi32, #tpu.memory_space<hbm>>
      tpu.enqueue_dma source(%dma_start3A_1102 : memref<512xi32, #tpu.memory_space<hbm>>) target(%dma_start3A_1099 : memref<512xi32, #tpu.memory_space<vmem>>) target_semaphore(%arg14 : memref<!tpu.dma_semaphore, #tpu.memory_space<semaphore_mem>>)
      %add3A_1103 = arith.constant 23 : i32
      %add3A_1104 = arith.addi %mul3A_32, %add3A_1103 : i32
      %dma_start3A_1105 = arith.constant 11776 : i32
      %dma_start3A_1106 = tpu.memref_slice %arg10[%dma_start3A_1105] : memref<16384xi32, #tpu.memory_space<vmem>> -> memref<512xi32, #tpu.memory_space<vmem>>
      %dma_start3A_1107 = arith.constant 0 : i32
      %dma_start3A_1108 = tpu.memref_slice %arg3[%add3A_1104, %dma_start3A_1107] : memref<256x512xi32, #tpu.memory_space<hbm>> -> memref<1x512xi32, #tpu.memory_space<hbm>>
      %dma_start3A_1109 = tpu.memref_squeeze %dma_start3A_1108 : memref<1x512xi32, #tpu.memory_space<hbm>> -> memref<512xi32, #tpu.memory_space<hbm>>
      %dma_start3A_1110 = arith.constant 11776 : i32
      %dma_start3A_1111 = tpu.memref_slice %arg10[%dma_start3A_1110] : memref<16384xi32, #tpu.memory_space<vmem>> -> memref<512xi32, #tpu.memory_space<vmem>>
      %dma_start3A_1112 = arith.constant 0 : i32
      %dma_start3A_1113 = tpu.memref_slice %arg3[%add3A_1104, %dma_start3A_1112] : memref<256x512xi32, #tpu.memory_space<hbm>> -> memref<1x512xi32, #tpu.memory_space<hbm>>
      %dma_start3A_1114 = tpu.memref_squeeze %dma_start3A_1113 : memref<1x512xi32, #tpu.memory_space<hbm>> -> memref<512xi32, #tpu.memory_space<hbm>>
      tpu.enqueue_dma source(%dma_start3A_1114 : memref<512xi32, #tpu.memory_space<hbm>>) target(%dma_start3A_1111 : memref<512xi32, #tpu.memory_space<vmem>>) target_semaphore(%arg14 : memref<!tpu.dma_semaphore, #tpu.memory_space<semaphore_mem>>)
      %add3A_1115 = arith.constant 24 : i32
      %add3A_1116 = arith.addi %mul3A_32, %add3A_1115 : i32
      %dma_start3A_1117 = arith.constant 12288 : i32
      %dma_start3A_1118 = tpu.memref_slice %arg10[%dma_start3A_1117] : memref<16384xi32, #tpu.memory_space<vmem>> -> memref<512xi32, #tpu.memory_space<vmem>>
      %dma_start3A_1119 = arith.constant 0 : i32
      %dma_start3A_1120 = tpu.memref_slice %arg3[%add3A_1116, %dma_start3A_1119] : memref<256x512xi32, #tpu.memory_space<hbm>> -> memref<1x512xi32, #tpu.memory_space<hbm>>
      %dma_start3A_1121 = tpu.memref_squeeze %dma_start3A_1120 : memref<1x512xi32, #tpu.memory_space<hbm>> -> memref<512xi32, #tpu.memory_space<hbm>>
      %dma_start3A_1122 = arith.constant 12288 : i32
      %dma_start3A_1123 = tpu.memref_slice %arg10[%dma_start3A_1122] : memref<16384xi32, #tpu.memory_space<vmem>> -> memref<512xi32, #tpu.memory_space<vmem>>
      %dma_start3A_1124 = arith.constant 0 : i32
      %dma_start3A_1125 = tpu.memref_slice %arg3[%add3A_1116, %dma_start3A_1124] : memref<256x512xi32, #tpu.memory_space<hbm>> -> memref<1x512xi32, #tpu.memory_space<hbm>>
      %dma_start3A_1126 = tpu.memref_squeeze %dma_start3A_1125 : memref<1x512xi32, #tpu.memory_space<hbm>> -> memref<512xi32, #tpu.memory_space<hbm>>
      tpu.enqueue_dma source(%dma_start3A_1126 : memref<512xi32, #tpu.memory_space<hbm>>) target(%dma_start3A_1123 : memref<512xi32, #tpu.memory_space<vmem>>) target_semaphore(%arg14 : memref<!tpu.dma_semaphore, #tpu.memory_space<semaphore_mem>>)
      %add3A_1127 = arith.constant 25 : i32
      %add3A_1128 = arith.addi %mul3A_32, %add3A_1127 : i32
      %dma_start3A_1129 = arith.constant 12800 : i32
      %dma_start3A_1130 = tpu.memref_slice %arg10[%dma_start3A_1129] : memref<16384xi32, #tpu.memory_space<vmem>> -> memref<512xi32, #tpu.memory_space<vmem>>
      %dma_start3A_1131 = arith.constant 0 : i32
      %dma_start3A_1132 = tpu.memref_slice %arg3[%add3A_1128, %dma_start3A_1131] : memref<256x512xi32, #tpu.memory_space<hbm>> -> memref<1x512xi32, #tpu.memory_space<hbm>>
      %dma_start3A_1133 = tpu.memref_squeeze %dma_start3A_1132 : memref<1x512xi32, #tpu.memory_space<hbm>> -> memref<512xi32, #tpu.memory_space<hbm>>
      %dma_start3A_1134 = arith.constant 12800 : i32
      %dma_start3A_1135 = tpu.memref_slice %arg10[%dma_start3A_1134] : memref<16384xi32, #tpu.memory_space<vmem>> -> memref<512xi32, #tpu.memory_space<vmem>>
      %dma_start3A_1136 = arith.constant 0 : i32
      %dma_start3A_1137 = tpu.memref_slice %arg3[%add3A_1128, %dma_start3A_1136] : memref<256x512xi32, #tpu.memory_space<hbm>> -> memref<1x512xi32, #tpu.memory_space<hbm>>
      %dma_start3A_1138 = tpu.memref_squeeze %dma_start3A_1137 : memref<1x512xi32, #tpu.memory_space<hbm>> -> memref<512xi32, #tpu.memory_space<hbm>>
      tpu.enqueue_dma source(%dma_start3A_1138 : memref<512xi32, #tpu.memory_space<hbm>>) target(%dma_start3A_1135 : memref<512xi32, #tpu.memory_space<vmem>>) target_semaphore(%arg14 : memref<!tpu.dma_semaphore, #tpu.memory_space<semaphore_mem>>)
      %add3A_1139 = arith.constant 26 : i32
      %add3A_1140 = arith.addi %mul3A_32, %add3A_1139 : i32
      %dma_start3A_1141 = arith.constant 13312 : i32
      %dma_start3A_1142 = tpu.memref_slice %arg10[%dma_start3A_1141] : memref<16384xi32, #tpu.memory_space<vmem>> -> memref<512xi32, #tpu.memory_space<vmem>>
      %dma_start3A_1143 = arith.constant 0 : i32
      %dma_start3A_1144 = tpu.memref_slice %arg3[%add3A_1140, %dma_start3A_1143] : memref<256x512xi32, #tpu.memory_space<hbm>> -> memref<1x512xi32, #tpu.memory_space<hbm>>
      %dma_start3A_1145 = tpu.memref_squeeze %dma_start3A_1144 : memref<1x512xi32, #tpu.memory_space<hbm>> -> memref<512xi32, #tpu.memory_space<hbm>>
      %dma_start3A_1146 = arith.constant 13312 : i32
      %dma_start3A_1147 = tpu.memref_slice %arg10[%dma_start3A_1146] : memref<16384xi32, #tpu.memory_space<vmem>> -> memref<512xi32, #tpu.memory_space<vmem>>
      %dma_start3A_1148 = arith.constant 0 : i32
      %dma_start3A_1149 = tpu.memref_slice %arg3[%add3A_1140, %dma_start3A_1148] : memref<256x512xi32, #tpu.memory_space<hbm>> -> memref<1x512xi32, #tpu.memory_space<hbm>>
      %dma_start3A_1150 = tpu.memref_squeeze %dma_start3A_1149 : memref<1x512xi32, #tpu.memory_space<hbm>> -> memref<512xi32, #tpu.memory_space<hbm>>
      tpu.enqueue_dma source(%dma_start3A_1150 : memref<512xi32, #tpu.memory_space<hbm>>) target(%dma_start3A_1147 : memref<512xi32, #tpu.memory_space<vmem>>) target_semaphore(%arg14 : memref<!tpu.dma_semaphore, #tpu.memory_space<semaphore_mem>>)
      %add3A_1151 = arith.constant 27 : i32
      %add3A_1152 = arith.addi %mul3A_32, %add3A_1151 : i32
      %dma_start3A_1153 = arith.constant 13824 : i32
      %dma_start3A_1154 = tpu.memref_slice %arg10[%dma_start3A_1153] : memref<16384xi32, #tpu.memory_space<vmem>> -> memref<512xi32, #tpu.memory_space<vmem>>
      %dma_start3A_1155 = arith.constant 0 : i32
      %dma_start3A_1156 = tpu.memref_slice %arg3[%add3A_1152, %dma_start3A_1155] : memref<256x512xi32, #tpu.memory_space<hbm>> -> memref<1x512xi32, #tpu.memory_space<hbm>>
      %dma_start3A_1157 = tpu.memref_squeeze %dma_start3A_1156 : memref<1x512xi32, #tpu.memory_space<hbm>> -> memref<512xi32, #tpu.memory_space<hbm>>
      %dma_start3A_1158 = arith.constant 13824 : i32
      %dma_start3A_1159 = tpu.memref_slice %arg10[%dma_start3A_1158] : memref<16384xi32, #tpu.memory_space<vmem>> -> memref<512xi32, #tpu.memory_space<vmem>>
      %dma_start3A_1160 = arith.constant 0 : i32
      %dma_start3A_1161 = tpu.memref_slice %arg3[%add3A_1152, %dma_start3A_1160] : memref<256x512xi32, #tpu.memory_space<hbm>> -> memref<1x512xi32, #tpu.memory_space<hbm>>
      %dma_start3A_1162 = tpu.memref_squeeze %dma_start3A_1161 : memref<1x512xi32, #tpu.memory_space<hbm>> -> memref<512xi32, #tpu.memory_space<hbm>>
      tpu.enqueue_dma source(%dma_start3A_1162 : memref<512xi32, #tpu.memory_space<hbm>>) target(%dma_start3A_1159 : memref<512xi32, #tpu.memory_space<vmem>>) target_semaphore(%arg14 : memref<!tpu.dma_semaphore, #tpu.memory_space<semaphore_mem>>)
      %add3A_1163 = arith.constant 28 : i32
      %add3A_1164 = arith.addi %mul3A_32, %add3A_1163 : i32
      %dma_start3A_1165 = arith.constant 14336 : i32
      %dma_start3A_1166 = tpu.memref_slice %arg10[%dma_start3A_1165] : memref<16384xi32, #tpu.memory_space<vmem>> -> memref<512xi32, #tpu.memory_space<vmem>>
      %dma_start3A_1167 = arith.constant 0 : i32
      %dma_start3A_1168 = tpu.memref_slice %arg3[%add3A_1164, %dma_start3A_1167] : memref<256x512xi32, #tpu.memory_space<hbm>> -> memref<1x512xi32, #tpu.memory_space<hbm>>
      %dma_start3A_1169 = tpu.memref_squeeze %dma_start3A_1168 : memref<1x512xi32, #tpu.memory_space<hbm>> -> memref<512xi32, #tpu.memory_space<hbm>>
      %dma_start3A_1170 = arith.constant 14336 : i32
      %dma_start3A_1171 = tpu.memref_slice %arg10[%dma_start3A_1170] : memref<16384xi32, #tpu.memory_space<vmem>> -> memref<512xi32, #tpu.memory_space<vmem>>
      %dma_start3A_1172 = arith.constant 0 : i32
      %dma_start3A_1173 = tpu.memref_slice %arg3[%add3A_1164, %dma_start3A_1172] : memref<256x512xi32, #tpu.memory_space<hbm>> -> memref<1x512xi32, #tpu.memory_space<hbm>>
      %dma_start3A_1174 = tpu.memref_squeeze %dma_start3A_1173 : memref<1x512xi32, #tpu.memory_space<hbm>> -> memref<512xi32, #tpu.memory_space<hbm>>
      tpu.enqueue_dma source(%dma_start3A_1174 : memref<512xi32, #tpu.memory_space<hbm>>) target(%dma_start3A_1171 : memref<512xi32, #tpu.memory_space<vmem>>) target_semaphore(%arg14 : memref<!tpu.dma_semaphore, #tpu.memory_space<semaphore_mem>>)
      %add3A_1175 = arith.constant 29 : i32
      %add3A_1176 = arith.addi %mul3A_32, %add3A_1175 : i32
      %dma_start3A_1177 = arith.constant 14848 : i32
      %dma_start3A_1178 = tpu.memref_slice %arg10[%dma_start3A_1177] : memref<16384xi32, #tpu.memory_space<vmem>> -> memref<512xi32, #tpu.memory_space<vmem>>
      %dma_start3A_1179 = arith.constant 0 : i32
      %dma_start3A_1180 = tpu.memref_slice %arg3[%add3A_1176, %dma_start3A_1179] : memref<256x512xi32, #tpu.memory_space<hbm>> -> memref<1x512xi32, #tpu.memory_space<hbm>>
      %dma_start3A_1181 = tpu.memref_squeeze %dma_start3A_1180 : memref<1x512xi32, #tpu.memory_space<hbm>> -> memref<512xi32, #tpu.memory_space<hbm>>
      %dma_start3A_1182 = arith.constant 14848 : i32
      %dma_start3A_1183 = tpu.memref_slice %arg10[%dma_start3A_1182] : memref<16384xi32, #tpu.memory_space<vmem>> -> memref<512xi32, #tpu.memory_space<vmem>>
      %dma_start3A_1184 = arith.constant 0 : i32
      %dma_start3A_1185 = tpu.memref_slice %arg3[%add3A_1176, %dma_start3A_1184] : memref<256x512xi32, #tpu.memory_space<hbm>> -> memref<1x512xi32, #tpu.memory_space<hbm>>
      %dma_start3A_1186 = tpu.memref_squeeze %dma_start3A_1185 : memref<1x512xi32, #tpu.memory_space<hbm>> -> memref<512xi32, #tpu.memory_space<hbm>>
      tpu.enqueue_dma source(%dma_start3A_1186 : memref<512xi32, #tpu.memory_space<hbm>>) target(%dma_start3A_1183 : memref<512xi32, #tpu.memory_space<vmem>>) target_semaphore(%arg14 : memref<!tpu.dma_semaphore, #tpu.memory_space<semaphore_mem>>)
      %add3A_1187 = arith.constant 30 : i32
      %add3A_1188 = arith.addi %mul3A_32, %add3A_1187 : i32
      %dma_start3A_1189 = arith.constant 15360 : i32
      %dma_start3A_1190 = tpu.memref_slice %arg10[%dma_start3A_1189] : memref<16384xi32, #tpu.memory_space<vmem>> -> memref<512xi32, #tpu.memory_space<vmem>>
      %dma_start3A_1191 = arith.constant 0 : i32
      %dma_start3A_1192 = tpu.memref_slice %arg3[%add3A_1188, %dma_start3A_1191] : memref<256x512xi32, #tpu.memory_space<hbm>> -> memref<1x512xi32, #tpu.memory_space<hbm>>
      %dma_start3A_1193 = tpu.memref_squeeze %dma_start3A_1192 : memref<1x512xi32, #tpu.memory_space<hbm>> -> memref<512xi32, #tpu.memory_space<hbm>>
      %dma_start3A_1194 = arith.constant 15360 : i32
      %dma_start3A_1195 = tpu.memref_slice %arg10[%dma_start3A_1194] : memref<16384xi32, #tpu.memory_space<vmem>> -> memref<512xi32, #tpu.memory_space<vmem>>
      %dma_start3A_1196 = arith.constant 0 : i32
      %dma_start3A_1197 = tpu.memref_slice %arg3[%add3A_1188, %dma_start3A_1196] : memref<256x512xi32, #tpu.memory_space<hbm>> -> memref<1x512xi32, #tpu.memory_space<hbm>>
      %dma_start3A_1198 = tpu.memref_squeeze %dma_start3A_1197 : memref<1x512xi32, #tpu.memory_space<hbm>> -> memref<512xi32, #tpu.memory_space<hbm>>
      tpu.enqueue_dma source(%dma_start3A_1198 : memref<512xi32, #tpu.memory_space<hbm>>) target(%dma_start3A_1195 : memref<512xi32, #tpu.memory_space<vmem>>) target_semaphore(%arg14 : memref<!tpu.dma_semaphore, #tpu.memory_space<semaphore_mem>>)
      %add3A_1199 = arith.constant 31 : i32
      %add3A_1200 = arith.addi %mul3A_32, %add3A_1199 : i32
      %dma_start3A_1201 = arith.constant 15872 : i32
      %dma_start3A_1202 = tpu.memref_slice %arg10[%dma_start3A_1201] : memref<16384xi32, #tpu.memory_space<vmem>> -> memref<512xi32, #tpu.memory_space<vmem>>
      %dma_start3A_1203 = arith.constant 0 : i32
      %dma_start3A_1204 = tpu.memref_slice %arg3[%add3A_1200, %dma_start3A_1203] : memref<256x512xi32, #tpu.memory_space<hbm>> -> memref<1x512xi32, #tpu.memory_space<hbm>>
      %dma_start3A_1205 = tpu.memref_squeeze %dma_start3A_1204 : memref<1x512xi32, #tpu.memory_space<hbm>> -> memref<512xi32, #tpu.memory_space<hbm>>
      %dma_start3A_1206 = arith.constant 15872 : i32
      %dma_start3A_1207 = tpu.memref_slice %arg10[%dma_start3A_1206] : memref<16384xi32, #tpu.memory_space<vmem>> -> memref<512xi32, #tpu.memory_space<vmem>>
      %dma_start3A_1208 = arith.constant 0 : i32
      %dma_start3A_1209 = tpu.memref_slice %arg3[%add3A_1200, %dma_start3A_1208] : memref<256x512xi32, #tpu.memory_space<hbm>> -> memref<1x512xi32, #tpu.memory_space<hbm>>
      %dma_start3A_1210 = tpu.memref_squeeze %dma_start3A_1209 : memref<1x512xi32, #tpu.memory_space<hbm>> -> memref<512xi32, #tpu.memory_space<hbm>>
      tpu.enqueue_dma source(%dma_start3A_1210 : memref<512xi32, #tpu.memory_space<hbm>>) target(%dma_start3A_1207 : memref<512xi32, #tpu.memory_space<vmem>>) target_semaphore(%arg14 : memref<!tpu.dma_semaphore, #tpu.memory_space<semaphore_mem>>)
      %dma_start3A_1211 = arith.constant 0 : i32
      %dma_start3A_1212 = tpu.memref_slice %arg6[%dma_start3A_1211] : memref<512xi32, #tpu.memory_space<hbm>> -> memref<512xi32, #tpu.memory_space<hbm>>
      %dma_start3A_1213 = arith.constant 0 : i32
      %dma_start3A_1214 = tpu.memref_slice %arg6[%dma_start3A_1213] : memref<512xi32, #tpu.memory_space<hbm>> -> memref<512xi32, #tpu.memory_space<hbm>>
      tpu.enqueue_dma source(%dma_start3A_1214 : memref<512xi32, #tpu.memory_space<hbm>>) target(%arg12 : memref<512xi32, #tpu.memory_space<vmem>>) target_semaphore(%arg14 : memref<!tpu.dma_semaphore, #tpu.memory_space<semaphore_mem>>)
    } else {
    }
    %eq3A_46 = arith.constant 3 : i32
    %eq3A_47 = arith.cmpi eq, %select_n3A, %eq3A_46 : i32
    %convert_element_type3A_48 = arith.extui %eq3A_47 : i1 to i32
    %cond3A_49 = arith.constant 0 : i32
    %cond3A_50 = arith.cmpi ne, %convert_element_type3A_48, %cond3A_49 : i32
    scf.if %cond3A_50 {
      %add3A_827 = arith.constant 0 : i32
      %add3A_828 = arith.addi %mul3A_32, %add3A_827 : i32
      %dma_start3A_829 = arith.constant 0 : i32
      %dma_start3A_830 = tpu.memref_slice %arg10[%dma_start3A_829] : memref<16384xi32, #tpu.memory_space<vmem>> -> memref<512xi32, #tpu.memory_space<vmem>>
      %dma_start3A_831 = arith.constant 0 : i32
      %dma_start3A_832 = tpu.memref_slice %arg4[%add3A_828, %dma_start3A_831] : memref<256x512xi32, #tpu.memory_space<hbm>> -> memref<1x512xi32, #tpu.memory_space<hbm>>
      %dma_start3A_833 = tpu.memref_squeeze %dma_start3A_832 : memref<1x512xi32, #tpu.memory_space<hbm>> -> memref<512xi32, #tpu.memory_space<hbm>>
      %dma_start3A_834 = arith.constant 0 : i32
      %dma_start3A_835 = tpu.memref_slice %arg10[%dma_start3A_834] : memref<16384xi32, #tpu.memory_space<vmem>> -> memref<512xi32, #tpu.memory_space<vmem>>
      %dma_start3A_836 = arith.constant 0 : i32
      %dma_start3A_837 = tpu.memref_slice %arg4[%add3A_828, %dma_start3A_836] : memref<256x512xi32, #tpu.memory_space<hbm>> -> memref<1x512xi32, #tpu.memory_space<hbm>>
      %dma_start3A_838 = tpu.memref_squeeze %dma_start3A_837 : memref<1x512xi32, #tpu.memory_space<hbm>> -> memref<512xi32, #tpu.memory_space<hbm>>
      tpu.enqueue_dma source(%dma_start3A_838 : memref<512xi32, #tpu.memory_space<hbm>>) target(%dma_start3A_835 : memref<512xi32, #tpu.memory_space<vmem>>) target_semaphore(%arg14 : memref<!tpu.dma_semaphore, #tpu.memory_space<semaphore_mem>>)
      %add3A_839 = arith.constant 1 : i32
      %add3A_840 = arith.addi %mul3A_32, %add3A_839 : i32
      %dma_start3A_841 = arith.constant 512 : i32
      %dma_start3A_842 = tpu.memref_slice %arg10[%dma_start3A_841] : memref<16384xi32, #tpu.memory_space<vmem>> -> memref<512xi32, #tpu.memory_space<vmem>>
      %dma_start3A_843 = arith.constant 0 : i32
      %dma_start3A_844 = tpu.memref_slice %arg4[%add3A_840, %dma_start3A_843] : memref<256x512xi32, #tpu.memory_space<hbm>> -> memref<1x512xi32, #tpu.memory_space<hbm>>
      %dma_start3A_845 = tpu.memref_squeeze %dma_start3A_844 : memref<1x512xi32, #tpu.memory_space<hbm>> -> memref<512xi32, #tpu.memory_space<hbm>>
      %dma_start3A_846 = arith.constant 512 : i32
      %dma_start3A_847 = tpu.memref_slice %arg10[%dma_start3A_846] : memref<16384xi32, #tpu.memory_space<vmem>> -> memref<512xi32, #tpu.memory_space<vmem>>
      %dma_start3A_848 = arith.constant 0 : i32
      %dma_start3A_849 = tpu.memref_slice %arg4[%add3A_840, %dma_start3A_848] : memref<256x512xi32, #tpu.memory_space<hbm>> -> memref<1x512xi32, #tpu.memory_space<hbm>>
      %dma_start3A_850 = tpu.memref_squeeze %dma_start3A_849 : memref<1x512xi32, #tpu.memory_space<hbm>> -> memref<512xi32, #tpu.memory_space<hbm>>
      tpu.enqueue_dma source(%dma_start3A_850 : memref<512xi32, #tpu.memory_space<hbm>>) target(%dma_start3A_847 : memref<512xi32, #tpu.memory_space<vmem>>) target_semaphore(%arg14 : memref<!tpu.dma_semaphore, #tpu.memory_space<semaphore_mem>>)
      %add3A_851 = arith.constant 2 : i32
      %add3A_852 = arith.addi %mul3A_32, %add3A_851 : i32
      %dma_start3A_853 = arith.constant 1024 : i32
      %dma_start3A_854 = tpu.memref_slice %arg10[%dma_start3A_853] : memref<16384xi32, #tpu.memory_space<vmem>> -> memref<512xi32, #tpu.memory_space<vmem>>
      %dma_start3A_855 = arith.constant 0 : i32
      %dma_start3A_856 = tpu.memref_slice %arg4[%add3A_852, %dma_start3A_855] : memref<256x512xi32, #tpu.memory_space<hbm>> -> memref<1x512xi32, #tpu.memory_space<hbm>>
      %dma_start3A_857 = tpu.memref_squeeze %dma_start3A_856 : memref<1x512xi32, #tpu.memory_space<hbm>> -> memref<512xi32, #tpu.memory_space<hbm>>
      %dma_start3A_858 = arith.constant 1024 : i32
      %dma_start3A_859 = tpu.memref_slice %arg10[%dma_start3A_858] : memref<16384xi32, #tpu.memory_space<vmem>> -> memref<512xi32, #tpu.memory_space<vmem>>
      %dma_start3A_860 = arith.constant 0 : i32
      %dma_start3A_861 = tpu.memref_slice %arg4[%add3A_852, %dma_start3A_860] : memref<256x512xi32, #tpu.memory_space<hbm>> -> memref<1x512xi32, #tpu.memory_space<hbm>>
      %dma_start3A_862 = tpu.memref_squeeze %dma_start3A_861 : memref<1x512xi32, #tpu.memory_space<hbm>> -> memref<512xi32, #tpu.memory_space<hbm>>
      tpu.enqueue_dma source(%dma_start3A_862 : memref<512xi32, #tpu.memory_space<hbm>>) target(%dma_start3A_859 : memref<512xi32, #tpu.memory_space<vmem>>) target_semaphore(%arg14 : memref<!tpu.dma_semaphore, #tpu.memory_space<semaphore_mem>>)
      %add3A_863 = arith.constant 3 : i32
      %add3A_864 = arith.addi %mul3A_32, %add3A_863 : i32
      %dma_start3A_865 = arith.constant 1536 : i32
      %dma_start3A_866 = tpu.memref_slice %arg10[%dma_start3A_865] : memref<16384xi32, #tpu.memory_space<vmem>> -> memref<512xi32, #tpu.memory_space<vmem>>
      %dma_start3A_867 = arith.constant 0 : i32
      %dma_start3A_868 = tpu.memref_slice %arg4[%add3A_864, %dma_start3A_867] : memref<256x512xi32, #tpu.memory_space<hbm>> -> memref<1x512xi32, #tpu.memory_space<hbm>>
      %dma_start3A_869 = tpu.memref_squeeze %dma_start3A_868 : memref<1x512xi32, #tpu.memory_space<hbm>> -> memref<512xi32, #tpu.memory_space<hbm>>
      %dma_start3A_870 = arith.constant 1536 : i32
      %dma_start3A_871 = tpu.memref_slice %arg10[%dma_start3A_870] : memref<16384xi32, #tpu.memory_space<vmem>> -> memref<512xi32, #tpu.memory_space<vmem>>
      %dma_start3A_872 = arith.constant 0 : i32
      %dma_start3A_873 = tpu.memref_slice %arg4[%add3A_864, %dma_start3A_872] : memref<256x512xi32, #tpu.memory_space<hbm>> -> memref<1x512xi32, #tpu.memory_space<hbm>>
      %dma_start3A_874 = tpu.memref_squeeze %dma_start3A_873 : memref<1x512xi32, #tpu.memory_space<hbm>> -> memref<512xi32, #tpu.memory_space<hbm>>
      tpu.enqueue_dma source(%dma_start3A_874 : memref<512xi32, #tpu.memory_space<hbm>>) target(%dma_start3A_871 : memref<512xi32, #tpu.memory_space<vmem>>) target_semaphore(%arg14 : memref<!tpu.dma_semaphore, #tpu.memory_space<semaphore_mem>>)
      %add3A_875 = arith.constant 4 : i32
      %add3A_876 = arith.addi %mul3A_32, %add3A_875 : i32
      %dma_start3A_877 = arith.constant 2048 : i32
      %dma_start3A_878 = tpu.memref_slice %arg10[%dma_start3A_877] : memref<16384xi32, #tpu.memory_space<vmem>> -> memref<512xi32, #tpu.memory_space<vmem>>
      %dma_start3A_879 = arith.constant 0 : i32
      %dma_start3A_880 = tpu.memref_slice %arg4[%add3A_876, %dma_start3A_879] : memref<256x512xi32, #tpu.memory_space<hbm>> -> memref<1x512xi32, #tpu.memory_space<hbm>>
      %dma_start3A_881 = tpu.memref_squeeze %dma_start3A_880 : memref<1x512xi32, #tpu.memory_space<hbm>> -> memref<512xi32, #tpu.memory_space<hbm>>
      %dma_start3A_882 = arith.constant 2048 : i32
      %dma_start3A_883 = tpu.memref_slice %arg10[%dma_start3A_882] : memref<16384xi32, #tpu.memory_space<vmem>> -> memref<512xi32, #tpu.memory_space<vmem>>
      %dma_start3A_884 = arith.constant 0 : i32
      %dma_start3A_885 = tpu.memref_slice %arg4[%add3A_876, %dma_start3A_884] : memref<256x512xi32, #tpu.memory_space<hbm>> -> memref<1x512xi32, #tpu.memory_space<hbm>>
      %dma_start3A_886 = tpu.memref_squeeze %dma_start3A_885 : memref<1x512xi32, #tpu.memory_space<hbm>> -> memref<512xi32, #tpu.memory_space<hbm>>
      tpu.enqueue_dma source(%dma_start3A_886 : memref<512xi32, #tpu.memory_space<hbm>>) target(%dma_start3A_883 : memref<512xi32, #tpu.memory_space<vmem>>) target_semaphore(%arg14 : memref<!tpu.dma_semaphore, #tpu.memory_space<semaphore_mem>>)
      %add3A_887 = arith.constant 5 : i32
      %add3A_888 = arith.addi %mul3A_32, %add3A_887 : i32
      %dma_start3A_889 = arith.constant 2560 : i32
      %dma_start3A_890 = tpu.memref_slice %arg10[%dma_start3A_889] : memref<16384xi32, #tpu.memory_space<vmem>> -> memref<512xi32, #tpu.memory_space<vmem>>
      %dma_start3A_891 = arith.constant 0 : i32
      %dma_start3A_892 = tpu.memref_slice %arg4[%add3A_888, %dma_start3A_891] : memref<256x512xi32, #tpu.memory_space<hbm>> -> memref<1x512xi32, #tpu.memory_space<hbm>>
      %dma_start3A_893 = tpu.memref_squeeze %dma_start3A_892 : memref<1x512xi32, #tpu.memory_space<hbm>> -> memref<512xi32, #tpu.memory_space<hbm>>
      %dma_start3A_894 = arith.constant 2560 : i32
      %dma_start3A_895 = tpu.memref_slice %arg10[%dma_start3A_894] : memref<16384xi32, #tpu.memory_space<vmem>> -> memref<512xi32, #tpu.memory_space<vmem>>
      %dma_start3A_896 = arith.constant 0 : i32
      %dma_start3A_897 = tpu.memref_slice %arg4[%add3A_888, %dma_start3A_896] : memref<256x512xi32, #tpu.memory_space<hbm>> -> memref<1x512xi32, #tpu.memory_space<hbm>>
      %dma_start3A_898 = tpu.memref_squeeze %dma_start3A_897 : memref<1x512xi32, #tpu.memory_space<hbm>> -> memref<512xi32, #tpu.memory_space<hbm>>
      tpu.enqueue_dma source(%dma_start3A_898 : memref<512xi32, #tpu.memory_space<hbm>>) target(%dma_start3A_895 : memref<512xi32, #tpu.memory_space<vmem>>) target_semaphore(%arg14 : memref<!tpu.dma_semaphore, #tpu.memory_space<semaphore_mem>>)
      %add3A_899 = arith.constant 6 : i32
      %add3A_900 = arith.addi %mul3A_32, %add3A_899 : i32
      %dma_start3A_901 = arith.constant 3072 : i32
      %dma_start3A_902 = tpu.memref_slice %arg10[%dma_start3A_901] : memref<16384xi32, #tpu.memory_space<vmem>> -> memref<512xi32, #tpu.memory_space<vmem>>
      %dma_start3A_903 = arith.constant 0 : i32
      %dma_start3A_904 = tpu.memref_slice %arg4[%add3A_900, %dma_start3A_903] : memref<256x512xi32, #tpu.memory_space<hbm>> -> memref<1x512xi32, #tpu.memory_space<hbm>>
      %dma_start3A_905 = tpu.memref_squeeze %dma_start3A_904 : memref<1x512xi32, #tpu.memory_space<hbm>> -> memref<512xi32, #tpu.memory_space<hbm>>
      %dma_start3A_906 = arith.constant 3072 : i32
      %dma_start3A_907 = tpu.memref_slice %arg10[%dma_start3A_906] : memref<16384xi32, #tpu.memory_space<vmem>> -> memref<512xi32, #tpu.memory_space<vmem>>
      %dma_start3A_908 = arith.constant 0 : i32
      %dma_start3A_909 = tpu.memref_slice %arg4[%add3A_900, %dma_start3A_908] : memref<256x512xi32, #tpu.memory_space<hbm>> -> memref<1x512xi32, #tpu.memory_space<hbm>>
      %dma_start3A_910 = tpu.memref_squeeze %dma_start3A_909 : memref<1x512xi32, #tpu.memory_space<hbm>> -> memref<512xi32, #tpu.memory_space<hbm>>
      tpu.enqueue_dma source(%dma_start3A_910 : memref<512xi32, #tpu.memory_space<hbm>>) target(%dma_start3A_907 : memref<512xi32, #tpu.memory_space<vmem>>) target_semaphore(%arg14 : memref<!tpu.dma_semaphore, #tpu.memory_space<semaphore_mem>>)
      %add3A_911 = arith.constant 7 : i32
      %add3A_912 = arith.addi %mul3A_32, %add3A_911 : i32
      %dma_start3A_913 = arith.constant 3584 : i32
      %dma_start3A_914 = tpu.memref_slice %arg10[%dma_start3A_913] : memref<16384xi32, #tpu.memory_space<vmem>> -> memref<512xi32, #tpu.memory_space<vmem>>
      %dma_start3A_915 = arith.constant 0 : i32
      %dma_start3A_916 = tpu.memref_slice %arg4[%add3A_912, %dma_start3A_915] : memref<256x512xi32, #tpu.memory_space<hbm>> -> memref<1x512xi32, #tpu.memory_space<hbm>>
      %dma_start3A_917 = tpu.memref_squeeze %dma_start3A_916 : memref<1x512xi32, #tpu.memory_space<hbm>> -> memref<512xi32, #tpu.memory_space<hbm>>
      %dma_start3A_918 = arith.constant 3584 : i32
      %dma_start3A_919 = tpu.memref_slice %arg10[%dma_start3A_918] : memref<16384xi32, #tpu.memory_space<vmem>> -> memref<512xi32, #tpu.memory_space<vmem>>
      %dma_start3A_920 = arith.constant 0 : i32
      %dma_start3A_921 = tpu.memref_slice %arg4[%add3A_912, %dma_start3A_920] : memref<256x512xi32, #tpu.memory_space<hbm>> -> memref<1x512xi32, #tpu.memory_space<hbm>>
      %dma_start3A_922 = tpu.memref_squeeze %dma_start3A_921 : memref<1x512xi32, #tpu.memory_space<hbm>> -> memref<512xi32, #tpu.memory_space<hbm>>
      tpu.enqueue_dma source(%dma_start3A_922 : memref<512xi32, #tpu.memory_space<hbm>>) target(%dma_start3A_919 : memref<512xi32, #tpu.memory_space<vmem>>) target_semaphore(%arg14 : memref<!tpu.dma_semaphore, #tpu.memory_space<semaphore_mem>>)
      %add3A_923 = arith.constant 8 : i32
      %add3A_924 = arith.addi %mul3A_32, %add3A_923 : i32
      %dma_start3A_925 = arith.constant 4096 : i32
      %dma_start3A_926 = tpu.memref_slice %arg10[%dma_start3A_925] : memref<16384xi32, #tpu.memory_space<vmem>> -> memref<512xi32, #tpu.memory_space<vmem>>
      %dma_start3A_927 = arith.constant 0 : i32
      %dma_start3A_928 = tpu.memref_slice %arg4[%add3A_924, %dma_start3A_927] : memref<256x512xi32, #tpu.memory_space<hbm>> -> memref<1x512xi32, #tpu.memory_space<hbm>>
      %dma_start3A_929 = tpu.memref_squeeze %dma_start3A_928 : memref<1x512xi32, #tpu.memory_space<hbm>> -> memref<512xi32, #tpu.memory_space<hbm>>
      %dma_start3A_930 = arith.constant 4096 : i32
      %dma_start3A_931 = tpu.memref_slice %arg10[%dma_start3A_930] : memref<16384xi32, #tpu.memory_space<vmem>> -> memref<512xi32, #tpu.memory_space<vmem>>
      %dma_start3A_932 = arith.constant 0 : i32
      %dma_start3A_933 = tpu.memref_slice %arg4[%add3A_924, %dma_start3A_932] : memref<256x512xi32, #tpu.memory_space<hbm>> -> memref<1x512xi32, #tpu.memory_space<hbm>>
      %dma_start3A_934 = tpu.memref_squeeze %dma_start3A_933 : memref<1x512xi32, #tpu.memory_space<hbm>> -> memref<512xi32, #tpu.memory_space<hbm>>
      tpu.enqueue_dma source(%dma_start3A_934 : memref<512xi32, #tpu.memory_space<hbm>>) target(%dma_start3A_931 : memref<512xi32, #tpu.memory_space<vmem>>) target_semaphore(%arg14 : memref<!tpu.dma_semaphore, #tpu.memory_space<semaphore_mem>>)
      %add3A_935 = arith.constant 9 : i32
      %add3A_936 = arith.addi %mul3A_32, %add3A_935 : i32
      %dma_start3A_937 = arith.constant 4608 : i32
      %dma_start3A_938 = tpu.memref_slice %arg10[%dma_start3A_937] : memref<16384xi32, #tpu.memory_space<vmem>> -> memref<512xi32, #tpu.memory_space<vmem>>
      %dma_start3A_939 = arith.constant 0 : i32
      %dma_start3A_940 = tpu.memref_slice %arg4[%add3A_936, %dma_start3A_939] : memref<256x512xi32, #tpu.memory_space<hbm>> -> memref<1x512xi32, #tpu.memory_space<hbm>>
      %dma_start3A_941 = tpu.memref_squeeze %dma_start3A_940 : memref<1x512xi32, #tpu.memory_space<hbm>> -> memref<512xi32, #tpu.memory_space<hbm>>
      %dma_start3A_942 = arith.constant 4608 : i32
      %dma_start3A_943 = tpu.memref_slice %arg10[%dma_start3A_942] : memref<16384xi32, #tpu.memory_space<vmem>> -> memref<512xi32, #tpu.memory_space<vmem>>
      %dma_start3A_944 = arith.constant 0 : i32
      %dma_start3A_945 = tpu.memref_slice %arg4[%add3A_936, %dma_start3A_944] : memref<256x512xi32, #tpu.memory_space<hbm>> -> memref<1x512xi32, #tpu.memory_space<hbm>>
      %dma_start3A_946 = tpu.memref_squeeze %dma_start3A_945 : memref<1x512xi32, #tpu.memory_space<hbm>> -> memref<512xi32, #tpu.memory_space<hbm>>
      tpu.enqueue_dma source(%dma_start3A_946 : memref<512xi32, #tpu.memory_space<hbm>>) target(%dma_start3A_943 : memref<512xi32, #tpu.memory_space<vmem>>) target_semaphore(%arg14 : memref<!tpu.dma_semaphore, #tpu.memory_space<semaphore_mem>>)
      %add3A_947 = arith.constant 10 : i32
      %add3A_948 = arith.addi %mul3A_32, %add3A_947 : i32
      %dma_start3A_949 = arith.constant 5120 : i32
      %dma_start3A_950 = tpu.memref_slice %arg10[%dma_start3A_949] : memref<16384xi32, #tpu.memory_space<vmem>> -> memref<512xi32, #tpu.memory_space<vmem>>
      %dma_start3A_951 = arith.constant 0 : i32
      %dma_start3A_952 = tpu.memref_slice %arg4[%add3A_948, %dma_start3A_951] : memref<256x512xi32, #tpu.memory_space<hbm>> -> memref<1x512xi32, #tpu.memory_space<hbm>>
      %dma_start3A_953 = tpu.memref_squeeze %dma_start3A_952 : memref<1x512xi32, #tpu.memory_space<hbm>> -> memref<512xi32, #tpu.memory_space<hbm>>
      %dma_start3A_954 = arith.constant 5120 : i32
      %dma_start3A_955 = tpu.memref_slice %arg10[%dma_start3A_954] : memref<16384xi32, #tpu.memory_space<vmem>> -> memref<512xi32, #tpu.memory_space<vmem>>
      %dma_start3A_956 = arith.constant 0 : i32
      %dma_start3A_957 = tpu.memref_slice %arg4[%add3A_948, %dma_start3A_956] : memref<256x512xi32, #tpu.memory_space<hbm>> -> memref<1x512xi32, #tpu.memory_space<hbm>>
      %dma_start3A_958 = tpu.memref_squeeze %dma_start3A_957 : memref<1x512xi32, #tpu.memory_space<hbm>> -> memref<512xi32, #tpu.memory_space<hbm>>
      tpu.enqueue_dma source(%dma_start3A_958 : memref<512xi32, #tpu.memory_space<hbm>>) target(%dma_start3A_955 : memref<512xi32, #tpu.memory_space<vmem>>) target_semaphore(%arg14 : memref<!tpu.dma_semaphore, #tpu.memory_space<semaphore_mem>>)
      %add3A_959 = arith.constant 11 : i32
      %add3A_960 = arith.addi %mul3A_32, %add3A_959 : i32
      %dma_start3A_961 = arith.constant 5632 : i32
      %dma_start3A_962 = tpu.memref_slice %arg10[%dma_start3A_961] : memref<16384xi32, #tpu.memory_space<vmem>> -> memref<512xi32, #tpu.memory_space<vmem>>
      %dma_start3A_963 = arith.constant 0 : i32
      %dma_start3A_964 = tpu.memref_slice %arg4[%add3A_960, %dma_start3A_963] : memref<256x512xi32, #tpu.memory_space<hbm>> -> memref<1x512xi32, #tpu.memory_space<hbm>>
      %dma_start3A_965 = tpu.memref_squeeze %dma_start3A_964 : memref<1x512xi32, #tpu.memory_space<hbm>> -> memref<512xi32, #tpu.memory_space<hbm>>
      %dma_start3A_966 = arith.constant 5632 : i32
      %dma_start3A_967 = tpu.memref_slice %arg10[%dma_start3A_966] : memref<16384xi32, #tpu.memory_space<vmem>> -> memref<512xi32, #tpu.memory_space<vmem>>
      %dma_start3A_968 = arith.constant 0 : i32
      %dma_start3A_969 = tpu.memref_slice %arg4[%add3A_960, %dma_start3A_968] : memref<256x512xi32, #tpu.memory_space<hbm>> -> memref<1x512xi32, #tpu.memory_space<hbm>>
      %dma_start3A_970 = tpu.memref_squeeze %dma_start3A_969 : memref<1x512xi32, #tpu.memory_space<hbm>> -> memref<512xi32, #tpu.memory_space<hbm>>
      tpu.enqueue_dma source(%dma_start3A_970 : memref<512xi32, #tpu.memory_space<hbm>>) target(%dma_start3A_967 : memref<512xi32, #tpu.memory_space<vmem>>) target_semaphore(%arg14 : memref<!tpu.dma_semaphore, #tpu.memory_space<semaphore_mem>>)
      %add3A_971 = arith.constant 12 : i32
      %add3A_972 = arith.addi %mul3A_32, %add3A_971 : i32
      %dma_start3A_973 = arith.constant 6144 : i32
      %dma_start3A_974 = tpu.memref_slice %arg10[%dma_start3A_973] : memref<16384xi32, #tpu.memory_space<vmem>> -> memref<512xi32, #tpu.memory_space<vmem>>
      %dma_start3A_975 = arith.constant 0 : i32
      %dma_start3A_976 = tpu.memref_slice %arg4[%add3A_972, %dma_start3A_975] : memref<256x512xi32, #tpu.memory_space<hbm>> -> memref<1x512xi32, #tpu.memory_space<hbm>>
      %dma_start3A_977 = tpu.memref_squeeze %dma_start3A_976 : memref<1x512xi32, #tpu.memory_space<hbm>> -> memref<512xi32, #tpu.memory_space<hbm>>
      %dma_start3A_978 = arith.constant 6144 : i32
      %dma_start3A_979 = tpu.memref_slice %arg10[%dma_start3A_978] : memref<16384xi32, #tpu.memory_space<vmem>> -> memref<512xi32, #tpu.memory_space<vmem>>
      %dma_start3A_980 = arith.constant 0 : i32
      %dma_start3A_981 = tpu.memref_slice %arg4[%add3A_972, %dma_start3A_980] : memref<256x512xi32, #tpu.memory_space<hbm>> -> memref<1x512xi32, #tpu.memory_space<hbm>>
      %dma_start3A_982 = tpu.memref_squeeze %dma_start3A_981 : memref<1x512xi32, #tpu.memory_space<hbm>> -> memref<512xi32, #tpu.memory_space<hbm>>
      tpu.enqueue_dma source(%dma_start3A_982 : memref<512xi32, #tpu.memory_space<hbm>>) target(%dma_start3A_979 : memref<512xi32, #tpu.memory_space<vmem>>) target_semaphore(%arg14 : memref<!tpu.dma_semaphore, #tpu.memory_space<semaphore_mem>>)
      %add3A_983 = arith.constant 13 : i32
      %add3A_984 = arith.addi %mul3A_32, %add3A_983 : i32
      %dma_start3A_985 = arith.constant 6656 : i32
      %dma_start3A_986 = tpu.memref_slice %arg10[%dma_start3A_985] : memref<16384xi32, #tpu.memory_space<vmem>> -> memref<512xi32, #tpu.memory_space<vmem>>
      %dma_start3A_987 = arith.constant 0 : i32
      %dma_start3A_988 = tpu.memref_slice %arg4[%add3A_984, %dma_start3A_987] : memref<256x512xi32, #tpu.memory_space<hbm>> -> memref<1x512xi32, #tpu.memory_space<hbm>>
      %dma_start3A_989 = tpu.memref_squeeze %dma_start3A_988 : memref<1x512xi32, #tpu.memory_space<hbm>> -> memref<512xi32, #tpu.memory_space<hbm>>
      %dma_start3A_990 = arith.constant 6656 : i32
      %dma_start3A_991 = tpu.memref_slice %arg10[%dma_start3A_990] : memref<16384xi32, #tpu.memory_space<vmem>> -> memref<512xi32, #tpu.memory_space<vmem>>
      %dma_start3A_992 = arith.constant 0 : i32
      %dma_start3A_993 = tpu.memref_slice %arg4[%add3A_984, %dma_start3A_992] : memref<256x512xi32, #tpu.memory_space<hbm>> -> memref<1x512xi32, #tpu.memory_space<hbm>>
      %dma_start3A_994 = tpu.memref_squeeze %dma_start3A_993 : memref<1x512xi32, #tpu.memory_space<hbm>> -> memref<512xi32, #tpu.memory_space<hbm>>
      tpu.enqueue_dma source(%dma_start3A_994 : memref<512xi32, #tpu.memory_space<hbm>>) target(%dma_start3A_991 : memref<512xi32, #tpu.memory_space<vmem>>) target_semaphore(%arg14 : memref<!tpu.dma_semaphore, #tpu.memory_space<semaphore_mem>>)
      %add3A_995 = arith.constant 14 : i32
      %add3A_996 = arith.addi %mul3A_32, %add3A_995 : i32
      %dma_start3A_997 = arith.constant 7168 : i32
      %dma_start3A_998 = tpu.memref_slice %arg10[%dma_start3A_997] : memref<16384xi32, #tpu.memory_space<vmem>> -> memref<512xi32, #tpu.memory_space<vmem>>
      %dma_start3A_999 = arith.constant 0 : i32
      %dma_start3A_1000 = tpu.memref_slice %arg4[%add3A_996, %dma_start3A_999] : memref<256x512xi32, #tpu.memory_space<hbm>> -> memref<1x512xi32, #tpu.memory_space<hbm>>
      %dma_start3A_1001 = tpu.memref_squeeze %dma_start3A_1000 : memref<1x512xi32, #tpu.memory_space<hbm>> -> memref<512xi32, #tpu.memory_space<hbm>>
      %dma_start3A_1002 = arith.constant 7168 : i32
      %dma_start3A_1003 = tpu.memref_slice %arg10[%dma_start3A_1002] : memref<16384xi32, #tpu.memory_space<vmem>> -> memref<512xi32, #tpu.memory_space<vmem>>
      %dma_start3A_1004 = arith.constant 0 : i32
      %dma_start3A_1005 = tpu.memref_slice %arg4[%add3A_996, %dma_start3A_1004] : memref<256x512xi32, #tpu.memory_space<hbm>> -> memref<1x512xi32, #tpu.memory_space<hbm>>
      %dma_start3A_1006 = tpu.memref_squeeze %dma_start3A_1005 : memref<1x512xi32, #tpu.memory_space<hbm>> -> memref<512xi32, #tpu.memory_space<hbm>>
      tpu.enqueue_dma source(%dma_start3A_1006 : memref<512xi32, #tpu.memory_space<hbm>>) target(%dma_start3A_1003 : memref<512xi32, #tpu.memory_space<vmem>>) target_semaphore(%arg14 : memref<!tpu.dma_semaphore, #tpu.memory_space<semaphore_mem>>)
      %add3A_1007 = arith.constant 15 : i32
      %add3A_1008 = arith.addi %mul3A_32, %add3A_1007 : i32
      %dma_start3A_1009 = arith.constant 7680 : i32
      %dma_start3A_1010 = tpu.memref_slice %arg10[%dma_start3A_1009] : memref<16384xi32, #tpu.memory_space<vmem>> -> memref<512xi32, #tpu.memory_space<vmem>>
      %dma_start3A_1011 = arith.constant 0 : i32
      %dma_start3A_1012 = tpu.memref_slice %arg4[%add3A_1008, %dma_start3A_1011] : memref<256x512xi32, #tpu.memory_space<hbm>> -> memref<1x512xi32, #tpu.memory_space<hbm>>
      %dma_start3A_1013 = tpu.memref_squeeze %dma_start3A_1012 : memref<1x512xi32, #tpu.memory_space<hbm>> -> memref<512xi32, #tpu.memory_space<hbm>>
      %dma_start3A_1014 = arith.constant 7680 : i32
      %dma_start3A_1015 = tpu.memref_slice %arg10[%dma_start3A_1014] : memref<16384xi32, #tpu.memory_space<vmem>> -> memref<512xi32, #tpu.memory_space<vmem>>
      %dma_start3A_1016 = arith.constant 0 : i32
      %dma_start3A_1017 = tpu.memref_slice %arg4[%add3A_1008, %dma_start3A_1016] : memref<256x512xi32, #tpu.memory_space<hbm>> -> memref<1x512xi32, #tpu.memory_space<hbm>>
      %dma_start3A_1018 = tpu.memref_squeeze %dma_start3A_1017 : memref<1x512xi32, #tpu.memory_space<hbm>> -> memref<512xi32, #tpu.memory_space<hbm>>
      tpu.enqueue_dma source(%dma_start3A_1018 : memref<512xi32, #tpu.memory_space<hbm>>) target(%dma_start3A_1015 : memref<512xi32, #tpu.memory_space<vmem>>) target_semaphore(%arg14 : memref<!tpu.dma_semaphore, #tpu.memory_space<semaphore_mem>>)
      %add3A_1019 = arith.constant 16 : i32
      %add3A_1020 = arith.addi %mul3A_32, %add3A_1019 : i32
      %dma_start3A_1021 = arith.constant 8192 : i32
      %dma_start3A_1022 = tpu.memref_slice %arg10[%dma_start3A_1021] : memref<16384xi32, #tpu.memory_space<vmem>> -> memref<512xi32, #tpu.memory_space<vmem>>
      %dma_start3A_1023 = arith.constant 0 : i32
      %dma_start3A_1024 = tpu.memref_slice %arg4[%add3A_1020, %dma_start3A_1023] : memref<256x512xi32, #tpu.memory_space<hbm>> -> memref<1x512xi32, #tpu.memory_space<hbm>>
      %dma_start3A_1025 = tpu.memref_squeeze %dma_start3A_1024 : memref<1x512xi32, #tpu.memory_space<hbm>> -> memref<512xi32, #tpu.memory_space<hbm>>
      %dma_start3A_1026 = arith.constant 8192 : i32
      %dma_start3A_1027 = tpu.memref_slice %arg10[%dma_start3A_1026] : memref<16384xi32, #tpu.memory_space<vmem>> -> memref<512xi32, #tpu.memory_space<vmem>>
      %dma_start3A_1028 = arith.constant 0 : i32
      %dma_start3A_1029 = tpu.memref_slice %arg4[%add3A_1020, %dma_start3A_1028] : memref<256x512xi32, #tpu.memory_space<hbm>> -> memref<1x512xi32, #tpu.memory_space<hbm>>
      %dma_start3A_1030 = tpu.memref_squeeze %dma_start3A_1029 : memref<1x512xi32, #tpu.memory_space<hbm>> -> memref<512xi32, #tpu.memory_space<hbm>>
      tpu.enqueue_dma source(%dma_start3A_1030 : memref<512xi32, #tpu.memory_space<hbm>>) target(%dma_start3A_1027 : memref<512xi32, #tpu.memory_space<vmem>>) target_semaphore(%arg14 : memref<!tpu.dma_semaphore, #tpu.memory_space<semaphore_mem>>)
      %add3A_1031 = arith.constant 17 : i32
      %add3A_1032 = arith.addi %mul3A_32, %add3A_1031 : i32
      %dma_start3A_1033 = arith.constant 8704 : i32
      %dma_start3A_1034 = tpu.memref_slice %arg10[%dma_start3A_1033] : memref<16384xi32, #tpu.memory_space<vmem>> -> memref<512xi32, #tpu.memory_space<vmem>>
      %dma_start3A_1035 = arith.constant 0 : i32
      %dma_start3A_1036 = tpu.memref_slice %arg4[%add3A_1032, %dma_start3A_1035] : memref<256x512xi32, #tpu.memory_space<hbm>> -> memref<1x512xi32, #tpu.memory_space<hbm>>
      %dma_start3A_1037 = tpu.memref_squeeze %dma_start3A_1036 : memref<1x512xi32, #tpu.memory_space<hbm>> -> memref<512xi32, #tpu.memory_space<hbm>>
      %dma_start3A_1038 = arith.constant 8704 : i32
      %dma_start3A_1039 = tpu.memref_slice %arg10[%dma_start3A_1038] : memref<16384xi32, #tpu.memory_space<vmem>> -> memref<512xi32, #tpu.memory_space<vmem>>
      %dma_start3A_1040 = arith.constant 0 : i32
      %dma_start3A_1041 = tpu.memref_slice %arg4[%add3A_1032, %dma_start3A_1040] : memref<256x512xi32, #tpu.memory_space<hbm>> -> memref<1x512xi32, #tpu.memory_space<hbm>>
      %dma_start3A_1042 = tpu.memref_squeeze %dma_start3A_1041 : memref<1x512xi32, #tpu.memory_space<hbm>> -> memref<512xi32, #tpu.memory_space<hbm>>
      tpu.enqueue_dma source(%dma_start3A_1042 : memref<512xi32, #tpu.memory_space<hbm>>) target(%dma_start3A_1039 : memref<512xi32, #tpu.memory_space<vmem>>) target_semaphore(%arg14 : memref<!tpu.dma_semaphore, #tpu.memory_space<semaphore_mem>>)
      %add3A_1043 = arith.constant 18 : i32
      %add3A_1044 = arith.addi %mul3A_32, %add3A_1043 : i32
      %dma_start3A_1045 = arith.constant 9216 : i32
      %dma_start3A_1046 = tpu.memref_slice %arg10[%dma_start3A_1045] : memref<16384xi32, #tpu.memory_space<vmem>> -> memref<512xi32, #tpu.memory_space<vmem>>
      %dma_start3A_1047 = arith.constant 0 : i32
      %dma_start3A_1048 = tpu.memref_slice %arg4[%add3A_1044, %dma_start3A_1047] : memref<256x512xi32, #tpu.memory_space<hbm>> -> memref<1x512xi32, #tpu.memory_space<hbm>>
      %dma_start3A_1049 = tpu.memref_squeeze %dma_start3A_1048 : memref<1x512xi32, #tpu.memory_space<hbm>> -> memref<512xi32, #tpu.memory_space<hbm>>
      %dma_start3A_1050 = arith.constant 9216 : i32
      %dma_start3A_1051 = tpu.memref_slice %arg10[%dma_start3A_1050] : memref<16384xi32, #tpu.memory_space<vmem>> -> memref<512xi32, #tpu.memory_space<vmem>>
      %dma_start3A_1052 = arith.constant 0 : i32
      %dma_start3A_1053 = tpu.memref_slice %arg4[%add3A_1044, %dma_start3A_1052] : memref<256x512xi32, #tpu.memory_space<hbm>> -> memref<1x512xi32, #tpu.memory_space<hbm>>
      %dma_start3A_1054 = tpu.memref_squeeze %dma_start3A_1053 : memref<1x512xi32, #tpu.memory_space<hbm>> -> memref<512xi32, #tpu.memory_space<hbm>>
      tpu.enqueue_dma source(%dma_start3A_1054 : memref<512xi32, #tpu.memory_space<hbm>>) target(%dma_start3A_1051 : memref<512xi32, #tpu.memory_space<vmem>>) target_semaphore(%arg14 : memref<!tpu.dma_semaphore, #tpu.memory_space<semaphore_mem>>)
      %add3A_1055 = arith.constant 19 : i32
      %add3A_1056 = arith.addi %mul3A_32, %add3A_1055 : i32
      %dma_start3A_1057 = arith.constant 9728 : i32
      %dma_start3A_1058 = tpu.memref_slice %arg10[%dma_start3A_1057] : memref<16384xi32, #tpu.memory_space<vmem>> -> memref<512xi32, #tpu.memory_space<vmem>>
      %dma_start3A_1059 = arith.constant 0 : i32
      %dma_start3A_1060 = tpu.memref_slice %arg4[%add3A_1056, %dma_start3A_1059] : memref<256x512xi32, #tpu.memory_space<hbm>> -> memref<1x512xi32, #tpu.memory_space<hbm>>
      %dma_start3A_1061 = tpu.memref_squeeze %dma_start3A_1060 : memref<1x512xi32, #tpu.memory_space<hbm>> -> memref<512xi32, #tpu.memory_space<hbm>>
      %dma_start3A_1062 = arith.constant 9728 : i32
      %dma_start3A_1063 = tpu.memref_slice %arg10[%dma_start3A_1062] : memref<16384xi32, #tpu.memory_space<vmem>> -> memref<512xi32, #tpu.memory_space<vmem>>
      %dma_start3A_1064 = arith.constant 0 : i32
      %dma_start3A_1065 = tpu.memref_slice %arg4[%add3A_1056, %dma_start3A_1064] : memref<256x512xi32, #tpu.memory_space<hbm>> -> memref<1x512xi32, #tpu.memory_space<hbm>>
      %dma_start3A_1066 = tpu.memref_squeeze %dma_start3A_1065 : memref<1x512xi32, #tpu.memory_space<hbm>> -> memref<512xi32, #tpu.memory_space<hbm>>
      tpu.enqueue_dma source(%dma_start3A_1066 : memref<512xi32, #tpu.memory_space<hbm>>) target(%dma_start3A_1063 : memref<512xi32, #tpu.memory_space<vmem>>) target_semaphore(%arg14 : memref<!tpu.dma_semaphore, #tpu.memory_space<semaphore_mem>>)
      %add3A_1067 = arith.constant 20 : i32
      %add3A_1068 = arith.addi %mul3A_32, %add3A_1067 : i32
      %dma_start3A_1069 = arith.constant 10240 : i32
      %dma_start3A_1070 = tpu.memref_slice %arg10[%dma_start3A_1069] : memref<16384xi32, #tpu.memory_space<vmem>> -> memref<512xi32, #tpu.memory_space<vmem>>
      %dma_start3A_1071 = arith.constant 0 : i32
      %dma_start3A_1072 = tpu.memref_slice %arg4[%add3A_1068, %dma_start3A_1071] : memref<256x512xi32, #tpu.memory_space<hbm>> -> memref<1x512xi32, #tpu.memory_space<hbm>>
      %dma_start3A_1073 = tpu.memref_squeeze %dma_start3A_1072 : memref<1x512xi32, #tpu.memory_space<hbm>> -> memref<512xi32, #tpu.memory_space<hbm>>
      %dma_start3A_1074 = arith.constant 10240 : i32
      %dma_start3A_1075 = tpu.memref_slice %arg10[%dma_start3A_1074] : memref<16384xi32, #tpu.memory_space<vmem>> -> memref<512xi32, #tpu.memory_space<vmem>>
      %dma_start3A_1076 = arith.constant 0 : i32
      %dma_start3A_1077 = tpu.memref_slice %arg4[%add3A_1068, %dma_start3A_1076] : memref<256x512xi32, #tpu.memory_space<hbm>> -> memref<1x512xi32, #tpu.memory_space<hbm>>
      %dma_start3A_1078 = tpu.memref_squeeze %dma_start3A_1077 : memref<1x512xi32, #tpu.memory_space<hbm>> -> memref<512xi32, #tpu.memory_space<hbm>>
      tpu.enqueue_dma source(%dma_start3A_1078 : memref<512xi32, #tpu.memory_space<hbm>>) target(%dma_start3A_1075 : memref<512xi32, #tpu.memory_space<vmem>>) target_semaphore(%arg14 : memref<!tpu.dma_semaphore, #tpu.memory_space<semaphore_mem>>)
      %add3A_1079 = arith.constant 21 : i32
      %add3A_1080 = arith.addi %mul3A_32, %add3A_1079 : i32
      %dma_start3A_1081 = arith.constant 10752 : i32
      %dma_start3A_1082 = tpu.memref_slice %arg10[%dma_start3A_1081] : memref<16384xi32, #tpu.memory_space<vmem>> -> memref<512xi32, #tpu.memory_space<vmem>>
      %dma_start3A_1083 = arith.constant 0 : i32
      %dma_start3A_1084 = tpu.memref_slice %arg4[%add3A_1080, %dma_start3A_1083] : memref<256x512xi32, #tpu.memory_space<hbm>> -> memref<1x512xi32, #tpu.memory_space<hbm>>
      %dma_start3A_1085 = tpu.memref_squeeze %dma_start3A_1084 : memref<1x512xi32, #tpu.memory_space<hbm>> -> memref<512xi32, #tpu.memory_space<hbm>>
      %dma_start3A_1086 = arith.constant 10752 : i32
      %dma_start3A_1087 = tpu.memref_slice %arg10[%dma_start3A_1086] : memref<16384xi32, #tpu.memory_space<vmem>> -> memref<512xi32, #tpu.memory_space<vmem>>
      %dma_start3A_1088 = arith.constant 0 : i32
      %dma_start3A_1089 = tpu.memref_slice %arg4[%add3A_1080, %dma_start3A_1088] : memref<256x512xi32, #tpu.memory_space<hbm>> -> memref<1x512xi32, #tpu.memory_space<hbm>>
      %dma_start3A_1090 = tpu.memref_squeeze %dma_start3A_1089 : memref<1x512xi32, #tpu.memory_space<hbm>> -> memref<512xi32, #tpu.memory_space<hbm>>
      tpu.enqueue_dma source(%dma_start3A_1090 : memref<512xi32, #tpu.memory_space<hbm>>) target(%dma_start3A_1087 : memref<512xi32, #tpu.memory_space<vmem>>) target_semaphore(%arg14 : memref<!tpu.dma_semaphore, #tpu.memory_space<semaphore_mem>>)
      %add3A_1091 = arith.constant 22 : i32
      %add3A_1092 = arith.addi %mul3A_32, %add3A_1091 : i32
      %dma_start3A_1093 = arith.constant 11264 : i32
      %dma_start3A_1094 = tpu.memref_slice %arg10[%dma_start3A_1093] : memref<16384xi32, #tpu.memory_space<vmem>> -> memref<512xi32, #tpu.memory_space<vmem>>
      %dma_start3A_1095 = arith.constant 0 : i32
      %dma_start3A_1096 = tpu.memref_slice %arg4[%add3A_1092, %dma_start3A_1095] : memref<256x512xi32, #tpu.memory_space<hbm>> -> memref<1x512xi32, #tpu.memory_space<hbm>>
      %dma_start3A_1097 = tpu.memref_squeeze %dma_start3A_1096 : memref<1x512xi32, #tpu.memory_space<hbm>> -> memref<512xi32, #tpu.memory_space<hbm>>
      %dma_start3A_1098 = arith.constant 11264 : i32
      %dma_start3A_1099 = tpu.memref_slice %arg10[%dma_start3A_1098] : memref<16384xi32, #tpu.memory_space<vmem>> -> memref<512xi32, #tpu.memory_space<vmem>>
      %dma_start3A_1100 = arith.constant 0 : i32
      %dma_start3A_1101 = tpu.memref_slice %arg4[%add3A_1092, %dma_start3A_1100] : memref<256x512xi32, #tpu.memory_space<hbm>> -> memref<1x512xi32, #tpu.memory_space<hbm>>
      %dma_start3A_1102 = tpu.memref_squeeze %dma_start3A_1101 : memref<1x512xi32, #tpu.memory_space<hbm>> -> memref<512xi32, #tpu.memory_space<hbm>>
      tpu.enqueue_dma source(%dma_start3A_1102 : memref<512xi32, #tpu.memory_space<hbm>>) target(%dma_start3A_1099 : memref<512xi32, #tpu.memory_space<vmem>>) target_semaphore(%arg14 : memref<!tpu.dma_semaphore, #tpu.memory_space<semaphore_mem>>)
      %add3A_1103 = arith.constant 23 : i32
      %add3A_1104 = arith.addi %mul3A_32, %add3A_1103 : i32
      %dma_start3A_1105 = arith.constant 11776 : i32
      %dma_start3A_1106 = tpu.memref_slice %arg10[%dma_start3A_1105] : memref<16384xi32, #tpu.memory_space<vmem>> -> memref<512xi32, #tpu.memory_space<vmem>>
      %dma_start3A_1107 = arith.constant 0 : i32
      %dma_start3A_1108 = tpu.memref_slice %arg4[%add3A_1104, %dma_start3A_1107] : memref<256x512xi32, #tpu.memory_space<hbm>> -> memref<1x512xi32, #tpu.memory_space<hbm>>
      %dma_start3A_1109 = tpu.memref_squeeze %dma_start3A_1108 : memref<1x512xi32, #tpu.memory_space<hbm>> -> memref<512xi32, #tpu.memory_space<hbm>>
      %dma_start3A_1110 = arith.constant 11776 : i32
      %dma_start3A_1111 = tpu.memref_slice %arg10[%dma_start3A_1110] : memref<16384xi32, #tpu.memory_space<vmem>> -> memref<512xi32, #tpu.memory_space<vmem>>
      %dma_start3A_1112 = arith.constant 0 : i32
      %dma_start3A_1113 = tpu.memref_slice %arg4[%add3A_1104, %dma_start3A_1112] : memref<256x512xi32, #tpu.memory_space<hbm>> -> memref<1x512xi32, #tpu.memory_space<hbm>>
      %dma_start3A_1114 = tpu.memref_squeeze %dma_start3A_1113 : memref<1x512xi32, #tpu.memory_space<hbm>> -> memref<512xi32, #tpu.memory_space<hbm>>
      tpu.enqueue_dma source(%dma_start3A_1114 : memref<512xi32, #tpu.memory_space<hbm>>) target(%dma_start3A_1111 : memref<512xi32, #tpu.memory_space<vmem>>) target_semaphore(%arg14 : memref<!tpu.dma_semaphore, #tpu.memory_space<semaphore_mem>>)
      %add3A_1115 = arith.constant 24 : i32
      %add3A_1116 = arith.addi %mul3A_32, %add3A_1115 : i32
      %dma_start3A_1117 = arith.constant 12288 : i32
      %dma_start3A_1118 = tpu.memref_slice %arg10[%dma_start3A_1117] : memref<16384xi32, #tpu.memory_space<vmem>> -> memref<512xi32, #tpu.memory_space<vmem>>
      %dma_start3A_1119 = arith.constant 0 : i32
      %dma_start3A_1120 = tpu.memref_slice %arg4[%add3A_1116, %dma_start3A_1119] : memref<256x512xi32, #tpu.memory_space<hbm>> -> memref<1x512xi32, #tpu.memory_space<hbm>>
      %dma_start3A_1121 = tpu.memref_squeeze %dma_start3A_1120 : memref<1x512xi32, #tpu.memory_space<hbm>> -> memref<512xi32, #tpu.memory_space<hbm>>
      %dma_start3A_1122 = arith.constant 12288 : i32
      %dma_start3A_1123 = tpu.memref_slice %arg10[%dma_start3A_1122] : memref<16384xi32, #tpu.memory_space<vmem>> -> memref<512xi32, #tpu.memory_space<vmem>>
      %dma_start3A_1124 = arith.constant 0 : i32
      %dma_start3A_1125 = tpu.memref_slice %arg4[%add3A_1116, %dma_start3A_1124] : memref<256x512xi32, #tpu.memory_space<hbm>> -> memref<1x512xi32, #tpu.memory_space<hbm>>
      %dma_start3A_1126 = tpu.memref_squeeze %dma_start3A_1125 : memref<1x512xi32, #tpu.memory_space<hbm>> -> memref<512xi32, #tpu.memory_space<hbm>>
      tpu.enqueue_dma source(%dma_start3A_1126 : memref<512xi32, #tpu.memory_space<hbm>>) target(%dma_start3A_1123 : memref<512xi32, #tpu.memory_space<vmem>>) target_semaphore(%arg14 : memref<!tpu.dma_semaphore, #tpu.memory_space<semaphore_mem>>)
      %add3A_1127 = arith.constant 25 : i32
      %add3A_1128 = arith.addi %mul3A_32, %add3A_1127 : i32
      %dma_start3A_1129 = arith.constant 12800 : i32
      %dma_start3A_1130 = tpu.memref_slice %arg10[%dma_start3A_1129] : memref<16384xi32, #tpu.memory_space<vmem>> -> memref<512xi32, #tpu.memory_space<vmem>>
      %dma_start3A_1131 = arith.constant 0 : i32
      %dma_start3A_1132 = tpu.memref_slice %arg4[%add3A_1128, %dma_start3A_1131] : memref<256x512xi32, #tpu.memory_space<hbm>> -> memref<1x512xi32, #tpu.memory_space<hbm>>
      %dma_start3A_1133 = tpu.memref_squeeze %dma_start3A_1132 : memref<1x512xi32, #tpu.memory_space<hbm>> -> memref<512xi32, #tpu.memory_space<hbm>>
      %dma_start3A_1134 = arith.constant 12800 : i32
      %dma_start3A_1135 = tpu.memref_slice %arg10[%dma_start3A_1134] : memref<16384xi32, #tpu.memory_space<vmem>> -> memref<512xi32, #tpu.memory_space<vmem>>
      %dma_start3A_1136 = arith.constant 0 : i32
      %dma_start3A_1137 = tpu.memref_slice %arg4[%add3A_1128, %dma_start3A_1136] : memref<256x512xi32, #tpu.memory_space<hbm>> -> memref<1x512xi32, #tpu.memory_space<hbm>>
      %dma_start3A_1138 = tpu.memref_squeeze %dma_start3A_1137 : memref<1x512xi32, #tpu.memory_space<hbm>> -> memref<512xi32, #tpu.memory_space<hbm>>
      tpu.enqueue_dma source(%dma_start3A_1138 : memref<512xi32, #tpu.memory_space<hbm>>) target(%dma_start3A_1135 : memref<512xi32, #tpu.memory_space<vmem>>) target_semaphore(%arg14 : memref<!tpu.dma_semaphore, #tpu.memory_space<semaphore_mem>>)
      %add3A_1139 = arith.constant 26 : i32
      %add3A_1140 = arith.addi %mul3A_32, %add3A_1139 : i32
      %dma_start3A_1141 = arith.constant 13312 : i32
      %dma_start3A_1142 = tpu.memref_slice %arg10[%dma_start3A_1141] : memref<16384xi32, #tpu.memory_space<vmem>> -> memref<512xi32, #tpu.memory_space<vmem>>
      %dma_start3A_1143 = arith.constant 0 : i32
      %dma_start3A_1144 = tpu.memref_slice %arg4[%add3A_1140, %dma_start3A_1143] : memref<256x512xi32, #tpu.memory_space<hbm>> -> memref<1x512xi32, #tpu.memory_space<hbm>>
      %dma_start3A_1145 = tpu.memref_squeeze %dma_start3A_1144 : memref<1x512xi32, #tpu.memory_space<hbm>> -> memref<512xi32, #tpu.memory_space<hbm>>
      %dma_start3A_1146 = arith.constant 13312 : i32
      %dma_start3A_1147 = tpu.memref_slice %arg10[%dma_start3A_1146] : memref<16384xi32, #tpu.memory_space<vmem>> -> memref<512xi32, #tpu.memory_space<vmem>>
      %dma_start3A_1148 = arith.constant 0 : i32
      %dma_start3A_1149 = tpu.memref_slice %arg4[%add3A_1140, %dma_start3A_1148] : memref<256x512xi32, #tpu.memory_space<hbm>> -> memref<1x512xi32, #tpu.memory_space<hbm>>
      %dma_start3A_1150 = tpu.memref_squeeze %dma_start3A_1149 : memref<1x512xi32, #tpu.memory_space<hbm>> -> memref<512xi32, #tpu.memory_space<hbm>>
      tpu.enqueue_dma source(%dma_start3A_1150 : memref<512xi32, #tpu.memory_space<hbm>>) target(%dma_start3A_1147 : memref<512xi32, #tpu.memory_space<vmem>>) target_semaphore(%arg14 : memref<!tpu.dma_semaphore, #tpu.memory_space<semaphore_mem>>)
      %add3A_1151 = arith.constant 27 : i32
      %add3A_1152 = arith.addi %mul3A_32, %add3A_1151 : i32
      %dma_start3A_1153 = arith.constant 13824 : i32
      %dma_start3A_1154 = tpu.memref_slice %arg10[%dma_start3A_1153] : memref<16384xi32, #tpu.memory_space<vmem>> -> memref<512xi32, #tpu.memory_space<vmem>>
      %dma_start3A_1155 = arith.constant 0 : i32
      %dma_start3A_1156 = tpu.memref_slice %arg4[%add3A_1152, %dma_start3A_1155] : memref<256x512xi32, #tpu.memory_space<hbm>> -> memref<1x512xi32, #tpu.memory_space<hbm>>
      %dma_start3A_1157 = tpu.memref_squeeze %dma_start3A_1156 : memref<1x512xi32, #tpu.memory_space<hbm>> -> memref<512xi32, #tpu.memory_space<hbm>>
      %dma_start3A_1158 = arith.constant 13824 : i32
      %dma_start3A_1159 = tpu.memref_slice %arg10[%dma_start3A_1158] : memref<16384xi32, #tpu.memory_space<vmem>> -> memref<512xi32, #tpu.memory_space<vmem>>
      %dma_start3A_1160 = arith.constant 0 : i32
      %dma_start3A_1161 = tpu.memref_slice %arg4[%add3A_1152, %dma_start3A_1160] : memref<256x512xi32, #tpu.memory_space<hbm>> -> memref<1x512xi32, #tpu.memory_space<hbm>>
      %dma_start3A_1162 = tpu.memref_squeeze %dma_start3A_1161 : memref<1x512xi32, #tpu.memory_space<hbm>> -> memref<512xi32, #tpu.memory_space<hbm>>
      tpu.enqueue_dma source(%dma_start3A_1162 : memref<512xi32, #tpu.memory_space<hbm>>) target(%dma_start3A_1159 : memref<512xi32, #tpu.memory_space<vmem>>) target_semaphore(%arg14 : memref<!tpu.dma_semaphore, #tpu.memory_space<semaphore_mem>>)
      %add3A_1163 = arith.constant 28 : i32
      %add3A_1164 = arith.addi %mul3A_32, %add3A_1163 : i32
      %dma_start3A_1165 = arith.constant 14336 : i32
      %dma_start3A_1166 = tpu.memref_slice %arg10[%dma_start3A_1165] : memref<16384xi32, #tpu.memory_space<vmem>> -> memref<512xi32, #tpu.memory_space<vmem>>
      %dma_start3A_1167 = arith.constant 0 : i32
      %dma_start3A_1168 = tpu.memref_slice %arg4[%add3A_1164, %dma_start3A_1167] : memref<256x512xi32, #tpu.memory_space<hbm>> -> memref<1x512xi32, #tpu.memory_space<hbm>>
      %dma_start3A_1169 = tpu.memref_squeeze %dma_start3A_1168 : memref<1x512xi32, #tpu.memory_space<hbm>> -> memref<512xi32, #tpu.memory_space<hbm>>
      %dma_start3A_1170 = arith.constant 14336 : i32
      %dma_start3A_1171 = tpu.memref_slice %arg10[%dma_start3A_1170] : memref<16384xi32, #tpu.memory_space<vmem>> -> memref<512xi32, #tpu.memory_space<vmem>>
      %dma_start3A_1172 = arith.constant 0 : i32
      %dma_start3A_1173 = tpu.memref_slice %arg4[%add3A_1164, %dma_start3A_1172] : memref<256x512xi32, #tpu.memory_space<hbm>> -> memref<1x512xi32, #tpu.memory_space<hbm>>
      %dma_start3A_1174 = tpu.memref_squeeze %dma_start3A_1173 : memref<1x512xi32, #tpu.memory_space<hbm>> -> memref<512xi32, #tpu.memory_space<hbm>>
      tpu.enqueue_dma source(%dma_start3A_1174 : memref<512xi32, #tpu.memory_space<hbm>>) target(%dma_start3A_1171 : memref<512xi32, #tpu.memory_space<vmem>>) target_semaphore(%arg14 : memref<!tpu.dma_semaphore, #tpu.memory_space<semaphore_mem>>)
      %add3A_1175 = arith.constant 29 : i32
      %add3A_1176 = arith.addi %mul3A_32, %add3A_1175 : i32
      %dma_start3A_1177 = arith.constant 14848 : i32
      %dma_start3A_1178 = tpu.memref_slice %arg10[%dma_start3A_1177] : memref<16384xi32, #tpu.memory_space<vmem>> -> memref<512xi32, #tpu.memory_space<vmem>>
      %dma_start3A_1179 = arith.constant 0 : i32
      %dma_start3A_1180 = tpu.memref_slice %arg4[%add3A_1176, %dma_start3A_1179] : memref<256x512xi32, #tpu.memory_space<hbm>> -> memref<1x512xi32, #tpu.memory_space<hbm>>
      %dma_start3A_1181 = tpu.memref_squeeze %dma_start3A_1180 : memref<1x512xi32, #tpu.memory_space<hbm>> -> memref<512xi32, #tpu.memory_space<hbm>>
      %dma_start3A_1182 = arith.constant 14848 : i32
      %dma_start3A_1183 = tpu.memref_slice %arg10[%dma_start3A_1182] : memref<16384xi32, #tpu.memory_space<vmem>> -> memref<512xi32, #tpu.memory_space<vmem>>
      %dma_start3A_1184 = arith.constant 0 : i32
      %dma_start3A_1185 = tpu.memref_slice %arg4[%add3A_1176, %dma_start3A_1184] : memref<256x512xi32, #tpu.memory_space<hbm>> -> memref<1x512xi32, #tpu.memory_space<hbm>>
      %dma_start3A_1186 = tpu.memref_squeeze %dma_start3A_1185 : memref<1x512xi32, #tpu.memory_space<hbm>> -> memref<512xi32, #tpu.memory_space<hbm>>
      tpu.enqueue_dma source(%dma_start3A_1186 : memref<512xi32, #tpu.memory_space<hbm>>) target(%dma_start3A_1183 : memref<512xi32, #tpu.memory_space<vmem>>) target_semaphore(%arg14 : memref<!tpu.dma_semaphore, #tpu.memory_space<semaphore_mem>>)
      %add3A_1187 = arith.constant 30 : i32
      %add3A_1188 = arith.addi %mul3A_32, %add3A_1187 : i32
      %dma_start3A_1189 = arith.constant 15360 : i32
      %dma_start3A_1190 = tpu.memref_slice %arg10[%dma_start3A_1189] : memref<16384xi32, #tpu.memory_space<vmem>> -> memref<512xi32, #tpu.memory_space<vmem>>
      %dma_start3A_1191 = arith.constant 0 : i32
      %dma_start3A_1192 = tpu.memref_slice %arg4[%add3A_1188, %dma_start3A_1191] : memref<256x512xi32, #tpu.memory_space<hbm>> -> memref<1x512xi32, #tpu.memory_space<hbm>>
      %dma_start3A_1193 = tpu.memref_squeeze %dma_start3A_1192 : memref<1x512xi32, #tpu.memory_space<hbm>> -> memref<512xi32, #tpu.memory_space<hbm>>
      %dma_start3A_1194 = arith.constant 15360 : i32
      %dma_start3A_1195 = tpu.memref_slice %arg10[%dma_start3A_1194] : memref<16384xi32, #tpu.memory_space<vmem>> -> memref<512xi32, #tpu.memory_space<vmem>>
      %dma_start3A_1196 = arith.constant 0 : i32
      %dma_start3A_1197 = tpu.memref_slice %arg4[%add3A_1188, %dma_start3A_1196] : memref<256x512xi32, #tpu.memory_space<hbm>> -> memref<1x512xi32, #tpu.memory_space<hbm>>
      %dma_start3A_1198 = tpu.memref_squeeze %dma_start3A_1197 : memref<1x512xi32, #tpu.memory_space<hbm>> -> memref<512xi32, #tpu.memory_space<hbm>>
      tpu.enqueue_dma source(%dma_start3A_1198 : memref<512xi32, #tpu.memory_space<hbm>>) target(%dma_start3A_1195 : memref<512xi32, #tpu.memory_space<vmem>>) target_semaphore(%arg14 : memref<!tpu.dma_semaphore, #tpu.memory_space<semaphore_mem>>)
      %add3A_1199 = arith.constant 31 : i32
      %add3A_1200 = arith.addi %mul3A_32, %add3A_1199 : i32
      %dma_start3A_1201 = arith.constant 15872 : i32
      %dma_start3A_1202 = tpu.memref_slice %arg10[%dma_start3A_1201] : memref<16384xi32, #tpu.memory_space<vmem>> -> memref<512xi32, #tpu.memory_space<vmem>>
      %dma_start3A_1203 = arith.constant 0 : i32
      %dma_start3A_1204 = tpu.memref_slice %arg4[%add3A_1200, %dma_start3A_1203] : memref<256x512xi32, #tpu.memory_space<hbm>> -> memref<1x512xi32, #tpu.memory_space<hbm>>
      %dma_start3A_1205 = tpu.memref_squeeze %dma_start3A_1204 : memref<1x512xi32, #tpu.memory_space<hbm>> -> memref<512xi32, #tpu.memory_space<hbm>>
      %dma_start3A_1206 = arith.constant 15872 : i32
      %dma_start3A_1207 = tpu.memref_slice %arg10[%dma_start3A_1206] : memref<16384xi32, #tpu.memory_space<vmem>> -> memref<512xi32, #tpu.memory_space<vmem>>
      %dma_start3A_1208 = arith.constant 0 : i32
      %dma_start3A_1209 = tpu.memref_slice %arg4[%add3A_1200, %dma_start3A_1208] : memref<256x512xi32, #tpu.memory_space<hbm>> -> memref<1x512xi32, #tpu.memory_space<hbm>>
      %dma_start3A_1210 = tpu.memref_squeeze %dma_start3A_1209 : memref<1x512xi32, #tpu.memory_space<hbm>> -> memref<512xi32, #tpu.memory_space<hbm>>
      tpu.enqueue_dma source(%dma_start3A_1210 : memref<512xi32, #tpu.memory_space<hbm>>) target(%dma_start3A_1207 : memref<512xi32, #tpu.memory_space<vmem>>) target_semaphore(%arg14 : memref<!tpu.dma_semaphore, #tpu.memory_space<semaphore_mem>>)
      %dma_start3A_1211 = arith.constant 0 : i32
      %dma_start3A_1212 = tpu.memref_slice %arg7[%dma_start3A_1211] : memref<512xi32, #tpu.memory_space<hbm>> -> memref<512xi32, #tpu.memory_space<hbm>>
      %dma_start3A_1213 = arith.constant 0 : i32
      %dma_start3A_1214 = tpu.memref_slice %arg7[%dma_start3A_1213] : memref<512xi32, #tpu.memory_space<hbm>> -> memref<512xi32, #tpu.memory_space<hbm>>
      tpu.enqueue_dma source(%dma_start3A_1214 : memref<512xi32, #tpu.memory_space<hbm>>) target(%arg12 : memref<512xi32, #tpu.memory_space<vmem>>) target_semaphore(%arg14 : memref<!tpu.dma_semaphore, #tpu.memory_space<semaphore_mem>>)
    } else {
    }
    "tpu.trace_start"() <{level = 10 : i32, message = "table_dma"}> : () -> ()
    %mul3A_51 = arith.constant 512 : i32
    %mul3A_52 = arith.muli %select_n3A, %mul3A_51 : i32
    %add3A_53 = arith.constant 0 : i32
    %add3A_54 = arith.addi %add3A_53, %mul3A_52 : i32
    %dma_start3A = arith.constant 0 : i32
    %dma_start3A_55 = tpu.memref_slice %arg11[%dma_start3A] : memref<10752xf32, #tpu.memory_space<vmem>> -> memref<512xf32, #tpu.memory_space<vmem>>
    %dma_start3A_56 = tpu.memref_slice %arg8[%add3A_54] : memref<49152xf32, #tpu.memory_space<hbm>> -> memref<512xf32, #tpu.memory_space<hbm>>
    %dma_start3A_57 = arith.constant 0 : i32
    %dma_start3A_58 = tpu.memref_slice %arg11[%dma_start3A_57] : memref<10752xf32, #tpu.memory_space<vmem>> -> memref<512xf32, #tpu.memory_space<vmem>>
    %dma_start3A_59 = tpu.memref_slice %arg8[%add3A_54] : memref<49152xf32, #tpu.memory_space<hbm>> -> memref<512xf32, #tpu.memory_space<hbm>>
    tpu.enqueue_dma source(%dma_start3A_59 : memref<512xf32, #tpu.memory_space<hbm>>) target(%dma_start3A_58 : memref<512xf32, #tpu.memory_space<vmem>>) target_semaphore(%arg14 : memref<!tpu.dma_semaphore, #tpu.memory_space<semaphore_mem>>)
    %mul3A_60 = arith.constant 512 : i32
    %mul3A_61 = arith.muli %select_n3A, %mul3A_60 : i32
    %add3A_62 = arith.constant 2048 : i32
    %add3A_63 = arith.addi %add3A_62, %mul3A_61 : i32
    %dma_start3A_64 = arith.constant 512 : i32
    %dma_start3A_65 = tpu.memref_slice %arg11[%dma_start3A_64] : memref<10752xf32, #tpu.memory_space<vmem>> -> memref<512xf32, #tpu.memory_space<vmem>>
    %dma_start3A_66 = tpu.memref_slice %arg8[%add3A_63] : memref<49152xf32, #tpu.memory_space<hbm>> -> memref<512xf32, #tpu.memory_space<hbm>>
    %dma_start3A_67 = arith.constant 512 : i32
    %dma_start3A_68 = tpu.memref_slice %arg11[%dma_start3A_67] : memref<10752xf32, #tpu.memory_space<vmem>> -> memref<512xf32, #tpu.memory_space<vmem>>
    %dma_start3A_69 = tpu.memref_slice %arg8[%add3A_63] : memref<49152xf32, #tpu.memory_space<hbm>> -> memref<512xf32, #tpu.memory_space<hbm>>
    tpu.enqueue_dma source(%dma_start3A_69 : memref<512xf32, #tpu.memory_space<hbm>>) target(%dma_start3A_68 : memref<512xf32, #tpu.memory_space<vmem>>) target_semaphore(%arg14 : memref<!tpu.dma_semaphore, #tpu.memory_space<semaphore_mem>>)
    %mul3A_70 = arith.constant 512 : i32
    %mul3A_71 = arith.muli %select_n3A, %mul3A_70 : i32
    %add3A_72 = arith.constant 4096 : i32
    %add3A_73 = arith.addi %add3A_72, %mul3A_71 : i32
    %dma_start3A_74 = arith.constant 1024 : i32
    %dma_start3A_75 = tpu.memref_slice %arg11[%dma_start3A_74] : memref<10752xf32, #tpu.memory_space<vmem>> -> memref<512xf32, #tpu.memory_space<vmem>>
    %dma_start3A_76 = tpu.memref_slice %arg8[%add3A_73] : memref<49152xf32, #tpu.memory_space<hbm>> -> memref<512xf32, #tpu.memory_space<hbm>>
    %dma_start3A_77 = arith.constant 1024 : i32
    %dma_start3A_78 = tpu.memref_slice %arg11[%dma_start3A_77] : memref<10752xf32, #tpu.memory_space<vmem>> -> memref<512xf32, #tpu.memory_space<vmem>>
    %dma_start3A_79 = tpu.memref_slice %arg8[%add3A_73] : memref<49152xf32, #tpu.memory_space<hbm>> -> memref<512xf32, #tpu.memory_space<hbm>>
    tpu.enqueue_dma source(%dma_start3A_79 : memref<512xf32, #tpu.memory_space<hbm>>) target(%dma_start3A_78 : memref<512xf32, #tpu.memory_space<vmem>>) target_semaphore(%arg14 : memref<!tpu.dma_semaphore, #tpu.memory_space<semaphore_mem>>)
    %mul3A_80 = arith.constant 512 : i32
    %mul3A_81 = arith.muli %select_n3A, %mul3A_80 : i32
    %add3A_82 = arith.constant 6144 : i32
    %add3A_83 = arith.addi %add3A_82, %mul3A_81 : i32
    %dma_start3A_84 = arith.constant 1536 : i32
    %dma_start3A_85 = tpu.memref_slice %arg11[%dma_start3A_84] : memref<10752xf32, #tpu.memory_space<vmem>> -> memref<512xf32, #tpu.memory_space<vmem>>
    %dma_start3A_86 = tpu.memref_slice %arg8[%add3A_83] : memref<49152xf32, #tpu.memory_space<hbm>> -> memref<512xf32, #tpu.memory_space<hbm>>
    %dma_start3A_87 = arith.constant 1536 : i32
    %dma_start3A_88 = tpu.memref_slice %arg11[%dma_start3A_87] : memref<10752xf32, #tpu.memory_space<vmem>> -> memref<512xf32, #tpu.memory_space<vmem>>
    %dma_start3A_89 = tpu.memref_slice %arg8[%add3A_83] : memref<49152xf32, #tpu.memory_space<hbm>> -> memref<512xf32, #tpu.memory_space<hbm>>
    tpu.enqueue_dma source(%dma_start3A_89 : memref<512xf32, #tpu.memory_space<hbm>>) target(%dma_start3A_88 : memref<512xf32, #tpu.memory_space<vmem>>) target_semaphore(%arg14 : memref<!tpu.dma_semaphore, #tpu.memory_space<semaphore_mem>>)
    %mul3A_90 = arith.constant 512 : i32
    %mul3A_91 = arith.muli %select_n3A, %mul3A_90 : i32
    %add3A_92 = arith.constant 8192 : i32
    %add3A_93 = arith.addi %add3A_92, %mul3A_91 : i32
    %dma_start3A_94 = arith.constant 2048 : i32
    %dma_start3A_95 = tpu.memref_slice %arg11[%dma_start3A_94] : memref<10752xf32, #tpu.memory_space<vmem>> -> memref<512xf32, #tpu.memory_space<vmem>>
    %dma_start3A_96 = tpu.memref_slice %arg8[%add3A_93] : memref<49152xf32, #tpu.memory_space<hbm>> -> memref<512xf32, #tpu.memory_space<hbm>>
    %dma_start3A_97 = arith.constant 2048 : i32
    %dma_start3A_98 = tpu.memref_slice %arg11[%dma_start3A_97] : memref<10752xf32, #tpu.memory_space<vmem>> -> memref<512xf32, #tpu.memory_space<vmem>>
    %dma_start3A_99 = tpu.memref_slice %arg8[%add3A_93] : memref<49152xf32, #tpu.memory_space<hbm>> -> memref<512xf32, #tpu.memory_space<hbm>>
    tpu.enqueue_dma source(%dma_start3A_99 : memref<512xf32, #tpu.memory_space<hbm>>) target(%dma_start3A_98 : memref<512xf32, #tpu.memory_space<vmem>>) target_semaphore(%arg14 : memref<!tpu.dma_semaphore, #tpu.memory_space<semaphore_mem>>)
    %mul3A_100 = arith.constant 512 : i32
    %mul3A_101 = arith.muli %select_n3A, %mul3A_100 : i32
    %add3A_102 = arith.constant 10240 : i32
    %add3A_103 = arith.addi %add3A_102, %mul3A_101 : i32
    %dma_start3A_104 = arith.constant 2560 : i32
    %dma_start3A_105 = tpu.memref_slice %arg11[%dma_start3A_104] : memref<10752xf32, #tpu.memory_space<vmem>> -> memref<512xf32, #tpu.memory_space<vmem>>
    %dma_start3A_106 = tpu.memref_slice %arg8[%add3A_103] : memref<49152xf32, #tpu.memory_space<hbm>> -> memref<512xf32, #tpu.memory_space<hbm>>
    %dma_start3A_107 = arith.constant 2560 : i32
    %dma_start3A_108 = tpu.memref_slice %arg11[%dma_start3A_107] : memref<10752xf32, #tpu.memory_space<vmem>> -> memref<512xf32, #tpu.memory_space<vmem>>
    %dma_start3A_109 = tpu.memref_slice %arg8[%add3A_103] : memref<49152xf32, #tpu.memory_space<hbm>> -> memref<512xf32, #tpu.memory_space<hbm>>
    tpu.enqueue_dma source(%dma_start3A_109 : memref<512xf32, #tpu.memory_space<hbm>>) target(%dma_start3A_108 : memref<512xf32, #tpu.memory_space<vmem>>) target_semaphore(%arg14 : memref<!tpu.dma_semaphore, #tpu.memory_space<semaphore_mem>>)
    %mul3A_110 = arith.constant 512 : i32
    %mul3A_111 = arith.muli %select_n3A, %mul3A_110 : i32
    %add3A_112 = arith.constant 12288 : i32
    %add3A_113 = arith.addi %add3A_112, %mul3A_111 : i32
    %dma_start3A_114 = arith.constant 3072 : i32
    %dma_start3A_115 = tpu.memref_slice %arg11[%dma_start3A_114] : memref<10752xf32, #tpu.memory_space<vmem>> -> memref<512xf32, #tpu.memory_space<vmem>>
    %dma_start3A_116 = tpu.memref_slice %arg8[%add3A_113] : memref<49152xf32, #tpu.memory_space<hbm>> -> memref<512xf32, #tpu.memory_space<hbm>>
    %dma_start3A_117 = arith.constant 3072 : i32
    %dma_start3A_118 = tpu.memref_slice %arg11[%dma_start3A_117] : memref<10752xf32, #tpu.memory_space<vmem>> -> memref<512xf32, #tpu.memory_space<vmem>>
    %dma_start3A_119 = tpu.memref_slice %arg8[%add3A_113] : memref<49152xf32, #tpu.memory_space<hbm>> -> memref<512xf32, #tpu.memory_space<hbm>>
    tpu.enqueue_dma source(%dma_start3A_119 : memref<512xf32, #tpu.memory_space<hbm>>) target(%dma_start3A_118 : memref<512xf32, #tpu.memory_space<vmem>>) target_semaphore(%arg14 : memref<!tpu.dma_semaphore, #tpu.memory_space<semaphore_mem>>)
    %mul3A_120 = arith.constant 512 : i32
    %mul3A_121 = arith.muli %select_n3A, %mul3A_120 : i32
    %add3A_122 = arith.constant 14336 : i32
    %add3A_123 = arith.addi %add3A_122, %mul3A_121 : i32
    %dma_start3A_124 = arith.constant 3584 : i32
    %dma_start3A_125 = tpu.memref_slice %arg11[%dma_start3A_124] : memref<10752xf32, #tpu.memory_space<vmem>> -> memref<512xf32, #tpu.memory_space<vmem>>
    %dma_start3A_126 = tpu.memref_slice %arg8[%add3A_123] : memref<49152xf32, #tpu.memory_space<hbm>> -> memref<512xf32, #tpu.memory_space<hbm>>
    %dma_start3A_127 = arith.constant 3584 : i32
    %dma_start3A_128 = tpu.memref_slice %arg11[%dma_start3A_127] : memref<10752xf32, #tpu.memory_space<vmem>> -> memref<512xf32, #tpu.memory_space<vmem>>
    %dma_start3A_129 = tpu.memref_slice %arg8[%add3A_123] : memref<49152xf32, #tpu.memory_space<hbm>> -> memref<512xf32, #tpu.memory_space<hbm>>
    tpu.enqueue_dma source(%dma_start3A_129 : memref<512xf32, #tpu.memory_space<hbm>>) target(%dma_start3A_128 : memref<512xf32, #tpu.memory_space<vmem>>) target_semaphore(%arg14 : memref<!tpu.dma_semaphore, #tpu.memory_space<semaphore_mem>>)
    %mul3A_130 = arith.constant 512 : i32
    %mul3A_131 = arith.muli %select_n3A, %mul3A_130 : i32
    %add3A_132 = arith.constant 16384 : i32
    %add3A_133 = arith.addi %add3A_132, %mul3A_131 : i32
    %dma_start3A_134 = arith.constant 4096 : i32
    %dma_start3A_135 = tpu.memref_slice %arg11[%dma_start3A_134] : memref<10752xf32, #tpu.memory_space<vmem>> -> memref<512xf32, #tpu.memory_space<vmem>>
    %dma_start3A_136 = tpu.memref_slice %arg8[%add3A_133] : memref<49152xf32, #tpu.memory_space<hbm>> -> memref<512xf32, #tpu.memory_space<hbm>>
    %dma_start3A_137 = arith.constant 4096 : i32
    %dma_start3A_138 = tpu.memref_slice %arg11[%dma_start3A_137] : memref<10752xf32, #tpu.memory_space<vmem>> -> memref<512xf32, #tpu.memory_space<vmem>>
    %dma_start3A_139 = tpu.memref_slice %arg8[%add3A_133] : memref<49152xf32, #tpu.memory_space<hbm>> -> memref<512xf32, #tpu.memory_space<hbm>>
    tpu.enqueue_dma source(%dma_start3A_139 : memref<512xf32, #tpu.memory_space<hbm>>) target(%dma_start3A_138 : memref<512xf32, #tpu.memory_space<vmem>>) target_semaphore(%arg14 : memref<!tpu.dma_semaphore, #tpu.memory_space<semaphore_mem>>)
    %mul3A_140 = arith.constant 512 : i32
    %mul3A_141 = arith.muli %select_n3A, %mul3A_140 : i32
    %add3A_142 = arith.constant 18432 : i32
    %add3A_143 = arith.addi %add3A_142, %mul3A_141 : i32
    %dma_start3A_144 = arith.constant 4608 : i32
    %dma_start3A_145 = tpu.memref_slice %arg11[%dma_start3A_144] : memref<10752xf32, #tpu.memory_space<vmem>> -> memref<512xf32, #tpu.memory_space<vmem>>
    %dma_start3A_146 = tpu.memref_slice %arg8[%add3A_143] : memref<49152xf32, #tpu.memory_space<hbm>> -> memref<512xf32, #tpu.memory_space<hbm>>
    %dma_start3A_147 = arith.constant 4608 : i32
    %dma_start3A_148 = tpu.memref_slice %arg11[%dma_start3A_147] : memref<10752xf32, #tpu.memory_space<vmem>> -> memref<512xf32, #tpu.memory_space<vmem>>
    %dma_start3A_149 = tpu.memref_slice %arg8[%add3A_143] : memref<49152xf32, #tpu.memory_space<hbm>> -> memref<512xf32, #tpu.memory_space<hbm>>
    tpu.enqueue_dma source(%dma_start3A_149 : memref<512xf32, #tpu.memory_space<hbm>>) target(%dma_start3A_148 : memref<512xf32, #tpu.memory_space<vmem>>) target_semaphore(%arg14 : memref<!tpu.dma_semaphore, #tpu.memory_space<semaphore_mem>>)
    %mul3A_150 = arith.constant 512 : i32
    %mul3A_151 = arith.muli %select_n3A, %mul3A_150 : i32
    %add3A_152 = arith.constant 20480 : i32
    %add3A_153 = arith.addi %add3A_152, %mul3A_151 : i32
    %dma_start3A_154 = arith.constant 5120 : i32
    %dma_start3A_155 = tpu.memref_slice %arg11[%dma_start3A_154] : memref<10752xf32, #tpu.memory_space<vmem>> -> memref<512xf32, #tpu.memory_space<vmem>>
    %dma_start3A_156 = tpu.memref_slice %arg8[%add3A_153] : memref<49152xf32, #tpu.memory_space<hbm>> -> memref<512xf32, #tpu.memory_space<hbm>>
    %dma_start3A_157 = arith.constant 5120 : i32
    %dma_start3A_158 = tpu.memref_slice %arg11[%dma_start3A_157] : memref<10752xf32, #tpu.memory_space<vmem>> -> memref<512xf32, #tpu.memory_space<vmem>>
    %dma_start3A_159 = tpu.memref_slice %arg8[%add3A_153] : memref<49152xf32, #tpu.memory_space<hbm>> -> memref<512xf32, #tpu.memory_space<hbm>>
    tpu.enqueue_dma source(%dma_start3A_159 : memref<512xf32, #tpu.memory_space<hbm>>) target(%dma_start3A_158 : memref<512xf32, #tpu.memory_space<vmem>>) target_semaphore(%arg14 : memref<!tpu.dma_semaphore, #tpu.memory_space<semaphore_mem>>)
    %mul3A_160 = arith.constant 512 : i32
    %mul3A_161 = arith.muli %select_n3A, %mul3A_160 : i32
    %add3A_162 = arith.constant 22528 : i32
    %add3A_163 = arith.addi %add3A_162, %mul3A_161 : i32
    %dma_start3A_164 = arith.constant 5632 : i32
    %dma_start3A_165 = tpu.memref_slice %arg11[%dma_start3A_164] : memref<10752xf32, #tpu.memory_space<vmem>> -> memref<512xf32, #tpu.memory_space<vmem>>
    %dma_start3A_166 = tpu.memref_slice %arg8[%add3A_163] : memref<49152xf32, #tpu.memory_space<hbm>> -> memref<512xf32, #tpu.memory_space<hbm>>
    %dma_start3A_167 = arith.constant 5632 : i32
    %dma_start3A_168 = tpu.memref_slice %arg11[%dma_start3A_167] : memref<10752xf32, #tpu.memory_space<vmem>> -> memref<512xf32, #tpu.memory_space<vmem>>
    %dma_start3A_169 = tpu.memref_slice %arg8[%add3A_163] : memref<49152xf32, #tpu.memory_space<hbm>> -> memref<512xf32, #tpu.memory_space<hbm>>
    tpu.enqueue_dma source(%dma_start3A_169 : memref<512xf32, #tpu.memory_space<hbm>>) target(%dma_start3A_168 : memref<512xf32, #tpu.memory_space<vmem>>) target_semaphore(%arg14 : memref<!tpu.dma_semaphore, #tpu.memory_space<semaphore_mem>>)
    %mul3A_170 = arith.constant 512 : i32
    %mul3A_171 = arith.muli %select_n3A, %mul3A_170 : i32
    %add3A_172 = arith.constant 24576 : i32
    %add3A_173 = arith.addi %add3A_172, %mul3A_171 : i32
    %dma_start3A_174 = arith.constant 6144 : i32
    %dma_start3A_175 = tpu.memref_slice %arg11[%dma_start3A_174] : memref<10752xf32, #tpu.memory_space<vmem>> -> memref<512xf32, #tpu.memory_space<vmem>>
    %dma_start3A_176 = tpu.memref_slice %arg8[%add3A_173] : memref<49152xf32, #tpu.memory_space<hbm>> -> memref<512xf32, #tpu.memory_space<hbm>>
    %dma_start3A_177 = arith.constant 6144 : i32
    %dma_start3A_178 = tpu.memref_slice %arg11[%dma_start3A_177] : memref<10752xf32, #tpu.memory_space<vmem>> -> memref<512xf32, #tpu.memory_space<vmem>>
    %dma_start3A_179 = tpu.memref_slice %arg8[%add3A_173] : memref<49152xf32, #tpu.memory_space<hbm>> -> memref<512xf32, #tpu.memory_space<hbm>>
    tpu.enqueue_dma source(%dma_start3A_179 : memref<512xf32, #tpu.memory_space<hbm>>) target(%dma_start3A_178 : memref<512xf32, #tpu.memory_space<vmem>>) target_semaphore(%arg14 : memref<!tpu.dma_semaphore, #tpu.memory_space<semaphore_mem>>)
    %mul3A_180 = arith.constant 512 : i32
    %mul3A_181 = arith.muli %select_n3A, %mul3A_180 : i32
    %add3A_182 = arith.constant 26624 : i32
    %add3A_183 = arith.addi %add3A_182, %mul3A_181 : i32
    %dma_start3A_184 = arith.constant 6656 : i32
    %dma_start3A_185 = tpu.memref_slice %arg11[%dma_start3A_184] : memref<10752xf32, #tpu.memory_space<vmem>> -> memref<512xf32, #tpu.memory_space<vmem>>
    %dma_start3A_186 = tpu.memref_slice %arg8[%add3A_183] : memref<49152xf32, #tpu.memory_space<hbm>> -> memref<512xf32, #tpu.memory_space<hbm>>
    %dma_start3A_187 = arith.constant 6656 : i32
    %dma_start3A_188 = tpu.memref_slice %arg11[%dma_start3A_187] : memref<10752xf32, #tpu.memory_space<vmem>> -> memref<512xf32, #tpu.memory_space<vmem>>
    %dma_start3A_189 = tpu.memref_slice %arg8[%add3A_183] : memref<49152xf32, #tpu.memory_space<hbm>> -> memref<512xf32, #tpu.memory_space<hbm>>
    tpu.enqueue_dma source(%dma_start3A_189 : memref<512xf32, #tpu.memory_space<hbm>>) target(%dma_start3A_188 : memref<512xf32, #tpu.memory_space<vmem>>) target_semaphore(%arg14 : memref<!tpu.dma_semaphore, #tpu.memory_space<semaphore_mem>>)
    %mul3A_190 = arith.constant 512 : i32
    %mul3A_191 = arith.muli %select_n3A, %mul3A_190 : i32
    %add3A_192 = arith.constant 28672 : i32
    %add3A_193 = arith.addi %add3A_192, %mul3A_191 : i32
    %dma_start3A_194 = arith.constant 7168 : i32
    %dma_start3A_195 = tpu.memref_slice %arg11[%dma_start3A_194] : memref<10752xf32, #tpu.memory_space<vmem>> -> memref<512xf32, #tpu.memory_space<vmem>>
    %dma_start3A_196 = tpu.memref_slice %arg8[%add3A_193] : memref<49152xf32, #tpu.memory_space<hbm>> -> memref<512xf32, #tpu.memory_space<hbm>>
    %dma_start3A_197 = arith.constant 7168 : i32
    %dma_start3A_198 = tpu.memref_slice %arg11[%dma_start3A_197] : memref<10752xf32, #tpu.memory_space<vmem>> -> memref<512xf32, #tpu.memory_space<vmem>>
    %dma_start3A_199 = tpu.memref_slice %arg8[%add3A_193] : memref<49152xf32, #tpu.memory_space<hbm>> -> memref<512xf32, #tpu.memory_space<hbm>>
    tpu.enqueue_dma source(%dma_start3A_199 : memref<512xf32, #tpu.memory_space<hbm>>) target(%dma_start3A_198 : memref<512xf32, #tpu.memory_space<vmem>>) target_semaphore(%arg14 : memref<!tpu.dma_semaphore, #tpu.memory_space<semaphore_mem>>)
    %mul3A_200 = arith.constant 512 : i32
    %mul3A_201 = arith.muli %select_n3A, %mul3A_200 : i32
    %add3A_202 = arith.constant 30720 : i32
    %add3A_203 = arith.addi %add3A_202, %mul3A_201 : i32
    %dma_start3A_204 = arith.constant 7680 : i32
    %dma_start3A_205 = tpu.memref_slice %arg11[%dma_start3A_204] : memref<10752xf32, #tpu.memory_space<vmem>> -> memref<512xf32, #tpu.memory_space<vmem>>
    %dma_start3A_206 = tpu.memref_slice %arg8[%add3A_203] : memref<49152xf32, #tpu.memory_space<hbm>> -> memref<512xf32, #tpu.memory_space<hbm>>
    %dma_start3A_207 = arith.constant 7680 : i32
    %dma_start3A_208 = tpu.memref_slice %arg11[%dma_start3A_207] : memref<10752xf32, #tpu.memory_space<vmem>> -> memref<512xf32, #tpu.memory_space<vmem>>
    %dma_start3A_209 = tpu.memref_slice %arg8[%add3A_203] : memref<49152xf32, #tpu.memory_space<hbm>> -> memref<512xf32, #tpu.memory_space<hbm>>
    tpu.enqueue_dma source(%dma_start3A_209 : memref<512xf32, #tpu.memory_space<hbm>>) target(%dma_start3A_208 : memref<512xf32, #tpu.memory_space<vmem>>) target_semaphore(%arg14 : memref<!tpu.dma_semaphore, #tpu.memory_space<semaphore_mem>>)
    %mul3A_210 = arith.constant 512 : i32
    %mul3A_211 = arith.muli %select_n3A, %mul3A_210 : i32
    %add3A_212 = arith.constant 32768 : i32
    %add3A_213 = arith.addi %add3A_212, %mul3A_211 : i32
    %dma_start3A_214 = arith.constant 8192 : i32
    %dma_start3A_215 = tpu.memref_slice %arg11[%dma_start3A_214] : memref<10752xf32, #tpu.memory_space<vmem>> -> memref<512xf32, #tpu.memory_space<vmem>>
    %dma_start3A_216 = tpu.memref_slice %arg8[%add3A_213] : memref<49152xf32, #tpu.memory_space<hbm>> -> memref<512xf32, #tpu.memory_space<hbm>>
    %dma_start3A_217 = arith.constant 8192 : i32
    %dma_start3A_218 = tpu.memref_slice %arg11[%dma_start3A_217] : memref<10752xf32, #tpu.memory_space<vmem>> -> memref<512xf32, #tpu.memory_space<vmem>>
    %dma_start3A_219 = tpu.memref_slice %arg8[%add3A_213] : memref<49152xf32, #tpu.memory_space<hbm>> -> memref<512xf32, #tpu.memory_space<hbm>>
    tpu.enqueue_dma source(%dma_start3A_219 : memref<512xf32, #tpu.memory_space<hbm>>) target(%dma_start3A_218 : memref<512xf32, #tpu.memory_space<vmem>>) target_semaphore(%arg14 : memref<!tpu.dma_semaphore, #tpu.memory_space<semaphore_mem>>)
    %mul3A_220 = arith.constant 512 : i32
    %mul3A_221 = arith.muli %select_n3A, %mul3A_220 : i32
    %add3A_222 = arith.constant 34816 : i32
    %add3A_223 = arith.addi %add3A_222, %mul3A_221 : i32
    %dma_start3A_224 = arith.constant 8704 : i32
    %dma_start3A_225 = tpu.memref_slice %arg11[%dma_start3A_224] : memref<10752xf32, #tpu.memory_space<vmem>> -> memref<512xf32, #tpu.memory_space<vmem>>
    %dma_start3A_226 = tpu.memref_slice %arg8[%add3A_223] : memref<49152xf32, #tpu.memory_space<hbm>> -> memref<512xf32, #tpu.memory_space<hbm>>
    %dma_start3A_227 = arith.constant 8704 : i32
    %dma_start3A_228 = tpu.memref_slice %arg11[%dma_start3A_227] : memref<10752xf32, #tpu.memory_space<vmem>> -> memref<512xf32, #tpu.memory_space<vmem>>
    %dma_start3A_229 = tpu.memref_slice %arg8[%add3A_223] : memref<49152xf32, #tpu.memory_space<hbm>> -> memref<512xf32, #tpu.memory_space<hbm>>
    tpu.enqueue_dma source(%dma_start3A_229 : memref<512xf32, #tpu.memory_space<hbm>>) target(%dma_start3A_228 : memref<512xf32, #tpu.memory_space<vmem>>) target_semaphore(%arg14 : memref<!tpu.dma_semaphore, #tpu.memory_space<semaphore_mem>>)
    %mul3A_230 = arith.constant 512 : i32
    %mul3A_231 = arith.muli %select_n3A, %mul3A_230 : i32
    %add3A_232 = arith.constant 36864 : i32
    %add3A_233 = arith.addi %add3A_232, %mul3A_231 : i32
    %dma_start3A_234 = arith.constant 9216 : i32
    %dma_start3A_235 = tpu.memref_slice %arg11[%dma_start3A_234] : memref<10752xf32, #tpu.memory_space<vmem>> -> memref<512xf32, #tpu.memory_space<vmem>>
    %dma_start3A_236 = tpu.memref_slice %arg8[%add3A_233] : memref<49152xf32, #tpu.memory_space<hbm>> -> memref<512xf32, #tpu.memory_space<hbm>>
    %dma_start3A_237 = arith.constant 9216 : i32
    %dma_start3A_238 = tpu.memref_slice %arg11[%dma_start3A_237] : memref<10752xf32, #tpu.memory_space<vmem>> -> memref<512xf32, #tpu.memory_space<vmem>>
    %dma_start3A_239 = tpu.memref_slice %arg8[%add3A_233] : memref<49152xf32, #tpu.memory_space<hbm>> -> memref<512xf32, #tpu.memory_space<hbm>>
    tpu.enqueue_dma source(%dma_start3A_239 : memref<512xf32, #tpu.memory_space<hbm>>) target(%dma_start3A_238 : memref<512xf32, #tpu.memory_space<vmem>>) target_semaphore(%arg14 : memref<!tpu.dma_semaphore, #tpu.memory_space<semaphore_mem>>)
    %mul3A_240 = arith.constant 512 : i32
    %mul3A_241 = arith.muli %select_n3A, %mul3A_240 : i32
    %add3A_242 = arith.constant 38912 : i32
    %add3A_243 = arith.addi %add3A_242, %mul3A_241 : i32
    %dma_start3A_244 = arith.constant 9728 : i32
    %dma_start3A_245 = tpu.memref_slice %arg11[%dma_start3A_244] : memref<10752xf32, #tpu.memory_space<vmem>> -> memref<512xf32, #tpu.memory_space<vmem>>
    %dma_start3A_246 = tpu.memref_slice %arg8[%add3A_243] : memref<49152xf32, #tpu.memory_space<hbm>> -> memref<512xf32, #tpu.memory_space<hbm>>
    %dma_start3A_247 = arith.constant 9728 : i32
    %dma_start3A_248 = tpu.memref_slice %arg11[%dma_start3A_247] : memref<10752xf32, #tpu.memory_space<vmem>> -> memref<512xf32, #tpu.memory_space<vmem>>
    %dma_start3A_249 = tpu.memref_slice %arg8[%add3A_243] : memref<49152xf32, #tpu.memory_space<hbm>> -> memref<512xf32, #tpu.memory_space<hbm>>
    tpu.enqueue_dma source(%dma_start3A_249 : memref<512xf32, #tpu.memory_space<hbm>>) target(%dma_start3A_248 : memref<512xf32, #tpu.memory_space<vmem>>) target_semaphore(%arg14 : memref<!tpu.dma_semaphore, #tpu.memory_space<semaphore_mem>>)
    %mul3A_250 = arith.constant 512 : i32
    %mul3A_251 = arith.muli %select_n3A, %mul3A_250 : i32
    %add3A_252 = arith.constant 40960 : i32
    %add3A_253 = arith.addi %add3A_252, %mul3A_251 : i32
    %dma_start3A_254 = arith.constant 10240 : i32
    %dma_start3A_255 = tpu.memref_slice %arg11[%dma_start3A_254] : memref<10752xf32, #tpu.memory_space<vmem>> -> memref<512xf32, #tpu.memory_space<vmem>>
    %dma_start3A_256 = tpu.memref_slice %arg8[%add3A_253] : memref<49152xf32, #tpu.memory_space<hbm>> -> memref<512xf32, #tpu.memory_space<hbm>>
    %dma_start3A_257 = arith.constant 10240 : i32
    %dma_start3A_258 = tpu.memref_slice %arg11[%dma_start3A_257] : memref<10752xf32, #tpu.memory_space<vmem>> -> memref<512xf32, #tpu.memory_space<vmem>>
    %dma_start3A_259 = tpu.memref_slice %arg8[%add3A_253] : memref<49152xf32, #tpu.memory_space<hbm>> -> memref<512xf32, #tpu.memory_space<hbm>>
    tpu.enqueue_dma source(%dma_start3A_259 : memref<512xf32, #tpu.memory_space<hbm>>) target(%dma_start3A_258 : memref<512xf32, #tpu.memory_space<vmem>>) target_semaphore(%arg14 : memref<!tpu.dma_semaphore, #tpu.memory_space<semaphore_mem>>)
    %dma_wait3A = arith.constant 0 : i32
    %dma_wait3A_260 = tpu.memref_slice %arg10[%dma_wait3A] : memref<16384xi32, #tpu.memory_space<vmem>> -> memref<512xi32, #tpu.memory_space<vmem>>
    %dma_wait3A_261 = arith.constant 0 : i32
    %dma_wait3A_262 = tpu.memref_slice %arg2[%mul3A_32, %dma_wait3A_261] : memref<256x1024xi32, #tpu.memory_space<hbm>> -> memref<1x512xi32, #tpu.memory_space<hbm>>
    %dma_wait3A_263 = tpu.memref_squeeze %dma_wait3A_262 : memref<1x512xi32, #tpu.memory_space<hbm>> -> memref<512xi32, #tpu.memory_space<hbm>>
    %dma_wait3A_264 = arith.constant 0 : i32
    %dma_wait3A_265 = tpu.memref_slice %arg10[%dma_wait3A_264] : memref<16384xi32, #tpu.memory_space<vmem>> -> memref<512xi32, #tpu.memory_space<vmem>>
    %dma_wait3A_266 = arith.constant 0 : i32
    %dma_wait3A_267 = tpu.memref_slice %arg2[%mul3A_32, %dma_wait3A_266] : memref<256x1024xi32, #tpu.memory_space<hbm>> -> memref<1x512xi32, #tpu.memory_space<hbm>>
    %dma_wait3A_268 = tpu.memref_squeeze %dma_wait3A_267 : memref<1x512xi32, #tpu.memory_space<hbm>> -> memref<512xi32, #tpu.memory_space<hbm>>
    tpu.wait_dma2 semaphore(%arg14 : memref<!tpu.dma_semaphore, #tpu.memory_space<semaphore_mem>>) src(%dma_wait3A_268 : memref<512xi32, #tpu.memory_space<hbm>>) dst(%dma_wait3A_265 : memref<512xi32, #tpu.memory_space<vmem>>)
    %dma_wait3A_269 = arith.constant 0 : i32
    %dma_wait3A_270 = tpu.memref_slice %arg10[%dma_wait3A_269] : memref<16384xi32, #tpu.memory_space<vmem>> -> memref<512xi32, #tpu.memory_space<vmem>>
    %dma_wait3A_271 = arith.constant 0 : i32
    %dma_wait3A_272 = tpu.memref_slice %arg2[%mul3A_32, %dma_wait3A_271] : memref<256x1024xi32, #tpu.memory_space<hbm>> -> memref<1x512xi32, #tpu.memory_space<hbm>>
    %dma_wait3A_273 = tpu.memref_squeeze %dma_wait3A_272 : memref<1x512xi32, #tpu.memory_space<hbm>> -> memref<512xi32, #tpu.memory_space<hbm>>
    %dma_wait3A_274 = arith.constant 0 : i32
    %dma_wait3A_275 = tpu.memref_slice %arg10[%dma_wait3A_274] : memref<16384xi32, #tpu.memory_space<vmem>> -> memref<512xi32, #tpu.memory_space<vmem>>
    %dma_wait3A_276 = arith.constant 0 : i32
    %dma_wait3A_277 = tpu.memref_slice %arg2[%mul3A_32, %dma_wait3A_276] : memref<256x1024xi32, #tpu.memory_space<hbm>> -> memref<1x512xi32, #tpu.memory_space<hbm>>
    %dma_wait3A_278 = tpu.memref_squeeze %dma_wait3A_277 : memref<1x512xi32, #tpu.memory_space<hbm>> -> memref<512xi32, #tpu.memory_space<hbm>>
    tpu.wait_dma2 semaphore(%arg14 : memref<!tpu.dma_semaphore, #tpu.memory_space<semaphore_mem>>) src(%dma_wait3A_278 : memref<512xi32, #tpu.memory_space<hbm>>) dst(%dma_wait3A_275 : memref<512xi32, #tpu.memory_space<vmem>>)
    %dma_wait3A_279 = arith.constant 0 : i32
    %dma_wait3A_280 = tpu.memref_slice %arg10[%dma_wait3A_279] : memref<16384xi32, #tpu.memory_space<vmem>> -> memref<512xi32, #tpu.memory_space<vmem>>
    %dma_wait3A_281 = arith.constant 0 : i32
    %dma_wait3A_282 = tpu.memref_slice %arg2[%mul3A_32, %dma_wait3A_281] : memref<256x1024xi32, #tpu.memory_space<hbm>> -> memref<1x512xi32, #tpu.memory_space<hbm>>
    %dma_wait3A_283 = tpu.memref_squeeze %dma_wait3A_282 : memref<1x512xi32, #tpu.memory_space<hbm>> -> memref<512xi32, #tpu.memory_space<hbm>>
    %dma_wait3A_284 = arith.constant 0 : i32
    %dma_wait3A_285 = tpu.memref_slice %arg10[%dma_wait3A_284] : memref<16384xi32, #tpu.memory_space<vmem>> -> memref<512xi32, #tpu.memory_space<vmem>>
    %dma_wait3A_286 = arith.constant 0 : i32
    %dma_wait3A_287 = tpu.memref_slice %arg2[%mul3A_32, %dma_wait3A_286] : memref<256x1024xi32, #tpu.memory_space<hbm>> -> memref<1x512xi32, #tpu.memory_space<hbm>>
    %dma_wait3A_288 = tpu.memref_squeeze %dma_wait3A_287 : memref<1x512xi32, #tpu.memory_space<hbm>> -> memref<512xi32, #tpu.memory_space<hbm>>
    tpu.wait_dma2 semaphore(%arg14 : memref<!tpu.dma_semaphore, #tpu.memory_space<semaphore_mem>>) src(%dma_wait3A_288 : memref<512xi32, #tpu.memory_space<hbm>>) dst(%dma_wait3A_285 : memref<512xi32, #tpu.memory_space<vmem>>)
    %dma_wait3A_289 = arith.constant 0 : i32
    %dma_wait3A_290 = tpu.memref_slice %arg10[%dma_wait3A_289] : memref<16384xi32, #tpu.memory_space<vmem>> -> memref<512xi32, #tpu.memory_space<vmem>>
    %dma_wait3A_291 = arith.constant 0 : i32
    %dma_wait3A_292 = tpu.memref_slice %arg2[%mul3A_32, %dma_wait3A_291] : memref<256x1024xi32, #tpu.memory_space<hbm>> -> memref<1x512xi32, #tpu.memory_space<hbm>>
    %dma_wait3A_293 = tpu.memref_squeeze %dma_wait3A_292 : memref<1x512xi32, #tpu.memory_space<hbm>> -> memref<512xi32, #tpu.memory_space<hbm>>
    %dma_wait3A_294 = arith.constant 0 : i32
    %dma_wait3A_295 = tpu.memref_slice %arg10[%dma_wait3A_294] : memref<16384xi32, #tpu.memory_space<vmem>> -> memref<512xi32, #tpu.memory_space<vmem>>
    %dma_wait3A_296 = arith.constant 0 : i32
    %dma_wait3A_297 = tpu.memref_slice %arg2[%mul3A_32, %dma_wait3A_296] : memref<256x1024xi32, #tpu.memory_space<hbm>> -> memref<1x512xi32, #tpu.memory_space<hbm>>
    %dma_wait3A_298 = tpu.memref_squeeze %dma_wait3A_297 : memref<1x512xi32, #tpu.memory_space<hbm>> -> memref<512xi32, #tpu.memory_space<hbm>>
    tpu.wait_dma2 semaphore(%arg14 : memref<!tpu.dma_semaphore, #tpu.memory_space<semaphore_mem>>) src(%dma_wait3A_298 : memref<512xi32, #tpu.memory_space<hbm>>) dst(%dma_wait3A_295 : memref<512xi32, #tpu.memory_space<vmem>>)
    %dma_wait3A_299 = arith.constant 0 : i32
    %dma_wait3A_300 = tpu.memref_slice %arg10[%dma_wait3A_299] : memref<16384xi32, #tpu.memory_space<vmem>> -> memref<512xi32, #tpu.memory_space<vmem>>
    %dma_wait3A_301 = arith.constant 0 : i32
    %dma_wait3A_302 = tpu.memref_slice %arg2[%mul3A_32, %dma_wait3A_301] : memref<256x1024xi32, #tpu.memory_space<hbm>> -> memref<1x512xi32, #tpu.memory_space<hbm>>
    %dma_wait3A_303 = tpu.memref_squeeze %dma_wait3A_302 : memref<1x512xi32, #tpu.memory_space<hbm>> -> memref<512xi32, #tpu.memory_space<hbm>>
    %dma_wait3A_304 = arith.constant 0 : i32
    %dma_wait3A_305 = tpu.memref_slice %arg10[%dma_wait3A_304] : memref<16384xi32, #tpu.memory_space<vmem>> -> memref<512xi32, #tpu.memory_space<vmem>>
    %dma_wait3A_306 = arith.constant 0 : i32
    %dma_wait3A_307 = tpu.memref_slice %arg2[%mul3A_32, %dma_wait3A_306] : memref<256x1024xi32, #tpu.memory_space<hbm>> -> memref<1x512xi32, #tpu.memory_space<hbm>>
    %dma_wait3A_308 = tpu.memref_squeeze %dma_wait3A_307 : memref<1x512xi32, #tpu.memory_space<hbm>> -> memref<512xi32, #tpu.memory_space<hbm>>
    tpu.wait_dma2 semaphore(%arg14 : memref<!tpu.dma_semaphore, #tpu.memory_space<semaphore_mem>>) src(%dma_wait3A_308 : memref<512xi32, #tpu.memory_space<hbm>>) dst(%dma_wait3A_305 : memref<512xi32, #tpu.memory_space<vmem>>)
    %dma_wait3A_309 = arith.constant 0 : i32
    %dma_wait3A_310 = tpu.memref_slice %arg10[%dma_wait3A_309] : memref<16384xi32, #tpu.memory_space<vmem>> -> memref<512xi32, #tpu.memory_space<vmem>>
    %dma_wait3A_311 = arith.constant 0 : i32
    %dma_wait3A_312 = tpu.memref_slice %arg2[%mul3A_32, %dma_wait3A_311] : memref<256x1024xi32, #tpu.memory_space<hbm>> -> memref<1x512xi32, #tpu.memory_space<hbm>>
    %dma_wait3A_313 = tpu.memref_squeeze %dma_wait3A_312 : memref<1x512xi32, #tpu.memory_space<hbm>> -> memref<512xi32, #tpu.memory_space<hbm>>
    %dma_wait3A_314 = arith.constant 0 : i32
    %dma_wait3A_315 = tpu.memref_slice %arg10[%dma_wait3A_314] : memref<16384xi32, #tpu.memory_space<vmem>> -> memref<512xi32, #tpu.memory_space<vmem>>
    %dma_wait3A_316 = arith.constant 0 : i32
    %dma_wait3A_317 = tpu.memref_slice %arg2[%mul3A_32, %dma_wait3A_316] : memref<256x1024xi32, #tpu.memory_space<hbm>> -> memref<1x512xi32, #tpu.memory_space<hbm>>
    %dma_wait3A_318 = tpu.memref_squeeze %dma_wait3A_317 : memref<1x512xi32, #tpu.memory_space<hbm>> -> memref<512xi32, #tpu.memory_space<hbm>>
    tpu.wait_dma2 semaphore(%arg14 : memref<!tpu.dma_semaphore, #tpu.memory_space<semaphore_mem>>) src(%dma_wait3A_318 : memref<512xi32, #tpu.memory_space<hbm>>) dst(%dma_wait3A_315 : memref<512xi32, #tpu.memory_space<vmem>>)
    %dma_wait3A_319 = arith.constant 0 : i32
    %dma_wait3A_320 = tpu.memref_slice %arg10[%dma_wait3A_319] : memref<16384xi32, #tpu.memory_space<vmem>> -> memref<512xi32, #tpu.memory_space<vmem>>
    %dma_wait3A_321 = arith.constant 0 : i32
    %dma_wait3A_322 = tpu.memref_slice %arg2[%mul3A_32, %dma_wait3A_321] : memref<256x1024xi32, #tpu.memory_space<hbm>> -> memref<1x512xi32, #tpu.memory_space<hbm>>
    %dma_wait3A_323 = tpu.memref_squeeze %dma_wait3A_322 : memref<1x512xi32, #tpu.memory_space<hbm>> -> memref<512xi32, #tpu.memory_space<hbm>>
    %dma_wait3A_324 = arith.constant 0 : i32
    %dma_wait3A_325 = tpu.memref_slice %arg10[%dma_wait3A_324] : memref<16384xi32, #tpu.memory_space<vmem>> -> memref<512xi32, #tpu.memory_space<vmem>>
    %dma_wait3A_326 = arith.constant 0 : i32
    %dma_wait3A_327 = tpu.memref_slice %arg2[%mul3A_32, %dma_wait3A_326] : memref<256x1024xi32, #tpu.memory_space<hbm>> -> memref<1x512xi32, #tpu.memory_space<hbm>>
    %dma_wait3A_328 = tpu.memref_squeeze %dma_wait3A_327 : memref<1x512xi32, #tpu.memory_space<hbm>> -> memref<512xi32, #tpu.memory_space<hbm>>
    tpu.wait_dma2 semaphore(%arg14 : memref<!tpu.dma_semaphore, #tpu.memory_space<semaphore_mem>>) src(%dma_wait3A_328 : memref<512xi32, #tpu.memory_space<hbm>>) dst(%dma_wait3A_325 : memref<512xi32, #tpu.memory_space<vmem>>)
    %dma_wait3A_329 = arith.constant 0 : i32
    %dma_wait3A_330 = tpu.memref_slice %arg10[%dma_wait3A_329] : memref<16384xi32, #tpu.memory_space<vmem>> -> memref<512xi32, #tpu.memory_space<vmem>>
    %dma_wait3A_331 = arith.constant 0 : i32
    %dma_wait3A_332 = tpu.memref_slice %arg2[%mul3A_32, %dma_wait3A_331] : memref<256x1024xi32, #tpu.memory_space<hbm>> -> memref<1x512xi32, #tpu.memory_space<hbm>>
    %dma_wait3A_333 = tpu.memref_squeeze %dma_wait3A_332 : memref<1x512xi32, #tpu.memory_space<hbm>> -> memref<512xi32, #tpu.memory_space<hbm>>
    %dma_wait3A_334 = arith.constant 0 : i32
    %dma_wait3A_335 = tpu.memref_slice %arg10[%dma_wait3A_334] : memref<16384xi32, #tpu.memory_space<vmem>> -> memref<512xi32, #tpu.memory_space<vmem>>
    %dma_wait3A_336 = arith.constant 0 : i32
    %dma_wait3A_337 = tpu.memref_slice %arg2[%mul3A_32, %dma_wait3A_336] : memref<256x1024xi32, #tpu.memory_space<hbm>> -> memref<1x512xi32, #tpu.memory_space<hbm>>
    %dma_wait3A_338 = tpu.memref_squeeze %dma_wait3A_337 : memref<1x512xi32, #tpu.memory_space<hbm>> -> memref<512xi32, #tpu.memory_space<hbm>>
    tpu.wait_dma2 semaphore(%arg14 : memref<!tpu.dma_semaphore, #tpu.memory_space<semaphore_mem>>) src(%dma_wait3A_338 : memref<512xi32, #tpu.memory_space<hbm>>) dst(%dma_wait3A_335 : memref<512xi32, #tpu.memory_space<vmem>>)
    %dma_wait3A_339 = arith.constant 0 : i32
    %dma_wait3A_340 = tpu.memref_slice %arg10[%dma_wait3A_339] : memref<16384xi32, #tpu.memory_space<vmem>> -> memref<512xi32, #tpu.memory_space<vmem>>
    %dma_wait3A_341 = arith.constant 0 : i32
    %dma_wait3A_342 = tpu.memref_slice %arg2[%mul3A_32, %dma_wait3A_341] : memref<256x1024xi32, #tpu.memory_space<hbm>> -> memref<1x512xi32, #tpu.memory_space<hbm>>
    %dma_wait3A_343 = tpu.memref_squeeze %dma_wait3A_342 : memref<1x512xi32, #tpu.memory_space<hbm>> -> memref<512xi32, #tpu.memory_space<hbm>>
    %dma_wait3A_344 = arith.constant 0 : i32
    %dma_wait3A_345 = tpu.memref_slice %arg10[%dma_wait3A_344] : memref<16384xi32, #tpu.memory_space<vmem>> -> memref<512xi32, #tpu.memory_space<vmem>>
    %dma_wait3A_346 = arith.constant 0 : i32
    %dma_wait3A_347 = tpu.memref_slice %arg2[%mul3A_32, %dma_wait3A_346] : memref<256x1024xi32, #tpu.memory_space<hbm>> -> memref<1x512xi32, #tpu.memory_space<hbm>>
    %dma_wait3A_348 = tpu.memref_squeeze %dma_wait3A_347 : memref<1x512xi32, #tpu.memory_space<hbm>> -> memref<512xi32, #tpu.memory_space<hbm>>
    tpu.wait_dma2 semaphore(%arg14 : memref<!tpu.dma_semaphore, #tpu.memory_space<semaphore_mem>>) src(%dma_wait3A_348 : memref<512xi32, #tpu.memory_space<hbm>>) dst(%dma_wait3A_345 : memref<512xi32, #tpu.memory_space<vmem>>)
    %dma_wait3A_349 = arith.constant 0 : i32
    %dma_wait3A_350 = tpu.memref_slice %arg10[%dma_wait3A_349] : memref<16384xi32, #tpu.memory_space<vmem>> -> memref<512xi32, #tpu.memory_space<vmem>>
    %dma_wait3A_351 = arith.constant 0 : i32
    %dma_wait3A_352 = tpu.memref_slice %arg2[%mul3A_32, %dma_wait3A_351] : memref<256x1024xi32, #tpu.memory_space<hbm>> -> memref<1x512xi32, #tpu.memory_space<hbm>>
    %dma_wait3A_353 = tpu.memref_squeeze %dma_wait3A_352 : memref<1x512xi32, #tpu.memory_space<hbm>> -> memref<512xi32, #tpu.memory_space<hbm>>
    %dma_wait3A_354 = arith.constant 0 : i32
    %dma_wait3A_355 = tpu.memref_slice %arg10[%dma_wait3A_354] : memref<16384xi32, #tpu.memory_space<vmem>> -> memref<512xi32, #tpu.memory_space<vmem>>
    %dma_wait3A_356 = arith.constant 0 : i32
    %dma_wait3A_357 = tpu.memref_slice %arg2[%mul3A_32, %dma_wait3A_356] : memref<256x1024xi32, #tpu.memory_space<hbm>> -> memref<1x512xi32, #tpu.memory_space<hbm>>
    %dma_wait3A_358 = tpu.memref_squeeze %dma_wait3A_357 : memref<1x512xi32, #tpu.memory_space<hbm>> -> memref<512xi32, #tpu.memory_space<hbm>>
    tpu.wait_dma2 semaphore(%arg14 : memref<!tpu.dma_semaphore, #tpu.memory_space<semaphore_mem>>) src(%dma_wait3A_358 : memref<512xi32, #tpu.memory_space<hbm>>) dst(%dma_wait3A_355 : memref<512xi32, #tpu.memory_space<vmem>>)
    %dma_wait3A_359 = arith.constant 0 : i32
    %dma_wait3A_360 = tpu.memref_slice %arg10[%dma_wait3A_359] : memref<16384xi32, #tpu.memory_space<vmem>> -> memref<512xi32, #tpu.memory_space<vmem>>
    %dma_wait3A_361 = arith.constant 0 : i32
    %dma_wait3A_362 = tpu.memref_slice %arg2[%mul3A_32, %dma_wait3A_361] : memref<256x1024xi32, #tpu.memory_space<hbm>> -> memref<1x512xi32, #tpu.memory_space<hbm>>
    %dma_wait3A_363 = tpu.memref_squeeze %dma_wait3A_362 : memref<1x512xi32, #tpu.memory_space<hbm>> -> memref<512xi32, #tpu.memory_space<hbm>>
    %dma_wait3A_364 = arith.constant 0 : i32
    %dma_wait3A_365 = tpu.memref_slice %arg10[%dma_wait3A_364] : memref<16384xi32, #tpu.memory_space<vmem>> -> memref<512xi32, #tpu.memory_space<vmem>>
    %dma_wait3A_366 = arith.constant 0 : i32
    %dma_wait3A_367 = tpu.memref_slice %arg2[%mul3A_32, %dma_wait3A_366] : memref<256x1024xi32, #tpu.memory_space<hbm>> -> memref<1x512xi32, #tpu.memory_space<hbm>>
    %dma_wait3A_368 = tpu.memref_squeeze %dma_wait3A_367 : memref<1x512xi32, #tpu.memory_space<hbm>> -> memref<512xi32, #tpu.memory_space<hbm>>
    tpu.wait_dma2 semaphore(%arg14 : memref<!tpu.dma_semaphore, #tpu.memory_space<semaphore_mem>>) src(%dma_wait3A_368 : memref<512xi32, #tpu.memory_space<hbm>>) dst(%dma_wait3A_365 : memref<512xi32, #tpu.memory_space<vmem>>)
    %dma_wait3A_369 = arith.constant 0 : i32
    %dma_wait3A_370 = tpu.memref_slice %arg10[%dma_wait3A_369] : memref<16384xi32, #tpu.memory_space<vmem>> -> memref<512xi32, #tpu.memory_space<vmem>>
    %dma_wait3A_371 = arith.constant 0 : i32
    %dma_wait3A_372 = tpu.memref_slice %arg2[%mul3A_32, %dma_wait3A_371] : memref<256x1024xi32, #tpu.memory_space<hbm>> -> memref<1x512xi32, #tpu.memory_space<hbm>>
    %dma_wait3A_373 = tpu.memref_squeeze %dma_wait3A_372 : memref<1x512xi32, #tpu.memory_space<hbm>> -> memref<512xi32, #tpu.memory_space<hbm>>
    %dma_wait3A_374 = arith.constant 0 : i32
    %dma_wait3A_375 = tpu.memref_slice %arg10[%dma_wait3A_374] : memref<16384xi32, #tpu.memory_space<vmem>> -> memref<512xi32, #tpu.memory_space<vmem>>
    %dma_wait3A_376 = arith.constant 0 : i32
    %dma_wait3A_377 = tpu.memref_slice %arg2[%mul3A_32, %dma_wait3A_376] : memref<256x1024xi32, #tpu.memory_space<hbm>> -> memref<1x512xi32, #tpu.memory_space<hbm>>
    %dma_wait3A_378 = tpu.memref_squeeze %dma_wait3A_377 : memref<1x512xi32, #tpu.memory_space<hbm>> -> memref<512xi32, #tpu.memory_space<hbm>>
    tpu.wait_dma2 semaphore(%arg14 : memref<!tpu.dma_semaphore, #tpu.memory_space<semaphore_mem>>) src(%dma_wait3A_378 : memref<512xi32, #tpu.memory_space<hbm>>) dst(%dma_wait3A_375 : memref<512xi32, #tpu.memory_space<vmem>>)
    %dma_wait3A_379 = arith.constant 0 : i32
    %dma_wait3A_380 = tpu.memref_slice %arg10[%dma_wait3A_379] : memref<16384xi32, #tpu.memory_space<vmem>> -> memref<512xi32, #tpu.memory_space<vmem>>
    %dma_wait3A_381 = arith.constant 0 : i32
    %dma_wait3A_382 = tpu.memref_slice %arg2[%mul3A_32, %dma_wait3A_381] : memref<256x1024xi32, #tpu.memory_space<hbm>> -> memref<1x512xi32, #tpu.memory_space<hbm>>
    %dma_wait3A_383 = tpu.memref_squeeze %dma_wait3A_382 : memref<1x512xi32, #tpu.memory_space<hbm>> -> memref<512xi32, #tpu.memory_space<hbm>>
    %dma_wait3A_384 = arith.constant 0 : i32
    %dma_wait3A_385 = tpu.memref_slice %arg10[%dma_wait3A_384] : memref<16384xi32, #tpu.memory_space<vmem>> -> memref<512xi32, #tpu.memory_space<vmem>>
    %dma_wait3A_386 = arith.constant 0 : i32
    %dma_wait3A_387 = tpu.memref_slice %arg2[%mul3A_32, %dma_wait3A_386] : memref<256x1024xi32, #tpu.memory_space<hbm>> -> memref<1x512xi32, #tpu.memory_space<hbm>>
    %dma_wait3A_388 = tpu.memref_squeeze %dma_wait3A_387 : memref<1x512xi32, #tpu.memory_space<hbm>> -> memref<512xi32, #tpu.memory_space<hbm>>
    tpu.wait_dma2 semaphore(%arg14 : memref<!tpu.dma_semaphore, #tpu.memory_space<semaphore_mem>>) src(%dma_wait3A_388 : memref<512xi32, #tpu.memory_space<hbm>>) dst(%dma_wait3A_385 : memref<512xi32, #tpu.memory_space<vmem>>)
    %dma_wait3A_389 = arith.constant 0 : i32
    %dma_wait3A_390 = tpu.memref_slice %arg10[%dma_wait3A_389] : memref<16384xi32, #tpu.memory_space<vmem>> -> memref<512xi32, #tpu.memory_space<vmem>>
    %dma_wait3A_391 = arith.constant 0 : i32
    %dma_wait3A_392 = tpu.memref_slice %arg2[%mul3A_32, %dma_wait3A_391] : memref<256x1024xi32, #tpu.memory_space<hbm>> -> memref<1x512xi32, #tpu.memory_space<hbm>>
    %dma_wait3A_393 = tpu.memref_squeeze %dma_wait3A_392 : memref<1x512xi32, #tpu.memory_space<hbm>> -> memref<512xi32, #tpu.memory_space<hbm>>
    %dma_wait3A_394 = arith.constant 0 : i32
    %dma_wait3A_395 = tpu.memref_slice %arg10[%dma_wait3A_394] : memref<16384xi32, #tpu.memory_space<vmem>> -> memref<512xi32, #tpu.memory_space<vmem>>
    %dma_wait3A_396 = arith.constant 0 : i32
    %dma_wait3A_397 = tpu.memref_slice %arg2[%mul3A_32, %dma_wait3A_396] : memref<256x1024xi32, #tpu.memory_space<hbm>> -> memref<1x512xi32, #tpu.memory_space<hbm>>
    %dma_wait3A_398 = tpu.memref_squeeze %dma_wait3A_397 : memref<1x512xi32, #tpu.memory_space<hbm>> -> memref<512xi32, #tpu.memory_space<hbm>>
    tpu.wait_dma2 semaphore(%arg14 : memref<!tpu.dma_semaphore, #tpu.memory_space<semaphore_mem>>) src(%dma_wait3A_398 : memref<512xi32, #tpu.memory_space<hbm>>) dst(%dma_wait3A_395 : memref<512xi32, #tpu.memory_space<vmem>>)
    %dma_wait3A_399 = arith.constant 0 : i32
    %dma_wait3A_400 = tpu.memref_slice %arg10[%dma_wait3A_399] : memref<16384xi32, #tpu.memory_space<vmem>> -> memref<512xi32, #tpu.memory_space<vmem>>
    %dma_wait3A_401 = arith.constant 0 : i32
    %dma_wait3A_402 = tpu.memref_slice %arg2[%mul3A_32, %dma_wait3A_401] : memref<256x1024xi32, #tpu.memory_space<hbm>> -> memref<1x512xi32, #tpu.memory_space<hbm>>
    %dma_wait3A_403 = tpu.memref_squeeze %dma_wait3A_402 : memref<1x512xi32, #tpu.memory_space<hbm>> -> memref<512xi32, #tpu.memory_space<hbm>>
    %dma_wait3A_404 = arith.constant 0 : i32
    %dma_wait3A_405 = tpu.memref_slice %arg10[%dma_wait3A_404] : memref<16384xi32, #tpu.memory_space<vmem>> -> memref<512xi32, #tpu.memory_space<vmem>>
    %dma_wait3A_406 = arith.constant 0 : i32
    %dma_wait3A_407 = tpu.memref_slice %arg2[%mul3A_32, %dma_wait3A_406] : memref<256x1024xi32, #tpu.memory_space<hbm>> -> memref<1x512xi32, #tpu.memory_space<hbm>>
    %dma_wait3A_408 = tpu.memref_squeeze %dma_wait3A_407 : memref<1x512xi32, #tpu.memory_space<hbm>> -> memref<512xi32, #tpu.memory_space<hbm>>
    tpu.wait_dma2 semaphore(%arg14 : memref<!tpu.dma_semaphore, #tpu.memory_space<semaphore_mem>>) src(%dma_wait3A_408 : memref<512xi32, #tpu.memory_space<hbm>>) dst(%dma_wait3A_405 : memref<512xi32, #tpu.memory_space<vmem>>)
    %dma_wait3A_409 = arith.constant 0 : i32
    %dma_wait3A_410 = tpu.memref_slice %arg10[%dma_wait3A_409] : memref<16384xi32, #tpu.memory_space<vmem>> -> memref<512xi32, #tpu.memory_space<vmem>>
    %dma_wait3A_411 = arith.constant 0 : i32
    %dma_wait3A_412 = tpu.memref_slice %arg2[%mul3A_32, %dma_wait3A_411] : memref<256x1024xi32, #tpu.memory_space<hbm>> -> memref<1x512xi32, #tpu.memory_space<hbm>>
    %dma_wait3A_413 = tpu.memref_squeeze %dma_wait3A_412 : memref<1x512xi32, #tpu.memory_space<hbm>> -> memref<512xi32, #tpu.memory_space<hbm>>
    %dma_wait3A_414 = arith.constant 0 : i32
    %dma_wait3A_415 = tpu.memref_slice %arg10[%dma_wait3A_414] : memref<16384xi32, #tpu.memory_space<vmem>> -> memref<512xi32, #tpu.memory_space<vmem>>
    %dma_wait3A_416 = arith.constant 0 : i32
    %dma_wait3A_417 = tpu.memref_slice %arg2[%mul3A_32, %dma_wait3A_416] : memref<256x1024xi32, #tpu.memory_space<hbm>> -> memref<1x512xi32, #tpu.memory_space<hbm>>
    %dma_wait3A_418 = tpu.memref_squeeze %dma_wait3A_417 : memref<1x512xi32, #tpu.memory_space<hbm>> -> memref<512xi32, #tpu.memory_space<hbm>>
    tpu.wait_dma2 semaphore(%arg14 : memref<!tpu.dma_semaphore, #tpu.memory_space<semaphore_mem>>) src(%dma_wait3A_418 : memref<512xi32, #tpu.memory_space<hbm>>) dst(%dma_wait3A_415 : memref<512xi32, #tpu.memory_space<vmem>>)
    %dma_wait3A_419 = arith.constant 0 : i32
    %dma_wait3A_420 = tpu.memref_slice %arg10[%dma_wait3A_419] : memref<16384xi32, #tpu.memory_space<vmem>> -> memref<512xi32, #tpu.memory_space<vmem>>
    %dma_wait3A_421 = arith.constant 0 : i32
    %dma_wait3A_422 = tpu.memref_slice %arg2[%mul3A_32, %dma_wait3A_421] : memref<256x1024xi32, #tpu.memory_space<hbm>> -> memref<1x512xi32, #tpu.memory_space<hbm>>
    %dma_wait3A_423 = tpu.memref_squeeze %dma_wait3A_422 : memref<1x512xi32, #tpu.memory_space<hbm>> -> memref<512xi32, #tpu.memory_space<hbm>>
    %dma_wait3A_424 = arith.constant 0 : i32
    %dma_wait3A_425 = tpu.memref_slice %arg10[%dma_wait3A_424] : memref<16384xi32, #tpu.memory_space<vmem>> -> memref<512xi32, #tpu.memory_space<vmem>>
    %dma_wait3A_426 = arith.constant 0 : i32
    %dma_wait3A_427 = tpu.memref_slice %arg2[%mul3A_32, %dma_wait3A_426] : memref<256x1024xi32, #tpu.memory_space<hbm>> -> memref<1x512xi32, #tpu.memory_space<hbm>>
    %dma_wait3A_428 = tpu.memref_squeeze %dma_wait3A_427 : memref<1x512xi32, #tpu.memory_space<hbm>> -> memref<512xi32, #tpu.memory_space<hbm>>
    tpu.wait_dma2 semaphore(%arg14 : memref<!tpu.dma_semaphore, #tpu.memory_space<semaphore_mem>>) src(%dma_wait3A_428 : memref<512xi32, #tpu.memory_space<hbm>>) dst(%dma_wait3A_425 : memref<512xi32, #tpu.memory_space<vmem>>)
    %dma_wait3A_429 = arith.constant 0 : i32
    %dma_wait3A_430 = tpu.memref_slice %arg10[%dma_wait3A_429] : memref<16384xi32, #tpu.memory_space<vmem>> -> memref<512xi32, #tpu.memory_space<vmem>>
    %dma_wait3A_431 = arith.constant 0 : i32
    %dma_wait3A_432 = tpu.memref_slice %arg2[%mul3A_32, %dma_wait3A_431] : memref<256x1024xi32, #tpu.memory_space<hbm>> -> memref<1x512xi32, #tpu.memory_space<hbm>>
    %dma_wait3A_433 = tpu.memref_squeeze %dma_wait3A_432 : memref<1x512xi32, #tpu.memory_space<hbm>> -> memref<512xi32, #tpu.memory_space<hbm>>
    %dma_wait3A_434 = arith.constant 0 : i32
    %dma_wait3A_435 = tpu.memref_slice %arg10[%dma_wait3A_434] : memref<16384xi32, #tpu.memory_space<vmem>> -> memref<512xi32, #tpu.memory_space<vmem>>
    %dma_wait3A_436 = arith.constant 0 : i32
    %dma_wait3A_437 = tpu.memref_slice %arg2[%mul3A_32, %dma_wait3A_436] : memref<256x1024xi32, #tpu.memory_space<hbm>> -> memref<1x512xi32, #tpu.memory_space<hbm>>
    %dma_wait3A_438 = tpu.memref_squeeze %dma_wait3A_437 : memref<1x512xi32, #tpu.memory_space<hbm>> -> memref<512xi32, #tpu.memory_space<hbm>>
    tpu.wait_dma2 semaphore(%arg14 : memref<!tpu.dma_semaphore, #tpu.memory_space<semaphore_mem>>) src(%dma_wait3A_438 : memref<512xi32, #tpu.memory_space<hbm>>) dst(%dma_wait3A_435 : memref<512xi32, #tpu.memory_space<vmem>>)
    %dma_wait3A_439 = arith.constant 0 : i32
    %dma_wait3A_440 = tpu.memref_slice %arg10[%dma_wait3A_439] : memref<16384xi32, #tpu.memory_space<vmem>> -> memref<512xi32, #tpu.memory_space<vmem>>
    %dma_wait3A_441 = arith.constant 0 : i32
    %dma_wait3A_442 = tpu.memref_slice %arg2[%mul3A_32, %dma_wait3A_441] : memref<256x1024xi32, #tpu.memory_space<hbm>> -> memref<1x512xi32, #tpu.memory_space<hbm>>
    %dma_wait3A_443 = tpu.memref_squeeze %dma_wait3A_442 : memref<1x512xi32, #tpu.memory_space<hbm>> -> memref<512xi32, #tpu.memory_space<hbm>>
    %dma_wait3A_444 = arith.constant 0 : i32
    %dma_wait3A_445 = tpu.memref_slice %arg10[%dma_wait3A_444] : memref<16384xi32, #tpu.memory_space<vmem>> -> memref<512xi32, #tpu.memory_space<vmem>>
    %dma_wait3A_446 = arith.constant 0 : i32
    %dma_wait3A_447 = tpu.memref_slice %arg2[%mul3A_32, %dma_wait3A_446] : memref<256x1024xi32, #tpu.memory_space<hbm>> -> memref<1x512xi32, #tpu.memory_space<hbm>>
    %dma_wait3A_448 = tpu.memref_squeeze %dma_wait3A_447 : memref<1x512xi32, #tpu.memory_space<hbm>> -> memref<512xi32, #tpu.memory_space<hbm>>
    tpu.wait_dma2 semaphore(%arg14 : memref<!tpu.dma_semaphore, #tpu.memory_space<semaphore_mem>>) src(%dma_wait3A_448 : memref<512xi32, #tpu.memory_space<hbm>>) dst(%dma_wait3A_445 : memref<512xi32, #tpu.memory_space<vmem>>)
    %dma_wait3A_449 = arith.constant 0 : i32
    %dma_wait3A_450 = tpu.memref_slice %arg10[%dma_wait3A_449] : memref<16384xi32, #tpu.memory_space<vmem>> -> memref<512xi32, #tpu.memory_space<vmem>>
    %dma_wait3A_451 = arith.constant 0 : i32
    %dma_wait3A_452 = tpu.memref_slice %arg2[%mul3A_32, %dma_wait3A_451] : memref<256x1024xi32, #tpu.memory_space<hbm>> -> memref<1x512xi32, #tpu.memory_space<hbm>>
    %dma_wait3A_453 = tpu.memref_squeeze %dma_wait3A_452 : memref<1x512xi32, #tpu.memory_space<hbm>> -> memref<512xi32, #tpu.memory_space<hbm>>
    %dma_wait3A_454 = arith.constant 0 : i32
    %dma_wait3A_455 = tpu.memref_slice %arg10[%dma_wait3A_454] : memref<16384xi32, #tpu.memory_space<vmem>> -> memref<512xi32, #tpu.memory_space<vmem>>
    %dma_wait3A_456 = arith.constant 0 : i32
    %dma_wait3A_457 = tpu.memref_slice %arg2[%mul3A_32, %dma_wait3A_456] : memref<256x1024xi32, #tpu.memory_space<hbm>> -> memref<1x512xi32, #tpu.memory_space<hbm>>
    %dma_wait3A_458 = tpu.memref_squeeze %dma_wait3A_457 : memref<1x512xi32, #tpu.memory_space<hbm>> -> memref<512xi32, #tpu.memory_space<hbm>>
    tpu.wait_dma2 semaphore(%arg14 : memref<!tpu.dma_semaphore, #tpu.memory_space<semaphore_mem>>) src(%dma_wait3A_458 : memref<512xi32, #tpu.memory_space<hbm>>) dst(%dma_wait3A_455 : memref<512xi32, #tpu.memory_space<vmem>>)
    %dma_wait3A_459 = arith.constant 0 : i32
    %dma_wait3A_460 = tpu.memref_slice %arg10[%dma_wait3A_459] : memref<16384xi32, #tpu.memory_space<vmem>> -> memref<512xi32, #tpu.memory_space<vmem>>
    %dma_wait3A_461 = arith.constant 0 : i32
    %dma_wait3A_462 = tpu.memref_slice %arg2[%mul3A_32, %dma_wait3A_461] : memref<256x1024xi32, #tpu.memory_space<hbm>> -> memref<1x512xi32, #tpu.memory_space<hbm>>
    %dma_wait3A_463 = tpu.memref_squeeze %dma_wait3A_462 : memref<1x512xi32, #tpu.memory_space<hbm>> -> memref<512xi32, #tpu.memory_space<hbm>>
    %dma_wait3A_464 = arith.constant 0 : i32
    %dma_wait3A_465 = tpu.memref_slice %arg10[%dma_wait3A_464] : memref<16384xi32, #tpu.memory_space<vmem>> -> memref<512xi32, #tpu.memory_space<vmem>>
    %dma_wait3A_466 = arith.constant 0 : i32
    %dma_wait3A_467 = tpu.memref_slice %arg2[%mul3A_32, %dma_wait3A_466] : memref<256x1024xi32, #tpu.memory_space<hbm>> -> memref<1x512xi32, #tpu.memory_space<hbm>>
    %dma_wait3A_468 = tpu.memref_squeeze %dma_wait3A_467 : memref<1x512xi32, #tpu.memory_space<hbm>> -> memref<512xi32, #tpu.memory_space<hbm>>
    tpu.wait_dma2 semaphore(%arg14 : memref<!tpu.dma_semaphore, #tpu.memory_space<semaphore_mem>>) src(%dma_wait3A_468 : memref<512xi32, #tpu.memory_space<hbm>>) dst(%dma_wait3A_465 : memref<512xi32, #tpu.memory_space<vmem>>)
    %dma_wait3A_469 = arith.constant 0 : i32
    %dma_wait3A_470 = tpu.memref_slice %arg10[%dma_wait3A_469] : memref<16384xi32, #tpu.memory_space<vmem>> -> memref<512xi32, #tpu.memory_space<vmem>>
    %dma_wait3A_471 = arith.constant 0 : i32
    %dma_wait3A_472 = tpu.memref_slice %arg2[%mul3A_32, %dma_wait3A_471] : memref<256x1024xi32, #tpu.memory_space<hbm>> -> memref<1x512xi32, #tpu.memory_space<hbm>>
    %dma_wait3A_473 = tpu.memref_squeeze %dma_wait3A_472 : memref<1x512xi32, #tpu.memory_space<hbm>> -> memref<512xi32, #tpu.memory_space<hbm>>
    %dma_wait3A_474 = arith.constant 0 : i32
    %dma_wait3A_475 = tpu.memref_slice %arg10[%dma_wait3A_474] : memref<16384xi32, #tpu.memory_space<vmem>> -> memref<512xi32, #tpu.memory_space<vmem>>
    %dma_wait3A_476 = arith.constant 0 : i32
    %dma_wait3A_477 = tpu.memref_slice %arg2[%mul3A_32, %dma_wait3A_476] : memref<256x1024xi32, #tpu.memory_space<hbm>> -> memref<1x512xi32, #tpu.memory_space<hbm>>
    %dma_wait3A_478 = tpu.memref_squeeze %dma_wait3A_477 : memref<1x512xi32, #tpu.memory_space<hbm>> -> memref<512xi32, #tpu.memory_space<hbm>>
    tpu.wait_dma2 semaphore(%arg14 : memref<!tpu.dma_semaphore, #tpu.memory_space<semaphore_mem>>) src(%dma_wait3A_478 : memref<512xi32, #tpu.memory_space<hbm>>) dst(%dma_wait3A_475 : memref<512xi32, #tpu.memory_space<vmem>>)
    %dma_wait3A_479 = arith.constant 0 : i32
    %dma_wait3A_480 = tpu.memref_slice %arg10[%dma_wait3A_479] : memref<16384xi32, #tpu.memory_space<vmem>> -> memref<512xi32, #tpu.memory_space<vmem>>
    %dma_wait3A_481 = arith.constant 0 : i32
    %dma_wait3A_482 = tpu.memref_slice %arg2[%mul3A_32, %dma_wait3A_481] : memref<256x1024xi32, #tpu.memory_space<hbm>> -> memref<1x512xi32, #tpu.memory_space<hbm>>
    %dma_wait3A_483 = tpu.memref_squeeze %dma_wait3A_482 : memref<1x512xi32, #tpu.memory_space<hbm>> -> memref<512xi32, #tpu.memory_space<hbm>>
    %dma_wait3A_484 = arith.constant 0 : i32
    %dma_wait3A_485 = tpu.memref_slice %arg10[%dma_wait3A_484] : memref<16384xi32, #tpu.memory_space<vmem>> -> memref<512xi32, #tpu.memory_space<vmem>>
    %dma_wait3A_486 = arith.constant 0 : i32
    %dma_wait3A_487 = tpu.memref_slice %arg2[%mul3A_32, %dma_wait3A_486] : memref<256x1024xi32, #tpu.memory_space<hbm>> -> memref<1x512xi32, #tpu.memory_space<hbm>>
    %dma_wait3A_488 = tpu.memref_squeeze %dma_wait3A_487 : memref<1x512xi32, #tpu.memory_space<hbm>> -> memref<512xi32, #tpu.memory_space<hbm>>
    tpu.wait_dma2 semaphore(%arg14 : memref<!tpu.dma_semaphore, #tpu.memory_space<semaphore_mem>>) src(%dma_wait3A_488 : memref<512xi32, #tpu.memory_space<hbm>>) dst(%dma_wait3A_485 : memref<512xi32, #tpu.memory_space<vmem>>)
    %dma_wait3A_489 = arith.constant 0 : i32
    %dma_wait3A_490 = tpu.memref_slice %arg10[%dma_wait3A_489] : memref<16384xi32, #tpu.memory_space<vmem>> -> memref<512xi32, #tpu.memory_space<vmem>>
    %dma_wait3A_491 = arith.constant 0 : i32
    %dma_wait3A_492 = tpu.memref_slice %arg2[%mul3A_32, %dma_wait3A_491] : memref<256x1024xi32, #tpu.memory_space<hbm>> -> memref<1x512xi32, #tpu.memory_space<hbm>>
    %dma_wait3A_493 = tpu.memref_squeeze %dma_wait3A_492 : memref<1x512xi32, #tpu.memory_space<hbm>> -> memref<512xi32, #tpu.memory_space<hbm>>
    %dma_wait3A_494 = arith.constant 0 : i32
    %dma_wait3A_495 = tpu.memref_slice %arg10[%dma_wait3A_494] : memref<16384xi32, #tpu.memory_space<vmem>> -> memref<512xi32, #tpu.memory_space<vmem>>
    %dma_wait3A_496 = arith.constant 0 : i32
    %dma_wait3A_497 = tpu.memref_slice %arg2[%mul3A_32, %dma_wait3A_496] : memref<256x1024xi32, #tpu.memory_space<hbm>> -> memref<1x512xi32, #tpu.memory_space<hbm>>
    %dma_wait3A_498 = tpu.memref_squeeze %dma_wait3A_497 : memref<1x512xi32, #tpu.memory_space<hbm>> -> memref<512xi32, #tpu.memory_space<hbm>>
    tpu.wait_dma2 semaphore(%arg14 : memref<!tpu.dma_semaphore, #tpu.memory_space<semaphore_mem>>) src(%dma_wait3A_498 : memref<512xi32, #tpu.memory_space<hbm>>) dst(%dma_wait3A_495 : memref<512xi32, #tpu.memory_space<vmem>>)
    %dma_wait3A_499 = arith.constant 0 : i32
    %dma_wait3A_500 = tpu.memref_slice %arg10[%dma_wait3A_499] : memref<16384xi32, #tpu.memory_space<vmem>> -> memref<512xi32, #tpu.memory_space<vmem>>
    %dma_wait3A_501 = arith.constant 0 : i32
    %dma_wait3A_502 = tpu.memref_slice %arg2[%mul3A_32, %dma_wait3A_501] : memref<256x1024xi32, #tpu.memory_space<hbm>> -> memref<1x512xi32, #tpu.memory_space<hbm>>
    %dma_wait3A_503 = tpu.memref_squeeze %dma_wait3A_502 : memref<1x512xi32, #tpu.memory_space<hbm>> -> memref<512xi32, #tpu.memory_space<hbm>>
    %dma_wait3A_504 = arith.constant 0 : i32
    %dma_wait3A_505 = tpu.memref_slice %arg10[%dma_wait3A_504] : memref<16384xi32, #tpu.memory_space<vmem>> -> memref<512xi32, #tpu.memory_space<vmem>>
    %dma_wait3A_506 = arith.constant 0 : i32
    %dma_wait3A_507 = tpu.memref_slice %arg2[%mul3A_32, %dma_wait3A_506] : memref<256x1024xi32, #tpu.memory_space<hbm>> -> memref<1x512xi32, #tpu.memory_space<hbm>>
    %dma_wait3A_508 = tpu.memref_squeeze %dma_wait3A_507 : memref<1x512xi32, #tpu.memory_space<hbm>> -> memref<512xi32, #tpu.memory_space<hbm>>
    tpu.wait_dma2 semaphore(%arg14 : memref<!tpu.dma_semaphore, #tpu.memory_space<semaphore_mem>>) src(%dma_wait3A_508 : memref<512xi32, #tpu.memory_space<hbm>>) dst(%dma_wait3A_505 : memref<512xi32, #tpu.memory_space<vmem>>)
    %dma_wait3A_509 = arith.constant 0 : i32
    %dma_wait3A_510 = tpu.memref_slice %arg10[%dma_wait3A_509] : memref<16384xi32, #tpu.memory_space<vmem>> -> memref<512xi32, #tpu.memory_space<vmem>>
    %dma_wait3A_511 = arith.constant 0 : i32
    %dma_wait3A_512 = tpu.memref_slice %arg2[%mul3A_32, %dma_wait3A_511] : memref<256x1024xi32, #tpu.memory_space<hbm>> -> memref<1x512xi32, #tpu.memory_space<hbm>>
    %dma_wait3A_513 = tpu.memref_squeeze %dma_wait3A_512 : memref<1x512xi32, #tpu.memory_space<hbm>> -> memref<512xi32, #tpu.memory_space<hbm>>
    %dma_wait3A_514 = arith.constant 0 : i32
    %dma_wait3A_515 = tpu.memref_slice %arg10[%dma_wait3A_514] : memref<16384xi32, #tpu.memory_space<vmem>> -> memref<512xi32, #tpu.memory_space<vmem>>
    %dma_wait3A_516 = arith.constant 0 : i32
    %dma_wait3A_517 = tpu.memref_slice %arg2[%mul3A_32, %dma_wait3A_516] : memref<256x1024xi32, #tpu.memory_space<hbm>> -> memref<1x512xi32, #tpu.memory_space<hbm>>
    %dma_wait3A_518 = tpu.memref_squeeze %dma_wait3A_517 : memref<1x512xi32, #tpu.memory_space<hbm>> -> memref<512xi32, #tpu.memory_space<hbm>>
    tpu.wait_dma2 semaphore(%arg14 : memref<!tpu.dma_semaphore, #tpu.memory_space<semaphore_mem>>) src(%dma_wait3A_518 : memref<512xi32, #tpu.memory_space<hbm>>) dst(%dma_wait3A_515 : memref<512xi32, #tpu.memory_space<vmem>>)
    %dma_wait3A_519 = arith.constant 0 : i32
    %dma_wait3A_520 = tpu.memref_slice %arg10[%dma_wait3A_519] : memref<16384xi32, #tpu.memory_space<vmem>> -> memref<512xi32, #tpu.memory_space<vmem>>
    %dma_wait3A_521 = arith.constant 0 : i32
    %dma_wait3A_522 = tpu.memref_slice %arg2[%mul3A_32, %dma_wait3A_521] : memref<256x1024xi32, #tpu.memory_space<hbm>> -> memref<1x512xi32, #tpu.memory_space<hbm>>
    %dma_wait3A_523 = tpu.memref_squeeze %dma_wait3A_522 : memref<1x512xi32, #tpu.memory_space<hbm>> -> memref<512xi32, #tpu.memory_space<hbm>>
    %dma_wait3A_524 = arith.constant 0 : i32
    %dma_wait3A_525 = tpu.memref_slice %arg10[%dma_wait3A_524] : memref<16384xi32, #tpu.memory_space<vmem>> -> memref<512xi32, #tpu.memory_space<vmem>>
    %dma_wait3A_526 = arith.constant 0 : i32
    %dma_wait3A_527 = tpu.memref_slice %arg2[%mul3A_32, %dma_wait3A_526] : memref<256x1024xi32, #tpu.memory_space<hbm>> -> memref<1x512xi32, #tpu.memory_space<hbm>>
    %dma_wait3A_528 = tpu.memref_squeeze %dma_wait3A_527 : memref<1x512xi32, #tpu.memory_space<hbm>> -> memref<512xi32, #tpu.memory_space<hbm>>
    tpu.wait_dma2 semaphore(%arg14 : memref<!tpu.dma_semaphore, #tpu.memory_space<semaphore_mem>>) src(%dma_wait3A_528 : memref<512xi32, #tpu.memory_space<hbm>>) dst(%dma_wait3A_525 : memref<512xi32, #tpu.memory_space<vmem>>)
    %dma_wait3A_529 = arith.constant 0 : i32
    %dma_wait3A_530 = tpu.memref_slice %arg10[%dma_wait3A_529] : memref<16384xi32, #tpu.memory_space<vmem>> -> memref<512xi32, #tpu.memory_space<vmem>>
    %dma_wait3A_531 = arith.constant 0 : i32
    %dma_wait3A_532 = tpu.memref_slice %arg2[%mul3A_32, %dma_wait3A_531] : memref<256x1024xi32, #tpu.memory_space<hbm>> -> memref<1x512xi32, #tpu.memory_space<hbm>>
    %dma_wait3A_533 = tpu.memref_squeeze %dma_wait3A_532 : memref<1x512xi32, #tpu.memory_space<hbm>> -> memref<512xi32, #tpu.memory_space<hbm>>
    %dma_wait3A_534 = arith.constant 0 : i32
    %dma_wait3A_535 = tpu.memref_slice %arg10[%dma_wait3A_534] : memref<16384xi32, #tpu.memory_space<vmem>> -> memref<512xi32, #tpu.memory_space<vmem>>
    %dma_wait3A_536 = arith.constant 0 : i32
    %dma_wait3A_537 = tpu.memref_slice %arg2[%mul3A_32, %dma_wait3A_536] : memref<256x1024xi32, #tpu.memory_space<hbm>> -> memref<1x512xi32, #tpu.memory_space<hbm>>
    %dma_wait3A_538 = tpu.memref_squeeze %dma_wait3A_537 : memref<1x512xi32, #tpu.memory_space<hbm>> -> memref<512xi32, #tpu.memory_space<hbm>>
    tpu.wait_dma2 semaphore(%arg14 : memref<!tpu.dma_semaphore, #tpu.memory_space<semaphore_mem>>) src(%dma_wait3A_538 : memref<512xi32, #tpu.memory_space<hbm>>) dst(%dma_wait3A_535 : memref<512xi32, #tpu.memory_space<vmem>>)
    %dma_wait3A_539 = arith.constant 0 : i32
    %dma_wait3A_540 = tpu.memref_slice %arg10[%dma_wait3A_539] : memref<16384xi32, #tpu.memory_space<vmem>> -> memref<512xi32, #tpu.memory_space<vmem>>
    %dma_wait3A_541 = arith.constant 0 : i32
    %dma_wait3A_542 = tpu.memref_slice %arg2[%mul3A_32, %dma_wait3A_541] : memref<256x1024xi32, #tpu.memory_space<hbm>> -> memref<1x512xi32, #tpu.memory_space<hbm>>
    %dma_wait3A_543 = tpu.memref_squeeze %dma_wait3A_542 : memref<1x512xi32, #tpu.memory_space<hbm>> -> memref<512xi32, #tpu.memory_space<hbm>>
    %dma_wait3A_544 = arith.constant 0 : i32
    %dma_wait3A_545 = tpu.memref_slice %arg10[%dma_wait3A_544] : memref<16384xi32, #tpu.memory_space<vmem>> -> memref<512xi32, #tpu.memory_space<vmem>>
    %dma_wait3A_546 = arith.constant 0 : i32
    %dma_wait3A_547 = tpu.memref_slice %arg2[%mul3A_32, %dma_wait3A_546] : memref<256x1024xi32, #tpu.memory_space<hbm>> -> memref<1x512xi32, #tpu.memory_space<hbm>>
    %dma_wait3A_548 = tpu.memref_squeeze %dma_wait3A_547 : memref<1x512xi32, #tpu.memory_space<hbm>> -> memref<512xi32, #tpu.memory_space<hbm>>
    tpu.wait_dma2 semaphore(%arg14 : memref<!tpu.dma_semaphore, #tpu.memory_space<semaphore_mem>>) src(%dma_wait3A_548 : memref<512xi32, #tpu.memory_space<hbm>>) dst(%dma_wait3A_545 : memref<512xi32, #tpu.memory_space<vmem>>)
    %dma_wait3A_549 = arith.constant 0 : i32
    %dma_wait3A_550 = tpu.memref_slice %arg10[%dma_wait3A_549] : memref<16384xi32, #tpu.memory_space<vmem>> -> memref<512xi32, #tpu.memory_space<vmem>>
    %dma_wait3A_551 = arith.constant 0 : i32
    %dma_wait3A_552 = tpu.memref_slice %arg2[%mul3A_32, %dma_wait3A_551] : memref<256x1024xi32, #tpu.memory_space<hbm>> -> memref<1x512xi32, #tpu.memory_space<hbm>>
    %dma_wait3A_553 = tpu.memref_squeeze %dma_wait3A_552 : memref<1x512xi32, #tpu.memory_space<hbm>> -> memref<512xi32, #tpu.memory_space<hbm>>
    %dma_wait3A_554 = arith.constant 0 : i32
    %dma_wait3A_555 = tpu.memref_slice %arg10[%dma_wait3A_554] : memref<16384xi32, #tpu.memory_space<vmem>> -> memref<512xi32, #tpu.memory_space<vmem>>
    %dma_wait3A_556 = arith.constant 0 : i32
    %dma_wait3A_557 = tpu.memref_slice %arg2[%mul3A_32, %dma_wait3A_556] : memref<256x1024xi32, #tpu.memory_space<hbm>> -> memref<1x512xi32, #tpu.memory_space<hbm>>
    %dma_wait3A_558 = tpu.memref_squeeze %dma_wait3A_557 : memref<1x512xi32, #tpu.memory_space<hbm>> -> memref<512xi32, #tpu.memory_space<hbm>>
    tpu.wait_dma2 semaphore(%arg14 : memref<!tpu.dma_semaphore, #tpu.memory_space<semaphore_mem>>) src(%dma_wait3A_558 : memref<512xi32, #tpu.memory_space<hbm>>) dst(%dma_wait3A_555 : memref<512xi32, #tpu.memory_space<vmem>>)
    %dma_wait3A_559 = arith.constant 0 : i32
    %dma_wait3A_560 = tpu.memref_slice %arg10[%dma_wait3A_559] : memref<16384xi32, #tpu.memory_space<vmem>> -> memref<512xi32, #tpu.memory_space<vmem>>
    %dma_wait3A_561 = arith.constant 0 : i32
    %dma_wait3A_562 = tpu.memref_slice %arg2[%mul3A_32, %dma_wait3A_561] : memref<256x1024xi32, #tpu.memory_space<hbm>> -> memref<1x512xi32, #tpu.memory_space<hbm>>
    %dma_wait3A_563 = tpu.memref_squeeze %dma_wait3A_562 : memref<1x512xi32, #tpu.memory_space<hbm>> -> memref<512xi32, #tpu.memory_space<hbm>>
    %dma_wait3A_564 = arith.constant 0 : i32
    %dma_wait3A_565 = tpu.memref_slice %arg10[%dma_wait3A_564] : memref<16384xi32, #tpu.memory_space<vmem>> -> memref<512xi32, #tpu.memory_space<vmem>>
    %dma_wait3A_566 = arith.constant 0 : i32
    %dma_wait3A_567 = tpu.memref_slice %arg2[%mul3A_32, %dma_wait3A_566] : memref<256x1024xi32, #tpu.memory_space<hbm>> -> memref<1x512xi32, #tpu.memory_space<hbm>>
    %dma_wait3A_568 = tpu.memref_squeeze %dma_wait3A_567 : memref<1x512xi32, #tpu.memory_space<hbm>> -> memref<512xi32, #tpu.memory_space<hbm>>
    tpu.wait_dma2 semaphore(%arg14 : memref<!tpu.dma_semaphore, #tpu.memory_space<semaphore_mem>>) src(%dma_wait3A_568 : memref<512xi32, #tpu.memory_space<hbm>>) dst(%dma_wait3A_565 : memref<512xi32, #tpu.memory_space<vmem>>)
    %dma_wait3A_569 = arith.constant 0 : i32
    %dma_wait3A_570 = tpu.memref_slice %arg10[%dma_wait3A_569] : memref<16384xi32, #tpu.memory_space<vmem>> -> memref<512xi32, #tpu.memory_space<vmem>>
    %dma_wait3A_571 = arith.constant 0 : i32
    %dma_wait3A_572 = tpu.memref_slice %arg2[%mul3A_32, %dma_wait3A_571] : memref<256x1024xi32, #tpu.memory_space<hbm>> -> memref<1x512xi32, #tpu.memory_space<hbm>>
    %dma_wait3A_573 = tpu.memref_squeeze %dma_wait3A_572 : memref<1x512xi32, #tpu.memory_space<hbm>> -> memref<512xi32, #tpu.memory_space<hbm>>
    %dma_wait3A_574 = arith.constant 0 : i32
    %dma_wait3A_575 = tpu.memref_slice %arg10[%dma_wait3A_574] : memref<16384xi32, #tpu.memory_space<vmem>> -> memref<512xi32, #tpu.memory_space<vmem>>
    %dma_wait3A_576 = arith.constant 0 : i32
    %dma_wait3A_577 = tpu.memref_slice %arg2[%mul3A_32, %dma_wait3A_576] : memref<256x1024xi32, #tpu.memory_space<hbm>> -> memref<1x512xi32, #tpu.memory_space<hbm>>
    %dma_wait3A_578 = tpu.memref_squeeze %dma_wait3A_577 : memref<1x512xi32, #tpu.memory_space<hbm>> -> memref<512xi32, #tpu.memory_space<hbm>>
    tpu.wait_dma2 semaphore(%arg14 : memref<!tpu.dma_semaphore, #tpu.memory_space<semaphore_mem>>) src(%dma_wait3A_578 : memref<512xi32, #tpu.memory_space<hbm>>) dst(%dma_wait3A_575 : memref<512xi32, #tpu.memory_space<vmem>>)
    %dma_wait3A_579 = arith.constant 0 : i32
    %dma_wait3A_580 = tpu.memref_slice %arg10[%dma_wait3A_579] : memref<16384xi32, #tpu.memory_space<vmem>> -> memref<512xi32, #tpu.memory_space<vmem>>
    %dma_wait3A_581 = arith.constant 0 : i32
    %dma_wait3A_582 = tpu.memref_slice %arg2[%mul3A_32, %dma_wait3A_581] : memref<256x1024xi32, #tpu.memory_space<hbm>> -> memref<1x512xi32, #tpu.memory_space<hbm>>
    %dma_wait3A_583 = tpu.memref_squeeze %dma_wait3A_582 : memref<1x512xi32, #tpu.memory_space<hbm>> -> memref<512xi32, #tpu.memory_space<hbm>>
    %dma_wait3A_584 = arith.constant 0 : i32
    %dma_wait3A_585 = tpu.memref_slice %arg10[%dma_wait3A_584] : memref<16384xi32, #tpu.memory_space<vmem>> -> memref<512xi32, #tpu.memory_space<vmem>>
    %dma_wait3A_586 = arith.constant 0 : i32
    %dma_wait3A_587 = tpu.memref_slice %arg2[%mul3A_32, %dma_wait3A_586] : memref<256x1024xi32, #tpu.memory_space<hbm>> -> memref<1x512xi32, #tpu.memory_space<hbm>>
    %dma_wait3A_588 = tpu.memref_squeeze %dma_wait3A_587 : memref<1x512xi32, #tpu.memory_space<hbm>> -> memref<512xi32, #tpu.memory_space<hbm>>
    tpu.wait_dma2 semaphore(%arg14 : memref<!tpu.dma_semaphore, #tpu.memory_space<semaphore_mem>>) src(%dma_wait3A_588 : memref<512xi32, #tpu.memory_space<hbm>>) dst(%dma_wait3A_585 : memref<512xi32, #tpu.memory_space<vmem>>)
    %dma_wait3A_589 = arith.constant 0 : i32
    %dma_wait3A_590 = tpu.memref_slice %arg10[%dma_wait3A_589] : memref<16384xi32, #tpu.memory_space<vmem>> -> memref<512xi32, #tpu.memory_space<vmem>>
    %dma_wait3A_591 = arith.constant 0 : i32
    %dma_wait3A_592 = tpu.memref_slice %arg2[%mul3A_32, %dma_wait3A_591] : memref<256x1024xi32, #tpu.memory_space<hbm>> -> memref<1x512xi32, #tpu.memory_space<hbm>>
    %dma_wait3A_593 = tpu.memref_squeeze %dma_wait3A_592 : memref<1x512xi32, #tpu.memory_space<hbm>> -> memref<512xi32, #tpu.memory_space<hbm>>
    %dma_wait3A_594 = arith.constant 0 : i32
    %dma_wait3A_595 = tpu.memref_slice %arg10[%dma_wait3A_594] : memref<16384xi32, #tpu.memory_space<vmem>> -> memref<512xi32, #tpu.memory_space<vmem>>
    %dma_wait3A_596 = arith.constant 0 : i32
    %dma_wait3A_597 = tpu.memref_slice %arg2[%mul3A_32, %dma_wait3A_596] : memref<256x1024xi32, #tpu.memory_space<hbm>> -> memref<1x512xi32, #tpu.memory_space<hbm>>
    %dma_wait3A_598 = tpu.memref_squeeze %dma_wait3A_597 : memref<1x512xi32, #tpu.memory_space<hbm>> -> memref<512xi32, #tpu.memory_space<hbm>>
    tpu.wait_dma2 semaphore(%arg14 : memref<!tpu.dma_semaphore, #tpu.memory_space<semaphore_mem>>) src(%dma_wait3A_598 : memref<512xi32, #tpu.memory_space<hbm>>) dst(%dma_wait3A_595 : memref<512xi32, #tpu.memory_space<vmem>>)
    %dma_wait3A_599 = arith.constant 0 : i32
    %dma_wait3A_600 = tpu.memref_slice %arg10[%dma_wait3A_599] : memref<16384xi32, #tpu.memory_space<vmem>> -> memref<512xi32, #tpu.memory_space<vmem>>
    %dma_wait3A_601 = arith.constant 0 : i32
    %dma_wait3A_602 = tpu.memref_slice %arg2[%mul3A_32, %dma_wait3A_601] : memref<256x1024xi32, #tpu.memory_space<hbm>> -> memref<1x512xi32, #tpu.memory_space<hbm>>
    %dma_wait3A_603 = tpu.memref_squeeze %dma_wait3A_602 : memref<1x512xi32, #tpu.memory_space<hbm>> -> memref<512xi32, #tpu.memory_space<hbm>>
    %dma_wait3A_604 = arith.constant 0 : i32
    %dma_wait3A_605 = tpu.memref_slice %arg10[%dma_wait3A_604] : memref<16384xi32, #tpu.memory_space<vmem>> -> memref<512xi32, #tpu.memory_space<vmem>>
    %dma_wait3A_606 = arith.constant 0 : i32
    %dma_wait3A_607 = tpu.memref_slice %arg2[%mul3A_32, %dma_wait3A_606] : memref<256x1024xi32, #tpu.memory_space<hbm>> -> memref<1x512xi32, #tpu.memory_space<hbm>>
    %dma_wait3A_608 = tpu.memref_squeeze %dma_wait3A_607 : memref<1x512xi32, #tpu.memory_space<hbm>> -> memref<512xi32, #tpu.memory_space<hbm>>
    tpu.wait_dma2 semaphore(%arg14 : memref<!tpu.dma_semaphore, #tpu.memory_space<semaphore_mem>>) src(%dma_wait3A_608 : memref<512xi32, #tpu.memory_space<hbm>>) dst(%dma_wait3A_605 : memref<512xi32, #tpu.memory_space<vmem>>)
    %dma_wait3A_609 = arith.constant 0 : i32
    %dma_wait3A_610 = tpu.memref_slice %arg10[%dma_wait3A_609] : memref<16384xi32, #tpu.memory_space<vmem>> -> memref<512xi32, #tpu.memory_space<vmem>>
    %dma_wait3A_611 = arith.constant 0 : i32
    %dma_wait3A_612 = tpu.memref_slice %arg2[%mul3A_32, %dma_wait3A_611] : memref<256x1024xi32, #tpu.memory_space<hbm>> -> memref<1x512xi32, #tpu.memory_space<hbm>>
    %dma_wait3A_613 = tpu.memref_squeeze %dma_wait3A_612 : memref<1x512xi32, #tpu.memory_space<hbm>> -> memref<512xi32, #tpu.memory_space<hbm>>
    %dma_wait3A_614 = arith.constant 0 : i32
    %dma_wait3A_615 = tpu.memref_slice %arg10[%dma_wait3A_614] : memref<16384xi32, #tpu.memory_space<vmem>> -> memref<512xi32, #tpu.memory_space<vmem>>
    %dma_wait3A_616 = arith.constant 0 : i32
    %dma_wait3A_617 = tpu.memref_slice %arg2[%mul3A_32, %dma_wait3A_616] : memref<256x1024xi32, #tpu.memory_space<hbm>> -> memref<1x512xi32, #tpu.memory_space<hbm>>
    %dma_wait3A_618 = tpu.memref_squeeze %dma_wait3A_617 : memref<1x512xi32, #tpu.memory_space<hbm>> -> memref<512xi32, #tpu.memory_space<hbm>>
    tpu.wait_dma2 semaphore(%arg14 : memref<!tpu.dma_semaphore, #tpu.memory_space<semaphore_mem>>) src(%dma_wait3A_618 : memref<512xi32, #tpu.memory_space<hbm>>) dst(%dma_wait3A_615 : memref<512xi32, #tpu.memory_space<vmem>>)
    %dma_wait3A_619 = arith.constant 0 : i32
    %dma_wait3A_620 = tpu.memref_slice %arg10[%dma_wait3A_619] : memref<16384xi32, #tpu.memory_space<vmem>> -> memref<512xi32, #tpu.memory_space<vmem>>
    %dma_wait3A_621 = arith.constant 0 : i32
    %dma_wait3A_622 = tpu.memref_slice %arg2[%mul3A_32, %dma_wait3A_621] : memref<256x1024xi32, #tpu.memory_space<hbm>> -> memref<1x512xi32, #tpu.memory_space<hbm>>
    %dma_wait3A_623 = tpu.memref_squeeze %dma_wait3A_622 : memref<1x512xi32, #tpu.memory_space<hbm>> -> memref<512xi32, #tpu.memory_space<hbm>>
    %dma_wait3A_624 = arith.constant 0 : i32
    %dma_wait3A_625 = tpu.memref_slice %arg10[%dma_wait3A_624] : memref<16384xi32, #tpu.memory_space<vmem>> -> memref<512xi32, #tpu.memory_space<vmem>>
    %dma_wait3A_626 = arith.constant 0 : i32
    %dma_wait3A_627 = tpu.memref_slice %arg2[%mul3A_32, %dma_wait3A_626] : memref<256x1024xi32, #tpu.memory_space<hbm>> -> memref<1x512xi32, #tpu.memory_space<hbm>>
    %dma_wait3A_628 = tpu.memref_squeeze %dma_wait3A_627 : memref<1x512xi32, #tpu.memory_space<hbm>> -> memref<512xi32, #tpu.memory_space<hbm>>
    tpu.wait_dma2 semaphore(%arg14 : memref<!tpu.dma_semaphore, #tpu.memory_space<semaphore_mem>>) src(%dma_wait3A_628 : memref<512xi32, #tpu.memory_space<hbm>>) dst(%dma_wait3A_625 : memref<512xi32, #tpu.memory_space<vmem>>)
    %dma_wait3A_629 = arith.constant 0 : i32
    %dma_wait3A_630 = tpu.memref_slice %arg10[%dma_wait3A_629] : memref<16384xi32, #tpu.memory_space<vmem>> -> memref<512xi32, #tpu.memory_space<vmem>>
    %dma_wait3A_631 = arith.constant 0 : i32
    %dma_wait3A_632 = tpu.memref_slice %arg2[%mul3A_32, %dma_wait3A_631] : memref<256x1024xi32, #tpu.memory_space<hbm>> -> memref<1x512xi32, #tpu.memory_space<hbm>>
    %dma_wait3A_633 = tpu.memref_squeeze %dma_wait3A_632 : memref<1x512xi32, #tpu.memory_space<hbm>> -> memref<512xi32, #tpu.memory_space<hbm>>
    %dma_wait3A_634 = arith.constant 0 : i32
    %dma_wait3A_635 = tpu.memref_slice %arg10[%dma_wait3A_634] : memref<16384xi32, #tpu.memory_space<vmem>> -> memref<512xi32, #tpu.memory_space<vmem>>
    %dma_wait3A_636 = arith.constant 0 : i32
    %dma_wait3A_637 = tpu.memref_slice %arg2[%mul3A_32, %dma_wait3A_636] : memref<256x1024xi32, #tpu.memory_space<hbm>> -> memref<1x512xi32, #tpu.memory_space<hbm>>
    %dma_wait3A_638 = tpu.memref_squeeze %dma_wait3A_637 : memref<1x512xi32, #tpu.memory_space<hbm>> -> memref<512xi32, #tpu.memory_space<hbm>>
    tpu.wait_dma2 semaphore(%arg14 : memref<!tpu.dma_semaphore, #tpu.memory_space<semaphore_mem>>) src(%dma_wait3A_638 : memref<512xi32, #tpu.memory_space<hbm>>) dst(%dma_wait3A_635 : memref<512xi32, #tpu.memory_space<vmem>>)
    %dma_wait3A_639 = arith.constant 0 : i32
    %dma_wait3A_640 = tpu.memref_slice %arg10[%dma_wait3A_639] : memref<16384xi32, #tpu.memory_space<vmem>> -> memref<512xi32, #tpu.memory_space<vmem>>
    %dma_wait3A_641 = arith.constant 0 : i32
    %dma_wait3A_642 = tpu.memref_slice %arg2[%mul3A_32, %dma_wait3A_641] : memref<256x1024xi32, #tpu.memory_space<hbm>> -> memref<1x512xi32, #tpu.memory_space<hbm>>
    %dma_wait3A_643 = tpu.memref_squeeze %dma_wait3A_642 : memref<1x512xi32, #tpu.memory_space<hbm>> -> memref<512xi32, #tpu.memory_space<hbm>>
    %dma_wait3A_644 = arith.constant 0 : i32
    %dma_wait3A_645 = tpu.memref_slice %arg10[%dma_wait3A_644] : memref<16384xi32, #tpu.memory_space<vmem>> -> memref<512xi32, #tpu.memory_space<vmem>>
    %dma_wait3A_646 = arith.constant 0 : i32
    %dma_wait3A_647 = tpu.memref_slice %arg2[%mul3A_32, %dma_wait3A_646] : memref<256x1024xi32, #tpu.memory_space<hbm>> -> memref<1x512xi32, #tpu.memory_space<hbm>>
    %dma_wait3A_648 = tpu.memref_squeeze %dma_wait3A_647 : memref<1x512xi32, #tpu.memory_space<hbm>> -> memref<512xi32, #tpu.memory_space<hbm>>
    tpu.wait_dma2 semaphore(%arg14 : memref<!tpu.dma_semaphore, #tpu.memory_space<semaphore_mem>>) src(%dma_wait3A_648 : memref<512xi32, #tpu.memory_space<hbm>>) dst(%dma_wait3A_645 : memref<512xi32, #tpu.memory_space<vmem>>)
    %dma_wait3A_649 = arith.constant 0 : i32
    %dma_wait3A_650 = tpu.memref_slice %arg10[%dma_wait3A_649] : memref<16384xi32, #tpu.memory_space<vmem>> -> memref<512xi32, #tpu.memory_space<vmem>>
    %dma_wait3A_651 = arith.constant 0 : i32
    %dma_wait3A_652 = tpu.memref_slice %arg2[%mul3A_32, %dma_wait3A_651] : memref<256x1024xi32, #tpu.memory_space<hbm>> -> memref<1x512xi32, #tpu.memory_space<hbm>>
    %dma_wait3A_653 = tpu.memref_squeeze %dma_wait3A_652 : memref<1x512xi32, #tpu.memory_space<hbm>> -> memref<512xi32, #tpu.memory_space<hbm>>
    %dma_wait3A_654 = arith.constant 0 : i32
    %dma_wait3A_655 = tpu.memref_slice %arg10[%dma_wait3A_654] : memref<16384xi32, #tpu.memory_space<vmem>> -> memref<512xi32, #tpu.memory_space<vmem>>
    %dma_wait3A_656 = arith.constant 0 : i32
    %dma_wait3A_657 = tpu.memref_slice %arg2[%mul3A_32, %dma_wait3A_656] : memref<256x1024xi32, #tpu.memory_space<hbm>> -> memref<1x512xi32, #tpu.memory_space<hbm>>
    %dma_wait3A_658 = tpu.memref_squeeze %dma_wait3A_657 : memref<1x512xi32, #tpu.memory_space<hbm>> -> memref<512xi32, #tpu.memory_space<hbm>>
    tpu.wait_dma2 semaphore(%arg14 : memref<!tpu.dma_semaphore, #tpu.memory_space<semaphore_mem>>) src(%dma_wait3A_658 : memref<512xi32, #tpu.memory_space<hbm>>) dst(%dma_wait3A_655 : memref<512xi32, #tpu.memory_space<vmem>>)
    %dma_wait3A_659 = arith.constant 0 : i32
    %dma_wait3A_660 = tpu.memref_slice %arg10[%dma_wait3A_659] : memref<16384xi32, #tpu.memory_space<vmem>> -> memref<512xi32, #tpu.memory_space<vmem>>
    %dma_wait3A_661 = arith.constant 0 : i32
    %dma_wait3A_662 = tpu.memref_slice %arg2[%mul3A_32, %dma_wait3A_661] : memref<256x1024xi32, #tpu.memory_space<hbm>> -> memref<1x512xi32, #tpu.memory_space<hbm>>
    %dma_wait3A_663 = tpu.memref_squeeze %dma_wait3A_662 : memref<1x512xi32, #tpu.memory_space<hbm>> -> memref<512xi32, #tpu.memory_space<hbm>>
    %dma_wait3A_664 = arith.constant 0 : i32
    %dma_wait3A_665 = tpu.memref_slice %arg10[%dma_wait3A_664] : memref<16384xi32, #tpu.memory_space<vmem>> -> memref<512xi32, #tpu.memory_space<vmem>>
    %dma_wait3A_666 = arith.constant 0 : i32
    %dma_wait3A_667 = tpu.memref_slice %arg2[%mul3A_32, %dma_wait3A_666] : memref<256x1024xi32, #tpu.memory_space<hbm>> -> memref<1x512xi32, #tpu.memory_space<hbm>>
    %dma_wait3A_668 = tpu.memref_squeeze %dma_wait3A_667 : memref<1x512xi32, #tpu.memory_space<hbm>> -> memref<512xi32, #tpu.memory_space<hbm>>
    tpu.wait_dma2 semaphore(%arg14 : memref<!tpu.dma_semaphore, #tpu.memory_space<semaphore_mem>>) src(%dma_wait3A_668 : memref<512xi32, #tpu.memory_space<hbm>>) dst(%dma_wait3A_665 : memref<512xi32, #tpu.memory_space<vmem>>)
    %dma_wait3A_669 = arith.constant 0 : i32
    %dma_wait3A_670 = tpu.memref_slice %arg10[%dma_wait3A_669] : memref<16384xi32, #tpu.memory_space<vmem>> -> memref<512xi32, #tpu.memory_space<vmem>>
    %dma_wait3A_671 = arith.constant 0 : i32
    %dma_wait3A_672 = tpu.memref_slice %arg2[%mul3A_32, %dma_wait3A_671] : memref<256x1024xi32, #tpu.memory_space<hbm>> -> memref<1x512xi32, #tpu.memory_space<hbm>>
    %dma_wait3A_673 = tpu.memref_squeeze %dma_wait3A_672 : memref<1x512xi32, #tpu.memory_space<hbm>> -> memref<512xi32, #tpu.memory_space<hbm>>
    %dma_wait3A_674 = arith.constant 0 : i32
    %dma_wait3A_675 = tpu.memref_slice %arg10[%dma_wait3A_674] : memref<16384xi32, #tpu.memory_space<vmem>> -> memref<512xi32, #tpu.memory_space<vmem>>
    %dma_wait3A_676 = arith.constant 0 : i32
    %dma_wait3A_677 = tpu.memref_slice %arg2[%mul3A_32, %dma_wait3A_676] : memref<256x1024xi32, #tpu.memory_space<hbm>> -> memref<1x512xi32, #tpu.memory_space<hbm>>
    %dma_wait3A_678 = tpu.memref_squeeze %dma_wait3A_677 : memref<1x512xi32, #tpu.memory_space<hbm>> -> memref<512xi32, #tpu.memory_space<hbm>>
    tpu.wait_dma2 semaphore(%arg14 : memref<!tpu.dma_semaphore, #tpu.memory_space<semaphore_mem>>) src(%dma_wait3A_678 : memref<512xi32, #tpu.memory_space<hbm>>) dst(%dma_wait3A_675 : memref<512xi32, #tpu.memory_space<vmem>>)
    %dma_wait3A_679 = arith.constant 0 : i32
    %dma_wait3A_680 = tpu.memref_slice %arg10[%dma_wait3A_679] : memref<16384xi32, #tpu.memory_space<vmem>> -> memref<512xi32, #tpu.memory_space<vmem>>
    %dma_wait3A_681 = arith.constant 0 : i32
    %dma_wait3A_682 = tpu.memref_slice %arg2[%mul3A_32, %dma_wait3A_681] : memref<256x1024xi32, #tpu.memory_space<hbm>> -> memref<1x512xi32, #tpu.memory_space<hbm>>
    %dma_wait3A_683 = tpu.memref_squeeze %dma_wait3A_682 : memref<1x512xi32, #tpu.memory_space<hbm>> -> memref<512xi32, #tpu.memory_space<hbm>>
    %dma_wait3A_684 = arith.constant 0 : i32
    %dma_wait3A_685 = tpu.memref_slice %arg10[%dma_wait3A_684] : memref<16384xi32, #tpu.memory_space<vmem>> -> memref<512xi32, #tpu.memory_space<vmem>>
    %dma_wait3A_686 = arith.constant 0 : i32
    %dma_wait3A_687 = tpu.memref_slice %arg2[%mul3A_32, %dma_wait3A_686] : memref<256x1024xi32, #tpu.memory_space<hbm>> -> memref<1x512xi32, #tpu.memory_space<hbm>>
    %dma_wait3A_688 = tpu.memref_squeeze %dma_wait3A_687 : memref<1x512xi32, #tpu.memory_space<hbm>> -> memref<512xi32, #tpu.memory_space<hbm>>
    tpu.wait_dma2 semaphore(%arg14 : memref<!tpu.dma_semaphore, #tpu.memory_space<semaphore_mem>>) src(%dma_wait3A_688 : memref<512xi32, #tpu.memory_space<hbm>>) dst(%dma_wait3A_685 : memref<512xi32, #tpu.memory_space<vmem>>)
    %dma_wait3A_689 = arith.constant 0 : i32
    %dma_wait3A_690 = tpu.memref_slice %arg10[%dma_wait3A_689] : memref<16384xi32, #tpu.memory_space<vmem>> -> memref<512xi32, #tpu.memory_space<vmem>>
    %dma_wait3A_691 = arith.constant 0 : i32
    %dma_wait3A_692 = tpu.memref_slice %arg2[%mul3A_32, %dma_wait3A_691] : memref<256x1024xi32, #tpu.memory_space<hbm>> -> memref<1x512xi32, #tpu.memory_space<hbm>>
    %dma_wait3A_693 = tpu.memref_squeeze %dma_wait3A_692 : memref<1x512xi32, #tpu.memory_space<hbm>> -> memref<512xi32, #tpu.memory_space<hbm>>
    %dma_wait3A_694 = arith.constant 0 : i32
    %dma_wait3A_695 = tpu.memref_slice %arg10[%dma_wait3A_694] : memref<16384xi32, #tpu.memory_space<vmem>> -> memref<512xi32, #tpu.memory_space<vmem>>
    %dma_wait3A_696 = arith.constant 0 : i32
    %dma_wait3A_697 = tpu.memref_slice %arg2[%mul3A_32, %dma_wait3A_696] : memref<256x1024xi32, #tpu.memory_space<hbm>> -> memref<1x512xi32, #tpu.memory_space<hbm>>
    %dma_wait3A_698 = tpu.memref_squeeze %dma_wait3A_697 : memref<1x512xi32, #tpu.memory_space<hbm>> -> memref<512xi32, #tpu.memory_space<hbm>>
    tpu.wait_dma2 semaphore(%arg14 : memref<!tpu.dma_semaphore, #tpu.memory_space<semaphore_mem>>) src(%dma_wait3A_698 : memref<512xi32, #tpu.memory_space<hbm>>) dst(%dma_wait3A_695 : memref<512xi32, #tpu.memory_space<vmem>>)
    %dma_wait3A_699 = arith.constant 0 : i32
    %dma_wait3A_700 = tpu.memref_slice %arg10[%dma_wait3A_699] : memref<16384xi32, #tpu.memory_space<vmem>> -> memref<512xi32, #tpu.memory_space<vmem>>
    %dma_wait3A_701 = arith.constant 0 : i32
    %dma_wait3A_702 = tpu.memref_slice %arg2[%mul3A_32, %dma_wait3A_701] : memref<256x1024xi32, #tpu.memory_space<hbm>> -> memref<1x512xi32, #tpu.memory_space<hbm>>
    %dma_wait3A_703 = tpu.memref_squeeze %dma_wait3A_702 : memref<1x512xi32, #tpu.memory_space<hbm>> -> memref<512xi32, #tpu.memory_space<hbm>>
    %dma_wait3A_704 = arith.constant 0 : i32
    %dma_wait3A_705 = tpu.memref_slice %arg10[%dma_wait3A_704] : memref<16384xi32, #tpu.memory_space<vmem>> -> memref<512xi32, #tpu.memory_space<vmem>>
    %dma_wait3A_706 = arith.constant 0 : i32
    %dma_wait3A_707 = tpu.memref_slice %arg2[%mul3A_32, %dma_wait3A_706] : memref<256x1024xi32, #tpu.memory_space<hbm>> -> memref<1x512xi32, #tpu.memory_space<hbm>>
    %dma_wait3A_708 = tpu.memref_squeeze %dma_wait3A_707 : memref<1x512xi32, #tpu.memory_space<hbm>> -> memref<512xi32, #tpu.memory_space<hbm>>
    tpu.wait_dma2 semaphore(%arg14 : memref<!tpu.dma_semaphore, #tpu.memory_space<semaphore_mem>>) src(%dma_wait3A_708 : memref<512xi32, #tpu.memory_space<hbm>>) dst(%dma_wait3A_705 : memref<512xi32, #tpu.memory_space<vmem>>)
    %dma_wait3A_709 = arith.constant 0 : i32
    %dma_wait3A_710 = tpu.memref_slice %arg10[%dma_wait3A_709] : memref<16384xi32, #tpu.memory_space<vmem>> -> memref<512xi32, #tpu.memory_space<vmem>>
    %dma_wait3A_711 = arith.constant 0 : i32
    %dma_wait3A_712 = tpu.memref_slice %arg2[%mul3A_32, %dma_wait3A_711] : memref<256x1024xi32, #tpu.memory_space<hbm>> -> memref<1x512xi32, #tpu.memory_space<hbm>>
    %dma_wait3A_713 = tpu.memref_squeeze %dma_wait3A_712 : memref<1x512xi32, #tpu.memory_space<hbm>> -> memref<512xi32, #tpu.memory_space<hbm>>
    %dma_wait3A_714 = arith.constant 0 : i32
    %dma_wait3A_715 = tpu.memref_slice %arg10[%dma_wait3A_714] : memref<16384xi32, #tpu.memory_space<vmem>> -> memref<512xi32, #tpu.memory_space<vmem>>
    %dma_wait3A_716 = arith.constant 0 : i32
    %dma_wait3A_717 = tpu.memref_slice %arg2[%mul3A_32, %dma_wait3A_716] : memref<256x1024xi32, #tpu.memory_space<hbm>> -> memref<1x512xi32, #tpu.memory_space<hbm>>
    %dma_wait3A_718 = tpu.memref_squeeze %dma_wait3A_717 : memref<1x512xi32, #tpu.memory_space<hbm>> -> memref<512xi32, #tpu.memory_space<hbm>>
    tpu.wait_dma2 semaphore(%arg14 : memref<!tpu.dma_semaphore, #tpu.memory_space<semaphore_mem>>) src(%dma_wait3A_718 : memref<512xi32, #tpu.memory_space<hbm>>) dst(%dma_wait3A_715 : memref<512xi32, #tpu.memory_space<vmem>>)
    %dma_wait3A_719 = arith.constant 0 : i32
    %dma_wait3A_720 = tpu.memref_slice %arg10[%dma_wait3A_719] : memref<16384xi32, #tpu.memory_space<vmem>> -> memref<512xi32, #tpu.memory_space<vmem>>
    %dma_wait3A_721 = arith.constant 0 : i32
    %dma_wait3A_722 = tpu.memref_slice %arg2[%mul3A_32, %dma_wait3A_721] : memref<256x1024xi32, #tpu.memory_space<hbm>> -> memref<1x512xi32, #tpu.memory_space<hbm>>
    %dma_wait3A_723 = tpu.memref_squeeze %dma_wait3A_722 : memref<1x512xi32, #tpu.memory_space<hbm>> -> memref<512xi32, #tpu.memory_space<hbm>>
    %dma_wait3A_724 = arith.constant 0 : i32
    %dma_wait3A_725 = tpu.memref_slice %arg10[%dma_wait3A_724] : memref<16384xi32, #tpu.memory_space<vmem>> -> memref<512xi32, #tpu.memory_space<vmem>>
    %dma_wait3A_726 = arith.constant 0 : i32
    %dma_wait3A_727 = tpu.memref_slice %arg2[%mul3A_32, %dma_wait3A_726] : memref<256x1024xi32, #tpu.memory_space<hbm>> -> memref<1x512xi32, #tpu.memory_space<hbm>>
    %dma_wait3A_728 = tpu.memref_squeeze %dma_wait3A_727 : memref<1x512xi32, #tpu.memory_space<hbm>> -> memref<512xi32, #tpu.memory_space<hbm>>
    tpu.wait_dma2 semaphore(%arg14 : memref<!tpu.dma_semaphore, #tpu.memory_space<semaphore_mem>>) src(%dma_wait3A_728 : memref<512xi32, #tpu.memory_space<hbm>>) dst(%dma_wait3A_725 : memref<512xi32, #tpu.memory_space<vmem>>)
    %dma_wait3A_729 = arith.constant 0 : i32
    %dma_wait3A_730 = tpu.memref_slice %arg10[%dma_wait3A_729] : memref<16384xi32, #tpu.memory_space<vmem>> -> memref<512xi32, #tpu.memory_space<vmem>>
    %dma_wait3A_731 = arith.constant 0 : i32
    %dma_wait3A_732 = tpu.memref_slice %arg2[%mul3A_32, %dma_wait3A_731] : memref<256x1024xi32, #tpu.memory_space<hbm>> -> memref<1x512xi32, #tpu.memory_space<hbm>>
    %dma_wait3A_733 = tpu.memref_squeeze %dma_wait3A_732 : memref<1x512xi32, #tpu.memory_space<hbm>> -> memref<512xi32, #tpu.memory_space<hbm>>
    %dma_wait3A_734 = arith.constant 0 : i32
    %dma_wait3A_735 = tpu.memref_slice %arg10[%dma_wait3A_734] : memref<16384xi32, #tpu.memory_space<vmem>> -> memref<512xi32, #tpu.memory_space<vmem>>
    %dma_wait3A_736 = arith.constant 0 : i32
    %dma_wait3A_737 = tpu.memref_slice %arg2[%mul3A_32, %dma_wait3A_736] : memref<256x1024xi32, #tpu.memory_space<hbm>> -> memref<1x512xi32, #tpu.memory_space<hbm>>
    %dma_wait3A_738 = tpu.memref_squeeze %dma_wait3A_737 : memref<1x512xi32, #tpu.memory_space<hbm>> -> memref<512xi32, #tpu.memory_space<hbm>>
    tpu.wait_dma2 semaphore(%arg14 : memref<!tpu.dma_semaphore, #tpu.memory_space<semaphore_mem>>) src(%dma_wait3A_738 : memref<512xi32, #tpu.memory_space<hbm>>) dst(%dma_wait3A_735 : memref<512xi32, #tpu.memory_space<vmem>>)
    %dma_wait3A_739 = arith.constant 0 : i32
    %dma_wait3A_740 = tpu.memref_slice %arg10[%dma_wait3A_739] : memref<16384xi32, #tpu.memory_space<vmem>> -> memref<512xi32, #tpu.memory_space<vmem>>
    %dma_wait3A_741 = arith.constant 0 : i32
    %dma_wait3A_742 = tpu.memref_slice %arg2[%mul3A_32, %dma_wait3A_741] : memref<256x1024xi32, #tpu.memory_space<hbm>> -> memref<1x512xi32, #tpu.memory_space<hbm>>
    %dma_wait3A_743 = tpu.memref_squeeze %dma_wait3A_742 : memref<1x512xi32, #tpu.memory_space<hbm>> -> memref<512xi32, #tpu.memory_space<hbm>>
    %dma_wait3A_744 = arith.constant 0 : i32
    %dma_wait3A_745 = tpu.memref_slice %arg10[%dma_wait3A_744] : memref<16384xi32, #tpu.memory_space<vmem>> -> memref<512xi32, #tpu.memory_space<vmem>>
    %dma_wait3A_746 = arith.constant 0 : i32
    %dma_wait3A_747 = tpu.memref_slice %arg2[%mul3A_32, %dma_wait3A_746] : memref<256x1024xi32, #tpu.memory_space<hbm>> -> memref<1x512xi32, #tpu.memory_space<hbm>>
    %dma_wait3A_748 = tpu.memref_squeeze %dma_wait3A_747 : memref<1x512xi32, #tpu.memory_space<hbm>> -> memref<512xi32, #tpu.memory_space<hbm>>
    tpu.wait_dma2 semaphore(%arg14 : memref<!tpu.dma_semaphore, #tpu.memory_space<semaphore_mem>>) src(%dma_wait3A_748 : memref<512xi32, #tpu.memory_space<hbm>>) dst(%dma_wait3A_745 : memref<512xi32, #tpu.memory_space<vmem>>)
    %dma_wait3A_749 = arith.constant 0 : i32
    %dma_wait3A_750 = tpu.memref_slice %arg10[%dma_wait3A_749] : memref<16384xi32, #tpu.memory_space<vmem>> -> memref<512xi32, #tpu.memory_space<vmem>>
    %dma_wait3A_751 = arith.constant 0 : i32
    %dma_wait3A_752 = tpu.memref_slice %arg2[%mul3A_32, %dma_wait3A_751] : memref<256x1024xi32, #tpu.memory_space<hbm>> -> memref<1x512xi32, #tpu.memory_space<hbm>>
    %dma_wait3A_753 = tpu.memref_squeeze %dma_wait3A_752 : memref<1x512xi32, #tpu.memory_space<hbm>> -> memref<512xi32, #tpu.memory_space<hbm>>
    %dma_wait3A_754 = arith.constant 0 : i32
    %dma_wait3A_755 = tpu.memref_slice %arg10[%dma_wait3A_754] : memref<16384xi32, #tpu.memory_space<vmem>> -> memref<512xi32, #tpu.memory_space<vmem>>
    %dma_wait3A_756 = arith.constant 0 : i32
    %dma_wait3A_757 = tpu.memref_slice %arg2[%mul3A_32, %dma_wait3A_756] : memref<256x1024xi32, #tpu.memory_space<hbm>> -> memref<1x512xi32, #tpu.memory_space<hbm>>
    %dma_wait3A_758 = tpu.memref_squeeze %dma_wait3A_757 : memref<1x512xi32, #tpu.memory_space<hbm>> -> memref<512xi32, #tpu.memory_space<hbm>>
    tpu.wait_dma2 semaphore(%arg14 : memref<!tpu.dma_semaphore, #tpu.memory_space<semaphore_mem>>) src(%dma_wait3A_758 : memref<512xi32, #tpu.memory_space<hbm>>) dst(%dma_wait3A_755 : memref<512xi32, #tpu.memory_space<vmem>>)
    %dma_wait3A_759 = arith.constant 0 : i32
    %dma_wait3A_760 = tpu.memref_slice %arg10[%dma_wait3A_759] : memref<16384xi32, #tpu.memory_space<vmem>> -> memref<512xi32, #tpu.memory_space<vmem>>
    %dma_wait3A_761 = arith.constant 0 : i32
    %dma_wait3A_762 = tpu.memref_slice %arg2[%mul3A_32, %dma_wait3A_761] : memref<256x1024xi32, #tpu.memory_space<hbm>> -> memref<1x512xi32, #tpu.memory_space<hbm>>
    %dma_wait3A_763 = tpu.memref_squeeze %dma_wait3A_762 : memref<1x512xi32, #tpu.memory_space<hbm>> -> memref<512xi32, #tpu.memory_space<hbm>>
    %dma_wait3A_764 = arith.constant 0 : i32
    %dma_wait3A_765 = tpu.memref_slice %arg10[%dma_wait3A_764] : memref<16384xi32, #tpu.memory_space<vmem>> -> memref<512xi32, #tpu.memory_space<vmem>>
    %dma_wait3A_766 = arith.constant 0 : i32
    %dma_wait3A_767 = tpu.memref_slice %arg2[%mul3A_32, %dma_wait3A_766] : memref<256x1024xi32, #tpu.memory_space<hbm>> -> memref<1x512xi32, #tpu.memory_space<hbm>>
    %dma_wait3A_768 = tpu.memref_squeeze %dma_wait3A_767 : memref<1x512xi32, #tpu.memory_space<hbm>> -> memref<512xi32, #tpu.memory_space<hbm>>
    tpu.wait_dma2 semaphore(%arg14 : memref<!tpu.dma_semaphore, #tpu.memory_space<semaphore_mem>>) src(%dma_wait3A_768 : memref<512xi32, #tpu.memory_space<hbm>>) dst(%dma_wait3A_765 : memref<512xi32, #tpu.memory_space<vmem>>)
    %dma_wait3A_769 = arith.constant 0 : i32
    %dma_wait3A_770 = tpu.memref_slice %arg10[%dma_wait3A_769] : memref<16384xi32, #tpu.memory_space<vmem>> -> memref<512xi32, #tpu.memory_space<vmem>>
    %dma_wait3A_771 = arith.constant 0 : i32
    %dma_wait3A_772 = tpu.memref_slice %arg2[%mul3A_32, %dma_wait3A_771] : memref<256x1024xi32, #tpu.memory_space<hbm>> -> memref<1x512xi32, #tpu.memory_space<hbm>>
    %dma_wait3A_773 = tpu.memref_squeeze %dma_wait3A_772 : memref<1x512xi32, #tpu.memory_space<hbm>> -> memref<512xi32, #tpu.memory_space<hbm>>
    %dma_wait3A_774 = arith.constant 0 : i32
    %dma_wait3A_775 = tpu.memref_slice %arg10[%dma_wait3A_774] : memref<16384xi32, #tpu.memory_space<vmem>> -> memref<512xi32, #tpu.memory_space<vmem>>
    %dma_wait3A_776 = arith.constant 0 : i32
    %dma_wait3A_777 = tpu.memref_slice %arg2[%mul3A_32, %dma_wait3A_776] : memref<256x1024xi32, #tpu.memory_space<hbm>> -> memref<1x512xi32, #tpu.memory_space<hbm>>
    %dma_wait3A_778 = tpu.memref_squeeze %dma_wait3A_777 : memref<1x512xi32, #tpu.memory_space<hbm>> -> memref<512xi32, #tpu.memory_space<hbm>>
    tpu.wait_dma2 semaphore(%arg14 : memref<!tpu.dma_semaphore, #tpu.memory_space<semaphore_mem>>) src(%dma_wait3A_778 : memref<512xi32, #tpu.memory_space<hbm>>) dst(%dma_wait3A_775 : memref<512xi32, #tpu.memory_space<vmem>>)
    %dma_wait3A_779 = arith.constant 0 : i32
    %dma_wait3A_780 = tpu.memref_slice %arg10[%dma_wait3A_779] : memref<16384xi32, #tpu.memory_space<vmem>> -> memref<512xi32, #tpu.memory_space<vmem>>
    %dma_wait3A_781 = arith.constant 0 : i32
    %dma_wait3A_782 = tpu.memref_slice %arg2[%mul3A_32, %dma_wait3A_781] : memref<256x1024xi32, #tpu.memory_space<hbm>> -> memref<1x512xi32, #tpu.memory_space<hbm>>
    %dma_wait3A_783 = tpu.memref_squeeze %dma_wait3A_782 : memref<1x512xi32, #tpu.memory_space<hbm>> -> memref<512xi32, #tpu.memory_space<hbm>>
    %dma_wait3A_784 = arith.constant 0 : i32
    %dma_wait3A_785 = tpu.memref_slice %arg10[%dma_wait3A_784] : memref<16384xi32, #tpu.memory_space<vmem>> -> memref<512xi32, #tpu.memory_space<vmem>>
    %dma_wait3A_786 = arith.constant 0 : i32
    %dma_wait3A_787 = tpu.memref_slice %arg2[%mul3A_32, %dma_wait3A_786] : memref<256x1024xi32, #tpu.memory_space<hbm>> -> memref<1x512xi32, #tpu.memory_space<hbm>>
    %dma_wait3A_788 = tpu.memref_squeeze %dma_wait3A_787 : memref<1x512xi32, #tpu.memory_space<hbm>> -> memref<512xi32, #tpu.memory_space<hbm>>
    tpu.wait_dma2 semaphore(%arg14 : memref<!tpu.dma_semaphore, #tpu.memory_space<semaphore_mem>>) src(%dma_wait3A_788 : memref<512xi32, #tpu.memory_space<hbm>>) dst(%dma_wait3A_785 : memref<512xi32, #tpu.memory_space<vmem>>)
    %dma_wait3A_789 = arith.constant 0 : i32
    %dma_wait3A_790 = tpu.memref_slice %arg10[%dma_wait3A_789] : memref<16384xi32, #tpu.memory_space<vmem>> -> memref<512xi32, #tpu.memory_space<vmem>>
    %dma_wait3A_791 = arith.constant 0 : i32
    %dma_wait3A_792 = tpu.memref_slice %arg2[%mul3A_32, %dma_wait3A_791] : memref<256x1024xi32, #tpu.memory_space<hbm>> -> memref<1x512xi32, #tpu.memory_space<hbm>>
    %dma_wait3A_793 = tpu.memref_squeeze %dma_wait3A_792 : memref<1x512xi32, #tpu.memory_space<hbm>> -> memref<512xi32, #tpu.memory_space<hbm>>
    %dma_wait3A_794 = arith.constant 0 : i32
    %dma_wait3A_795 = tpu.memref_slice %arg10[%dma_wait3A_794] : memref<16384xi32, #tpu.memory_space<vmem>> -> memref<512xi32, #tpu.memory_space<vmem>>
    %dma_wait3A_796 = arith.constant 0 : i32
    %dma_wait3A_797 = tpu.memref_slice %arg2[%mul3A_32, %dma_wait3A_796] : memref<256x1024xi32, #tpu.memory_space<hbm>> -> memref<1x512xi32, #tpu.memory_space<hbm>>
    %dma_wait3A_798 = tpu.memref_squeeze %dma_wait3A_797 : memref<1x512xi32, #tpu.memory_space<hbm>> -> memref<512xi32, #tpu.memory_space<hbm>>
    tpu.wait_dma2 semaphore(%arg14 : memref<!tpu.dma_semaphore, #tpu.memory_space<semaphore_mem>>) src(%dma_wait3A_798 : memref<512xi32, #tpu.memory_space<hbm>>) dst(%dma_wait3A_795 : memref<512xi32, #tpu.memory_space<vmem>>)
    "tpu.trace_stop"() : () -> ()
    %iota3A = tpu.iota {dimensions = array<i32: 0>} : vector<16xi32>
    %mul3A_799 = arith.constant 512 : i32
    %mul3A_800 = vector.broadcast %mul3A_799 : i32 to vector<16xi32>
    %mul3A_801 = arith.muli %iota3A, %mul3A_800 : vector<16xi32>
    %add3A_802 = arith.constant 8192 : i32
    %add3A_803 = vector.broadcast %add3A_802 : i32 to vector<16xi32>
    %add3A_804 = arith.addi %mul3A_801, %add3A_803 : vector<16xi32>
    %broadcast_in_dim3A = arith.constant 0.000000e+00 : f32
    %broadcast_in_dim3A_805 = vector.broadcast %broadcast_in_dim3A : f32 to vector<16xf32>
    "tpu.trace_start"() <{level = 10 : i32, message = "gather_loop"}> : () -> ()
    %scan3A = arith.constant 0 : i32
    %scan3A_806 = arith.constant 512 : i32
    %scan3A_807 = arith.addi %scan3A, %scan3A_806 : i32
    %scan3A_808 = arith.constant 8 : i32
    %scan3A_809:2 = scf.for %scan3A_827 = %scan3A to %scan3A_807 step %scan3A_808 iter_args(%scan3A_828 = %broadcast_in_dim3A_805, %scan3A_829 = %broadcast_in_dim3A_805) -> (vector<16xf32>, vector<16xf32>)  : i32 {
      %add3A_830 = vector.broadcast %scan3A_827 : i32 to vector<16xi32>
      %add3A_831 = arith.addi %iota3A, %add3A_830 : vector<16xi32>
      %and3A_832 = arith.constant 511 : i32
      %and3A_833 = vector.broadcast %and3A_832 : i32 to vector<16xi32>
      %and3A_834 = arith.andi %add3A_831, %and3A_833 : vector<16xi32>
      %add3A_835 = arith.addi %mul3A_801, %and3A_834 : vector<16xi32>
      %gather3A = tpu.vector_load_idx %arg10[%add3A_835] : memref<16384xi32, #tpu.memory_space<vmem>>[vector<16xi32>], vector<16xi32>,
      %add3A_836 = arith.addi %add3A_804, %and3A_834 : vector<16xi32>
      %gather3A_837 = tpu.vector_load_idx %arg10[%add3A_836] : memref<16384xi32, #tpu.memory_space<vmem>>[vector<16xi32>], vector<16xi32>,
      %mul3A_838 = arith.constant 512 : i32
      %mul3A_839 = vector.broadcast %mul3A_838 : i32 to vector<16xi32>
      %mul3A_840 = arith.muli %gather3A, %mul3A_839 : vector<16xi32>
      %add3A_841 = arith.addi %mul3A_840, %and3A_834 : vector<16xi32>
      %gather3A_842 = tpu.vector_load_idx %arg11[%add3A_841] : memref<10752xf32, #tpu.memory_space<vmem>>[vector<16xi32>], vector<16xf32>,
      %mul3A_843 = arith.constant 512 : i32
      %mul3A_844 = vector.broadcast %mul3A_843 : i32 to vector<16xi32>
      %mul3A_845 = arith.muli %gather3A_837, %mul3A_844 : vector<16xi32>
      %add3A_846 = arith.addi %mul3A_845, %and3A_834 : vector<16xi32>
      %gather3A_847 = tpu.vector_load_idx %arg11[%add3A_846] : memref<10752xf32, #tpu.memory_space<vmem>>[vector<16xi32>], vector<16xf32>,
      %add3A_848 = arith.addf %scan3A_828, %gather3A_842 : vector<16xf32>
      %add3A_849 = arith.addf %scan3A_829, %gather3A_847 : vector<16xf32>
      %scan3A_850 = arith.constant 1 : i32
      %scan3A_851 = arith.addi %scan3A_827, %scan3A_850 : i32
      %add3A_852 = vector.broadcast %scan3A_851 : i32 to vector<16xi32>
      %add3A_853 = arith.addi %iota3A, %add3A_852 : vector<16xi32>
      %and3A_854 = arith.constant 511 : i32
      %and3A_855 = vector.broadcast %and3A_854 : i32 to vector<16xi32>
      %and3A_856 = arith.andi %add3A_853, %and3A_855 : vector<16xi32>
      %add3A_857 = arith.addi %mul3A_801, %and3A_856 : vector<16xi32>
      %gather3A_858 = tpu.vector_load_idx %arg10[%add3A_857] : memref<16384xi32, #tpu.memory_space<vmem>>[vector<16xi32>], vector<16xi32>,
      %add3A_859 = arith.addi %add3A_804, %and3A_856 : vector<16xi32>
      %gather3A_860 = tpu.vector_load_idx %arg10[%add3A_859] : memref<16384xi32, #tpu.memory_space<vmem>>[vector<16xi32>], vector<16xi32>,
      %mul3A_861 = arith.constant 512 : i32
      %mul3A_862 = vector.broadcast %mul3A_861 : i32 to vector<16xi32>
      %mul3A_863 = arith.muli %gather3A_858, %mul3A_862 : vector<16xi32>
      %add3A_864 = arith.addi %mul3A_863, %and3A_856 : vector<16xi32>
      %gather3A_865 = tpu.vector_load_idx %arg11[%add3A_864] : memref<10752xf32, #tpu.memory_space<vmem>>[vector<16xi32>], vector<16xf32>,
      %mul3A_866 = arith.constant 512 : i32
      %mul3A_867 = vector.broadcast %mul3A_866 : i32 to vector<16xi32>
      %mul3A_868 = arith.muli %gather3A_860, %mul3A_867 : vector<16xi32>
      %add3A_869 = arith.addi %mul3A_868, %and3A_856 : vector<16xi32>
      %gather3A_870 = tpu.vector_load_idx %arg11[%add3A_869] : memref<10752xf32, #tpu.memory_space<vmem>>[vector<16xi32>], vector<16xf32>,
      %add3A_871 = arith.addf %add3A_848, %gather3A_865 : vector<16xf32>
      %add3A_872 = arith.addf %add3A_849, %gather3A_870 : vector<16xf32>
      %scan3A_873 = arith.constant 2 : i32
      %scan3A_874 = arith.addi %scan3A_827, %scan3A_873 : i32
      %add3A_875 = vector.broadcast %scan3A_874 : i32 to vector<16xi32>
      %add3A_876 = arith.addi %iota3A, %add3A_875 : vector<16xi32>
      %and3A_877 = arith.constant 511 : i32
      %and3A_878 = vector.broadcast %and3A_877 : i32 to vector<16xi32>
      %and3A_879 = arith.andi %add3A_876, %and3A_878 : vector<16xi32>
      %add3A_880 = arith.addi %mul3A_801, %and3A_879 : vector<16xi32>
      %gather3A_881 = tpu.vector_load_idx %arg10[%add3A_880] : memref<16384xi32, #tpu.memory_space<vmem>>[vector<16xi32>], vector<16xi32>,
      %add3A_882 = arith.addi %add3A_804, %and3A_879 : vector<16xi32>
      %gather3A_883 = tpu.vector_load_idx %arg10[%add3A_882] : memref<16384xi32, #tpu.memory_space<vmem>>[vector<16xi32>], vector<16xi32>,
      %mul3A_884 = arith.constant 512 : i32
      %mul3A_885 = vector.broadcast %mul3A_884 : i32 to vector<16xi32>
      %mul3A_886 = arith.muli %gather3A_881, %mul3A_885 : vector<16xi32>
      %add3A_887 = arith.addi %mul3A_886, %and3A_879 : vector<16xi32>
      %gather3A_888 = tpu.vector_load_idx %arg11[%add3A_887] : memref<10752xf32, #tpu.memory_space<vmem>>[vector<16xi32>], vector<16xf32>,
      %mul3A_889 = arith.constant 512 : i32
      %mul3A_890 = vector.broadcast %mul3A_889 : i32 to vector<16xi32>
      %mul3A_891 = arith.muli %gather3A_883, %mul3A_890 : vector<16xi32>
      %add3A_892 = arith.addi %mul3A_891, %and3A_879 : vector<16xi32>
      %gather3A_893 = tpu.vector_load_idx %arg11[%add3A_892] : memref<10752xf32, #tpu.memory_space<vmem>>[vector<16xi32>], vector<16xf32>,
      %add3A_894 = arith.addf %add3A_871, %gather3A_888 : vector<16xf32>
      %add3A_895 = arith.addf %add3A_872, %gather3A_893 : vector<16xf32>
      %scan3A_896 = arith.constant 3 : i32
      %scan3A_897 = arith.addi %scan3A_827, %scan3A_896 : i32
      %add3A_898 = vector.broadcast %scan3A_897 : i32 to vector<16xi32>
      %add3A_899 = arith.addi %iota3A, %add3A_898 : vector<16xi32>
      %and3A_900 = arith.constant 511 : i32
      %and3A_901 = vector.broadcast %and3A_900 : i32 to vector<16xi32>
      %and3A_902 = arith.andi %add3A_899, %and3A_901 : vector<16xi32>
      %add3A_903 = arith.addi %mul3A_801, %and3A_902 : vector<16xi32>
      %gather3A_904 = tpu.vector_load_idx %arg10[%add3A_903] : memref<16384xi32, #tpu.memory_space<vmem>>[vector<16xi32>], vector<16xi32>,
      %add3A_905 = arith.addi %add3A_804, %and3A_902 : vector<16xi32>
      %gather3A_906 = tpu.vector_load_idx %arg10[%add3A_905] : memref<16384xi32, #tpu.memory_space<vmem>>[vector<16xi32>], vector<16xi32>,
      %mul3A_907 = arith.constant 512 : i32
      %mul3A_908 = vector.broadcast %mul3A_907 : i32 to vector<16xi32>
      %mul3A_909 = arith.muli %gather3A_904, %mul3A_908 : vector<16xi32>
      %add3A_910 = arith.addi %mul3A_909, %and3A_902 : vector<16xi32>
      %gather3A_911 = tpu.vector_load_idx %arg11[%add3A_910] : memref<10752xf32, #tpu.memory_space<vmem>>[vector<16xi32>], vector<16xf32>,
      %mul3A_912 = arith.constant 512 : i32
      %mul3A_913 = vector.broadcast %mul3A_912 : i32 to vector<16xi32>
      %mul3A_914 = arith.muli %gather3A_906, %mul3A_913 : vector<16xi32>
      %add3A_915 = arith.addi %mul3A_914, %and3A_902 : vector<16xi32>
      %gather3A_916 = tpu.vector_load_idx %arg11[%add3A_915] : memref<10752xf32, #tpu.memory_space<vmem>>[vector<16xi32>], vector<16xf32>,
      %add3A_917 = arith.addf %add3A_894, %gather3A_911 : vector<16xf32>
      %add3A_918 = arith.addf %add3A_895, %gather3A_916 : vector<16xf32>
      %scan3A_919 = arith.constant 4 : i32
      %scan3A_920 = arith.addi %scan3A_827, %scan3A_919 : i32
      %add3A_921 = vector.broadcast %scan3A_920 : i32 to vector<16xi32>
      %add3A_922 = arith.addi %iota3A, %add3A_921 : vector<16xi32>
      %and3A_923 = arith.constant 511 : i32
      %and3A_924 = vector.broadcast %and3A_923 : i32 to vector<16xi32>
      %and3A_925 = arith.andi %add3A_922, %and3A_924 : vector<16xi32>
      %add3A_926 = arith.addi %mul3A_801, %and3A_925 : vector<16xi32>
      %gather3A_927 = tpu.vector_load_idx %arg10[%add3A_926] : memref<16384xi32, #tpu.memory_space<vmem>>[vector<16xi32>], vector<16xi32>,
      %add3A_928 = arith.addi %add3A_804, %and3A_925 : vector<16xi32>
      %gather3A_929 = tpu.vector_load_idx %arg10[%add3A_928] : memref<16384xi32, #tpu.memory_space<vmem>>[vector<16xi32>], vector<16xi32>,
      %mul3A_930 = arith.constant 512 : i32
      %mul3A_931 = vector.broadcast %mul3A_930 : i32 to vector<16xi32>
      %mul3A_932 = arith.muli %gather3A_927, %mul3A_931 : vector<16xi32>
      %add3A_933 = arith.addi %mul3A_932, %and3A_925 : vector<16xi32>
      %gather3A_934 = tpu.vector_load_idx %arg11[%add3A_933] : memref<10752xf32, #tpu.memory_space<vmem>>[vector<16xi32>], vector<16xf32>,
      %mul3A_935 = arith.constant 512 : i32
      %mul3A_936 = vector.broadcast %mul3A_935 : i32 to vector<16xi32>
      %mul3A_937 = arith.muli %gather3A_929, %mul3A_936 : vector<16xi32>
      %add3A_938 = arith.addi %mul3A_937, %and3A_925 : vector<16xi32>
      %gather3A_939 = tpu.vector_load_idx %arg11[%add3A_938] : memref<10752xf32, #tpu.memory_space<vmem>>[vector<16xi32>], vector<16xf32>,
      %add3A_940 = arith.addf %add3A_917, %gather3A_934 : vector<16xf32>
      %add3A_941 = arith.addf %add3A_918, %gather3A_939 : vector<16xf32>
      %scan3A_942 = arith.constant 5 : i32
      %scan3A_943 = arith.addi %scan3A_827, %scan3A_942 : i32
      %add3A_944 = vector.broadcast %scan3A_943 : i32 to vector<16xi32>
      %add3A_945 = arith.addi %iota3A, %add3A_944 : vector<16xi32>
      %and3A_946 = arith.constant 511 : i32
      %and3A_947 = vector.broadcast %and3A_946 : i32 to vector<16xi32>
      %and3A_948 = arith.andi %add3A_945, %and3A_947 : vector<16xi32>
      %add3A_949 = arith.addi %mul3A_801, %and3A_948 : vector<16xi32>
      %gather3A_950 = tpu.vector_load_idx %arg10[%add3A_949] : memref<16384xi32, #tpu.memory_space<vmem>>[vector<16xi32>], vector<16xi32>,
      %add3A_951 = arith.addi %add3A_804, %and3A_948 : vector<16xi32>
      %gather3A_952 = tpu.vector_load_idx %arg10[%add3A_951] : memref<16384xi32, #tpu.memory_space<vmem>>[vector<16xi32>], vector<16xi32>,
      %mul3A_953 = arith.constant 512 : i32
      %mul3A_954 = vector.broadcast %mul3A_953 : i32 to vector<16xi32>
      %mul3A_955 = arith.muli %gather3A_950, %mul3A_954 : vector<16xi32>
      %add3A_956 = arith.addi %mul3A_955, %and3A_948 : vector<16xi32>
      %gather3A_957 = tpu.vector_load_idx %arg11[%add3A_956] : memref<10752xf32, #tpu.memory_space<vmem>>[vector<16xi32>], vector<16xf32>,
      %mul3A_958 = arith.constant 512 : i32
      %mul3A_959 = vector.broadcast %mul3A_958 : i32 to vector<16xi32>
      %mul3A_960 = arith.muli %gather3A_952, %mul3A_959 : vector<16xi32>
      %add3A_961 = arith.addi %mul3A_960, %and3A_948 : vector<16xi32>
      %gather3A_962 = tpu.vector_load_idx %arg11[%add3A_961] : memref<10752xf32, #tpu.memory_space<vmem>>[vector<16xi32>], vector<16xf32>,
      %add3A_963 = arith.addf %add3A_940, %gather3A_957 : vector<16xf32>
      %add3A_964 = arith.addf %add3A_941, %gather3A_962 : vector<16xf32>
      %scan3A_965 = arith.constant 6 : i32
      %scan3A_966 = arith.addi %scan3A_827, %scan3A_965 : i32
      %add3A_967 = vector.broadcast %scan3A_966 : i32 to vector<16xi32>
      %add3A_968 = arith.addi %iota3A, %add3A_967 : vector<16xi32>
      %and3A_969 = arith.constant 511 : i32
      %and3A_970 = vector.broadcast %and3A_969 : i32 to vector<16xi32>
      %and3A_971 = arith.andi %add3A_968, %and3A_970 : vector<16xi32>
      %add3A_972 = arith.addi %mul3A_801, %and3A_971 : vector<16xi32>
      %gather3A_973 = tpu.vector_load_idx %arg10[%add3A_972] : memref<16384xi32, #tpu.memory_space<vmem>>[vector<16xi32>], vector<16xi32>,
      %add3A_974 = arith.addi %add3A_804, %and3A_971 : vector<16xi32>
      %gather3A_975 = tpu.vector_load_idx %arg10[%add3A_974] : memref<16384xi32, #tpu.memory_space<vmem>>[vector<16xi32>], vector<16xi32>,
      %mul3A_976 = arith.constant 512 : i32
      %mul3A_977 = vector.broadcast %mul3A_976 : i32 to vector<16xi32>
      %mul3A_978 = arith.muli %gather3A_973, %mul3A_977 : vector<16xi32>
      %add3A_979 = arith.addi %mul3A_978, %and3A_971 : vector<16xi32>
      %gather3A_980 = tpu.vector_load_idx %arg11[%add3A_979] : memref<10752xf32, #tpu.memory_space<vmem>>[vector<16xi32>], vector<16xf32>,
      %mul3A_981 = arith.constant 512 : i32
      %mul3A_982 = vector.broadcast %mul3A_981 : i32 to vector<16xi32>
      %mul3A_983 = arith.muli %gather3A_975, %mul3A_982 : vector<16xi32>
      %add3A_984 = arith.addi %mul3A_983, %and3A_971 : vector<16xi32>
      %gather3A_985 = tpu.vector_load_idx %arg11[%add3A_984] : memref<10752xf32, #tpu.memory_space<vmem>>[vector<16xi32>], vector<16xf32>,
      %add3A_986 = arith.addf %add3A_963, %gather3A_980 : vector<16xf32>
      %add3A_987 = arith.addf %add3A_964, %gather3A_985 : vector<16xf32>
      %scan3A_988 = arith.constant 7 : i32
      %scan3A_989 = arith.addi %scan3A_827, %scan3A_988 : i32
      %add3A_990 = vector.broadcast %scan3A_989 : i32 to vector<16xi32>
      %add3A_991 = arith.addi %iota3A, %add3A_990 : vector<16xi32>
      %and3A_992 = arith.constant 511 : i32
      %and3A_993 = vector.broadcast %and3A_992 : i32 to vector<16xi32>
      %and3A_994 = arith.andi %add3A_991, %and3A_993 : vector<16xi32>
      %add3A_995 = arith.addi %mul3A_801, %and3A_994 : vector<16xi32>
      %gather3A_996 = tpu.vector_load_idx %arg10[%add3A_995] : memref<16384xi32, #tpu.memory_space<vmem>>[vector<16xi32>], vector<16xi32>,
      %add3A_997 = arith.addi %add3A_804, %and3A_994 : vector<16xi32>
      %gather3A_998 = tpu.vector_load_idx %arg10[%add3A_997] : memref<16384xi32, #tpu.memory_space<vmem>>[vector<16xi32>], vector<16xi32>,
      %mul3A_999 = arith.constant 512 : i32
      %mul3A_1000 = vector.broadcast %mul3A_999 : i32 to vector<16xi32>
      %mul3A_1001 = arith.muli %gather3A_996, %mul3A_1000 : vector<16xi32>
      %add3A_1002 = arith.addi %mul3A_1001, %and3A_994 : vector<16xi32>
      %gather3A_1003 = tpu.vector_load_idx %arg11[%add3A_1002] : memref<10752xf32, #tpu.memory_space<vmem>>[vector<16xi32>], vector<16xf32>,
      %mul3A_1004 = arith.constant 512 : i32
      %mul3A_1005 = vector.broadcast %mul3A_1004 : i32 to vector<16xi32>
      %mul3A_1006 = arith.muli %gather3A_998, %mul3A_1005 : vector<16xi32>
      %add3A_1007 = arith.addi %mul3A_1006, %and3A_994 : vector<16xi32>
      %gather3A_1008 = tpu.vector_load_idx %arg11[%add3A_1007] : memref<10752xf32, #tpu.memory_space<vmem>>[vector<16xi32>], vector<16xf32>,
      %add3A_1009 = arith.addf %add3A_986, %gather3A_1003 : vector<16xf32>
      %add3A_1010 = arith.addf %add3A_987, %gather3A_1008 : vector<16xf32>
      scf.yield %add3A_1009, %add3A_1010 : vector<16xf32>, vector<16xf32>
    }
    %scan3A_810 = arith.constant 512 : i32
    "tpu.trace_stop"() : () -> ()
    "tpu.trace_start"() <{level = 10 : i32, message = "wt_loop"}> : () -> ()
    %scan3A_811 = arith.constant 0 : i32
    %scan3A_812 = arith.constant 32 : i32
    %scan3A_813 = arith.addi %scan3A_811, %scan3A_812 : i32
    %scan3A_814 = arith.constant 4 : i32
    %scan3A_815 = scf.for %scan3A_827 = %scan3A_811 to %scan3A_813 step %scan3A_814 iter_args(%scan3A_828 = %broadcast_in_dim3A_805) -> (vector<16xf32>)  : i32 {
      %mul3A_829 = arith.constant 16 : i32
      %mul3A_830 = arith.muli %scan3A_827, %mul3A_829 : i32
      %add3A_831 = vector.broadcast %mul3A_830 : i32 to vector<16xi32>
      %add3A_832 = arith.addi %add3A_831, %iota3A : vector<16xi32>
      %mul3A_833 = arith.constant 16 : i32
      %mul3A_834 = arith.muli %scan3A_827, %mul3A_833 : i32
      %get3A = arith.index_cast %mul3A_834 : i32 to index
      %get3A_835 = tpu.vector_load %arg12[%get3A] {strides = array<i32>} : memref<512xi32, #tpu.memory_space<vmem>>, vector<16xi32>,
      %mul3A_836 = arith.constant 512 : i32
      %mul3A_837 = vector.broadcast %mul3A_836 : i32 to vector<16xi32>
      %mul3A_838 = arith.muli %get3A_835, %mul3A_837 : vector<16xi32>
      %add3A_839 = arith.addi %mul3A_838, %add3A_832 : vector<16xi32>
      %gather3A = tpu.vector_load_idx %arg11[%add3A_839] : memref<10752xf32, #tpu.memory_space<vmem>>[vector<16xi32>], vector<16xf32>,
      %add3A_840 = arith.addf %scan3A_828, %gather3A : vector<16xf32>
      %scan3A_841 = arith.constant 1 : i32
      %scan3A_842 = arith.addi %scan3A_827, %scan3A_841 : i32
      %mul3A_843 = arith.constant 16 : i32
      %mul3A_844 = arith.muli %scan3A_842, %mul3A_843 : i32
      %add3A_845 = vector.broadcast %mul3A_844 : i32 to vector<16xi32>
      %add3A_846 = arith.addi %add3A_845, %iota3A : vector<16xi32>
      %mul3A_847 = arith.constant 16 : i32
      %mul3A_848 = arith.muli %scan3A_842, %mul3A_847 : i32
      %get3A_849 = arith.index_cast %mul3A_848 : i32 to index
      %get3A_850 = tpu.vector_load %arg12[%get3A_849] {strides = array<i32>} : memref<512xi32, #tpu.memory_space<vmem>>, vector<16xi32>,
      %mul3A_851 = arith.constant 512 : i32
      %mul3A_852 = vector.broadcast %mul3A_851 : i32 to vector<16xi32>
      %mul3A_853 = arith.muli %get3A_850, %mul3A_852 : vector<16xi32>
      %add3A_854 = arith.addi %mul3A_853, %add3A_846 : vector<16xi32>
      %gather3A_855 = tpu.vector_load_idx %arg11[%add3A_854] : memref<10752xf32, #tpu.memory_space<vmem>>[vector<16xi32>], vector<16xf32>,
      %add3A_856 = arith.addf %add3A_840, %gather3A_855 : vector<16xf32>
      %scan3A_857 = arith.constant 2 : i32
      %scan3A_858 = arith.addi %scan3A_827, %scan3A_857 : i32
      %mul3A_859 = arith.constant 16 : i32
      %mul3A_860 = arith.muli %scan3A_858, %mul3A_859 : i32
      %add3A_861 = vector.broadcast %mul3A_860 : i32 to vector<16xi32>
      %add3A_862 = arith.addi %add3A_861, %iota3A : vector<16xi32>
      %mul3A_863 = arith.constant 16 : i32
      %mul3A_864 = arith.muli %scan3A_858, %mul3A_863 : i32
      %get3A_865 = arith.index_cast %mul3A_864 : i32 to index
      %get3A_866 = tpu.vector_load %arg12[%get3A_865] {strides = array<i32>} : memref<512xi32, #tpu.memory_space<vmem>>, vector<16xi32>,
      %mul3A_867 = arith.constant 512 : i32
      %mul3A_868 = vector.broadcast %mul3A_867 : i32 to vector<16xi32>
      %mul3A_869 = arith.muli %get3A_866, %mul3A_868 : vector<16xi32>
      %add3A_870 = arith.addi %mul3A_869, %add3A_862 : vector<16xi32>
      %gather3A_871 = tpu.vector_load_idx %arg11[%add3A_870] : memref<10752xf32, #tpu.memory_space<vmem>>[vector<16xi32>], vector<16xf32>,
      %add3A_872 = arith.addf %add3A_856, %gather3A_871 : vector<16xf32>
      %scan3A_873 = arith.constant 3 : i32
      %scan3A_874 = arith.addi %scan3A_827, %scan3A_873 : i32
      %mul3A_875 = arith.constant 16 : i32
      %mul3A_876 = arith.muli %scan3A_874, %mul3A_875 : i32
      %add3A_877 = vector.broadcast %mul3A_876 : i32 to vector<16xi32>
      %add3A_878 = arith.addi %add3A_877, %iota3A : vector<16xi32>
      %mul3A_879 = arith.constant 16 : i32
      %mul3A_880 = arith.muli %scan3A_874, %mul3A_879 : i32
      %get3A_881 = arith.index_cast %mul3A_880 : i32 to index
      %get3A_882 = tpu.vector_load %arg12[%get3A_881] {strides = array<i32>} : memref<512xi32, #tpu.memory_space<vmem>>, vector<16xi32>,
      %mul3A_883 = arith.constant 512 : i32
      %mul3A_884 = vector.broadcast %mul3A_883 : i32 to vector<16xi32>
      %mul3A_885 = arith.muli %get3A_882, %mul3A_884 : vector<16xi32>
      %add3A_886 = arith.addi %mul3A_885, %add3A_878 : vector<16xi32>
      %gather3A_887 = tpu.vector_load_idx %arg11[%add3A_886] : memref<10752xf32, #tpu.memory_space<vmem>>[vector<16xi32>], vector<16xf32>,
      %add3A_888 = arith.addf %add3A_872, %gather3A_887 : vector<16xf32>
      scf.yield %add3A_888 : vector<16xf32>
    }
    %scan3A_816 = arith.constant 32 : i32
    "tpu.trace_stop"() : () -> ()
    %reduce_sum3A = arith.constant true
    %reduce_sum3A_817 = vector.broadcast %reduce_sum3A : i1 to vector<16xi1>
    %reduce_sum3A_818 = tpu.scan <sum>, %scan3A_815 masked %reduce_sum3A_817 : vector<16xf32>, vector<16xi1> -> vector<16xf32>
    %reduce_sum3A_819 = vector.extract %reduce_sum3A_818[15] : f32 from vector<16xf32>
    %sub3A_820 = vector.broadcast %reduce_sum3A_819 : f32 to vector<16xf32>
    %sub3A_821 = arith.subf %scan3A_809#0, %sub3A_820 : vector<16xf32>
    %swap3A = arith.constant 0 : index
    %swap3A_822 = tpu.vector_load %arg13[%swap3A] {strides = array<i32>} : memref<32xf32, #tpu.memory_space<vmem>>, vector<16xf32>,
    tpu.vector_store %arg13[%swap3A], %sub3A_821 {strides = array<i32>} : memref<32xf32, #tpu.memory_space<vmem>>, vector<16xf32>,
    %sub3A_823 = vector.broadcast %reduce_sum3A_819 : f32 to vector<16xf32>
    %sub3A_824 = arith.subf %scan3A_809#1, %sub3A_823 : vector<16xf32>
    %swap3A_825 = arith.constant 16 : index
    %swap3A_826 = tpu.vector_load %arg13[%swap3A_825] {strides = array<i32>} : memref<32xf32, #tpu.memory_space<vmem>>, vector<16xf32>,
    tpu.vector_store %arg13[%swap3A_825], %sub3A_824 {strides = array<i32>} : memref<32xf32, #tpu.memory_space<vmem>>, vector<16xf32>,
    "tpu.region"() ({
      %run_scoped3A = tpu.sem_alloc : memref<!tpu.dma_semaphore, #tpu.memory_space<semaphore_mem>>
      %dma_start3A_827 = tpu.memref_slice %arg9[%select_n3A, %mul3A_32] : memref<4x256xf32, #tpu.memory_space<hbm>> -> memref<1x32xf32, #tpu.memory_space<hbm>>
      %dma_start3A_828 = tpu.memref_squeeze %dma_start3A_827 : memref<1x32xf32, #tpu.memory_space<hbm>> -> memref<32xf32, #tpu.memory_space<hbm>>
      %dma_start3A_829 = tpu.memref_slice %arg9[%select_n3A, %mul3A_32] : memref<4x256xf32, #tpu.memory_space<hbm>> -> memref<1x32xf32, #tpu.memory_space<hbm>>
      %dma_start3A_830 = tpu.memref_squeeze %dma_start3A_829 : memref<1x32xf32, #tpu.memory_space<hbm>> -> memref<32xf32, #tpu.memory_space<hbm>>
      tpu.enqueue_dma source(%arg13 : memref<32xf32, #tpu.memory_space<vmem>>) target(%dma_start3A_830 : memref<32xf32, #tpu.memory_space<hbm>>) target_semaphore(%run_scoped3A : memref<!tpu.dma_semaphore, #tpu.memory_space<semaphore_mem>>)
      %dma_wait3A_831 = tpu.memref_slice %arg9[%select_n3A, %mul3A_32] : memref<4x256xf32, #tpu.memory_space<hbm>> -> memref<1x32xf32, #tpu.memory_space<hbm>>
      %dma_wait3A_832 = tpu.memref_squeeze %dma_wait3A_831 : memref<1x32xf32, #tpu.memory_space<hbm>> -> memref<32xf32, #tpu.memory_space<hbm>>
      %dma_wait3A_833 = tpu.memref_slice %arg9[%select_n3A, %mul3A_32] : memref<4x256xf32, #tpu.memory_space<hbm>> -> memref<1x32xf32, #tpu.memory_space<hbm>>
      %dma_wait3A_834 = tpu.memref_squeeze %dma_wait3A_833 : memref<1x32xf32, #tpu.memory_space<hbm>> -> memref<32xf32, #tpu.memory_space<hbm>>
      tpu.wait_dma2 semaphore(%run_scoped3A : memref<!tpu.dma_semaphore, #tpu.memory_space<semaphore_mem>>) src(%arg13 : memref<32xf32, #tpu.memory_space<vmem>>) dst(%dma_wait3A_834 : memref<32xf32, #tpu.memory_space<hbm>>)
      tpu.yield
    }) : () -> ()
    return
  }
}

module attributes {stable_mosaic.version = 14 : i64} {
  func.func @_tc_logit_body(%arg0: memref<1024x128xf32, #tpu.memory_space<vmem>>, %arg1: memref<512x128xf32, #tpu.memory_space<vmem>>, %arg2: memref<512x128xf32, #tpu.memory_space<vmem>>, %arg3: memref<21x128xf32, #tpu.memory_space<vmem>>, %arg4: memref<384x128xf32, #tpu.memory_space<vmem>>) attributes {dimension_semantics = [], scalar_prefetch = 0 : i64, scratch_operands = 0 : i64, tpu.core_type = #tpu.core_type<tc>} {
    %get3A = arith.constant 0 : index
    %get3A_0 = arith.constant 0 : index
    %get3A_1 = vector.load %arg0[%get3A, %get3A_0] : memref<1024x128xf32, #tpu.memory_space<vmem>>, vector<1024x128xf32>
    %get3A_2 = arith.constant 0 : index
    %get3A_3 = arith.constant 0 : index
    %get3A_4 = vector.load %arg1[%get3A_2, %get3A_3] : memref<512x128xf32, #tpu.memory_space<vmem>>, vector<512x128xf32>
    %get3A_5 = arith.constant 0 : index
    %get3A_6 = arith.constant 0 : index
    %get3A_7 = vector.load %arg2[%get3A_5, %get3A_6] : memref<512x128xf32, #tpu.memory_space<vmem>>, vector<512x128xf32>
    %concatenate3A = tpu.concatenate %get3A_1, %get3A_4, %get3A_7 in 0 : vector<1024x128xf32>, vector<512x128xf32>, vector<512x128xf32> -> vector<2048x128xf32>
    %get3A_8 = arith.constant 0 : index
    %get3A_9 = arith.constant 0 : index
    %get3A_10 = vector.load %arg3[%get3A_8, %get3A_9] : memref<21x128xf32, #tpu.memory_space<vmem>>, vector<21x128xf32>
    %dot_general3A = arith.constant dense<0.000000e+00> : vector<21x2048xf32>
    %dot_general3A_11 = tpu.matmul %get3A_10, %concatenate3A, %dot_general3A {dimension_numbers = #tpu.dot_dimension_numbers<[1], [1], [0], [0], [0, 0, 1, 0], [], []>, transpose_lhs_hint = false} : vector<21x128xf32>, vector<2048x128xf32>, vector<21x2048xf32> -> vector<21x2048xf32>
    %iota3A = tpu.iota {dimensions = array<i32: 1>} : vector<1x2048xi32>
    %lt3A = arith.constant 1024 : i32
    %lt3A_12 = vector.broadcast %lt3A : i32 to vector<1x2048xi32>
    %lt3A_13 = arith.cmpi slt, %iota3A, %lt3A_12 : vector<1x2048xi32>
    %jit3A = arith.constant -1.000000e+00 : f32
    %jit3A_14 = arith.constant 1.000000e+00 : f32
    %broadcast_in_dim3A = vector.broadcast %jit3A : f32 to vector<1x2048xf32>
    %broadcast_in_dim3A_15 = vector.broadcast %jit3A_14 : f32 to vector<1x2048xf32>
    %select_n3A = arith.select %lt3A_13, %broadcast_in_dim3A, %broadcast_in_dim3A_15 : vector<1x2048xi1>, vector<1x2048xf32>
    %mul3A = vector.broadcast %select_n3A : vector<1x2048xf32> to vector<21x2048xf32>
    %mul3A_16 = arith.mulf %dot_general3A_11, %mul3A : vector<21x2048xf32>
    %broadcast_in_dim3A_17 = arith.constant 0.000000e+00 : f32
    %broadcast_in_dim3A_18 = vector.broadcast %broadcast_in_dim3A_17 : f32 to vector<3x2048xf32>
    %concatenate3A_19 = tpu.concatenate %mul3A_16, %broadcast_in_dim3A_18 in 0 : vector<21x2048xf32>, vector<3x2048xf32> -> vector<24x2048xf32>
    %reshape3A = vector.shape_cast %concatenate3A_19 : vector<24x2048xf32> to vector<384x128xf32>
    %swap3A = arith.constant 0 : index
    %swap3A_20 = arith.constant 0 : index
    %swap3A_21 = vector.load %arg4[%swap3A, %swap3A_20] : memref<384x128xf32, #tpu.memory_space<vmem>>, vector<384x128xf32>
    tpu.vector_store %arg4[%swap3A, %swap3A_20], %reshape3A {strides = array<i32>} : memref<384x128xf32, #tpu.memory_space<vmem>>, vector<384x128xf32>,
    return
  }
}

</mosaic_0001>

<sc_bundles>
// kernel: kernel.4.cloned.1.call-start
scs
__scs_entry_jumppad:
0x0: {  	(pc) =	sbr.rel $0x88, $3  }
0x1: {  	(tag) =	ssettag $0x0;
	lr =	simm.s32 $0x1  }
0x2: {  	[smem:$0x3F97] =	sst lr;
	_ =	strace $0xD0000000  }
0x3: {  	_ = 	snop  }
0x4: {  	_ = 	snop  }
0x5: {  	_ = 	snop  }
0x6: {  	_ = 	snop  }
0x7: {  	_ = 	snop  }
__scs_overlays_trampoline_lowered:
0x8: {  	[smem:$0x3FA6] =	sst s0  }
0x9: {  	[smem:$0x3FA7] =	sst s1  }
0xa: {  	[smem:$0x3FA8] =	sst s2  }
0xb: {  	[smem:$0x3FA9] =	sst s3  }
0xc: {  	[smem:$0x3FAA] =	sst s4  }
0xd: {  	[smem:$0x3FAB] =	sst s5  }
0xe: {  	[smem:$0x3FAC] =	sst s6  }
0xf: {  	[smem:$0x3FAD] =	sst s7  }
0x10: {  	[smem:$0x3FAE] =	sst s8  }
0x11: {  	[smem:$0x3FAF] =	sst s9;
	s0 =	simm.s32 @!p0 $0x0  }
0x12: {  	s1 =	sld [smem:$0x3F95];
	s0 =	simm.s32 @p0 $0x1  }
0x13: {  	[smem:$0x3FB0] =	sst s0;
	s0 =	simm.s32 @!p1 $0x0  }
0x14: {  	s2 =	sld [smem:$0x3F94];
	s0 =	simm.s32 @p1 $0x1  }
0x15: {  	[smem:$0x3FB1] =	sst s0;
	s0 =	simm.s32 @!p2 $0x0  }
0x16: {  	s3 =	sld [smem:$0x3FDB];
	s0 =	simm.s32 @p2 $0x1  }
0x17: {  	s4 =	simm.s32 $0x1BF5;
	[smem:$0x3FB3] =	sst s0  }
0x18: {  	s0 =	sld [smem:$0x3F96];
	_ =	swait.ge [sflag:s4], $0x0  }
0x19: {  	s7 =	sld [smem:$0x3F97]  }
0x1a: {  	s8 =	sadd.s32 $0xFFFFE003, lr  }
0x1b: {  	s9 =	sadd.s32 $0xFFFFFEF7, lr;
	s5 =	simm.s32 $0xFFFFFFFF;
	p2 =	slt.u32 s8, $0xFFFFF086  }
0x1c: {  	p1 =	slt.u32 s9, $0xF7A;
	s5 =	simm.s32 @!p2 $0x0  }
0x1d: {  	s5 =	simm.s32 @p1 $0x1;
	p0 =	seq.s32 s7, s2  }
0x1e: {  	s7 =	smul.u32 @!p0 $0xF7A, s2;
	p2 =	seq.s32 @!p0 s5, $0x0  }
0x1f: {  	s9 =	smul.u32 $0xF7A, s1;
	s8 =	simm.s32 @!p0 $0x1BF5;
	p2 =	por !p2, p0  }
0x20: {  	[sflag:s8] =	ssyncset.s32 @!p0 $0xFFFFF086;
	s6 =	sadd.s32 @!p0 s3, s7;
	s7 =	simm.s32 @!p0 $0x108  }
0x21: {  	s3 =	sadd.s32 s3, s9;
	s6 =	sadd.s32 @!p0 $0x88, s6;
	s7 =	simm.s32 @p2 $0x1082  }
0x22: {  	[simem:s7], [sflag:s8] =	dma.local @!p0 [hbm:s6], $0xF7A  }
0x23: {  	s9 =	sor.u32 $0xD0000000, s2;
	s6 =	simm.s32 $0x108;
	_ =	swait.ge @!p0 [sflag:s8], $0x0  }
0x24: {  	s3 =	sadd.s32 $0x88, s3;
	s6 =	simm.s32 @!p1 $0x1082;
	[sflag:s4] =	ssyncset.s32 $0xFFFFF086  }
0x25: {  	[simem:s6], [sflag:s4] =	dma.local [hbm:s3], $0xF7A  }
0x26: {  	[smem:$0x3F97] =	sst s1;
	(tag) =	ssettag s2;
	_ =	strace s9  }
0x27: {  	s1 =	sld [smem:$0x3FA7]  }
0x28: {  	s2 =	sld [smem:$0x3FA8]  }
0x29: {  	s4 =	sld [smem:$0x3FAA]  }
0x2a: {  	p0 =	seq.s32 s5, $0x0;
	s5 =	sld [smem:$0x3FAB]  }
0x2b: {  	s6 =	sld [smem:$0x3FAC]  }
0x2c: {  	s7 =	sld [smem:$0x3FAD]  }
0x2d: {  	s3 =	simm.s32 $0x108;
	s8 =	sld [smem:$0x3FAE]  }
0x2e: {  	s3 =	simm.s32 @!p0 $0x1082;
	s9 =	sld [smem:$0x3FAF]  }
0x2f: {  	lr =	sadd.s32 s0, s3;
	s0 =	sld [smem:$0x3FA6]  }
0x30: {  	s3 =	sld [smem:$0x3FA9]  }
0x31: {  	[smem:$0x3FB2] =	sst s10  }
0x32: {  	s10 =	sld [smem:$0x3FB0];
	_ =	sdelay $0x3  }
0x33: {  	p0 =	seq.s32 s10, $0x1;
	s10 =	sld [smem:$0x3FB2];
	_ =	sdelay $0x3  }
0x34: {  	[smem:$0x3FB2] =	sst s10  }
0x35: {  	s10 =	sld [smem:$0x3FB1];
	_ =	sdelay $0x3  }
0x36: {  	p1 =	seq.s32 s10, $0x1;
	s10 =	sld [smem:$0x3FB2];
	_ =	sdelay $0x3  }
0x37: {  	[smem:$0x3FB2] =	sst s10  }
0x38: {  	s10 =	sld [smem:$0x3FB3]  }
0x39: {  	_ = 	snop;
	(pc) =	sbr.ind lr, $3  }
0x3a: {  	_ = 	snop  }
0x3b: {  	_ = 	snop  }
0x3c: {  	p2 =	seq.s32 s10, $0x1;
	s10 =	sld [smem:$0x3FB2]  }
0x3d: {  	_ =	shalt  }
0x3e: {  	_ =	shalt  }
0x3f: {  	_ =	shalt  }
0x40: {  	_ =	shalt  }
0x41: {  	_ =	shalt  }
0x42: {  	_ =	shalt  }
0x43: {  	_ =	shalt  }
0x44: {  	_ =	shalt  }
0x45: {  	_ =	shalt  }
0x46: {  	_ =	shalt  }
0x47: {  	_ =	shalt  }
0x48: {  	_ =	shalt  }
0x49: {  	_ =	shalt  }
0x4a: {  	_ =	shalt  }
0x4b: {  	_ =	shalt  }
0x4c: {  	_ =	shalt  }
0x4d: {  	_ =	shalt  }
0x4e: {  	_ =	shalt  }
0x4f: {  	_ =	shalt  }
0x50: {  	_ =	shalt  }
0x51: {  	_ =	shalt  }
0x52: {  	_ =	shalt  }
0x53: {  	_ =	shalt  }
0x54: {  	_ =	shalt  }
0x55: {  	_ =	shalt  }
0x56: {  	_ =	shalt  }
0x57: {  	_ =	shalt  }
0x58: {  	_ =	shalt  }
0x59: {  	_ =	shalt  }
0x5a: {  	_ =	shalt  }
0x5b: {  	_ =	shalt  }
0x5c: {  	_ =	shalt  }
0x5d: {  	_ =	shalt  }
0x5e: {  	_ =	shalt  }
0x5f: {  	_ =	shalt  }
0x60: {  	_ =	shalt  }
0x61: {  	_ =	shalt  }
0x62: {  	_ =	shalt  }
0x63: {  	_ =	shalt  }
0x64: {  	_ =	shalt  }
0x65: {  	_ =	shalt  }
0x66: {  	_ =	shalt  }
0x67: {  	_ =	shalt  }
0x68: {  	_ =	shalt  }
0x69: {  	_ =	shalt  }
0x6a: {  	_ =	shalt  }
0x6b: {  	_ =	shalt  }
0x6c: {  	_ =	shalt  }
0x6d: {  	_ =	shalt  }
0x6e: {  	_ =	shalt  }
0x6f: {  	_ =	shalt  }
0x70: {  	_ =	shalt  }
0x71: {  	_ =	shalt  }
0x72: {  	_ =	shalt  }
0x73: {  	_ =	shalt  }
0x74: {  	_ =	shalt  }
0x75: {  	_ =	shalt  }
0x76: {  	_ =	shalt  }
0x77: {  	_ =	shalt  }
0x78: {  	_ =	shalt  }
0x79: {  	_ =	shalt  }
0x7a: {  	_ =	shalt  }
0x7b: {  	_ =	shalt  }
0x7c: {  	_ =	shalt  }
0x7d: {  	_ =	shalt  }
0x7e: {  	_ =	shalt  }
0x7f: {  	_ =	shalt  }
0x80: {  	_ =	shalt  }
0x81: {  	_ =	shalt  }
0x82: {  	_ =	shalt  }
0x83: {  	_ =	shalt  }
0x84: {  	_ =	shalt  }
0x85: {  	_ =	shalt  }
0x86: {  	_ =	shalt  }
0x87: {  	_ =	shalt  }
.Lfunc_end0:
.L_simem_size_0:
called_computation_lowered:
.L_overlay_start_0:
0x88: {  	s2 =	sld [smem:$0x3FD9]  }
0x89: {  	s3 =	sld [smem:$0x3FFE];
	_ =	sdelay $0x1  }
0x8a: {  	s1 =	srdreg.scid  }
0x8b: {  	s0 =	sand.u32 $0x1, s1  }
0x8c: {  	s17 =	sshll.u32 s0, $0xA;
	s2 =	sadd.s32 s3, s2  }
0x8d: {  	s2 =	sadd.s32 s2, s17  }
0x8e: {  	[smem:$0x3FBE] =	sst s2  }
0x8f: {  	_ = 	snop  }
0x90: {  	s2 =	sld [smem:$0x3FC5]  }
0x91: {  	s18 =	sld [smem:$0x3FC4]  }
0x92: {  	s4 =	sld [smem:$0x3FC3]  }
0x93: {  	s5 =	sld [smem:$0x3FC2]  }
0x94: {  	s6 =	sld [smem:$0x3FC1]  }
0x95: {  	s7 =	sld [smem:$0x3FC0];
	(tm) =	ssettm $0x1  }
0x96: {  	s8 =	sld [smem:$0x3FFB];
	_ =	sdelay $0x3  }
0x97: {  	_ =	strace s8  }
0x98: {  	s8 =	sld [smem:$0x3FFC];
	_ =	sdelay $0x3  }
0x99: {  	_ =	strace s8  }
0x9a: {  	s8 =	sld [smem:$0x3FFD];
	_ =	sdelay $0x3  }
0x9b: {  	_ =	strace s8  }
0x9c: {  	_ =	strace $0x8FFFFFFF  }
0x9d: {  	s19 =	sld [smem:$0x3FDB];
	_ =	sdelay $0x1  }
0x9e: {  	s9 =	simm.s32 $_scs_section_size  }
0x9f: {  	s10 =	simm.s32 $_size__tile_overlayer_lowered;
	s11 =	simm.s32 $_tile_overlayer_lowered  }
0xa0: {  	s22 =	simm.s32 $0x1BFF;
	s21 =	sshll.u32 s11, $0x1;
	s8 =	sadd.s32 s9, s19  }
0xa1: {  	s12 =	simm.s32 $0x0;
	s20 =	sshll.u32 s10, $0x1;
	s10 =	sadd.s32 s21, s8  }
0xa2: {  	[timem:s12], [sflag:s22] =	dma.local [hbm:s10], s20  }
0xa3: {  	_ =	swait.ge [sflag:s22], s20  }
0xa4: {  	s9 =	ssub.s32 $0x0, s20;
	[sflag:s22] =	ssyncset.done $0x0  }
0xa5: {  	[sflag:s22] =	ssyncadd.s32 s9;
	_ =	sdelay $0x1  }
0xa6: {  	s23 =	simm.s32 $0x1B8B  }
0xa7: {  	_ =	swait.ge [sflag:s23], $0x1  }
0xa8: {  	[sflag:s23] =	ssyncset.done $0x0  }
0xa9: {  	s25 =	simm.s32 $0x1B8E;
	s24 =	sld [smem:$0x3FFE];
	[sflag:s23] =	ssyncadd.s32 $0xFFFFFFFF  }
0xaa: {  	s26 =	simm.s32 $execute0_lowered;
	[smem:$0x3FD2] =	sst s25  }
0xab: {  	s10 =	sshll.u32 s26, $0x1;
	_ =	strace $0x80000046;
	[dreg:$0x1] =	wrdreg $0xFFFFFFFF  }
0xac: {  	s28 =	simm.s32 $_size_execute0_lowered;
	s8 =	sadd.s32 s8, s10;
	[dreg:$0x0] =	wrdreg $0x0  }
0xad: {  	s10 =	sshll.u32 s28, $0x1;
	[dreg:$0x2] =	wrdreg s8  }
0xae: {  	[dreg:$0x3] =	wrdreg s10  }
0xaf: {  	[dreg:$0x4] =	wrdreg $0xC0  }
0xb0: {  	_ =	task [dreg:s12], $0x5FFFF  }
0xb1: {  	[dreg:$0x1] =	wrdreg $0xFFFFFFFF  }
0xb2: {  	[dreg:$0x0] =	wrdreg $0x60  }
0xb3: {  	[dreg:$0x2] =	wrdreg s2  }
0xb4: {  	[dreg:$0x3] =	wrdreg s18  }
0xb5: {  	[dreg:$0x4] =	wrdreg s4  }
0xb6: {  	[dreg:$0x5] =	wrdreg s5  }
0xb7: {  	[dreg:$0x6] =	wrdreg s6  }
0xb8: {  	[dreg:$0x7] =	wrdreg s7  }
0xb9: {  	[dreg:$0x8] =	wrdreg s24  }
0xba: {  	[dreg:$0x9] =	wrdreg $0x9  }
0xbb: {  	_ =	task.clear_ibuf [dreg:s12], $0xAFFFF;
	_ =	strace $0x90000046  }
0xbc: {  	s29 =	simm.s32 $0x9;
	_ =	strace $0x8000004B  }
0xbd: {  	_ =	swait.ge [sflag:s29], $0x1  }
0xbe: {  	[sflag:s29] =	ssyncadd.s32 $0xFFFFFFFF  }
0xbf: {  	_ =	strace $0x9000004B  }
0xc0: {  	_ =	sfence  }
0xc1: {  	s30 =	sld [smem:$0x0];
	_ =	sdelay $0x2  }
0xc2: {  	s31 =	sshll.u32 s1, $0xD;
	s1 =	sshrl.u32 s1, $0x2  }
0xc3: {  	s3 =	sand.u32 $0x4000, s31;
	s1 =	sadd.s32 s1, s30  }
0xc4: {  	s0 =	sor.u32 s3, s0;
	s1 =	sshll.u32 s1, $0x11  }
0xc5: {  	s0 =	sor.u32 s1, s0  }
0xc6: {  	s0 =	sadd.s32 $0x8F2B, s0  }
0xc7: {  	[sflag:s0] =	ssyncadd.remote.s32 $0x1  }
0xc8: {  	_ =	sfence.sel $0xFFFF  }
0xc9: {  	[dreg:$0x0] =	wrdreg $0xFFFFFFFF;
	(pc) =	sbr.abs _section_cstart, $3  }
0xca: {  	[dreg:$0x1] =	wrdreg $0xFFFFFFFF  }
0xcb: {  	_ =	task.clear_ibuf [dreg:s12], $0x2FFFF;
	_ =	strace $0x9FFFFFFF  }
0xcc: {  	(tm) =	ssettm $0x7FFFFFFF  }
0xcd: {  	_ =	shalt  }
tec
execute0_lowered:
.L_overlay_start_1:
0x0: {  	(tag) =	ssettag $0x1  }
0x1: {  	s0 =	rddreg [dreg:$0x0]  }
0x2: {  	s1 =	rddreg [dreg:$0x1]  }
0x3: {  	s2 =	rddreg [dreg:$0x2]  }
0x4: {  	s13 =	rddreg [dreg:$0x3]  }
0x5: {  	s3 =	rddreg [dreg:$0x6];
	s5 =	simm.s32 $0x0;
	s14 =	stileid.u32  }
0x6: {  	s7 =	srdreg.scid;
	[smem:$0x7FF] =	sst s5;
	s4 =	sshrl.u32 s14, $0x2  }
0x7: {  	s16 =	sand.u32 $0x1, s7;
	s17 =	sshll.u32 s14, $0x1;
	_ =	strace $0x80000047  }
0x8: {  	s6 =	sshll.u32 s4, $0x6;
	s8 =	sshll.u32 s4, $0x4;
	s10 =	ssub.s32 $0x2, s16  }
0x9: {  	s7 =	sand.u32 $0x6, s17;
	p0 =	sgt.s32 s4, $0x1;
	p1 =	seq.s32 s4, $0x0  }
0xa: {  	s9 =	sadd.s32 s6, s3;
	s18 =	sshrl.u32 s10, $0x1;
	s11 =	sor.u32 s16, s7  }
0xb: {  	s3 =	sadd.s32 s8, s3;
	s10 =	ssub.s32 s10, s18;
	s12 =	sshll.u32 s11, $0x2  }
0xc: {  	s7 =	sshll.u32 s11, $0xB;
	s19 =	sshll.u32 s11, $0xC;
	s20 =	sadd.s32 $0xE00, s9  }
0xd: {  	s21 =	sadd.s32 $0xF00, s9;
	s22 =	sadd.s32 $0x1000, s9;
	[dreg:$0x8] =	wrdreg s20  }
0xe: {  	s23 =	sadd.s32 $0x1100, s9;
	s24 =	sadd.s32 $0x1200, s9;
	[dreg:$0x9] =	wrdreg s21  }
0xf: {  	s25 =	sadd.s32 $0x1300, s9;
	s26 =	sadd.s32 $0x1400, s9;
	[dreg:$0xa] =	wrdreg s22  }
0x10: {  	s16 =	sadd.s32 $0x1500, s9;
	s17 =	sadd.s32 $0x1600, s9;
	[dreg:$0xb] =	wrdreg s23  }
0x11: {  	s18 =	sadd.s32 $0x1700, s9;
	s28 =	sadd.s32 $0x2000, s9;
	[dreg:$0xc] =	wrdreg s24  }
0x12: {  	s29 =	sadd.s32 $0x2100, s9;
	s30 =	sadd.s32 $0x2200, s9;
	[dreg:$0xd] =	wrdreg s25  }
0x13: {  	s6 =	sadd.s32 s2, s7;
	s8 =	sadd.s32 s0, s19;
	[dreg:$0xe] =	wrdreg s26  }
0x14: {  	s19 =	sadd.s32 $0x1800, s9;
	s20 =	sadd.s32 $0x1900, s9;
	s21 =	sadd.s32 $0x1A00, s9  }
0x15: {  	s22 =	sadd.s32 $0x1B00, s9;
	s23 =	sadd.s32 $0x1C00, s9;
	s24 =	sadd.s32 $0x1D00, s9  }
0x16: {  	s25 =	sadd.s32 $0x1E00, s9;
	s26 =	sadd.s32 $0x1F00, s9;
	s9 =	sadd.s32 $0x10, s6  }
0x17: {  	s7 =	sadd.s32 s1, s7;
	s11 =	sadd.s32 $0x30, s6;
	[dreg:$0xf] =	wrdreg s9  }
0x18: {  	s2 =	sand.u32 $0xC, s12;
	s12 =	sadd.s32 $0x40, s6;
	[dreg:$0x11] =	wrdreg s11  }
0x19: {  	s1 =	sshll.u32 s14, $0x5;
	s14 =	sadd.s32 $0x50, s6;
	[dreg:$0x12] =	wrdreg s12  }
0x1a: {  	p2 =	seq.s32 s4, $0x2;
	s15 =	sadd.s32 $0x60, s6;
	[dreg:$0x13] =	wrdreg s14  }
0x1b: {  	s0 =	sand.u32 $0x40, s1;
	s4 =	sadd.s32 $0x210, s6;
	[dreg:$0x14] =	wrdreg s15  }
0x1c: {  	s0 =	sadd.s32 s0, s3;
	s3 =	sadd.s32 $0x200, s6;
	[dreg:$0x17] =	wrdreg s4  }
0x1d: {  	s9 =	sadd.s32 $0x220, s6;
	[dreg:$0x16] =	wrdreg s3  }
0x1e: {  	s11 =	sadd.s32 $0x240, s6;
	[dreg:$0x18] =	wrdreg s9  }
0x1f: {  	s12 =	sadd.s32 $0x250, s6;
	[dreg:$0x1a] =	wrdreg s11  }
0x20: {  	s14 =	sadd.s32 $0x260, s6;
	[dreg:$0x1b] =	wrdreg s12  }
0x21: {  	s15 =	sadd.s32 $0x270, s6;
	[dreg:$0x1c] =	wrdreg s14  }
0x22: {  	s4 =	sadd.s32 $0x420, s6;
	[dreg:$0x1d] =	wrdreg s15  }
0x23: {  	s0 =	sadd.s32 s2, s0;
	s2 =	sadd.s32 $0x70, s6;
	[smem:$0x791] =	sst s4  }
0x24: {  	s3 =	sadd.s32 $0x410, s6;
	[dreg:$0x15] =	wrdreg s2  }
0x25: {  	s9 =	sadd.s32 $0x430, s6;
	[dreg:$0x1f] =	wrdreg s3  }
0x26: {  	s11 =	sadd.s32 $0x450, s6;
	[smem:$0x792] =	sst s9  }
0x27: {  	s12 =	sadd.s32 $0x460, s6;
	[smem:$0x794] =	sst s11  }
0x28: {  	s14 =	sadd.s32 $0x470, s6;
	[smem:$0x795] =	sst s12  }
0x29: {  	s15 =	sadd.s32 $0x600, s6;
	[smem:$0x796] =	sst s14  }
0x2a: {  	s4 =	sadd.s32 $0x630, s6;
	s31 =	sadd.s32 $0x2600, s0;
	[smem:$0x797] =	sst s15  }
0x2b: {  	s0 =	smax.u32 s10, $0x1;
	s10 =	sadd.s32 $0x20, s6;
	[smem:$0x79A] =	sst s4  }
0x2c: {  	s2 =	sadd.s32 $0x400, s6;
	[dreg:$0x10] =	wrdreg s10  }
0x2d: {  	s3 =	sadd.s32 $0x620, s6;
	[dreg:$0x1e] =	wrdreg s2  }
0x2e: {  	s9 =	sadd.s32 $0x640, s6;
	[smem:$0x799] =	sst s3  }
0x2f: {  	s11 =	sadd.s32 $0x660, s6;
	[smem:$0x79B] =	sst s9  }
0x30: {  	s12 =	sadd.s32 $0x670, s6;
	[smem:$0x79D] =	sst s11  }
0x31: {  	s14 =	sadd.s32 $0x10, s7;
	[smem:$0x79E] =	sst s12  }
0x32: {  	s15 =	sadd.s32 $0x20, s7;
	[smem:$0x79F] =	sst s14  }
0x33: {  	s4 =	sadd.s32 $0x50, s7;
	[smem:$0x7A0] =	sst s15  }
0x34: {  	s10 =	sadd.s32 $0x230, s6;
	[smem:$0x7A3] =	sst s4  }
0x35: {  	s2 =	sadd.s32 $0x610, s6;
	[dreg:$0x19] =	wrdreg s10  }
0x36: {  	s3 =	sadd.s32 $0x40, s7;
	[smem:$0x798] =	sst s2  }
0x37: {  	s9 =	sadd.s32 $0x60, s7;
	[smem:$0x7A2] =	sst s3  }
0x38: {  	s11 =	sadd.s32 $0x200, s7;
	[smem:$0x7A4] =	sst s9  }
0x39: {  	s12 =	sadd.s32 $0x210, s7;
	[smem:$0x7A6] =	sst s11  }
0x3a: {  	s14 =	sadd.s32 $0x220, s7;
	[smem:$0x7A7] =	sst s12  }
0x3b: {  	s15 =	sadd.s32 $0x230, s7;
	[smem:$0x7A8] =	sst s14  }
0x3c: {  	s4 =	sadd.s32 $0x260, s7;
	[smem:$0x7A9] =	sst s15  }
0x3d: {  	s10 =	sadd.s32 $0x440, s6;
	[smem:$0x7AC] =	sst s4  }
0x3e: {  	s2 =	sadd.s32 $0x30, s7;
	[smem:$0x793] =	sst s10  }
0x3f: {  	s3 =	sadd.s32 $0x250, s7;
	[smem:$0x7A1] =	sst s2  }
0x40: {  	s9 =	sadd.s32 $0x270, s7;
	[smem:$0x7AB] =	sst s3  }
0x41: {  	s11 =	sadd.s32 $0x410, s7;
	[smem:$0x7AD] =	sst s9  }
0x42: {  	s12 =	sadd.s32 $0x420, s7;
	[smem:$0x7AF] =	sst s11  }
0x43: {  	s14 =	sadd.s32 $0x430, s7;
	[smem:$0x7B0] =	sst s12  }
0x44: {  	s15 =	sadd.s32 $0x440, s7;
	[smem:$0x7B1] =	sst s14  }
0x45: {  	s4 =	sadd.s32 $0x470, s7;
	[smem:$0x7B2] =	sst s15  }
0x46: {  	s10 =	sadd.s32 $0x650, s6;
	[smem:$0x7B5] =	sst s4  }
0x47: {  	s2 =	sadd.s32 $0x240, s7;
	[smem:$0x79C] =	sst s10  }
0x48: {  	s3 =	sadd.s32 $0x460, s7;
	[smem:$0x7AA] =	sst s2  }
0x49: {  	s9 =	sadd.s32 $0x600, s7;
	[smem:$0x7B4] =	sst s3  }
0x4a: {  	s11 =	sadd.s32 $0x620, s7;
	[smem:$0x7B6] =	sst s9  }
0x4b: {  	s12 =	sadd.s32 $0x630, s7;
	[smem:$0x7B8] =	sst s11  }
0x4c: {  	s14 =	sadd.s32 $0x640, s7;
	[smem:$0x7B9] =	sst s12  }
0x4d: {  	s15 =	sadd.s32 $0x650, s7;
	[smem:$0x7BA] =	sst s14  }
0x4e: {  	s4 =	sadd.s32 $0x200, s8;
	[smem:$0x7BB] =	sst s15  }
0x4f: {  	s10 =	sadd.s32 $0x70, s7;
	[smem:$0x7BE] =	sst s4  }
0x50: {  	s2 =	sadd.s32 $0x450, s7;
	[smem:$0x7A5] =	sst s10  }
0x51: {  	s3 =	sadd.s32 $0x670, s7;
	[smem:$0x7B3] =	sst s2  }
0x52: {  	s9 =	sadd.s32 $0x210, s8;
	[smem:$0x7BD] =	sst s3  }
0x53: {  	s11 =	sadd.s32 $0x230, s8;
	[smem:$0x7BF] =	sst s9  }
0x54: {  	s12 =	sadd.s32 $0x240, s8;
	[smem:$0x7C1] =	sst s11  }
0x55: {  	s14 =	sadd.s32 $0x250, s8;
	[smem:$0x7C2] =	sst s12  }
0x56: {  	s15 =	sadd.s32 $0x260, s8;
	[smem:$0x7C3] =	sst s14  }
0x57: {  	s4 =	sadd.s32 $0x610, s8;
	[smem:$0x7C4] =	sst s15  }
0x58: {  	s10 =	sadd.s32 $0x400, s7;
	[smem:$0x7C7] =	sst s4  }
0x59: {  	s2 =	sadd.s32 $0x660, s7;
	[smem:$0x7AE] =	sst s10  }
0x5a: {  	s3 =	sadd.s32 $0x600, s8;
	[smem:$0x7BC] =	sst s2  }
0x5b: {  	s9 =	sadd.s32 $0x620, s8;
	[smem:$0x7C6] =	sst s3  }
0x5c: {  	s11 =	sadd.s32 $0x640, s8;
	[smem:$0x7C8] =	sst s9  }
0x5d: {  	s12 =	sadd.s32 $0x650, s8;
	[smem:$0x7CA] =	sst s11  }
0x5e: {  	s14 =	sadd.s32 $0x660, s8;
	[smem:$0x7CB] =	sst s12  }
0x5f: {  	s15 =	sadd.s32 $0x670, s8;
	[smem:$0x7CC] =	sst s14  }
0x60: {  	s4 =	sadd.s32 $0xA20, s8;
	[smem:$0x7CD] =	sst s15  }
0x61: {  	s10 =	sadd.s32 $0x610, s7;
	[smem:$0x7D0] =	sst s4  }
0x62: {  	s2 =	sadd.s32 $0x270, s8;
	[smem:$0x7B7] =	sst s10  }
0x63: {  	s3 =	sadd.s32 $0xA10, s8;
	[smem:$0x7C5] =	sst s2  }
0x64: {  	s9 =	sadd.s32 $0xA30, s8;
	[smem:$0x7CF] =	sst s3  }
0x65: {  	s11 =	sadd.s32 $0xA50, s8;
	[smem:$0x7D1] =	sst s9  }
0x66: {  	s12 =	sadd.s32 $0xA60, s8;
	[smem:$0x7D3] =	sst s11  }
0x67: {  	s14 =	sadd.s32 $0xA70, s8;
	[smem:$0x7D4] =	sst s12  }
0x68: {  	s15 =	sadd.s32 $0xE00, s8;
	[smem:$0x7D5] =	sst s14  }
0x69: {  	s4 =	sadd.s32 $0xE30, s8;
	[smem:$0x7D6] =	sst s15  }
0x6a: {  	s10 =	sadd.s32 $0x220, s8;
	[smem:$0x7D9] =	sst s4  }
0x6b: {  	s2 =	sadd.s32 $0xA00, s8;
	[smem:$0x7C0] =	sst s10  }
0x6c: {  	s3 =	sadd.s32 $0xE20, s8;
	[smem:$0x7CE] =	sst s2  }
0x6d: {  	s9 =	sadd.s32 $0xE40, s8;
	[smem:$0x7D8] =	sst s3  }
0x6e: {  	s11 =	sadd.s32 $0xE60, s8;
	[smem:$0x7DA] =	sst s9  }
0x6f: {  	s12 =	sadd.s32 $0xE70, s8;
	[smem:$0x7DC] =	sst s11  }
0x70: {  	s14 =	sadd.s32 $0x40, s13;
	[smem:$0x7DD] =	sst s12  }
0x71: {  	s15 =	sadd.s32 $0x10, s8;
	[smem:$0x7DE] =	sst s14  }
0x72: {  	s4 =	sadd.s32 $0x40, s8;
	[smem:$0x7DF] =	sst s15  }
0x73: {  	s13 =	sadd.s32 $0x410, s8;
	[smem:$0x7E2] =	sst s4  }
0x74: {  	s10 =	sadd.s32 $0x630, s8;
	[smem:$0x7E7] =	sst s13  }
0x75: {  	s2 =	sadd.s32 $0xE10, s8;
	[smem:$0x7C9] =	sst s10  }
0x76: {  	s3 =	sadd.s32 $0x30, s8;
	[smem:$0x7D7] =	sst s2  }
0x77: {  	s9 =	sadd.s32 $0x50, s8;
	[smem:$0x7E1] =	sst s3  }
0x78: {  	s11 =	sadd.s32 $0x70, s8;
	[smem:$0x7E3] =	sst s9  }
0x79: {  	s12 =	sadd.s32 $0x400, s8;
	[smem:$0x7E5] =	sst s11  }
0x7a: {  	s14 =	sadd.s32 $0x420, s8;
	[smem:$0x7E6] =	sst s12  }
0x7b: {  	s15 =	sadd.s32 $0x430, s8;
	[smem:$0x7E8] =	sst s14  }
0x7c: {  	s4 =	sadd.s32 $0x460, s8;
	[smem:$0x7E9] =	sst s15  }
0x7d: {  	s13 =	sadd.s32 $0x830, s8;
	[smem:$0x7EC] =	sst s4  }
0x7e: {  	s10 =	sadd.s32 $0xA40, s8;
	[smem:$0x7F1] =	sst s13  }
0x7f: {  	s2 =	sadd.s32 $0x20, s8;
	[smem:$0x7D2] =	sst s10  }
0x80: {  	s3 =	sadd.s32 $0x450, s8;
	[smem:$0x7E0] =	sst s2  }
0x81: {  	s9 =	sadd.s32 $0x470, s8;
	[smem:$0x7EB] =	sst s3  }
0x82: {  	s11 =	sadd.s32 $0x810, s8;
	[smem:$0x7ED] =	sst s9  }
0x83: {  	s12 =	sadd.s32 $0x820, s8;
	[smem:$0x7EF] =	sst s11  }
0x84: {  	s14 =	sadd.s32 $0x840, s8;
	[smem:$0x7F0] =	sst s12  }
0x85: {  	s15 =	sadd.s32 $0x850, s8;
	[smem:$0x7F2] =	sst s14  }
0x86: {  	s4 =	sadd.s32 $0xC00, s8;
	[smem:$0x7F3] =	sst s15  }
0x87: {  	s13 =	sadd.s32 $0xC50, s8;
	[smem:$0x7F6] =	sst s4  }
0x88: {  	s10 =	sadd.s32 $0xE50, s8;
	[smem:$0x7FB] =	sst s13  }
0x89: {  	s2 =	sadd.s32 $0x440, s8;
	[smem:$0x7DB] =	sst s10  }
0x8a: {  	s3 =	sadd.s32 $0x870, s8;
	[smem:$0x7EA] =	sst s2  }
0x8b: {  	s9 =	sadd.s32 $0xC10, s8;
	[smem:$0x7F5] =	sst s3  }
0x8c: {  	s11 =	sadd.s32 $0xC30, s8;
	[smem:$0x7F7] =	sst s9  }
0x8d: {  	s12 =	sadd.s32 $0xC40, s8;
	[smem:$0x7F9] =	sst s11  }
0x8e: {  	s14 =	sadd.s32 $0xC60, s8;
	[smem:$0x7FA] =	sst s12  }
0x8f: {  	s15 =	sadd.s32 $0xC70, s8;
	[smem:$0x7FC] =	sst s14  }
0x90: {  	s1 =	simm.s32 $0x400;
	s10 =	sadd.s32 $0x60, s8;
	[smem:$0x7FD] =	sst s15  }
0x91: {  	v0 =	vlaneseq.u32;
	s4 =	simm.s32 $0x4000;
	s2 =	sadd.s32 $0x860, s8;
	[smem:$0x7E4] =	sst s10  }
0x92: {  	v1 =	vmul.u32 $0x200, v0;
	s3 =	simm.s32 $0x1;
	s10 =	sadd.s32 $0x800, s8;
	[smem:$0x7F4] =	sst s2  }
0x93: {  	s9 =	simm.s32 $0x2;
	[smem:$0x7EE] =	sst s10;
	s10 =	sadd.s32 $0xC20, s8  }
0x94: {  	v2 =	vor.u32 $0x2000, v1;
	s2 =	simm.s32 $0x80;
	[smem:$0x7F8] =	sst s10;
	s10 =	simm.s32 $0x0  }
.LBB2_1:
.Ltmp0:
0x95: {  	(pc) =	sbr.rel @p0 .LBB2_6-.Ltmp0, $1  }
0x96: {  	_ =	sdelay $0x3  }
.Ltmp1:
0x97: {  	(pc) =	sbr.rel @!p1 .LBB2_4-.Ltmp1, $1  }
0x98: {  	_ =	sdelay $0x3  }
0x99: {  	s11 =	sld [smem:$0x7DF]  }
0x9a: {  	[tilespmem:s5], [sflag:$0x1] =	stream.strided.gather [hbm4b:s8+s2], $0x200, s1, s2, $0x38;
	[tilespmem:$0x6C80] =	vst v63  }
0x9b: {  	s12 =	simm.s32 $0x200;
	s13 =	sld [smem:$0x7E0]  }
0x9c: {  	[tilespmem:s12], [sflag:$0x1] =	stream.strided.gather [hbm4b:s11+s2], $0x200, s1, s2, $0x38;
	[tilespmem:$0x6C80] =	vst v63  }
0x9d: {  	s14 =	sld [smem:$0x7E1]  }
0x9e: {  	[tilespmem:s1], [sflag:$0x1] =	stream.strided.gather [hbm4b:s13+s2], $0x200, s1, s2, $0x38;
	[tilespmem:$0x6C80] =	vst v63  }
0x9f: {  	s15 =	simm.s32 $0x600;
	s12 =	sld [smem:$0x7E2]  }
0xa0: {  	[tilespmem:s15], [sflag:$0x1] =	stream.strided.gather [hbm4b:s14+s2], $0x200, s1, s2, $0x38;
	[tilespmem:$0x6C80] =	vst v63  }
0xa1: {  	s13 =	simm.s32 $0x800;
	s14 =	sld [smem:$0x7E3]  }
0xa2: {  	[tilespmem:s13], [sflag:$0x1] =	stream.strided.gather [hbm4b:s12+s2], $0x200, s1, s2, $0x38;
	[tilespmem:$0x6C80] =	vst v63  }
0xa3: {  	s15 =	simm.s32 $0xA00;
	s12 =	sld [smem:$0x7E4]  }
0xa4: {  	[tilespmem:s15], [sflag:$0x1] =	stream.strided.gather [hbm4b:s14+s2], $0x200, s1, s2, $0x38;
	[tilespmem:$0x6C80] =	vst v63  }
0xa5: {  	s13 =	simm.s32 $0xC00;
	s14 =	sld [smem:$0x7E5]  }
0xa6: {  	[tilespmem:s13], [sflag:$0x1] =	stream.strided.gather [hbm4b:s12+s2], $0x200, s1, s2, $0x38;
	[tilespmem:$0x6C80] =	vst v63  }
0xa7: {  	s15 =	simm.s32 $0xE00;
	s12 =	sld [smem:$0x7E6]  }
0xa8: {  	[tilespmem:s15], [sflag:$0x1] =	stream.strided.gather [hbm4b:s14+s2], $0x200, s1, s2, $0x38;
	[tilespmem:$0x6C80] =	vst v63  }
0xa9: {  	s13 =	simm.s32 $0x1000;
	s14 =	sld [smem:$0x7E7]  }
0xaa: {  	[tilespmem:s13], [sflag:$0x1] =	stream.strided.gather [hbm4b:s12+s2], $0x200, s1, s2, $0x38;
	[tilespmem:$0x6C80] =	vst v63  }
0xab: {  	s15 =	simm.s32 $0x1200;
	s12 =	sld [smem:$0x7E8]  }
0xac: {  	[tilespmem:s15], [sflag:$0x1] =	stream.strided.gather [hbm4b:s14+s2], $0x200, s1, s2, $0x38;
	[tilespmem:$0x6C80] =	vst v63  }
0xad: {  	s13 =	simm.s32 $0x1400;
	s14 =	sld [smem:$0x7E9]  }
0xae: {  	[tilespmem:s13], [sflag:$0x1] =	stream.strided.gather [hbm4b:s12+s2], $0x200, s1, s2, $0x38;
	[tilespmem:$0x6C80] =	vst v63  }
0xaf: {  	s15 =	simm.s32 $0x1600;
	s12 =	sld [smem:$0x7EA]  }
0xb0: {  	[tilespmem:s15], [sflag:$0x1] =	stream.strided.gather [hbm4b:s14+s2], $0x200, s1, s2, $0x38;
	[tilespmem:$0x6C80] =	vst v63  }
0xb1: {  	s13 =	simm.s32 $0x1800;
	s14 =	sld [smem:$0x7EB]  }
0xb2: {  	[tilespmem:s13], [sflag:$0x1] =	stream.strided.gather [hbm4b:s12+s2], $0x200, s1, s2, $0x38;
	[tilespmem:$0x6C80] =	vst v63  }
0xb3: {  	s15 =	simm.s32 $0x1A00;
	s12 =	sld [smem:$0x7EC]  }
0xb4: {  	[tilespmem:s15], [sflag:$0x1] =	stream.strided.gather [hbm4b:s14+s2], $0x200, s1, s2, $0x38;
	[tilespmem:$0x6C80] =	vst v63  }
0xb5: {  	s13 =	simm.s32 $0x1C00;
	s14 =	sld [smem:$0x7ED]  }
0xb6: {  	[tilespmem:s13], [sflag:$0x1] =	stream.strided.gather [hbm4b:s12+s2], $0x200, s1, s2, $0x38;
	[tilespmem:$0x6C80] =	vst v63  }
0xb7: {  	s15 =	simm.s32 $0x1E00;
	s12 =	sld [smem:$0x7EE]  }
0xb8: {  	[tilespmem:s15], [sflag:$0x1] =	stream.strided.gather [hbm4b:s14+s2], $0x200, s1, s2, $0x38;
	[tilespmem:$0x6C80] =	vst v63  }
0xb9: {  	s13 =	simm.s32 $0x2000;
	s14 =	sld [smem:$0x7EF]  }
0xba: {  	[tilespmem:s13], [sflag:$0x1] =	stream.strided.gather [hbm4b:s12+s2], $0x200, s1, s2, $0x38;
	[tilespmem:$0x6C80] =	vst v63  }
0xbb: {  	s15 =	simm.s32 $0x2200;
	s12 =	sld [smem:$0x7F0]  }
0xbc: {  	[tilespmem:s15], [sflag:$0x1] =	stream.strided.gather [hbm4b:s14+s2], $0x200, s1, s2, $0x38;
	[tilespmem:$0x6C80] =	vst v63  }
0xbd: {  	s13 =	simm.s32 $0x2400;
	s14 =	sld [smem:$0x7F1]  }
0xbe: {  	[tilespmem:s13], [sflag:$0x1] =	stream.strided.gather [hbm4b:s12+s2], $0x200, s1, s2, $0x38;
	[tilespmem:$0x6C80] =	vst v63  }
0xbf: {  	s15 =	simm.s32 $0x2600;
	s12 =	sld [smem:$0x7F2]  }
0xc0: {  	[tilespmem:s15], [sflag:$0x1] =	stream.strided.gather [hbm4b:s14+s2], $0x200, s1, s2, $0x38;
	[tilespmem:$0x6C80] =	vst v63  }
0xc1: {  	s13 =	simm.s32 $0x2800;
	s14 =	sld [smem:$0x7F3]  }
0xc2: {  	[tilespmem:s13], [sflag:$0x1] =	stream.strided.gather [hbm4b:s12+s2], $0x200, s1, s2, $0x38;
	[tilespmem:$0x6C80] =	vst v63  }
0xc3: {  	s15 =	simm.s32 $0x2A00;
	s12 =	sld [smem:$0x7F4]  }
0xc4: {  	[tilespmem:s15], [sflag:$0x1] =	stream.strided.gather [hbm4b:s14+s2], $0x200, s1, s2, $0x38;
	[tilespmem:$0x6C80] =	vst v63  }
0xc5: {  	s13 =	simm.s32 $0x2C00;
	s14 =	sld [smem:$0x7F5]  }
0xc6: {  	[tilespmem:s13], [sflag:$0x1] =	stream.strided.gather [hbm4b:s12+s2], $0x200, s1, s2, $0x38;
	[tilespmem:$0x6C80] =	vst v63  }
0xc7: {  	s15 =	simm.s32 $0x2E00;
	s12 =	sld [smem:$0x7F6]  }
0xc8: {  	[tilespmem:s15], [sflag:$0x1] =	stream.strided.gather [hbm4b:s14+s2], $0x200, s1, s2, $0x38;
	[tilespmem:$0x6C80] =	vst v63  }
0xc9: {  	s13 =	simm.s32 $0x3000;
	s14 =	sld [smem:$0x7F7]  }
0xca: {  	[tilespmem:s13], [sflag:$0x1] =	stream.strided.gather [hbm4b:s12+s2], $0x200, s1, s2, $0x38;
	[tilespmem:$0x6C80] =	vst v63  }
0xcb: {  	s15 =	simm.s32 $0x3200;
	s12 =	sld [smem:$0x7F8]  }
0xcc: {  	[tilespmem:s15], [sflag:$0x1] =	stream.strided.gather [hbm4b:s14+s2], $0x200, s1, s2, $0x38;
	[tilespmem:$0x6C80] =	vst v63  }
0xcd: {  	s13 =	simm.s32 $0x3400;
	s14 =	sld [smem:$0x7F9]  }
0xce: {  	[tilespmem:s13], [sflag:$0x1] =	stream.strided.gather [hbm4b:s12+s2], $0x200, s1, s2, $0x38;
	[tilespmem:$0x6C80] =	vst v63  }
0xcf: {  	s15 =	simm.s32 $0x3600;
	s12 =	sld [smem:$0x7FA]  }
0xd0: {  	[tilespmem:s15], [sflag:$0x1] =	stream.strided.gather [hbm4b:s14+s2], $0x200, s1, s2, $0x38;
	[tilespmem:$0x6C80] =	vst v63  }
0xd1: {  	s13 =	simm.s32 $0x3800;
	s14 =	sld [smem:$0x7FB]  }
0xd2: {  	[tilespmem:s13], [sflag:$0x1] =	stream.strided.gather [hbm4b:s12+s2], $0x200, s1, s2, $0x38;
	[tilespmem:$0x6C80] =	vst v63  }
0xd3: {  	s15 =	simm.s32 $0x3A00;
	s12 =	sld [smem:$0x7FC]  }
0xd4: {  	[tilespmem:s15], [sflag:$0x1] =	stream.strided.gather [hbm4b:s14+s2], $0x200, s1, s2, $0x38;
	[tilespmem:$0x6C80] =	vst v63  }
.Ltmp2:
0xd5: {  	_ = 	snop;
	(pc) =	sbr.rel .LBB2_8-.Ltmp2, $4  }
0xd6: {  	s13 =	simm.s32 $0x3C00;
	s14 =	sld [smem:$0x7FD]  }
0xd7: {  	[tilespmem:s13], [sflag:$0x1] =	stream.strided.gather [hbm4b:s12+s2], $0x200, s1, s2, $0x38;
	[tilespmem:$0x6C80] =	vst v63  }
0xd8: {  	s15 =	simm.s32 $0x3E00;
	s12 =	rddreg [dreg:$0x3]  }
0xd9: {  	[tilespmem:s15], [sflag:$0x1] =	stream.strided.gather [hbm4b:s14+s2], $0x200, s1, s2, $0x38;
	[tilespmem:$0x6C80] =	vst v63  }
.LBB2_6:
.Ltmp3:
0xda: {  	(pc) =	sbr.rel @!p2 .LBB2_7-.Ltmp3, $1  }
0xdb: {  	_ =	sdelay $0x3  }
0xdc: {  	s11 =	sld [smem:$0x79F]  }
0xdd: {  	[tilespmem:s5], [sflag:$0x1] =	stream.strided.gather [hbm4b:s7+s2], $0x200, s1, s2, $0x38;
	[tilespmem:$0x6C80] =	vst v63  }
0xde: {  	s12 =	simm.s32 $0x200;
	s13 =	sld [smem:$0x7A0]  }
0xdf: {  	[tilespmem:s12], [sflag:$0x1] =	stream.strided.gather [hbm4b:s11+s2], $0x200, s1, s2, $0x38;
	[tilespmem:$0x6C80] =	vst v63  }
0xe0: {  	s14 =	sld [smem:$0x7A1]  }
0xe1: {  	[tilespmem:s1], [sflag:$0x1] =	stream.strided.gather [hbm4b:s13+s2], $0x200, s1, s2, $0x38;
	[tilespmem:$0x6C80] =	vst v63  }
0xe2: {  	s15 =	simm.s32 $0x600;
	s12 =	sld [smem:$0x7A2]  }
0xe3: {  	[tilespmem:s15], [sflag:$0x1] =	stream.strided.gather [hbm4b:s14+s2], $0x200, s1, s2, $0x38;
	[tilespmem:$0x6C80] =	vst v63  }
0xe4: {  	s13 =	simm.s32 $0x800;
	s14 =	sld [smem:$0x7A3]  }
0xe5: {  	[tilespmem:s13], [sflag:$0x1] =	stream.strided.gather [hbm4b:s12+s2], $0x200, s1, s2, $0x38;
	[tilespmem:$0x6C80] =	vst v63  }
0xe6: {  	s15 =	simm.s32 $0xA00;
	s12 =	sld [smem:$0x7A4]  }
0xe7: {  	[tilespmem:s15], [sflag:$0x1] =	stream.strided.gather [hbm4b:s14+s2], $0x200, s1, s2, $0x38;
	[tilespmem:$0x6C80] =	vst v63  }
0xe8: {  	s13 =	simm.s32 $0xC00;
	s14 =	sld [smem:$0x7A5]  }
0xe9: {  	[tilespmem:s13], [sflag:$0x1] =	stream.strided.gather [hbm4b:s12+s2], $0x200, s1, s2, $0x38;
	[tilespmem:$0x6C80] =	vst v63  }
0xea: {  	s15 =	simm.s32 $0xE00;
	s12 =	sld [smem:$0x7A6]  }
0xeb: {  	[tilespmem:s15], [sflag:$0x1] =	stream.strided.gather [hbm4b:s14+s2], $0x200, s1, s2, $0x38;
	[tilespmem:$0x6C80] =	vst v63  }
0xec: {  	s13 =	simm.s32 $0x1000;
	s14 =	sld [smem:$0x7A7]  }
0xed: {  	[tilespmem:s13], [sflag:$0x1] =	stream.strided.gather [hbm4b:s12+s2], $0x200, s1, s2, $0x38;
	[tilespmem:$0x6C80] =	vst v63  }
0xee: {  	s15 =	simm.s32 $0x1200;
	s12 =	sld [smem:$0x7A8]  }
0xef: {  	[tilespmem:s15], [sflag:$0x1] =	stream.strided.gather [hbm4b:s14+s2], $0x200, s1, s2, $0x38;
	[tilespmem:$0x6C80] =	vst v63  }
0xf0: {  	s13 =	simm.s32 $0x1400;
	s14 =	sld [smem:$0x7A9]  }
0xf1: {  	[tilespmem:s13], [sflag:$0x1] =	stream.strided.gather [hbm4b:s12+s2], $0x200, s1, s2, $0x38;
	[tilespmem:$0x6C80] =	vst v63  }
0xf2: {  	s15 =	simm.s32 $0x1600;
	s12 =	sld [smem:$0x7AA]  }
0xf3: {  	[tilespmem:s15], [sflag:$0x1] =	stream.strided.gather [hbm4b:s14+s2], $0x200, s1, s2, $0x38;
	[tilespmem:$0x6C80] =	vst v63  }
0xf4: {  	s13 =	simm.s32 $0x1800;
	s14 =	sld [smem:$0x7AB]  }
0xf5: {  	[tilespmem:s13], [sflag:$0x1] =	stream.strided.gather [hbm4b:s12+s2], $0x200, s1, s2, $0x38;
	[tilespmem:$0x6C80] =	vst v63  }
0xf6: {  	s15 =	simm.s32 $0x1A00;
	s12 =	sld [smem:$0x7AC]  }
0xf7: {  	[tilespmem:s15], [sflag:$0x1] =	stream.strided.gather [hbm4b:s14+s2], $0x200, s1, s2, $0x38;
	[tilespmem:$0x6C80] =	vst v63  }
0xf8: {  	s13 =	simm.s32 $0x1C00;
	s14 =	sld [smem:$0x7AD]  }
0xf9: {  	[tilespmem:s13], [sflag:$0x1] =	stream.strided.gather [hbm4b:s12+s2], $0x200, s1, s2, $0x38;
	[tilespmem:$0x6C80] =	vst v63  }
0xfa: {  	s15 =	simm.s32 $0x1E00;
	s12 =	sld [smem:$0x7AE]  }
0xfb: {  	[tilespmem:s15], [sflag:$0x1] =	stream.strided.gather [hbm4b:s14+s2], $0x200, s1, s2, $0x38;
	[tilespmem:$0x6C80] =	vst v63  }
0xfc: {  	s13 =	simm.s32 $0x2000;
	s14 =	sld [smem:$0x7AF]  }
0xfd: {  	[tilespmem:s13], [sflag:$0x1] =	stream.strided.gather [hbm4b:s12+s2], $0x200, s1, s2, $0x38;
	[tilespmem:$0x6C80] =	vst v63  }
0xfe: {  	s15 =	simm.s32 $0x2200;
	s12 =	sld [smem:$0x7B0]  }
0xff: {  	[tilespmem:s15], [sflag:$0x1] =	stream.strided.gather [hbm4b:s14+s2], $0x200, s1, s2, $0x38;
	[tilespmem:$0x6C80] =	vst v63  }
0x100: {  	s13 =	simm.s32 $0x2400;
	s14 =	sld [smem:$0x7B1]  }
0x101: {  	[tilespmem:s13], [sflag:$0x1] =	stream.strided.gather [hbm4b:s12+s2], $0x200, s1, s2, $0x38;
	[tilespmem:$0x6C80] =	vst v63  }
0x102: {  	s15 =	simm.s32 $0x2600;
	s12 =	sld [smem:$0x7B2]  }
0x103: {  	[tilespmem:s15], [sflag:$0x1] =	stream.strided.gather [hbm4b:s14+s2], $0x200, s1, s2, $0x38;
	[tilespmem:$0x6C80] =	vst v63  }
0x104: {  	s13 =	simm.s32 $0x2800;
	s14 =	sld [smem:$0x7B3]  }
0x105: {  	[tilespmem:s13], [sflag:$0x1] =	stream.strided.gather [hbm4b:s12+s2], $0x200, s1, s2, $0x38;
	[tilespmem:$0x6C80] =	vst v63  }
0x106: {  	s15 =	simm.s32 $0x2A00;
	s12 =	sld [smem:$0x7B4]  }
0x107: {  	[tilespmem:s15], [sflag:$0x1] =	stream.strided.gather [hbm4b:s14+s2], $0x200, s1, s2, $0x38;
	[tilespmem:$0x6C80] =	vst v63  }
0x108: {  	s13 =	simm.s32 $0x2C00;
	s14 =	sld [smem:$0x7B5]  }
0x109: {  	[tilespmem:s13], [sflag:$0x1] =	stream.strided.gather [hbm4b:s12+s2], $0x200, s1, s2, $0x38;
	[tilespmem:$0x6C80] =	vst v63  }
0x10a: {  	s15 =	simm.s32 $0x2E00;
	s12 =	sld [smem:$0x7B6]  }
0x10b: {  	[tilespmem:s15], [sflag:$0x1] =	stream.strided.gather [hbm4b:s14+s2], $0x200, s1, s2, $0x38;
	[tilespmem:$0x6C80] =	vst v63  }
0x10c: {  	s13 =	simm.s32 $0x3000;
	s14 =	sld [smem:$0x7B7]  }
0x10d: {  	[tilespmem:s13], [sflag:$0x1] =	stream.strided.gather [hbm4b:s12+s2], $0x200, s1, s2, $0x38;
	[tilespmem:$0x6C80] =	vst v63  }
0x10e: {  	s15 =	simm.s32 $0x3200;
	s12 =	sld [smem:$0x7B8]  }
0x10f: {  	[tilespmem:s15], [sflag:$0x1] =	stream.strided.gather [hbm4b:s14+s2], $0x200, s1, s2, $0x38;
	[tilespmem:$0x6C80] =	vst v63  }
0x110: {  	s13 =	simm.s32 $0x3400;
	s14 =	sld [smem:$0x7B9]  }
0x111: {  	[tilespmem:s13], [sflag:$0x1] =	stream.strided.gather [hbm4b:s12+s2], $0x200, s1, s2, $0x38;
	[tilespmem:$0x6C80] =	vst v63  }
0x112: {  	s15 =	simm.s32 $0x3600;
	s12 =	sld [smem:$0x7BA]  }
0x113: {  	[tilespmem:s15], [sflag:$0x1] =	stream.strided.gather [hbm4b:s14+s2], $0x200, s1, s2, $0x38;
	[tilespmem:$0x6C80] =	vst v63  }
0x114: {  	s13 =	simm.s32 $0x3800;
	s14 =	sld [smem:$0x7BB]  }
0x115: {  	[tilespmem:s13], [sflag:$0x1] =	stream.strided.gather [hbm4b:s12+s2], $0x200, s1, s2, $0x38;
	[tilespmem:$0x6C80] =	vst v63  }
0x116: {  	s15 =	simm.s32 $0x3A00;
	s12 =	sld [smem:$0x7BC]  }
0x117: {  	[tilespmem:s15], [sflag:$0x1] =	stream.strided.gather [hbm4b:s14+s2], $0x200, s1, s2, $0x38;
	[tilespmem:$0x6C80] =	vst v63  }
.Ltmp4:
0x118: {  	_ = 	snop;
	(pc) =	sbr.rel .LBB2_8-.Ltmp4, $4  }
0x119: {  	s13 =	simm.s32 $0x3C00;
	s14 =	sld [smem:$0x7BD]  }
0x11a: {  	[tilespmem:s13], [sflag:$0x1] =	stream.strided.gather [hbm4b:s12+s2], $0x200, s1, s2, $0x38;
	[tilespmem:$0x6C80] =	vst v63  }
0x11b: {  	s15 =	simm.s32 $0x3E00;
	s12 =	rddreg [dreg:$0x4]  }
0x11c: {  	[tilespmem:s15], [sflag:$0x1] =	stream.strided.gather [hbm4b:s14+s2], $0x200, s1, s2, $0x38;
	[tilespmem:$0x6C80] =	vst v63  }
.LBB2_4:
0x11d: {  	s11 =	sld [smem:$0x7BE];
	_ =	sdelay $0x1  }
0x11e: {  	s15 =	sld [smem:$0x7BF]  }
0x11f: {  	[tilespmem:s5], [sflag:$0x1] =	stream.strided.gather [hbm4b:s11+s2], $0x200, s1, s2, $0x38;
	[tilespmem:$0x6C80] =	vst v63  }
0x120: {  	s12 =	simm.s32 $0x200;
	s13 =	sld [smem:$0x7C0]  }
0x121: {  	[tilespmem:s12], [sflag:$0x1] =	stream.strided.gather [hbm4b:s15+s2], $0x200, s1, s2, $0x38;
	[tilespmem:$0x6C80] =	vst v63  }
0x122: {  	s14 =	sld [smem:$0x7C1]  }
0x123: {  	[tilespmem:s1], [sflag:$0x1] =	stream.strided.gather [hbm4b:s13+s2], $0x200, s1, s2, $0x38;
	[tilespmem:$0x6C80] =	vst v63  }
0x124: {  	s15 =	simm.s32 $0x600;
	s12 =	sld [smem:$0x7C2]  }
0x125: {  	[tilespmem:s15], [sflag:$0x1] =	stream.strided.gather [hbm4b:s14+s2], $0x200, s1, s2, $0x38;
	[tilespmem:$0x6C80] =	vst v63  }
0x126: {  	s13 =	simm.s32 $0x800;
	s14 =	sld [smem:$0x7C3]  }
0x127: {  	[tilespmem:s13], [sflag:$0x1] =	stream.strided.gather [hbm4b:s12+s2], $0x200, s1, s2, $0x38;
	[tilespmem:$0x6C80] =	vst v63  }
0x128: {  	s15 =	simm.s32 $0xA00;
	s12 =	sld [smem:$0x7C4]  }
0x129: {  	[tilespmem:s15], [sflag:$0x1] =	stream.strided.gather [hbm4b:s14+s2], $0x200, s1, s2, $0x38;
	[tilespmem:$0x6C80] =	vst v63  }
0x12a: {  	s13 =	simm.s32 $0xC00;
	s14 =	sld [smem:$0x7C5]  }
0x12b: {  	[tilespmem:s13], [sflag:$0x1] =	stream.strided.gather [hbm4b:s12+s2], $0x200, s1, s2, $0x38;
	[tilespmem:$0x6C80] =	vst v63  }
0x12c: {  	s15 =	simm.s32 $0xE00;
	s12 =	sld [smem:$0x7C6]  }
0x12d: {  	[tilespmem:s15], [sflag:$0x1] =	stream.strided.gather [hbm4b:s14+s2], $0x200, s1, s2, $0x38;
	[tilespmem:$0x6C80] =	vst v63  }
0x12e: {  	s13 =	simm.s32 $0x1000;
	s14 =	sld [smem:$0x7C7]  }
0x12f: {  	[tilespmem:s13], [sflag:$0x1] =	stream.strided.gather [hbm4b:s12+s2], $0x200, s1, s2, $0x38;
	[tilespmem:$0x6C80] =	vst v63  }
0x130: {  	s15 =	simm.s32 $0x1200;
	s12 =	sld [smem:$0x7C8]  }
0x131: {  	[tilespmem:s15], [sflag:$0x1] =	stream.strided.gather [hbm4b:s14+s2], $0x200, s1, s2, $0x38;
	[tilespmem:$0x6C80] =	vst v63  }
0x132: {  	s13 =	simm.s32 $0x1400;
	s14 =	sld [smem:$0x7C9]  }
0x133: {  	[tilespmem:s13], [sflag:$0x1] =	stream.strided.gather [hbm4b:s12+s2], $0x200, s1, s2, $0x38;
	[tilespmem:$0x6C80] =	vst v63  }
0x134: {  	s15 =	simm.s32 $0x1600;
	s12 =	sld [smem:$0x7CA]  }
0x135: {  	[tilespmem:s15], [sflag:$0x1] =	stream.strided.gather [hbm4b:s14+s2], $0x200, s1, s2, $0x38;
	[tilespmem:$0x6C80] =	vst v63  }
0x136: {  	s13 =	simm.s32 $0x1800;
	s14 =	sld [smem:$0x7CB]  }
0x137: {  	[tilespmem:s13], [sflag:$0x1] =	stream.strided.gather [hbm4b:s12+s2], $0x200, s1, s2, $0x38;
	[tilespmem:$0x6C80] =	vst v63  }
0x138: {  	s15 =	simm.s32 $0x1A00;
	s12 =	sld [smem:$0x7CC]  }
0x139: {  	[tilespmem:s15], [sflag:$0x1] =	stream.strided.gather [hbm4b:s14+s2], $0x200, s1, s2, $0x38;
	[tilespmem:$0x6C80] =	vst v63  }
0x13a: {  	s13 =	simm.s32 $0x1C00;
	s14 =	sld [smem:$0x7CD]  }
0x13b: {  	[tilespmem:s13], [sflag:$0x1] =	stream.strided.gather [hbm4b:s12+s2], $0x200, s1, s2, $0x38;
	[tilespmem:$0x6C80] =	vst v63  }
0x13c: {  	s15 =	simm.s32 $0x1E00;
	s12 =	sld [smem:$0x7CE]  }
0x13d: {  	[tilespmem:s15], [sflag:$0x1] =	stream.strided.gather [hbm4b:s14+s2], $0x200, s1, s2, $0x38;
	[tilespmem:$0x6C80] =	vst v63  }
0x13e: {  	s13 =	simm.s32 $0x2000;
	s14 =	sld [smem:$0x7CF]  }
0x13f: {  	[tilespmem:s13], [sflag:$0x1] =	stream.strided.gather [hbm4b:s12+s2], $0x200, s1, s2, $0x38;
	[tilespmem:$0x6C80] =	vst v63  }
0x140: {  	s15 =	simm.s32 $0x2200;
	s12 =	sld [smem:$0x7D0]  }
0x141: {  	[tilespmem:s15], [sflag:$0x1] =	stream.strided.gather [hbm4b:s14+s2], $0x200, s1, s2, $0x38;
	[tilespmem:$0x6C80] =	vst v63  }
0x142: {  	s13 =	simm.s32 $0x2400;
	s14 =	sld [smem:$0x7D1]  }
0x143: {  	[tilespmem:s13], [sflag:$0x1] =	stream.strided.gather [hbm4b:s12+s2], $0x200, s1, s2, $0x38;
	[tilespmem:$0x6C80] =	vst v63  }
0x144: {  	s15 =	simm.s32 $0x2600;
	s12 =	sld [smem:$0x7D2]  }
0x145: {  	[tilespmem:s15], [sflag:$0x1] =	stream.strided.gather [hbm4b:s14+s2], $0x200, s1, s2, $0x38;
	[tilespmem:$0x6C80] =	vst v63  }
0x146: {  	s13 =	simm.s32 $0x2800;
	s14 =	sld [smem:$0x7D3]  }
0x147: {  	[tilespmem:s13], [sflag:$0x1] =	stream.strided.gather [hbm4b:s12+s2], $0x200, s1, s2, $0x38;
	[tilespmem:$0x6C80] =	vst v63  }
0x148: {  	s15 =	simm.s32 $0x2A00;
	s12 =	sld [smem:$0x7D4]  }
0x149: {  	[tilespmem:s15], [sflag:$0x1] =	stream.strided.gather [hbm4b:s14+s2], $0x200, s1, s2, $0x38;
	[tilespmem:$0x6C80] =	vst v63  }
0x14a: {  	s13 =	simm.s32 $0x2C00;
	s14 =	sld [smem:$0x7D5]  }
0x14b: {  	[tilespmem:s13], [sflag:$0x1] =	stream.strided.gather [hbm4b:s12+s2], $0x200, s1, s2, $0x38;
	[tilespmem:$0x6C80] =	vst v63  }
0x14c: {  	s15 =	simm.s32 $0x2E00;
	s12 =	sld [smem:$0x7D6]  }
0x14d: {  	[tilespmem:s15], [sflag:$0x1] =	stream.strided.gather [hbm4b:s14+s2], $0x200, s1, s2, $0x38;
	[tilespmem:$0x6C80] =	vst v63  }
0x14e: {  	s13 =	simm.s32 $0x3000;
	s14 =	sld [smem:$0x7D7]  }
0x14f: {  	[tilespmem:s13], [sflag:$0x1] =	stream.strided.gather [hbm4b:s12+s2], $0x200, s1, s2, $0x38;
	[tilespmem:$0x6C80] =	vst v63  }
0x150: {  	s15 =	simm.s32 $0x3200;
	s12 =	sld [smem:$0x7D8]  }
0x151: {  	[tilespmem:s15], [sflag:$0x1] =	stream.strided.gather [hbm4b:s14+s2], $0x200, s1, s2, $0x38;
	[tilespmem:$0x6C80] =	vst v63  }
0x152: {  	s13 =	simm.s32 $0x3400;
	s14 =	sld [smem:$0x7D9]  }
0x153: {  	[tilespmem:s13], [sflag:$0x1] =	stream.strided.gather [hbm4b:s12+s2], $0x200, s1, s2, $0x38;
	[tilespmem:$0x6C80] =	vst v63  }
0x154: {  	s15 =	simm.s32 $0x3600;
	s12 =	sld [smem:$0x7DA]  }
0x155: {  	[tilespmem:s15], [sflag:$0x1] =	stream.strided.gather [hbm4b:s14+s2], $0x200, s1, s2, $0x38;
	[tilespmem:$0x6C80] =	vst v63  }
0x156: {  	s13 =	simm.s32 $0x3800;
	s14 =	sld [smem:$0x7DB]  }
0x157: {  	[tilespmem:s13], [sflag:$0x1] =	stream.strided.gather [hbm4b:s12+s2], $0x200, s1, s2, $0x38;
	[tilespmem:$0x6C80] =	vst v63  }
0x158: {  	s15 =	simm.s32 $0x3A00;
	s12 =	sld [smem:$0x7DC]  }
0x159: {  	[tilespmem:s15], [sflag:$0x1] =	stream.strided.gather [hbm4b:s14+s2], $0x200, s1, s2, $0x38;
	[tilespmem:$0x6C80] =	vst v63  }
.Ltmp5:
0x15a: {  	_ = 	snop;
	(pc) =	sbr.rel .LBB2_8-.Ltmp5, $4  }
0x15b: {  	s13 =	simm.s32 $0x3C00;
	s14 =	sld [smem:$0x7DD]  }
0x15c: {  	[tilespmem:s13], [sflag:$0x1] =	stream.strided.gather [hbm4b:s12+s2], $0x200, s1, s2, $0x38;
	[tilespmem:$0x6C80] =	vst v63  }
0x15d: {  	s15 =	simm.s32 $0x3E00;
	s12 =	sld [smem:$0x7DE]  }
0x15e: {  	[tilespmem:s15], [sflag:$0x1] =	stream.strided.gather [hbm4b:s14+s2], $0x200, s1, s2, $0x38;
	[tilespmem:$0x6C80] =	vst v63  }
.LBB2_7:
0x15f: {  	[tilespmem:s5], [sflag:$0x1] =	stream.strided.gather [hbm4b:s6+s2], $0x200, s1, s2, $0x38;
	[tilespmem:$0x6C80] =	vst v63  }
0x160: {  	s11 =	rddreg [dreg:$0xf]  }
0x161: {  	s12 =	simm.s32 $0x200;
	s13 =	rddreg [dreg:$0x10]  }
0x162: {  	[tilespmem:s12], [sflag:$0x1] =	stream.strided.gather [hbm4b:s11+s2], $0x200, s1, s2, $0x38;
	[tilespmem:$0x6C80] =	vst v63  }
0x163: {  	s14 =	rddreg [dreg:$0x11]  }
0x164: {  	[tilespmem:s1], [sflag:$0x1] =	stream.strided.gather [hbm4b:s13+s2], $0x200, s1, s2, $0x38;
	[tilespmem:$0x6C80] =	vst v63  }
0x165: {  	s15 =	simm.s32 $0x600;
	s12 =	rddreg [dreg:$0x12]  }
0x166: {  	[tilespmem:s15], [sflag:$0x1] =	stream.strided.gather [hbm4b:s14+s2], $0x200, s1, s2, $0x38;
	[tilespmem:$0x6C80] =	vst v63  }
0x167: {  	s13 =	simm.s32 $0x800;
	s14 =	rddreg [dreg:$0x13]  }
0x168: {  	[tilespmem:s13], [sflag:$0x1] =	stream.strided.gather [hbm4b:s12+s2], $0x200, s1, s2, $0x38;
	[tilespmem:$0x6C80] =	vst v63  }
0x169: {  	s15 =	simm.s32 $0xA00;
	s12 =	rddreg [dreg:$0x14]  }
0x16a: {  	[tilespmem:s15], [sflag:$0x1] =	stream.strided.gather [hbm4b:s14+s2], $0x200, s1, s2, $0x38;
	[tilespmem:$0x6C80] =	vst v63  }
0x16b: {  	s13 =	simm.s32 $0xC00;
	s14 =	rddreg [dreg:$0x15]  }
0x16c: {  	[tilespmem:s13], [sflag:$0x1] =	stream.strided.gather [hbm4b:s12+s2], $0x200, s1, s2, $0x38;
	[tilespmem:$0x6C80] =	vst v63  }
0x16d: {  	s15 =	simm.s32 $0xE00;
	s12 =	rddreg [dreg:$0x16]  }
0x16e: {  	[tilespmem:s15], [sflag:$0x1] =	stream.strided.gather [hbm4b:s14+s2], $0x200, s1, s2, $0x38;
	[tilespmem:$0x6C80] =	vst v63  }
0x16f: {  	s13 =	simm.s32 $0x1000;
	s14 =	rddreg [dreg:$0x17]  }
0x170: {  	[tilespmem:s13], [sflag:$0x1] =	stream.strided.gather [hbm4b:s12+s2], $0x200, s1, s2, $0x38;
	[tilespmem:$0x6C80] =	vst v63  }
0x171: {  	s15 =	simm.s32 $0x1200;
	s12 =	rddreg [dreg:$0x18]  }
0x172: {  	[tilespmem:s15], [sflag:$0x1] =	stream.strided.gather [hbm4b:s14+s2], $0x200, s1, s2, $0x38;
	[tilespmem:$0x6C80] =	vst v63  }
0x173: {  	s13 =	simm.s32 $0x1400;
	s14 =	rddreg [dreg:$0x19]  }
0x174: {  	[tilespmem:s13], [sflag:$0x1] =	stream.strided.gather [hbm4b:s12+s2], $0x200, s1, s2, $0x38;
	[tilespmem:$0x6C80] =	vst v63  }
0x175: {  	s15 =	simm.s32 $0x1600;
	s12 =	rddreg [dreg:$0x1a]  }
0x176: {  	[tilespmem:s15], [sflag:$0x1] =	stream.strided.gather [hbm4b:s14+s2], $0x200, s1, s2, $0x38;
	[tilespmem:$0x6C80] =	vst v63  }
0x177: {  	s13 =	simm.s32 $0x1800;
	s14 =	rddreg [dreg:$0x1b]  }
0x178: {  	[tilespmem:s13], [sflag:$0x1] =	stream.strided.gather [hbm4b:s12+s2], $0x200, s1, s2, $0x38;
	[tilespmem:$0x6C80] =	vst v63  }
0x179: {  	s15 =	simm.s32 $0x1A00;
	s12 =	rddreg [dreg:$0x1c]  }
0x17a: {  	[tilespmem:s15], [sflag:$0x1] =	stream.strided.gather [hbm4b:s14+s2], $0x200, s1, s2, $0x38;
	[tilespmem:$0x6C80] =	vst v63  }
0x17b: {  	s13 =	simm.s32 $0x1C00;
	s14 =	rddreg [dreg:$0x1d]  }
0x17c: {  	[tilespmem:s13], [sflag:$0x1] =	stream.strided.gather [hbm4b:s12+s2], $0x200, s1, s2, $0x38;
	[tilespmem:$0x6C80] =	vst v63  }
0x17d: {  	s15 =	simm.s32 $0x1E00;
	s12 =	rddreg [dreg:$0x1e]  }
0x17e: {  	[tilespmem:s15], [sflag:$0x1] =	stream.strided.gather [hbm4b:s14+s2], $0x200, s1, s2, $0x38;
	[tilespmem:$0x6C80] =	vst v63  }
0x17f: {  	s13 =	simm.s32 $0x2000;
	s14 =	rddreg [dreg:$0x1f]  }
0x180: {  	[tilespmem:s13], [sflag:$0x1] =	stream.strided.gather [hbm4b:s12+s2], $0x200, s1, s2, $0x38;
	[tilespmem:$0x6C80] =	vst v63  }
0x181: {  	s15 =	simm.s32 $0x2200;
	s12 =	sld [smem:$0x791]  }
0x182: {  	[tilespmem:s15], [sflag:$0x1] =	stream.strided.gather [hbm4b:s14+s2], $0x200, s1, s2, $0x38;
	[tilespmem:$0x6C80] =	vst v63  }
0x183: {  	s13 =	simm.s32 $0x2400;
	s14 =	sld [smem:$0x792]  }
0x184: {  	[tilespmem:s13], [sflag:$0x1] =	stream.strided.gather [hbm4b:s12+s2], $0x200, s1, s2, $0x38;
	[tilespmem:$0x6C80] =	vst v63  }
0x185: {  	s15 =	simm.s32 $0x2600;
	s12 =	sld [smem:$0x793]  }
0x186: {  	[tilespmem:s15], [sflag:$0x1] =	stream.strided.gather [hbm4b:s14+s2], $0x200, s1, s2, $0x38;
	[tilespmem:$0x6C80] =	vst v63  }
0x187: {  	s13 =	simm.s32 $0x2800;
	s14 =	sld [smem:$0x794]  }
0x188: {  	[tilespmem:s13], [sflag:$0x1] =	stream.strided.gather [hbm4b:s12+s2], $0x200, s1, s2, $0x38;
	[tilespmem:$0x6C80] =	vst v63  }
0x189: {  	s15 =	simm.s32 $0x2A00;
	s12 =	sld [smem:$0x795]  }
0x18a: {  	[tilespmem:s15], [sflag:$0x1] =	stream.strided.gather [hbm4b:s14+s2], $0x200, s1, s2, $0x38;
	[tilespmem:$0x6C80] =	vst v63  }
0x18b: {  	s13 =	simm.s32 $0x2C00;
	s14 =	sld [smem:$0x796]  }
0x18c: {  	[tilespmem:s13], [sflag:$0x1] =	stream.strided.gather [hbm4b:s12+s2], $0x200, s1, s2, $0x38;
	[tilespmem:$0x6C80] =	vst v63  }
0x18d: {  	s15 =	simm.s32 $0x2E00;
	s12 =	sld [smem:$0x797]  }
0x18e: {  	[tilespmem:s15], [sflag:$0x1] =	stream.strided.gather [hbm4b:s14+s2], $0x200, s1, s2, $0x38;
	[tilespmem:$0x6C80] =	vst v63  }
0x18f: {  	s13 =	simm.s32 $0x3000;
	s14 =	sld [smem:$0x798]  }
0x190: {  	[tilespmem:s13], [sflag:$0x1] =	stream.strided.gather [hbm4b:s12+s2], $0x200, s1, s2, $0x38;
	[tilespmem:$0x6C80] =	vst v63  }
0x191: {  	s15 =	simm.s32 $0x3200;
	s12 =	sld [smem:$0x799]  }
0x192: {  	[tilespmem:s15], [sflag:$0x1] =	stream.strided.gather [hbm4b:s14+s2], $0x200, s1, s2, $0x38;
	[tilespmem:$0x6C80] =	vst v63  }
0x193: {  	s13 =	simm.s32 $0x3400;
	s14 =	sld [smem:$0x79A]  }
0x194: {  	[tilespmem:s13], [sflag:$0x1] =	stream.strided.gather [hbm4b:s12+s2], $0x200, s1, s2, $0x38;
	[tilespmem:$0x6C80] =	vst v63  }
0x195: {  	s15 =	simm.s32 $0x3600;
	s12 =	sld [smem:$0x79B]  }
0x196: {  	[tilespmem:s15], [sflag:$0x1] =	stream.strided.gather [hbm4b:s14+s2], $0x200, s1, s2, $0x38;
	[tilespmem:$0x6C80] =	vst v63  }
0x197: {  	s13 =	simm.s32 $0x3800;
	s14 =	sld [smem:$0x79C]  }
0x198: {  	[tilespmem:s13], [sflag:$0x1] =	stream.strided.gather [hbm4b:s12+s2], $0x200, s1, s2, $0x38;
	[tilespmem:$0x6C80] =	vst v63  }
0x199: {  	s15 =	simm.s32 $0x3A00;
	s12 =	sld [smem:$0x79D]  }
0x19a: {  	[tilespmem:s15], [sflag:$0x1] =	stream.strided.gather [hbm4b:s14+s2], $0x200, s1, s2, $0x38;
	[tilespmem:$0x6C80] =	vst v63  }
0x19b: {  	s13 =	simm.s32 $0x3C00;
	s14 =	sld [smem:$0x79E]  }
0x19c: {  	[tilespmem:s13], [sflag:$0x1] =	stream.strided.gather [hbm4b:s12+s2], $0x200, s1, s2, $0x38;
	[tilespmem:$0x6C80] =	vst v63  }
0x19d: {  	s15 =	simm.s32 $0x3E00;
	s12 =	rddreg [dreg:$0x5]  }
0x19e: {  	[tilespmem:s15], [sflag:$0x1] =	stream.strided.gather [hbm4b:s14+s2], $0x200, s1, s2, $0x38;
	[tilespmem:$0x6C80] =	vst v63  }
.LBB2_8:
0x19f: {  	s11 =	simm.s32 $0x0;
	s13 =	simm.s32 $0x6A00  }
0x1a0: {  	[tilespmem:s13], [sflag:$0x1] =	stream.linear.gather [hbm4b:s12+s11], $0x200, $0x38;
	[tilespmem:$0x6C80] =	vst v63  }
0x1a1: {  	_ =	strace $0x80000048  }
0x1a2: {  	s13 =	rddreg [dreg:$0x8]  }
0x1a3: {  	[tilespmem:s4], [sflag:$0x1] =	stream.linear.gather [hbm4b:s13+s11], $0x200, $0x200038;
	[tilespmem:$0x6C80] =	vst v63  }
0x1a4: {  	s15 =	simm.s32 $0x4200;
	s14 =	rddreg [dreg:$0x9]  }
0x1a5: {  	[tilespmem:s15], [sflag:$0x1] =	stream.linear.gather [hbm4b:s14+s11], $0x200, $0x200038;
	[tilespmem:$0x6C80] =	vst v63  }
0x1a6: {  	s14 =	rddreg [dreg:$0xa];
	s15 =	simm.s32 $0x4400  }
0x1a7: {  	[tilespmem:s15], [sflag:$0x1] =	stream.linear.gather [hbm4b:s14+s11], $0x200, $0x200038;
	[tilespmem:$0x6C80] =	vst v63  }
0x1a8: {  	s14 =	rddreg [dreg:$0xb];
	s15 =	simm.s32 $0x4600  }
0x1a9: {  	[tilespmem:s15], [sflag:$0x1] =	stream.linear.gather [hbm4b:s14+s11], $0x200, $0x200038;
	[tilespmem:$0x6C80] =	vst v63  }
0x1aa: {  	s14 =	rddreg [dreg:$0xc];
	s15 =	simm.s32 $0x4800  }
0x1ab: {  	[tilespmem:s15], [sflag:$0x1] =	stream.linear.gather [hbm4b:s14+s11], $0x200, $0x200038;
	[tilespmem:$0x6C80] =	vst v63  }
0x1ac: {  	s14 =	rddreg [dreg:$0xd];
	s15 =	simm.s32 $0x4A00  }
0x1ad: {  	[tilespmem:s15], [sflag:$0x1] =	stream.linear.gather [hbm4b:s14+s11], $0x200, $0x200038;
	[tilespmem:$0x6C80] =	vst v63  }
0x1ae: {  	s14 =	rddreg [dreg:$0xe];
	s15 =	simm.s32 $0x4C00  }
0x1af: {  	[tilespmem:s15], [sflag:$0x1] =	stream.linear.gather [hbm4b:s14+s11], $0x200, $0x200038;
	[tilespmem:$0x6C80] =	vst v63  }
0x1b0: {  	s14 =	simm.s32 $0x4E00  }
0x1b1: {  	[tilespmem:s14], [sflag:$0x1] =	stream.linear.gather [hbm4b:s16+s11], $0x200, $0x200038;
	[tilespmem:$0x6C80] =	vst v63  }
0x1b2: {  	s15 =	simm.s32 $0x5000  }
0x1b3: {  	[tilespmem:s15], [sflag:$0x1] =	stream.linear.gather [hbm4b:s17+s11], $0x200, $0x200038;
	[tilespmem:$0x6C80] =	vst v63  }
0x1b4: {  	s13 =	simm.s32 $0x5200  }
0x1b5: {  	[tilespmem:s13], [sflag:$0x1] =	stream.linear.gather [hbm4b:s18+s11], $0x200, $0x200038;
	[tilespmem:$0x6C80] =	vst v63  }
0x1b6: {  	s14 =	simm.s32 $0x5400  }
0x1b7: {  	[tilespmem:s14], [sflag:$0x1] =	stream.linear.gather [hbm4b:s19+s11], $0x200, $0x200038;
	[tilespmem:$0x6C80] =	vst v63  }
0x1b8: {  	s15 =	simm.s32 $0x5600  }
0x1b9: {  	[tilespmem:s15], [sflag:$0x1] =	stream.linear.gather [hbm4b:s20+s11], $0x200, $0x200038;
	[tilespmem:$0x6C80] =	vst v63  }
0x1ba: {  	s13 =	simm.s32 $0x5800  }
0x1bb: {  	[tilespmem:s13], [sflag:$0x1] =	stream.linear.gather [hbm4b:s21+s11], $0x200, $0x200038;
	[tilespmem:$0x6C80] =	vst v63  }
0x1bc: {  	s14 =	simm.s32 $0x5A00  }
0x1bd: {  	[tilespmem:s14], [sflag:$0x1] =	stream.linear.gather [hbm4b:s22+s11], $0x200, $0x200038;
	[tilespmem:$0x6C80] =	vst v63  }
0x1be: {  	s15 =	simm.s32 $0x5C00  }
0x1bf: {  	[tilespmem:s15], [sflag:$0x1] =	stream.linear.gather [hbm4b:s23+s11], $0x200, $0x200038;
	[tilespmem:$0x6C80] =	vst v63  }
0x1c0: {  	s13 =	simm.s32 $0x5E00  }
0x1c1: {  	[tilespmem:s13], [sflag:$0x1] =	stream.linear.gather [hbm4b:s24+s11], $0x200, $0x200038;
	[tilespmem:$0x6C80] =	vst v63  }
0x1c2: {  	s14 =	simm.s32 $0x6000  }
0x1c3: {  	[tilespmem:s14], [sflag:$0x1] =	stream.linear.gather [hbm4b:s25+s11], $0x200, $0x200038;
	[tilespmem:$0x6C80] =	vst v63  }
0x1c4: {  	s15 =	simm.s32 $0x6200  }
0x1c5: {  	[tilespmem:s15], [sflag:$0x1] =	stream.linear.gather [hbm4b:s26+s11], $0x200, $0x200038;
	[tilespmem:$0x6C80] =	vst v63  }
0x1c6: {  	s13 =	simm.s32 $0x6400  }
0x1c7: {  	[tilespmem:s13], [sflag:$0x1] =	stream.linear.gather [hbm4b:s28+s11], $0x200, $0x200038;
	[tilespmem:$0x6C80] =	vst v63  }
0x1c8: {  	s14 =	simm.s32 $0x6600  }
0x1c9: {  	[tilespmem:s14], [sflag:$0x1] =	stream.linear.gather [hbm4b:s29+s11], $0x200, $0x200038;
	[tilespmem:$0x6C80] =	vst v63  }
0x1ca: {  	s15 =	simm.s32 $0x6800  }
0x1cb: {  	[tilespmem:s15], [sflag:$0x1] =	stream.linear.gather [hbm4b:s30+s11], $0x200, $0x200038;
	[tilespmem:$0x6C80] =	vst v63  }
0x1cc: {  	_ =	swait.ge [sflag:s3], $0x200  }
0x1cd: {  	[sflag:s3] =	ssyncset.done $0x0  }
0x1ce: {  	[sflag:s3] =	ssyncadd.s32 $0xFFFFFE00  }
0x1cf: {  	_ =	swait.ge [sflag:s3], $0x200  }
0x1d0: {  	[sflag:s3] =	ssyncset.done $0x0  }
0x1d1: {  	[sflag:s3] =	ssyncadd.s32 $0xFFFFFE00  }
0x1d2: {  	_ =	swait.ge [sflag:s3], $0x200  }
0x1d3: {  	[sflag:s3] =	ssyncset.done $0x0  }
0x1d4: {  	[sflag:s3] =	ssyncadd.s32 $0xFFFFFE00  }
0x1d5: {  	_ =	swait.ge [sflag:s3], $0x200  }
0x1d6: {  	[sflag:s3] =	ssyncset.done $0x0  }
0x1d7: {  	[sflag:s3] =	ssyncadd.s32 $0xFFFFFE00  }
0x1d8: {  	_ =	swait.ge [sflag:s3], $0x200  }
0x1d9: {  	[sflag:s3] =	ssyncset.done $0x0  }
0x1da: {  	[sflag:s3] =	ssyncadd.s32 $0xFFFFFE00  }
0x1db: {  	_ =	swait.ge [sflag:s3], $0x200  }
0x1dc: {  	[sflag:s3] =	ssyncset.done $0x0  }
0x1dd: {  	[sflag:s3] =	ssyncadd.s32 $0xFFFFFE00  }
0x1de: {  	_ =	swait.ge [sflag:s3], $0x200  }
0x1df: {  	[sflag:s3] =	ssyncset.done $0x0  }
0x1e0: {  	[sflag:s3] =	ssyncadd.s32 $0xFFFFFE00  }
0x1e1: {  	_ =	swait.ge [sflag:s3], $0x200  }
0x1e2: {  	[sflag:s3] =	ssyncset.done $0x0  }
0x1e3: {  	[sflag:s3] =	ssyncadd.s32 $0xFFFFFE00  }
0x1e4: {  	_ =	swait.ge [sflag:s3], $0x200  }
0x1e5: {  	[sflag:s3] =	ssyncset.done $0x0  }
0x1e6: {  	[sflag:s3] =	ssyncadd.s32 $0xFFFFFE00  }
0x1e7: {  	_ =	swait.ge [sflag:s3], $0x200  }
0x1e8: {  	[sflag:s3] =	ssyncset.done $0x0  }
0x1e9: {  	[sflag:s3] =	ssyncadd.s32 $0xFFFFFE00  }
0x1ea: {  	_ =	swait.ge [sflag:s3], $0x200  }
0x1eb: {  	[sflag:s3] =	ssyncset.done $0x0  }
0x1ec: {  	[sflag:s3] =	ssyncadd.s32 $0xFFFFFE00  }
0x1ed: {  	_ =	swait.ge [sflag:s3], $0x200  }
0x1ee: {  	[sflag:s3] =	ssyncset.done $0x0  }
0x1ef: {  	[sflag:s3] =	ssyncadd.s32 $0xFFFFFE00  }
0x1f0: {  	_ =	swait.ge [sflag:s3], $0x200  }
0x1f1: {  	[sflag:s3] =	ssyncset.done $0x0  }
0x1f2: {  	[sflag:s3] =	ssyncadd.s32 $0xFFFFFE00  }
0x1f3: {  	_ =	swait.ge [sflag:s3], $0x200  }
0x1f4: {  	[sflag:s3] =	ssyncset.done $0x0  }
0x1f5: {  	[sflag:s3] =	ssyncadd.s32 $0xFFFFFE00  }
0x1f6: {  	_ =	swait.ge [sflag:s3], $0x200  }
0x1f7: {  	[sflag:s3] =	ssyncset.done $0x0  }
0x1f8: {  	[sflag:s3] =	ssyncadd.s32 $0xFFFFFE00  }
0x1f9: {  	_ =	swait.ge [sflag:s3], $0x200  }
0x1fa: {  	[sflag:s3] =	ssyncset.done $0x0  }
0x1fb: {  	[sflag:s3] =	ssyncadd.s32 $0xFFFFFE00  }
0x1fc: {  	_ =	swait.ge [sflag:s3], $0x200  }
0x1fd: {  	[sflag:s3] =	ssyncset.done $0x0  }
0x1fe: {  	[sflag:s3] =	ssyncadd.s32 $0xFFFFFE00  }
0x1ff: {  	_ =	swait.ge [sflag:s3], $0x200  }
0x200: {  	[sflag:s3] =	ssyncset.done $0x0  }
0x201: {  	[sflag:s3] =	ssyncadd.s32 $0xFFFFFE00  }
0x202: {  	_ =	swait.ge [sflag:s3], $0x200  }
0x203: {  	[sflag:s3] =	ssyncset.done $0x0  }
0x204: {  	[sflag:s3] =	ssyncadd.s32 $0xFFFFFE00  }
0x205: {  	_ =	swait.ge [sflag:s3], $0x200  }
0x206: {  	[sflag:s3] =	ssyncset.done $0x0  }
0x207: {  	[sflag:s3] =	ssyncadd.s32 $0xFFFFFE00  }
0x208: {  	_ =	swait.ge [sflag:s3], $0x200  }
0x209: {  	[sflag:s3] =	ssyncset.done $0x0  }
0x20a: {  	[sflag:s3] =	ssyncadd.s32 $0xFFFFFE00  }
0x20b: {  	_ =	swait.ge [sflag:s3], $0x200  }
0x20c: {  	[sflag:s3] =	ssyncset.done $0x0  }
0x20d: {  	[sflag:s3] =	ssyncadd.s32 $0xFFFFFE00  }
0x20e: {  	_ =	swait.ge [sflag:s3], $0x200  }
0x20f: {  	[sflag:s3] =	ssyncset.done $0x0  }
0x210: {  	[sflag:s3] =	ssyncadd.s32 $0xFFFFFE00  }
0x211: {  	_ =	swait.ge [sflag:s3], $0x200  }
0x212: {  	[sflag:s3] =	ssyncset.done $0x0  }
0x213: {  	[sflag:s3] =	ssyncadd.s32 $0xFFFFFE00  }
0x214: {  	_ =	swait.ge [sflag:s3], $0x200  }
0x215: {  	[sflag:s3] =	ssyncset.done $0x0  }
0x216: {  	[sflag:s3] =	ssyncadd.s32 $0xFFFFFE00  }
0x217: {  	_ =	swait.ge [sflag:s3], $0x200  }
0x218: {  	[sflag:s3] =	ssyncset.done $0x0  }
0x219: {  	[sflag:s3] =	ssyncadd.s32 $0xFFFFFE00  }
0x21a: {  	_ =	swait.ge [sflag:s3], $0x200  }
0x21b: {  	[sflag:s3] =	ssyncset.done $0x0  }
0x21c: {  	[sflag:s3] =	ssyncadd.s32 $0xFFFFFE00  }
0x21d: {  	_ =	swait.ge [sflag:s3], $0x200  }
0x21e: {  	[sflag:s3] =	ssyncset.done $0x0  }
0x21f: {  	[sflag:s3] =	ssyncadd.s32 $0xFFFFFE00  }
0x220: {  	_ =	swait.ge [sflag:s3], $0x200  }
0x221: {  	[sflag:s3] =	ssyncset.done $0x0  }
0x222: {  	[sflag:s3] =	ssyncadd.s32 $0xFFFFFE00  }
0x223: {  	_ =	swait.ge [sflag:s3], $0x200  }
0x224: {  	[sflag:s3] =	ssyncset.done $0x0  }
0x225: {  	[sflag:s3] =	ssyncadd.s32 $0xFFFFFE00  }
0x226: {  	_ =	swait.ge [sflag:s3], $0x200  }
0x227: {  	[sflag:s3] =	ssyncset.done $0x0  }
0x228: {  	[sflag:s3] =	ssyncadd.s32 $0xFFFFFE00  }
0x229: {  	_ =	swait.ge [sflag:s3], $0x200  }
0x22a: {  	[sflag:s3] =	ssyncset.done $0x0  }
0x22b: {  	[sflag:s3] =	ssyncadd.s32 $0xFFFFFE00  }
0x22c: {  	_ =	swait.ge [sflag:s3], $0x200  }
0x22d: {  	[sflag:s3] =	ssyncset.done $0x0  }
0x22e: {  	[sflag:s3] =	ssyncadd.s32 $0xFFFFFE00  }
0x22f: {  	_ =	swait.ge [sflag:s3], $0x200  }
0x230: {  	[sflag:s3] =	ssyncset.done $0x0  }
0x231: {  	[sflag:s3] =	ssyncadd.s32 $0xFFFFFE00  }
0x232: {  	_ =	swait.ge [sflag:s3], $0x200  }
0x233: {  	[sflag:s3] =	ssyncset.done $0x0  }
0x234: {  	[sflag:s3] =	ssyncadd.s32 $0xFFFFFE00  }
0x235: {  	_ =	swait.ge [sflag:s3], $0x200  }
0x236: {  	[sflag:s3] =	ssyncset.done $0x0  }
0x237: {  	[sflag:s3] =	ssyncadd.s32 $0xFFFFFE00  }
0x238: {  	_ =	swait.ge [sflag:s3], $0x200  }
0x239: {  	[sflag:s3] =	ssyncset.done $0x0  }
0x23a: {  	[sflag:s3] =	ssyncadd.s32 $0xFFFFFE00  }
0x23b: {  	_ =	swait.ge [sflag:s3], $0x200  }
0x23c: {  	[sflag:s3] =	ssyncset.done $0x0  }
0x23d: {  	[sflag:s3] =	ssyncadd.s32 $0xFFFFFE00  }
0x23e: {  	_ =	swait.ge [sflag:s3], $0x200  }
0x23f: {  	[sflag:s3] =	ssyncset.done $0x0  }
0x240: {  	[sflag:s3] =	ssyncadd.s32 $0xFFFFFE00  }
0x241: {  	_ =	swait.ge [sflag:s3], $0x200  }
0x242: {  	[sflag:s3] =	ssyncset.done $0x0  }
0x243: {  	[sflag:s3] =	ssyncadd.s32 $0xFFFFFE00  }
0x244: {  	_ =	swait.ge [sflag:s3], $0x200  }
0x245: {  	[sflag:s3] =	ssyncset.done $0x0  }
0x246: {  	[sflag:s3] =	ssyncadd.s32 $0xFFFFFE00  }
0x247: {  	_ =	swait.ge [sflag:s3], $0x200  }
0x248: {  	[sflag:s3] =	ssyncset.done $0x0  }
0x249: {  	[sflag:s3] =	ssyncadd.s32 $0xFFFFFE00  }
0x24a: {  	_ =	swait.ge [sflag:s3], $0x200  }
0x24b: {  	[sflag:s3] =	ssyncset.done $0x0  }
0x24c: {  	[sflag:s3] =	ssyncadd.s32 $0xFFFFFE00  }
0x24d: {  	_ =	swait.ge [sflag:s3], $0x200  }
0x24e: {  	[sflag:s3] =	ssyncset.done $0x0  }
0x24f: {  	[sflag:s3] =	ssyncadd.s32 $0xFFFFFE00  }
0x250: {  	_ =	swait.ge [sflag:s3], $0x200  }
0x251: {  	[sflag:s3] =	ssyncset.done $0x0  }
0x252: {  	[sflag:s3] =	ssyncadd.s32 $0xFFFFFE00  }
0x253: {  	_ =	swait.ge [sflag:s3], $0x200  }
0x254: {  	[sflag:s3] =	ssyncset.done $0x0  }
0x255: {  	[sflag:s3] =	ssyncadd.s32 $0xFFFFFE00  }
0x256: {  	_ =	swait.ge [sflag:s3], $0x200  }
0x257: {  	[sflag:s3] =	ssyncset.done $0x0  }
0x258: {  	[sflag:s3] =	ssyncadd.s32 $0xFFFFFE00  }
0x259: {  	_ =	swait.ge [sflag:s3], $0x200  }
0x25a: {  	[sflag:s3] =	ssyncset.done $0x0  }
0x25b: {  	[sflag:s3] =	ssyncadd.s32 $0xFFFFFE00  }
0x25c: {  	_ =	swait.ge [sflag:s3], $0x200  }
0x25d: {  	[sflag:s3] =	ssyncset.done $0x0  }
0x25e: {  	[sflag:s3] =	ssyncadd.s32 $0xFFFFFE00  }
0x25f: {  	_ =	swait.ge [sflag:s3], $0x200  }
0x260: {  	[sflag:s3] =	ssyncset.done $0x0  }
0x261: {  	v3 =	vadd.s32 s11, v0;
	s12 =	simm.s32 $0x4;
	[sflag:s3] =	ssyncadd.s32 $0xFFFFFE00  }
0x262: {  	v9 =	vadd.s32 s12, v0;
	v12 =	vand.u32 $0x7F, v3;
	v3 =	vand.u32 $0x1FF, v3;
	_ =	swait.ge [sflag:s3], $0x200  }
0x263: {  	v16 =	vand.u32 $0x7F, v9;
	v20 =	vor.u32 v1, v3;
	[sflag:s3] =	ssyncset.done $0x0  }
0x264: {  	v9 =	vand.u32 $0x1FF, v9;
	v21 =	vor.u32 v2, v3;
	v20 =	vand.u32 $0x1F80, v20;
	s13 =	simm.s32 $0x7;
	[sflag:s3] =	ssyncadd.s32 $0xFFFFFE00  }
0x265: {  	v21 =	vand.u32 $0x3F80, v21;
	v20 =	vor.u32 v12, v20;
	v5 =	vadd.s32 s13, v0;
	s13 =	simm.s32 $0x3;
	_ =	swait.ge [sflag:s3], $0x200  }
0x266: {  	v12 =	vor.u32 v12, v21;
	s14 =	simm.s32 $0x6;
	v10 =	vadd.s32 s13, v0;
	v14 =	vand.u32 $0x7F, v5;
	[sflag:s3] =	ssyncset.done $0x0  }
0x267: {  	v6 =	vand.u32 $0x1FF, v5;
	v7 =	vadd.s32 s14, v0;
	v17 =	vand.u32 $0x7F, v10;
	[sflag:s3] =	ssyncadd.s32 $0xFFFFFE00  }
0x268: {  	s14 =	simm.s32 $0x2;
	v10 =	vand.u32 $0x1FF, v10;
	v22 =	vor.u32 v1, v6;
	v23 =	vor.u32 v2, v6;
	_ =	swait.ge [sflag:s3], $0x200  }
0x269: {  	v11 =	vadd.s32 s14, v0;
	v15 =	vand.u32 $0x7F, v7;
	v7 =	vand.u32 $0x1FF, v7;
	[sflag:s3] =	ssyncset.done $0x0  }
0x26a: {  	s15 =	simm.s32 $0x5;
	v22 =	vand.u32 $0x1F80, v22;
	v21 =	vand.u32 $0x3F80, v23;
	v26 =	vor.u32 v1, v10;
	[sflag:s3] =	ssyncadd.s32 $0xFFFFFE00  }
0x26b: {  	v8 =	vadd.s32 s15, v0;
	v18 =	vand.u32 $0x7F, v11;
	v11 =	vand.u32 $0x1FF, v11;
	_ =	swait.ge [sflag:s3], $0x200  }
0x26c: {  	s15 =	simm.s32 $0x1;
	v24 =	vor.u32 v1, v7;
	v22 =	vor.u32 v14, v22;
	v14 =	vor.u32 v14, v21;
	[sflag:s3] =	ssyncset.done $0x0  }
0x26d: {  	v13 =	vadd.s32 s15, v0;
	v5 =	vand.u32 $0x7F, v8;
	v23 =	vand.u32 $0x1F80, v24;
	[sflag:s3] =	ssyncadd.s32 $0xFFFFFE00  }
0x26e: {  	v24 =	vor.u32 v2, v7;
	v19 =	vand.u32 $0x7F, v13;
	v13 =	vand.u32 $0x1FF, v13;
	_ =	strace $0x90000048  }
0x26f: {  	v23 =	vor.u32 v15, v23;
	v24 =	vand.u32 $0x3F80, v24;
	v21 =	vor.u32 v1, v13;
	_ =	strace $0x80000049  }
0x270: {  	v25 =	vor.u32 v2, v13;
	v15 =	vor.u32 v15, v24;
	v21 =	vand.u32 $0x1F80, v21;
	v20 =	vld.idx.msk [tilespmem:v20+s5+$0x0], $0xffff  }
0x271: {  	v24 =	vand.u32 $0x3F80, v25;
	v25 =	vor.u32 v1, v11;
	v21 =	vor.u32 v19, v21;
	v12 =	vld.idx.msk [tilespmem:v12+s5+$0x0], $0xffff  }
0x272: {  	v19 =	vor.u32 v19, v24;
	v24 =	vand.u32 $0x1F80, v25;
	v25 =	vor.u32 v2, v11;
	v22 =	vld.idx.msk [tilespmem:v22+s5+$0x0], $0xffff  }
0x273: {  	v8 =	vand.u32 $0x1FF, v8;
	v24 =	vor.u32 v18, v24;
	v25 =	vand.u32 $0x3F80, v25;
	v27 =	vld.idx.msk [tilespmem:v14+s5+$0x0], $0xffff  }
0x274: {  	v14 =	vor.u32 v18, v25;
	v18 =	vand.u32 $0x1F80, v26;
	v25 =	vor.u32 v2, v10;
	v23 =	vld.idx.msk [tilespmem:v23+s5+$0x0], $0xffff  }
0x275: {  	v26 =	vor.u32 v1, v9;
	v15 =	vld.idx.msk [tilespmem:v15+s5+$0x0], $0xffff;
	v18 =	vor.u32 v17, v18;
	v25 =	vand.u32 $0x3F80, v25  }
0x276: {  	v21 =	vld.idx.msk [tilespmem:v21+s5+$0x0], $0xffff;
	v17 =	vor.u32 v17, v25;
	v25 =	vand.u32 $0x1F80, v26;
	v26 =	vor.u32 v2, v9  }
0x277: {  	v28 =	vor.u32 v1, v8;
	v19 =	vld.idx.msk [tilespmem:v19+s5+$0x0], $0xffff;
	v25 =	vor.u32 v16, v25;
	v26 =	vand.u32 $0x3F80, v26  }
0x278: {  	v55 =	vor.u32 v2, v8;
	v24 =	vld.idx.msk [tilespmem:v24+s5+$0x0], $0xffff;
	v16 =	vor.u32 v16, v26;
	v26 =	vand.u32 $0x1F80, v28  }
0x279: {  	v28 =	vand.u32 $0x3F80, v55;
	v26 =	vor.u32 v5, v26;
	v14 =	vld.idx.msk [tilespmem:v14+s5+$0x0], $0xffff  }
0x27a: {  	v20 =	vshll.u32 v20, $0x9;
	v5 =	vor.u32 v5, v28;
	v18 =	vld.idx.msk [tilespmem:v18+s5+$0x0], $0xffff  }
0x27b: {  	v4 =	vimm.f32 $0.0e+00;
	s12 =	simm.s32 $0x8;
	v12 =	vshll.u32 v12, $0x9;
	v20 =	vor.u32 v3, v20;
	v17 =	vld.idx.msk [tilespmem:v17+s5+$0x0], $0xffff  }
0x27c: {  	v29 =	vadd.s32 s12, v0;
	v3 =	vor.u32 v3, v12;
	v12 =	vshll.u32 v21, $0x9;
	v21 =	vld.idx.msk [tilespmem:v25+s5+$0x0], $0xffff  }
0x27d: {  	v34 =	vand.u32 $0x7F, v29;
	s13 =	simm.s32 $0xF;
	v19 =	vshll.u32 v19, $0x9;
	v12 =	vor.u32 v13, v12;
	v16 =	vld.idx.msk [tilespmem:v16+s5+$0x0], $0xffff  }
0x27e: {  	v30 =	vadd.s32 s13, v0;
	s13 =	simm.s32 $0xB;
	v13 =	vor.u32 v13, v19;
	v19 =	vshll.u32 v24, $0x9;
	v24 =	vld.idx.msk [tilespmem:v26+s5+$0x0], $0xffff  }
0x27f: {  	s14 =	simm.s32 $0xE;
	v32 =	vadd.s32 s13, v0;
	v19 =	vor.u32 v11, v19;
	v14 =	vshll.u32 v14, $0x9;
	v33 =	vld.idx.msk [tilespmem:v5+s5+$0x0], $0xffff  }
0x280: {  	v56 =	vadd.s32 s14, v0;
	s15 =	simm.s32 $0xD;
	v11 =	vor.u32 v11, v14;
	v5 =	vshll.u32 v18, $0x9;
	v18 =	vld.idx.msk [tilespmem:v20+s4+$0x0], $0xffff  }
0x281: {  	v31 =	vadd.s32 s15, v0;
	v35 =	vor.u32 v10, v5;
	v14 =	vshll.u32 v17, $0x9;
	v17 =	vld.idx.msk [tilespmem:v3+s4+$0x0], $0xffff  }
0x282: {  	v23 =	vshll.u32 v23, $0x9;
	v12 =	vld.idx.msk [tilespmem:v12+s4+$0x0], $0xffff;
	v10 =	vor.u32 v10, v14;
	v3 =	vshll.u32 v21, $0x9  }
0x283: {  	v15 =	vshll.u32 v15, $0x9;
	v21 =	vor.u32 v9, v3;
	v3 =	vshll.u32 v16, $0x9;
	v16 =	vld.idx.msk [tilespmem:v13+s4+$0x0], $0xffff  }
0x284: {  	v59 =	vor.u32 v7, v15;
	v19 =	vld.idx.msk [tilespmem:v19+s4+$0x0], $0xffff;
	v9 =	vor.u32 v9, v3;
	v24 =	vshll.u32 v24, $0x9  }
0x285: {  	v57 =	vshll.u32 v33, $0x9;
	v24 =	vor.u32 v8, v24;
	v11 =	vld.idx.msk [tilespmem:v11+s4+$0x0], $0xffff;
	v18 =	vadd.f32 v18, v4  }
0x286: {  	v15 =	vshll.u32 v27, $0x9;
	v8 =	vor.u32 v8, v57;
	v58 =	vld.idx.msk [tilespmem:v35+s4+$0x0], $0xffff;
	v4 =	vadd.f32 v17, v4  }
0x287: {  	v61 =	vor.u32 v6, v15;
	v17 =	vor.u32 v7, v23;
	v23 =	vld.idx.msk [tilespmem:v10+s4+$0x0], $0xffff;
	v18 =	vadd.f32 v12, v18  }
0x288: {  	s12 =	simm.s32 $0xC;
	s14 =	simm.s32 $0xA;
	v15 =	vand.u32 $0x7F, v32;
	v7 =	vshll.u32 v22, $0x9;
	v22 =	vld.idx.msk [tilespmem:v21+s4+$0x0], $0xffff;
	v16 =	vadd.f32 v16, v4  }
0x289: {  	s15 =	simm.s32 $0x9;
	v25 =	vadd.s32 s12, v0;
	v26 =	vadd.s32 s14, v0;
	v60 =	vld.idx.msk [tilespmem:v9+s4+$0x0], $0xffff;
	v9 =	vadd.f32 v19, v18  }
0x28a: {  	v20 =	vadd.s32 s15, v0;
	v5 =	vand.u32 $0x1FF, v29;
	v24 =	vld.idx.msk [tilespmem:v24+s4+$0x0], $0xffff;
	v11 =	vadd.f32 v11, v16  }
0x28b: {  	v14 =	vand.u32 $0x7F, v30;
	v27 =	vor.u32 v6, v7;
	v16 =	vld.idx.msk [tilespmem:v8+s4+$0x0], $0xffff;
	v19 =	vadd.f32 v58, v9  }
0x28c: {  	v13 =	vand.u32 $0x7F, v56;
	v3 =	vand.u32 $0x1FF, v30;
	v17 =	vld.idx.msk [tilespmem:v17+s4+$0x0], $0xffff;
	v23 =	vadd.f32 v23, v11  }
0x28d: {  	v62 =	vor.u32 v2, v3;
	v12 =	vand.u32 $0x7F, v25;
	v19 =	vadd.f32 v22, v19  }
0x28e: {  	v21 =	vand.u32 $0x7F, v20;
	v11 =	vand.u32 $0x1FF, v20;
	v20 =	vadd.f32 v60, v23  }
0x28f: {  	v7 =	vand.u32 $0x1FF, v25;
	v25 =	vld.idx.msk [tilespmem:v59+s4+$0x0], $0xffff;
	v22 =	vor.u32 v1, v5;
	v19 =	vadd.f32 v24, v19  }
0x290: {  	v23 =	vor.u32 v2, v5;
	v63 =	vadd.f32 v16, v20;
	v20 =	vand.u32 $0x1F80, v22;
	v16 =	vld.idx.msk [tilespmem:v27+s4+$0x0], $0xffff  }
0x291: {  	v22 =	vand.u32 $0x3F80, v23;
	v23 =	vor.u32 v34, v20;
	v20 =	vadd.f32 v17, v19;
	v17 =	vld.idx.msk [tilespmem:v61+s4+$0x0], $0xffff  }
0x292: {  	v10 =	vand.u32 $0x7F, v31;
	v6 =	vand.u32 $0x1FF, v31;
	v4 =	vand.u32 $0x1FF, v56  }
0x293: {  	v18 =	vand.u32 $0x7F, v26;
	v9 =	vand.u32 $0x1FF, v26;
	v26 =	vor.u32 v1, v3  }
0x294: {  	v8 =	vand.u32 $0x1FF, v32;
	v26 =	vand.u32 $0x1F80, v26;
	v19 =	vadd.f32 v25, v63  }
0x295: {  	s11 =	simm.s32 $0x10;
	v24 =	vor.u32 v1, v4;
	v22 =	vor.u32 v34, v22;
	v25 =	vand.u32 $0x3F80, v62  }
.LBB2_9:
0x296: {  	p3 =	slt.u32 s11, $0x1F8;
	v26 =	vor.u32 v14, v26;
	v16 =	vadd.f32 v16, v20;
	v17 =	vadd.f32 v17, v19  }
0x297: {  	v19 =	vand.u32 $0x1F80, v24;
	v20 =	vor.u32 v2, v4;
	v14 =	vor.u32 v14, v25  }
0x298: {  	v24 =	vor.u32 v1, v11;
	v19 =	vor.u32 v13, v19;
	v20 =	vand.u32 $0x3F80, v20  }
0x299: {  	v25 =	vor.u32 v2, v11;
	v24 =	vand.u32 $0x1F80, v24;
	v13 =	vor.u32 v13, v20;
	v23 =	vld.idx.msk [tilespmem:v23+s5+$0x0], $0xffff  }
0x29a: {  	v20 =	vld.idx.msk [tilespmem:v22+s5+$0x0], $0xffff;
	v22 =	vor.u32 v21, v24;
	v24 =	vand.u32 $0x3F80, v25;
	v25 =	vor.u32 v1, v9  }
0x29b: {  	v21 =	vor.u32 v21, v24;
	v24 =	vand.u32 $0x1F80, v25;
	v25 =	vor.u32 v2, v9;
	v26 =	vld.idx.msk [tilespmem:v26+s5+$0x0], $0xffff  }
0x29c: {  	v27 =	vor.u32 v1, v8;
	v24 =	vor.u32 v18, v24;
	v25 =	vand.u32 $0x3F80, v25;
	v28 =	vld.idx.msk [tilespmem:v14+s5+$0x0], $0xffff  }
0x29d: {  	v14 =	vor.u32 v18, v25;
	v18 =	vand.u32 $0x1F80, v27;
	v25 =	vor.u32 v2, v8;
	v19 =	vld.idx.msk [tilespmem:v19+s5+$0x0], $0xffff  }
0x29e: {  	v27 =	vor.u32 v1, v7;
	v18 =	vor.u32 v15, v18;
	v25 =	vand.u32 $0x3F80, v25;
	v29 =	vld.idx.msk [tilespmem:v13+s5+$0x0], $0xffff  }
0x29f: {  	v13 =	vld.idx.msk [tilespmem:v22+s5+$0x0], $0xffff;
	v15 =	vor.u32 v15, v25;
	v22 =	vand.u32 $0x1F80, v27;
	v25 =	vor.u32 v2, v7  }
0x2a0: {  	v27 =	vor.u32 v1, v6;
	v21 =	vld.idx.msk [tilespmem:v21+s5+$0x0], $0xffff;
	v22 =	vor.u32 v12, v22;
	v25 =	vand.u32 $0x3F80, v25  }
0x2a1: {  	v24 =	vld.idx.msk [tilespmem:v24+s5+$0x0], $0xffff;
	v12 =	vor.u32 v12, v25;
	v25 =	vand.u32 $0x1F80, v27;
	v27 =	vor.u32 v2, v6  }
0x2a2: {  	v30 =	vadd.s32 s11, v0;
	s12 =	sadd.s32 $0x7, s11;
	v14 =	vld.idx.msk [tilespmem:v14+s5+$0x0], $0xffff;
	v25 =	vor.u32 v10, v25;
	v27 =	vand.u32 $0x3F80, v27  }
0x2a3: {  	s13 =	sadd.s32 $0x6, s11;
	v31 =	vadd.s32 s12, v0;
	v23 =	vshll.u32 v23, $0x9;
	v18 =	vld.idx.msk [tilespmem:v18+s5+$0x0], $0xffff;
	v10 =	vor.u32 v10, v27  }
0x2a4: {  	s12 =	sadd.s32 $0x5, s11;
	v23 =	vor.u32 v5, v23;
	v20 =	vshll.u32 v20, $0x9;
	v27 =	vadd.s32 s13, v0;
	v15 =	vld.idx.msk [tilespmem:v15+s5+$0x0], $0xffff  }
0x2a5: {  	v32 =	vadd.s32 s12, v0;
	v5 =	vor.u32 v5, v20;
	s13 =	sadd.s32 $0x4, s11;
	v13 =	vshll.u32 v13, $0x9;
	v20 =	vld.idx.msk [tilespmem:v22+s5+$0x0], $0xffff  }
0x2a6: {  	s12 =	sadd.s32 $0x3, s11;
	v22 =	vadd.s32 s13, v0;
	v13 =	vor.u32 v11, v13;
	v21 =	vshll.u32 v21, $0x9;
	v12 =	vld.idx.msk [tilespmem:v12+s5+$0x0], $0xffff  }
0x2a7: {  	v33 =	vadd.s32 s12, v0;
	s13 =	sadd.s32 $0x2, s11;
	v11 =	vor.u32 v11, v21;
	v21 =	vshll.u32 v24, $0x9;
	v24 =	vld.idx.msk [tilespmem:v25+s5+$0x0], $0xffff  }
0x2a8: {  	v25 =	vadd.s32 s13, v0;
	v21 =	vor.u32 v9, v21;
	v14 =	vshll.u32 v14, $0x9;
	v10 =	vld.idx.msk [tilespmem:v10+s5+$0x0], $0xffff  }
0x2a9: {  	v34 =	vand.u32 $0x7F, v30;
	s12 =	sadd.s32 $0x1, s11;
	v9 =	vor.u32 v9, v14;
	v14 =	vshll.u32 v18, $0x9;
	v23 =	vld.idx.msk [tilespmem:v23+s4+$0x0], $0xffff  }
0x2aa: {  	v35 =	vadd.s32 s12, v0;
	v36 =	vor.u32 v8, v14;
	v14 =	vshll.u32 v15, $0x9;
	v18 =	vld.idx.msk [tilespmem:v5+s4+$0x0], $0xffff  }
0x2ab: {  	v5 =	vand.u32 $0x1FF, v30;
	v8 =	vor.u32 v8, v14;
	v15 =	vld.idx.msk [tilespmem:v13+s4+$0x0], $0xffff;
	v13 =	vshll.u32 v20, $0x9  }
0x2ac: {  	v14 =	vand.u32 $0x7F, v31;
	v12 =	vshll.u32 v12, $0x9;
	v11 =	vld.idx.msk [tilespmem:v11+s4+$0x0], $0xffff;
	v20 =	vor.u32 v7, v13  }
0x2ad: {  	v13 =	vand.u32 $0x7F, v27;
	v7 =	vor.u32 v7, v12;
	v12 =	vshll.u32 v24, $0x9;
	v21 =	vld.idx.msk [tilespmem:v21+s4+$0x0], $0xffff  }
0x2ae: {  	v24 =	vand.u32 $0x1FF, v31;
	v12 =	vor.u32 v6, v12;
	v10 =	vshll.u32 v10, $0x9;
	v9 =	vld.idx.msk [tilespmem:v9+s4+$0x0], $0xffff  }
0x2af: {  	v6 =	vor.u32 v6, v10;
	v10 =	vshll.u32 v19, $0x9;
	v19 =	vshll.u32 v29, $0x9;
	v30 =	vld.idx.msk [tilespmem:v36+s4+$0x0], $0xffff  }
0x2b0: {  	v16 =	vadd.f32 v23, v16;
	v17 =	vadd.f32 v18, v17;
	v18 =	vor.u32 v4, v10;
	v8 =	vld.idx.msk [tilespmem:v8+s4+$0x0], $0xffff  }
0x2b1: {  	v23 =	vshll.u32 v28, $0x9;
	v19 =	vor.u32 v4, v19;
	v4 =	vshll.u32 v26, $0x9;
	v20 =	vld.idx.msk [tilespmem:v20+s4+$0x0], $0xffff  }
0x2b2: {  	v15 =	vadd.f32 v15, v16;
	v16 =	vor.u32 v3, v4;
	v11 =	vadd.f32 v11, v17;
	v17 =	vld.idx.msk [tilespmem:v7+s4+$0x0], $0xffff  }
0x2b3: {  	v10 =	vand.u32 $0x7F, v32;
	v23 =	vor.u32 v3, v23;
	v4 =	vand.u32 $0x1FF, v27;
	v3 =	vmovc v24;
	v26 =	vld.idx.msk [tilespmem:v12+s4+$0x0], $0xffff  }
0x2b4: {  	v21 =	vadd.f32 v21, v15;
	v12 =	vand.u32 $0x7F, v22;
	v9 =	vadd.f32 v9, v11;
	v24 =	vld.idx.msk [tilespmem:v6+s4+$0x0], $0xffff  }
0x2b5: {  	v15 =	vand.u32 $0x7F, v33;
	v7 =	vand.u32 $0x1FF, v22;
	v6 =	vand.u32 $0x1FF, v32;
	v22 =	vld.idx.msk [tilespmem:v18+s4+$0x0], $0xffff  }
0x2b6: {  	v27 =	vadd.f32 v30, v21;
	v18 =	vand.u32 $0x7F, v25;
	v28 =	vadd.f32 v8, v9;
	v19 =	vld.idx.msk [tilespmem:v19+s4+$0x0], $0xffff  }
0x2b7: {  	v21 =	vand.u32 $0x7F, v35;
	v9 =	vand.u32 $0x1FF, v25;
	v8 =	vand.u32 $0x1FF, v33;
	v16 =	vld.idx.msk [tilespmem:v16+s4+$0x0], $0xffff  }
0x2b8: {  	v11 =	vand.u32 $0x1FF, v35;
	v20 =	vadd.f32 v20, v27;
	v25 =	vadd.f32 v17, v28;
	v17 =	vld.idx.msk [tilespmem:v23+s4+$0x0], $0xffff  }
.Ltmp6:
0x2b9: {  	v27 =	vor.u32 v2, v5;
	v28 =	vor.u32 v1, v3;
	v23 =	vor.u32 v1, v5;
	(pc) =	sbr.rel @p3 .LBB2_9-.Ltmp6, $4  }
0x2ba: {  	v29 =	vor.u32 v2, v3;
	v20 =	vadd.f32 v26, v20;
	v25 =	vadd.f32 v24, v25  }
0x2bb: {  	v26 =	vand.u32 $0x3F80, v27;
	v23 =	vand.u32 $0x1F80, v23;
	v24 =	vor.u32 v1, v4  }
0x2bc: {  	v23 =	vor.u32 v34, v23;
	v20 =	vadd.f32 v22, v20;
	v19 =	vadd.f32 v19, v25  }
0x2bd: {  	s11 =	sadd.s32 $0x8, s11;
	v22 =	vor.u32 v34, v26;
	v26 =	vand.u32 $0x1F80, v28;
	v25 =	vand.u32 $0x3F80, v29  }
0x2be: {  	_ = 	snop  }
0x2bf: {  	v26 =	vor.u32 v14, v26  }
0x2c0: {  	v24 =	vand.u32 $0x1F80, v24;
	v27 =	vor.u32 v2, v4;
	v14 =	vor.u32 v14, v25  }
0x2c1: {  	v43 =	vor.u32 v1, v11;
	v24 =	vor.u32 v13, v24;
	v27 =	vand.u32 $0x3F80, v27  }
0x2c2: {  	v23 =	vld.idx.msk [tilespmem:v23+s5+$0x0], $0xffff;
	v28 =	vor.u32 v2, v11;
	v25 =	vand.u32 $0x1F80, v43;
	v13 =	vor.u32 v13, v27  }
0x2c3: {  	v22 =	vld.idx.msk [tilespmem:v22+s5+$0x0], $0xffff;
	v45 =	vor.u32 v1, v9;
	v44 =	vand.u32 $0x3F80, v28;
	v25 =	vor.u32 v21, v25  }
0x2c4: {  	v48 =	vor.u32 v2, v9;
	v47 =	vand.u32 $0x1F80, v45;
	v46 =	vor.u32 v21, v44;
	v26 =	vld.idx.msk [tilespmem:v26+s5+$0x0], $0xffff  }
0x2c5: {  	v29 =	vor.u32 v1, v8;
	v28 =	vand.u32 $0x3F80, v48;
	v27 =	vor.u32 v18, v47;
	v14 =	vld.idx.msk [tilespmem:v14+s5+$0x0], $0xffff  }
0x2c6: {  	v51 =	vor.u32 v2, v8;
	v50 =	vand.u32 $0x1F80, v29;
	v49 =	vor.u32 v18, v28;
	v24 =	vld.idx.msk [tilespmem:v24+s5+$0x0], $0xffff  }
0x2c7: {  	v30 =	vor.u32 v1, v7;
	v29 =	vand.u32 $0x3F80, v51;
	v28 =	vor.u32 v15, v50;
	v13 =	vld.idx.msk [tilespmem:v13+s5+$0x0], $0xffff  }
0x2c8: {  	v53 =	vor.u32 v2, v7;
	v52 =	vand.u32 $0x1F80, v30;
	v15 =	vor.u32 v15, v29;
	v25 =	vld.idx.msk [tilespmem:v25+s5+$0x0], $0xffff  }
0x2c9: {  	v31 =	vor.u32 v1, v6;
	v30 =	vand.u32 $0x3F80, v53;
	v29 =	vor.u32 v12, v52;
	v21 =	vld.idx.msk [tilespmem:v46+s5+$0x0], $0xffff  }
0x2ca: {  	v55 =	vor.u32 v2, v6;
	v54 =	vand.u32 $0x1F80, v31;
	v12 =	vor.u32 v12, v30;
	v27 =	vld.idx.msk [tilespmem:v27+s5+$0x0], $0xffff  }
0x2cb: {  	v31 =	vand.u32 $0x3F80, v55;
	v30 =	vor.u32 v10, v54;
	v18 =	vld.idx.msk [tilespmem:v49+s5+$0x0], $0xffff  }
0x2cc: {  	v10 =	vor.u32 v10, v31;
	v23 =	vshll.u32 v23, $0x9;
	v28 =	vld.idx.msk [tilespmem:v28+s5+$0x0], $0xffff  }
0x2cd: {  	v22 =	vshll.u32 v22, $0x9;
	v23 =	vor.u32 v5, v23;
	v15 =	vld.idx.msk [tilespmem:v15+s5+$0x0], $0xffff  }
0x2ce: {  	v5 =	vor.u32 v5, v22;
	v57 =	vld.idx.msk [tilespmem:v29+s5+$0x0], $0xffff;
	v56 =	vshll.u32 v25, $0x9  }
0x2cf: {  	v12 =	vld.idx.msk [tilespmem:v12+s5+$0x0], $0xffff;
	v21 =	vshll.u32 v21, $0x9;
	v22 =	vor.u32 v11, v56  }
0x2d0: {  	v59 =	vld.idx.msk [tilespmem:v30+s5+$0x0], $0xffff;
	v58 =	vshll.u32 v27, $0x9;
	v11 =	vor.u32 v11, v21  }
0x2d1: {  	v10 =	vld.idx.msk [tilespmem:v10+s5+$0x0], $0xffff;
	v18 =	vshll.u32 v18, $0x9;
	v21 =	vor.u32 v9, v58  }
0x2d2: {  	v23 =	vld.idx.msk [tilespmem:v23+s4+$0x0], $0xffff;
	v60 =	vshll.u32 v28, $0x9;
	v9 =	vor.u32 v9, v18  }
0x2d3: {  	v5 =	vld.idx.msk [tilespmem:v5+s4+$0x0], $0xffff;
	v15 =	vshll.u32 v15, $0x9;
	v18 =	vor.u32 v8, v60  }
0x2d4: {  	v8 =	vor.u32 v8, v15;
	v15 =	vshll.u32 v57, $0x9;
	v22 =	vld.idx.msk [tilespmem:v22+s4+$0x0], $0xffff  }
0x2d5: {  	v12 =	vshll.u32 v12, $0x9;
	v15 =	vor.u32 v7, v15;
	v11 =	vld.idx.msk [tilespmem:v11+s4+$0x0], $0xffff  }
0x2d6: {  	v16 =	vadd.f32 v16, v20;
	v7 =	vor.u32 v7, v12;
	v12 =	vshll.u32 v59, $0x9;
	v21 =	vld.idx.msk [tilespmem:v21+s4+$0x0], $0xffff  }
0x2d7: {  	v17 =	vadd.f32 v17, v19;
	v10 =	vshll.u32 v10, $0x9;
	v12 =	vor.u32 v6, v12;
	v9 =	vld.idx.msk [tilespmem:v9+s4+$0x0], $0xffff  }
0x2d8: {  	v6 =	vor.u32 v6, v10;
	v10 =	vshll.u32 v24, $0x9;
	v16 =	vadd.f32 v23, v16;
	v18 =	vld.idx.msk [tilespmem:v18+s4+$0x0], $0xffff  }
0x2d9: {  	v13 =	vshll.u32 v13, $0x9;
	v10 =	vor.u32 v4, v10;
	v5 =	vadd.f32 v5, v17;
	v8 =	vld.idx.msk [tilespmem:v8+s4+$0x0], $0xffff  }
0x2da: {  	v4 =	vor.u32 v4, v13;
	v13 =	vshll.u32 v26, $0x9;
	v15 =	vld.idx.msk [tilespmem:v15+s4+$0x0], $0xffff;
	v16 =	vadd.f32 v22, v16  }
0x2db: {  	v14 =	vshll.u32 v14, $0x9;
	v13 =	vor.u32 v3, v13;
	v7 =	vld.idx.msk [tilespmem:v7+s4+$0x0], $0xffff;
	v5 =	vadd.f32 v11, v5  }
0x2dc: {  	v3 =	vor.u32 v3, v14;
	v11 =	vld.idx.msk [tilespmem:v12+s4+$0x0], $0xffff;
	v12 =	vadd.f32 v21, v16  }
0x2dd: {  	v6 =	vld.idx.msk [tilespmem:v6+s4+$0x0], $0xffff;
	v5 =	vadd.f32 v9, v5  }
0x2de: {  	v9 =	vld.idx.msk [tilespmem:v10+s4+$0x0], $0xffff;
	v10 =	vadd.f32 v18, v12  }
0x2df: {  	v4 =	vld.idx.msk [tilespmem:v4+s4+$0x0], $0xffff;
	v5 =	vadd.f32 v8, v5  }
0x2e0: {  	v8 =	vld.idx.msk [tilespmem:v13+s4+$0x0], $0xffff;
	v10 =	vadd.f32 v15, v10  }
0x2e1: {  	v12 =	vld.idx.msk [tilespmem:v3+s4+$0x0], $0xffff;
	_ =	strace $0x90000049;
	v3 =	vadd.f32 v7, v5  }
0x2e2: {  	s11 =	simm.s32 $0x6A20;
	_ =	strace $0x8000004A;
	v5 =	vadd.f32 v11, v10  }
0x2e3: {  	v3 =	vadd.f32 v6, v3;
	v6 =	vld [tilespmem:s11+$0xFFFFFFE0]  }
0x2e4: {  	v5 =	vadd.f32 v9, v5  }
0x2e5: {  	s15 =	simm.s32 $0x20;
	v7 =	vld [tilespmem:s11+$0xFFFFFFF0];
	v4 =	vadd.f32 v4, v3  }
0x2e6: {  	s12 =	simm.s32 $0x0;
	v10 =	vmov s15;
	v3 =	vadd.f32 v8, v5  }
0x2e7: {  	s13 =	simm.s32 $0x10;
	v9 =	vld [tilespmem:s11+$0x0];
	v4 =	vadd.f32 v12, v4;
	v5 =	vmov s12;
	v8 =	vor.u32 s12, v0  }
0x2e8: {  	v12 =	vor.u32 s13, v0;
	v6 =	vshll.u32 v6, $0x9;
	v5 =	vand.u32 $0x180, v5  }
0x2e9: {  	v11 =	vld [tilespmem:s11+$0x10];
	v5 =	vor.u32 v5, v6;
	v6 =	vand.u32 $0x4F, v8;
	v8 =	vmov s13  }
0x2ea: {  	v5 =	vor.u32 v6, v5;
	v6 =	vshll.u32 v7, $0x9;
	v7 =	vand.u32 $0x180, v8  }
0x2eb: {  	v10 =	vand.u32 $0x180, v10;
	s12 =	simm.s32 $0x6A60;
	v6 =	vor.u32 v7, v6;
	v7 =	vand.u32 $0x5F, v12  }
0x2ec: {  	v8 =	vor.u32 s15, v0;
	v9 =	vshll.u32 v9, $0x9;
	v12 =	vld [tilespmem:s12+$0xFFFFFFE0];
	v6 =	vor.u32 v7, v6  }
0x2ed: {  	v8 =	vand.u32 $0x6F, v8;
	v7 =	vor.u32 v10, v9  }
0x2ee: {  	s14 =	simm.s32 $0x30;
	v13 =	vimm.f32 $0.0e+00;
	s11 =	simm.s32 $0x40;
	s15 =	simm.s32 $0x60;
	v9 =	vld [tilespmem:s12+$0xFFFFFFF0];
	v8 =	vor.u32 v8, v7;
	v7 =	vshll.u32 v11, $0x9  }
0x2ef: {  	v61 =	vmov s15;
	v10 =	vor.u32 s11, v0;
	v11 =	vld.idx.msk [tilespmem:v5+s4+$0x0], $0xffff;
	v5 =	vadd.s32 s14, v7  }
0x2f0: {  	v14 =	vld [tilespmem:s12+$0x0];
	v10 =	vand.u32 $0x4F, v10;
	v7 =	vmov s11;
	v15 =	vadd.s32 v0, v5  }
0x2f1: {  	s14 =	simm.s32 $0x50;
	v5 =	vor.u32 s15, v0;
	v12 =	vshll.u32 v12, $0x9;
	v7 =	vand.u32 $0x180, v7;
	v6 =	vld.idx.msk [tilespmem:v6+s4+$0x0], $0xffff  }
0x2f2: {  	v62 =	vor.u32 s14, v0;
	v63 =	vmov s14;
	v12 =	vor.u32 v7, v12;
	v7 =	vld [tilespmem:s12+$0x10]  }
0x2f3: {  	v18 =	vand.u32 $0x180, v63;
	v10 =	vor.u32 v10, v12;
	v12 =	vshll.u32 v9, $0x9;
	v9 =	vld.idx.msk [tilespmem:v8+s4+$0x0], $0xffff  }
0x2f4: {  	v17 =	vand.u32 $0x5F, v62;
	v18 =	vor.u32 v18, v12;
	v12 =	vadd.f32 v11, v13  }
0x2f5: {  	s13 =	simm.s32 $0x6AA0;
	s12 =	simm.s32 $0x4;
	v11 =	vor.u32 v17, v18;
	v13 =	vshll.u32 v14, $0x9;
	v14 =	vand.u32 $0x180, v61;
	v8 =	vld.idx.msk [tilespmem:v15+s4+$0x0], $0xffff  }
.LBB2_11:
0x2f6: {  	v15 =	vld [tilespmem:s13+$0xFFFFFFE0];
	s12 =	sadd.s32 $0x4, s12;
	v13 =	vor.u32 v14, v13;
	v5 =	vand.u32 $0x6F, v5;
	v6 =	vadd.f32 v6, v12  }
0x2f7: {  	s14 =	sadd.s32 $0x30, s11;
	v12 =	vld [tilespmem:s13+$0xFFFFFFF0];
	p3 =	slt.u32 s12, $0x1C;
	v13 =	vor.u32 v5, v13;
	v5 =	vshll.u32 v7, $0x9  }
0x2f8: {  	s11 =	sadd.s32 $0x40, s11;
	v14 =	vld.idx.msk [tilespmem:v10+s4+$0x0], $0xffff;
	v5 =	vadd.s32 s14, v5;
	v7 =	vadd.f32 v9, v6  }
0x2f9: {  	v9 =	vmov s11;
	v10 =	vor.u32 s11, v0;
	s14 =	sadd.s32 $0x20, s11;
	v16 =	vld [tilespmem:s13+$0x0];
	v17 =	vadd.s32 v0, v5  }
0x2fa: {  	s15 =	sadd.s32 $0x10, s11;
	v18 =	vmov s14;
	v5 =	vor.u32 s14, v0;
	v6 =	vld.idx.msk [tilespmem:v11+s4+$0x0], $0xffff;
	v8 =	vadd.f32 v8, v7  }
.Ltmp7:
0x2fb: {  	v9 =	vand.u32 $0x180, v9;
	v11 =	vshll.u32 v15, $0x9;
	v15 =	vor.u32 s15, v0;
	v7 =	vld [tilespmem:s13+$0x10];
	(pc) =	sbr.rel @p3 .LBB2_11-.Ltmp7, $4  }
0x2fc: {  	v19 =	vmov s15;
	v10 =	vand.u32 $0x4F, v10;
	v11 =	vor.u32 v9, v11;
	v9 =	vld.idx.msk [tilespmem:v13+s4+$0x0], $0xffff  }
0x2fd: {  	v10 =	vor.u32 v10, v11;
	v11 =	vshll.u32 v12, $0x9;
	v12 =	vand.u32 $0x180, v19  }
0x2fe: {  	v13 =	vand.u32 $0x5F, v15;
	v11 =	vor.u32 v12, v11;
	v12 =	vadd.f32 v14, v8;
	v8 =	vld.idx.msk [tilespmem:v17+s4+$0x0], $0xffff  }
0x2ff: {  	s13 =	sadd.s32 $0x40, s13;
	v14 =	vand.u32 $0x180, v18;
	v11 =	vor.u32 v13, v11;
	v13 =	vshll.u32 v16, $0x9  }
0x300: {  	_ =	sdelay $0x1  }
0x301: {  	v13 =	vor.u32 v14, v13;
	v5 =	vand.u32 $0x6F, v5  }
0x302: {  	v6 =	vadd.f32 v6, v12;
	s11 =	sadd.s32 $0x30, s11;
	v7 =	vshll.u32 v7, $0x9;
	v5 =	vor.u32 v5, v13  }
0x303: {  	v10 =	vld.idx.msk [tilespmem:v10+s4+$0x0], $0xffff;
	v7 =	vadd.s32 s11, v7  }
0x304: {  	v6 =	vadd.f32 v9, v6;
	v7 =	vadd.s32 v0, v7  }
0x305: {  	v63 =	vld.idx.msk [tilespmem:v11+s4+$0x0], $0xffff  }
0x306: {  	v6 =	vadd.f32 v8, v6  }
0x307: {  	v5 =	vld.idx.msk [tilespmem:v5+s4+$0x0], $0xffff  }
0x308: {  	v6 =	vadd.f32 v10, v6  }
0x309: {  	v7 =	vld.idx.msk [tilespmem:v7+s4+$0x0], $0xffff  }
0x30a: {  	v6 =	vadd.f32 v63, v6;
	_ =	sdelay $0x1  }
0x30b: {  	v5 =	vadd.f32 v5, v6;
	_ =	sdelay $0x1  }
0x30c: {  	v5 =	vadd.f32 v7, v5  }
0x30d: {  	_ =	strace $0x9000004A  }
0x30e: {  	(xrf2) =	vadd.scan.msk.f32 $0xffff, v5;
	_ =	sdelay $0x9  }
0x30f: {  	v5, _, _ =	vpop (xrf2)  }
0x310: {  	v5 =	vbroadcast v5, $0xF;
	_ =	sdelay $0x1  }
0x311: {  	v3 =	vsub.f32 v3, v5  }
0x312: {  	s10 =	sadd.s32 $0x1, s10;
	v4 =	vsub.f32 v4, v5  }
0x313: {  	p3 =	sne.s32 s10, s0;
	[tilespmem:$0x6C00] =	vst v3  }
.Ltmp8:
0x314: {  	s15 =	simm.s32 $0x6C00;
	[tilespmem:$0x6C10] =	vst v4;
	(pc) =	sbr.rel @p3 .LBB2_1-.Ltmp8, $4  }
0x315: {  	[hbm4b:s31+s5] =	stream.linear.scatter [tilespmem:s15], [sflag:$0x2], $0x20, $0x38;
	[tilespmem:$0x6C80] =	vst v63  }
0x316: {  	_ =	swait.ge [sflag:s9], $0x20  }
0x317: {  	[sflag:s9] =	ssyncset.done $0x0  }
0x318: {  	[sflag:s9] =	ssyncadd.s32 $0xFFFFFFE0  }
0x319: {  	_ =	sfence.sel $0x180000  }
0x31a: {  	[bflag:$0x0] =	sbarrier.arrive $0xFFFF  }
0x31b: {  	_ =	strace $0x90000047  }
0x31c: {  	s0 =	stileid.u32;
	[bflag:$0x2] =	sbarrier.arrive $0xFFFF  }
0x31d: {  	p0 =	sne.s32 s0, $0x0;
	s0 =	rddreg [dreg:$0x7]  }
0x31e: {  	s0 =	sadd.s32 @!p0 $0x100000, s0  }
0x31f: {  	[sflag:s0] =	ssyncadd.tile.s32 @!p0 $0x1;
	_ =	shalt  }
.Lfunc_end2:
_tile_overlayer_lowered:
.L_overlay_start_2:
0x320: {  	(tag) =	ssettag $0x2  }
0x321: {  	s0 =	rddreg [dreg:$0x0];
	s2 =	stileid.u32  }
0x322: {  	s1 =	rddreg [dreg:$0x1];
	p0 =	sne.s32 s2, $0x0  }
0x323: {  	s3 =	rddreg [dreg:$0x2];
	[bflag:$0x3] =	sbarrier.arrive $0xFFFF;
	s2 =	simm.s32 @!p0 $0x1C02  }
0x324: {  	[timem:s3], [sflag:s2] =	dma.local @!p0 [hbm:s0], s1  }
0x325: {  	s0 =	simm.s32 @!p0 $0x2  }
0x326: {  	_ =	swait.ge @!p0 [sflag:s0], s1  }
0x327: {  	s1 =	ssub.s32 @!p0 $0x0, s1;
	[sflag:s0] =	ssyncset.done @!p0 $0x0  }
0x328: {  	[sflag:s0] =	ssyncadd.s32 @!p0 s1  }
0x329: {  	[bflag:$0x3] =	sbarrier.arrive $0xFFFF  }
0x32a: {  	_ =	shalt  }

</sc_bundles>
